<compile_context>
chip_gen: v7x
topology: tpu7x:2x2x1
jax: 0.10.2.dev20260603
libtpu: 0.0.44.dev20260713+nightly
codegen_flags: <defaults>
</compile_context>

<pallas_src>
import jax
import jax.numpy as jnp
from jax import lax
from jax.experimental import pallas as pl
from jax.experimental.pallas import tpu as pltpu, tpu_sc as plsc

_N = 10000
_E = 320000
_F = 128
_K = 10000
_NV = _F // 16

_NC = 2
_NS = 16
_NW = _NC * _NS
_C = 64
_EPW = _E // _NW
_NCHUNK = _EPW // _C
_TAILE = _EPW - _NCHUNK * _C
_RPT = 624
_TAIL = _N - _RPT * _NS


def _sc_body(edges_hbm, x_hbm, w_hbm, out_hbm,
             lsrc0, ldst0, lsrc1, ldst1,
             gsrc0, gsrc1, widx0, widx1,
             sdst0, sdst1, sdst2, sdst3,
             xr0, xr1, wr0, wr1, pr0, pr1, pr2, pr3,
             acc_sh, gsem0, gsem1, isem0, isem1, ssem0, ssem1):
    cid = lax.axis_index("c")
    sid = lax.axis_index("s")
    wid = cid * _NS + sid
    lsrc = (lsrc0, lsrc1)
    ldst = (ldst0, ldst1)
    gsrc = (gsrc0, gsrc1)
    widx = (widx0, widx1)
    sdst = (sdst0, sdst1, sdst2, sdst3)
    xr = (xr0, xr1)
    wr = (wr0, wr1)
    pr = (pr0, pr1, pr2, pr3)
    gsem = (gsem0, gsem1)
    isem = (isem0, isem1)
    ssem = (ssem0, ssem1)
    base_e = wid * _EPW

    def idx_issue(p, g):
        b = base_e + g * _C
        pltpu.async_copy(edges_hbm.at[pl.ds(b, _C)], lsrc[p], isem[p])
        pltpu.async_copy(edges_hbm.at[pl.ds(_E + b, _C)], ldst[p], isem[p])

    idx_issue(0, 0)
    idx_issue(1, 1)

    zeros16 = jnp.zeros((16,), jnp.float32)

    def zrow(i, carry):
        for v in range(_NV):
            pr0[i, pl.ds(v * 16, 16)] = zeros16
        return carry

    lax.fori_loop(0, _C, zrow, 0)
    for t in range(_RPT // _C):
        pltpu.sync_copy(pr0, acc_sh.at[pl.ds(sid * _RPT + t * _C, _C)])
    zrem = _RPT - (_RPT // _C) * _C
    pltpu.sync_copy(pr0.at[pl.ds(0, zrem)],
                    acc_sh.at[pl.ds(sid * _RPT + _RPT - zrem, zrem)])

    @pl.when(sid == _NS - 1)
    def _():
        pltpu.sync_copy(pr0.at[pl.ds(0, _TAIL)],
                        acc_sh.at[pl.ds(_RPT * _NS, _TAIL)])

    plsc.subcore_barrier()

    def unpack_mul(xi, wi):
        bc = lambda v: jax.lax.bitcast_convert_type(v, jnp.float32)
        lo = bc(xi << 16) * bc(wi << 16)
        hi = bc(xi & -65536) * bc(wi & -65536)
        return lo, hi

    def mul_row(dst, xsrc, wsrc, e):
        for j in range(_F // 32):
            lo, hi = unpack_mul(xsrc[e, pl.ds(16 * j, 16)],
                                wsrc[e, pl.ds(16 * j, 16)])
            dst[e, pl.ds(32 * j, 16)] = lo
            dst[e, pl.ds(32 * j + 16, 16)] = hi

    def stage(m4, p, g, iguard):
        pltpu.make_async_copy(edges_hbm.at[pl.ds(0, _C)], lsrc[p], isem[p]).wait()
        pltpu.make_async_copy(edges_hbm.at[pl.ds(0, _C)], ldst[p], isem[p]).wait()
        for j in range(_C // 16):
            sl = pl.ds(j * 16, 16)
            sv = lsrc[p][sl]
            dv = ldst[p][sl]
            gsrc[p][sl] = sv
            sdst[m4][sl] = dv
            df = sv - dv
            widx[p][sl] = jnp.where(df < 0, df + _K, df)
        pltpu.async_copy(x_hbm.at[gsrc[p]], xr[p], gsem[p])
        pltpu.async_copy(w_hbm.at[widx[p]], wr[p], gsem[p])
        if iguard is None:
            idx_issue(p, g + 2)
        else:
            @pl.when(iguard)
            def _():
                idx_issue(p, g + 2)

    def slot(pos, k, sguard, stguard, iguard):
        m4 = pos % 4
        p = pos % 2
        om4 = (pos + 2) % 4
        pltpu.make_async_copy(x_hbm.at[gsrc[p]], xr[p], gsem[p]).wait()
        pltpu.make_async_copy(w_hbm.at[widx[p]], wr[p], gsem[p]).wait()
        if sguard is None:
            pltpu.make_async_copy(pr[om4], acc_sh.at[sdst[om4]], ssem[p]).wait()
        else:
            @pl.when(sguard)
            def _():
                pltpu.make_async_copy(pr[om4], acc_sh.at[sdst[om4]], ssem[p]).wait()

        def mrow(e, c2):
            mul_row(pr[m4], xr[p], wr[p], e)
            return c2

        lax.fori_loop(0, _C, mrow, 0, unroll=4)
        pltpu.async_copy(pr[m4], acc_sh.at[sdst[m4]], ssem[p], add=True)
        if stguard is None:
            stage(om4, p, 4 * k + pos + 2, iguard)
        else:
            @pl.when(stguard)
            def _():
                stage(om4, p, 4 * k + pos + 2, iguard)

    stage(0, 0, 0, None)
    stage(1, 1, 1, None)

    _KMAX = _NCHUNK // 4 - 1

    def lbody(k, carry):
        slot(0, k, k >= 1, None, k <= _KMAX - 1)
        slot(1, k, k >= 1, None, k <= _KMAX - 1)
        slot(2, k, None, k <= _KMAX - 1, None)
        slot(3, k, None, k <= _KMAX - 1, None)
        return carry

    lax.fori_loop(0, _KMAX + 1, lbody, 0)

    pltpu.make_async_copy(pr[2], acc_sh.at[sdst[2]], ssem[0]).wait()
    pltpu.make_async_copy(pr[3], acc_sh.at[sdst[3]], ssem[1]).wait()

    b = base_e + _NCHUNK * _C
    pltpu.sync_copy(edges_hbm.at[pl.ds(b, _TAILE)], lsrc0.at[pl.ds(0, _TAILE)])
    pltpu.sync_copy(edges_hbm.at[pl.ds(_E + b, _TAILE)],
                    ldst0.at[pl.ds(0, _TAILE)])
    zeros16i = jnp.zeros((16,), jnp.int32)
    sl0 = pl.ds(0, 16)
    sv = lsrc0[sl0]
    dv = ldst0[sl0]
    gsrc0[sl0] = sv
    sdst0[sl0] = dv
    df = sv - dv
    widx0[sl0] = jnp.where(df < 0, df + _K, df)
    for j in range(1, _C // 16):
        sl = pl.ds(j * 16, 16)
        gsrc0[sl] = zeros16i
        sdst0[sl] = zeros16i
        widx0[sl] = zeros16i
    pltpu.async_copy(x_hbm.at[gsrc0], xr0, gsem0)
    pltpu.async_copy(w_hbm.at[widx0], wr0, gsem0)
    pltpu.make_async_copy(x_hbm.at[gsrc0], xr0, gsem0).wait()
    pltpu.make_async_copy(w_hbm.at[widx0], wr0, gsem0).wait()

    def trow(e, c2):
        mul_row(pr0, xr0, wr0, e)
        return c2

    lax.fori_loop(0, _TAILE, trow, 0)

    def ztrow(e, c2):
        for v in range(_NV):
            pr0[e, pl.ds(v * 16, 16)] = zeros16
        return c2

    lax.fori_loop(_TAILE, _C, ztrow, 0)
    pltpu.sync_copy(pr0, acc_sh.at[sdst0], add=True)

    plsc.subcore_barrier()

    rows = pl.ds(sid * _RPT, _RPT)
    tail = pl.ds(_RPT * _NS, _TAIL)

    @pl.when(cid == 0)
    def _():
        pltpu.sync_copy(acc_sh.at[rows], out_hbm.at[0, rows])

        @pl.when(sid == _NS - 1)
        def _():
            pltpu.sync_copy(acc_sh.at[tail], out_hbm.at[0, tail])

    @pl.when(cid == 1)
    def _():
        pltpu.sync_copy(acc_sh.at[rows], out_hbm.at[1, rows])

        @pl.when(sid == _NS - 1)
        def _():
            pltpu.sync_copy(acc_sh.at[tail], out_hbm.at[1, tail])


@jax.jit
def _sc_scatter(disc_edges, xb, wb):
    mesh = plsc.VectorSubcoreMesh(core_axis_name="c", subcore_axis_name="s")
    fn = pl.kernel(
        _sc_body,
        out_type=jax.ShapeDtypeStruct((_NC, _N, _F), jnp.float32),
        mesh=mesh,
        compiler_params=pltpu.CompilerParams(use_tc_tiling_on_sc=False),
        scratch_types=(
            [pltpu.VMEM((_C,), jnp.int32)] * 12
            + [pltpu.VMEM((_C, _F // 2), jnp.int32)] * 4
            + [pltpu.VMEM((_C, _F), jnp.float32)] * 4
            + [pltpu.VMEM_SHARED((_N, _F), jnp.float32)]
            + [pltpu.SemaphoreType.DMA] * 6
        ),
    )
    return fn(disc_edges, xb, wb)


def _interleave_bf16(a):
    n = a.shape[0]
    il = (a.astype(jnp.bfloat16)
           .reshape(n, _F // 32, 2, 16)
           .transpose(0, 1, 3, 2)
           .reshape(n, _F // 2, 2))
    return jax.lax.bitcast_convert_type(il, jnp.int32)


def _combine_body(p0_ref, p1_ref, x_ref, w0_ref, o_ref):
    o_ref[...] = p0_ref[...] + p1_ref[...] + w0_ref[...] * x_ref[...]


@jax.jit
def _combine(p0, p1, x, w0):
    bn = 1000
    grid = (_N // bn,)
    return pl.pallas_call(
        _combine_body,
        grid=grid,
        in_specs=[
            pl.BlockSpec((bn, _F), lambda i: (i, 0)),
            pl.BlockSpec((bn, _F), lambda i: (i, 0)),
            pl.BlockSpec((bn, _F), lambda i: (i, 0)),
            pl.BlockSpec((1, _F), lambda i: (0, 0)),
        ],
        out_specs=pl.BlockSpec((bn, _F), lambda i: (i, 0)),
        out_shape=jax.ShapeDtypeStruct((_N, _F), jnp.float32),
    )(p0, p1, x, w0)


def kernel(x, disc_edges, weight):
    xb = _interleave_bf16(x)
    wb = _interleave_bf16(weight)
    partials = _sc_scatter(disc_edges.reshape(-1), xb, wb)
    return _combine(partials[0], partials[1], x, weight[0:1, :])

# --- scband reference (transcript-rebuilt; emitter-appended) ---
"""Pipeline reference for scband-disc-conv-6820408066710 (READ-ONLY COPY).

The authoritative reference and input builder live on the scoring server;
editing this copy changes nothing except your own understanding.
"""

import jax, jax.numpy as jnp
import numpy as np

N = 10000
E = 320000
F = 128
K = 10000  # kernel_size


def setup_inputs(seed: int = 0) -> dict:
    key = jax.random.key(seed)
    k1, k2, k3 = jax.random.split(key, 3)
    x = jax.random.normal(k1, (N, F), dtype=jnp.float32)
    disc_edges = jax.random.randint(k2, (2, E), 0, N, dtype=jnp.int32)
    # xavier_uniform on weight of shape (K, F): fan_out=K, fan_in=F
    bound = float(np.sqrt(6.0 / (K + F)))
    weight = jax.random.uniform(k3, (K, F), dtype=jnp.float32, minval=-bound, maxval=bound)
    return {"x": x, "disc_edges": disc_edges, "weight": weight}


def reference(x, disc_edges, weight):
    src = disc_edges[0]
    dst = disc_edges[1]
    disc_feats = jnp.take(x, src, axis=0)
    # torch wraps negative indices: weight[j] with j in [-K, K-1] == weight[j % K]
    weights_indexes = (src - dst) % weight.shape[0]
    disc_message = jnp.take(weight, weights_indexes, axis=0) * disc_feats
    disc_message_scat = jax.ops.segment_sum(disc_message, dst, num_segments=x.shape[0])
    self_interaction = weight[0, :] * x
    return disc_message_scat + self_interaction

if __name__ == "__main__":
    import jax
    _d = setup_inputs()
    print(jax.jit(kernel)(*tuple(_d.values())))

</pallas_src>

<mosaic_0001>
#map = affine_map<(d0, d1) -> (0)>
#map1 = affine_map<(d0, d1) -> (0, 0)>
#map2 = affine_map<(d0, d1) -> (0, 0, 0)>
module attributes {stable_mosaic.version = 14 : i64} {
  func.func @_sc_body(%arg0: i32, %arg1: i32, %arg2: memref<640000xi32, #tpu.memory_space<hbm>>, %arg3: memref<10000x64xi32, #tpu.memory_space<hbm>>, %arg4: memref<10000x64xi32, #tpu.memory_space<hbm>>, %arg5: memref<2x10000x128xf32, #tpu.memory_space<hbm>>, %arg6: memref<64xi32, #tpu.memory_space<vmem>>, %arg7: memref<64xi32, #tpu.memory_space<vmem>>, %arg8: memref<64xi32, #tpu.memory_space<vmem>>, %arg9: memref<64xi32, #tpu.memory_space<vmem>>, %arg10: memref<64xi32, #tpu.memory_space<vmem>>, %arg11: memref<64xi32, #tpu.memory_space<vmem>>, %arg12: memref<64xi32, #tpu.memory_space<vmem>>, %arg13: memref<64xi32, #tpu.memory_space<vmem>>, %arg14: memref<64xi32, #tpu.memory_space<vmem>>, %arg15: memref<64xi32, #tpu.memory_space<vmem>>, %arg16: memref<64xi32, #tpu.memory_space<vmem>>, %arg17: memref<64xi32, #tpu.memory_space<vmem>>, %arg18: memref<64x64xi32, #tpu.memory_space<vmem>>, %arg19: memref<64x64xi32, #tpu.memory_space<vmem>>, %arg20: memref<64x64xi32, #tpu.memory_space<vmem>>, %arg21: memref<64x64xi32, #tpu.memory_space<vmem>>, %arg22: memref<64x128xf32, #tpu.memory_space<vmem>>, %arg23: memref<64x128xf32, #tpu.memory_space<vmem>>, %arg24: memref<64x128xf32, #tpu.memory_space<vmem>>, %arg25: memref<64x128xf32, #tpu.memory_space<vmem>>, %arg26: memref<10000x128xf32, #tpu.memory_space<vmem_shared>>, %arg27: memref<!tpu.dma_semaphore, #tpu.memory_space<semaphore_mem>>, %arg28: memref<!tpu.dma_semaphore, #tpu.memory_space<semaphore_mem>>, %arg29: memref<!tpu.dma_semaphore, #tpu.memory_space<semaphore_mem>>, %arg30: memref<!tpu.dma_semaphore, #tpu.memory_space<semaphore_mem>>, %arg31: memref<!tpu.dma_semaphore, #tpu.memory_space<semaphore_mem>>, %arg32: memref<!tpu.dma_semaphore, #tpu.memory_space<semaphore_mem>>) attributes {dimension_semantics = [#tpu.dimension_semantics<core_parallel>, #tpu.dimension_semantics<subcore_parallel>], iteration_bounds = array<i64: 2, 16>, scalar_prefetch = 0 : i64, scratch_operands = 27 : i64, tpu.core_type = #tpu.core_type<sc_vector_subcore>, window_params = [{transform_indices = #map}, {transform_indices = #map1}, {transform_indices = #map1}, {transform_indices = #map2}]} {
    %mul3A = arith.constant 16 : i32
    %mul3A_0 = arith.muli %arg0, %mul3A : i32
    %add3A = arith.addi %mul3A_0, %arg1 : i32
    %mul3A_1 = arith.constant 10000 : i32
    %mul3A_2 = arith.muli %add3A, %mul3A_1 : i32
    %add3A_3 = arith.constant 0 : i32
    %add3A_4 = arith.addi %mul3A_2, %add3A_3 : i32
    %dma_start3A = tpu.memref_slice %arg2[%add3A_4] : memref<640000xi32, #tpu.memory_space<hbm>> -> memref<64xi32, #tpu.memory_space<hbm>>
    %dma_start3A_5 = tpu.memref_slice %arg2[%add3A_4] : memref<640000xi32, #tpu.memory_space<hbm>> -> memref<64xi32, #tpu.memory_space<hbm>>
    tpu.enqueue_dma source(%dma_start3A_5 : memref<64xi32, #tpu.memory_space<hbm>>) target(%arg6 : memref<64xi32, #tpu.memory_space<vmem>>) target_semaphore(%arg29 : memref<!tpu.dma_semaphore, #tpu.memory_space<semaphore_mem>>)
    %add3A_6 = arith.constant 320000 : i32
    %add3A_7 = arith.addi %add3A_6, %add3A_4 : i32
    %dma_start3A_8 = tpu.memref_slice %arg2[%add3A_7] : memref<640000xi32, #tpu.memory_space<hbm>> -> memref<64xi32, #tpu.memory_space<hbm>>
    %dma_start3A_9 = tpu.memref_slice %arg2[%add3A_7] : memref<640000xi32, #tpu.memory_space<hbm>> -> memref<64xi32, #tpu.memory_space<hbm>>
    tpu.enqueue_dma source(%dma_start3A_9 : memref<64xi32, #tpu.memory_space<hbm>>) target(%arg7 : memref<64xi32, #tpu.memory_space<vmem>>) target_semaphore(%arg29 : memref<!tpu.dma_semaphore, #tpu.memory_space<semaphore_mem>>)
    %add3A_10 = arith.constant 64 : i32
    %add3A_11 = arith.addi %mul3A_2, %add3A_10 : i32
    %dma_start3A_12 = tpu.memref_slice %arg2[%add3A_11] : memref<640000xi32, #tpu.memory_space<hbm>> -> memref<64xi32, #tpu.memory_space<hbm>>
    %dma_start3A_13 = tpu.memref_slice %arg2[%add3A_11] : memref<640000xi32, #tpu.memory_space<hbm>> -> memref<64xi32, #tpu.memory_space<hbm>>
    tpu.enqueue_dma source(%dma_start3A_13 : memref<64xi32, #tpu.memory_space<hbm>>) target(%arg8 : memref<64xi32, #tpu.memory_space<vmem>>) target_semaphore(%arg30 : memref<!tpu.dma_semaphore, #tpu.memory_space<semaphore_mem>>)
    %add3A_14 = arith.constant 320000 : i32
    %add3A_15 = arith.addi %add3A_14, %add3A_11 : i32
    %dma_start3A_16 = tpu.memref_slice %arg2[%add3A_15] : memref<640000xi32, #tpu.memory_space<hbm>> -> memref<64xi32, #tpu.memory_space<hbm>>
    %dma_start3A_17 = tpu.memref_slice %arg2[%add3A_15] : memref<640000xi32, #tpu.memory_space<hbm>> -> memref<64xi32, #tpu.memory_space<hbm>>
    tpu.enqueue_dma source(%dma_start3A_17 : memref<64xi32, #tpu.memory_space<hbm>>) target(%arg9 : memref<64xi32, #tpu.memory_space<vmem>>) target_semaphore(%arg30 : memref<!tpu.dma_semaphore, #tpu.memory_space<semaphore_mem>>)
    %broadcast_in_dim3A = arith.constant 0.000000e+00 : f32
    %broadcast_in_dim3A_18 = vector.broadcast %broadcast_in_dim3A : f32 to vector<16xf32>
    %scan3A = arith.constant 0 : i32
    %scan3A_19 = arith.constant 0 : i32
    %scan3A_20 = arith.constant 64 : i32
    %scan3A_21 = arith.addi %scan3A_19, %scan3A_20 : i32
    %scan3A_22 = arith.constant 1 : i32
    scf.for %scan3A_431 = %scan3A_19 to %scan3A_21 step %scan3A_22  : i32 {
      %swap3A_432 = arith.index_cast %scan3A_431 : i32 to index
      %swap3A_433 = arith.constant 0 : index
      %swap3A_434 = tpu.vector_load %arg22[%swap3A_432, %swap3A_433] {strides = array<i32>} : memref<64x128xf32, #tpu.memory_space<vmem>>, vector<1x16xf32>,
      %swap3A_435 = vector.shape_cast %swap3A_434 : vector<1x16xf32> to vector<16xf32>
      %swap3A_436 = vector.shape_cast %broadcast_in_dim3A_18 : vector<16xf32> to vector<1x16xf32>
      tpu.vector_store %arg22[%swap3A_432, %swap3A_433], %swap3A_436 {strides = array<i32>} : memref<64x128xf32, #tpu.memory_space<vmem>>, vector<1x16xf32>,
      %swap3A_437 = arith.index_cast %scan3A_431 : i32 to index
      %swap3A_438 = arith.constant 16 : index
      %swap3A_439 = tpu.vector_load %arg22[%swap3A_437, %swap3A_438] {strides = array<i32>} : memref<64x128xf32, #tpu.memory_space<vmem>>, vector<1x16xf32>,
      %swap3A_440 = vector.shape_cast %swap3A_439 : vector<1x16xf32> to vector<16xf32>
      %swap3A_441 = vector.shape_cast %broadcast_in_dim3A_18 : vector<16xf32> to vector<1x16xf32>
      tpu.vector_store %arg22[%swap3A_437, %swap3A_438], %swap3A_441 {strides = array<i32>} : memref<64x128xf32, #tpu.memory_space<vmem>>, vector<1x16xf32>,
      %swap3A_442 = arith.index_cast %scan3A_431 : i32 to index
      %swap3A_443 = arith.constant 32 : index
      %swap3A_444 = tpu.vector_load %arg22[%swap3A_442, %swap3A_443] {strides = array<i32>} : memref<64x128xf32, #tpu.memory_space<vmem>>, vector<1x16xf32>,
      %swap3A_445 = vector.shape_cast %swap3A_444 : vector<1x16xf32> to vector<16xf32>
      %swap3A_446 = vector.shape_cast %broadcast_in_dim3A_18 : vector<16xf32> to vector<1x16xf32>
      tpu.vector_store %arg22[%swap3A_442, %swap3A_443], %swap3A_446 {strides = array<i32>} : memref<64x128xf32, #tpu.memory_space<vmem>>, vector<1x16xf32>,
      %swap3A_447 = arith.index_cast %scan3A_431 : i32 to index
      %swap3A_448 = arith.constant 48 : index
      %swap3A_449 = tpu.vector_load %arg22[%swap3A_447, %swap3A_448] {strides = array<i32>} : memref<64x128xf32, #tpu.memory_space<vmem>>, vector<1x16xf32>,
      %swap3A_450 = vector.shape_cast %swap3A_449 : vector<1x16xf32> to vector<16xf32>
      %swap3A_451 = vector.shape_cast %broadcast_in_dim3A_18 : vector<16xf32> to vector<1x16xf32>
      tpu.vector_store %arg22[%swap3A_447, %swap3A_448], %swap3A_451 {strides = array<i32>} : memref<64x128xf32, #tpu.memory_space<vmem>>, vector<1x16xf32>,
      %swap3A_452 = arith.index_cast %scan3A_431 : i32 to index
      %swap3A_453 = arith.constant 64 : index
      %swap3A_454 = tpu.vector_load %arg22[%swap3A_452, %swap3A_453] {strides = array<i32>} : memref<64x128xf32, #tpu.memory_space<vmem>>, vector<1x16xf32>,
      %swap3A_455 = vector.shape_cast %swap3A_454 : vector<1x16xf32> to vector<16xf32>
      %swap3A_456 = vector.shape_cast %broadcast_in_dim3A_18 : vector<16xf32> to vector<1x16xf32>
      tpu.vector_store %arg22[%swap3A_452, %swap3A_453], %swap3A_456 {strides = array<i32>} : memref<64x128xf32, #tpu.memory_space<vmem>>, vector<1x16xf32>,
      %swap3A_457 = arith.index_cast %scan3A_431 : i32 to index
      %swap3A_458 = arith.constant 80 : index
      %swap3A_459 = tpu.vector_load %arg22[%swap3A_457, %swap3A_458] {strides = array<i32>} : memref<64x128xf32, #tpu.memory_space<vmem>>, vector<1x16xf32>,
      %swap3A_460 = vector.shape_cast %swap3A_459 : vector<1x16xf32> to vector<16xf32>
      %swap3A_461 = vector.shape_cast %broadcast_in_dim3A_18 : vector<16xf32> to vector<1x16xf32>
      tpu.vector_store %arg22[%swap3A_457, %swap3A_458], %swap3A_461 {strides = array<i32>} : memref<64x128xf32, #tpu.memory_space<vmem>>, vector<1x16xf32>,
      %swap3A_462 = arith.index_cast %scan3A_431 : i32 to index
      %swap3A_463 = arith.constant 96 : index
      %swap3A_464 = tpu.vector_load %arg22[%swap3A_462, %swap3A_463] {strides = array<i32>} : memref<64x128xf32, #tpu.memory_space<vmem>>, vector<1x16xf32>,
      %swap3A_465 = vector.shape_cast %swap3A_464 : vector<1x16xf32> to vector<16xf32>
      %swap3A_466 = vector.shape_cast %broadcast_in_dim3A_18 : vector<16xf32> to vector<1x16xf32>
      tpu.vector_store %arg22[%swap3A_462, %swap3A_463], %swap3A_466 {strides = array<i32>} : memref<64x128xf32, #tpu.memory_space<vmem>>, vector<1x16xf32>,
      %swap3A_467 = arith.index_cast %scan3A_431 : i32 to index
      %swap3A_468 = arith.constant 112 : index
      %swap3A_469 = tpu.vector_load %arg22[%swap3A_467, %swap3A_468] {strides = array<i32>} : memref<64x128xf32, #tpu.memory_space<vmem>>, vector<1x16xf32>,
      %swap3A_470 = vector.shape_cast %swap3A_469 : vector<1x16xf32> to vector<16xf32>
      %swap3A_471 = vector.shape_cast %broadcast_in_dim3A_18 : vector<16xf32> to vector<1x16xf32>
      tpu.vector_store %arg22[%swap3A_467, %swap3A_468], %swap3A_471 {strides = array<i32>} : memref<64x128xf32, #tpu.memory_space<vmem>>, vector<1x16xf32>,
    }
    %scan3A_23 = arith.constant 64 : i32
    %mul3A_24 = arith.constant 624 : i32
    %mul3A_25 = arith.muli %arg1, %mul3A_24 : i32
    %add3A_26 = arith.constant 0 : i32
    %add3A_27 = arith.addi %mul3A_25, %add3A_26 : i32
    "tpu.region"() ({
      %run_scoped3A = tpu.sem_alloc : memref<!tpu.dma_semaphore, #tpu.memory_space<semaphore_mem>>
      %dma_start3A_431 = arith.constant 0 : i32
      %dma_start3A_432 = tpu.memref_slice %arg26[%add3A_27, %dma_start3A_431] : memref<10000x128xf32, #tpu.memory_space<vmem_shared>> -> memref<64x128xf32, #tpu.memory_space<vmem_shared>>
      %dma_start3A_433 = arith.constant 0 : i32
      %dma_start3A_434 = tpu.memref_slice %arg26[%add3A_27, %dma_start3A_433] : memref<10000x128xf32, #tpu.memory_space<vmem_shared>> -> memref<64x128xf32, #tpu.memory_space<vmem_shared>>
      tpu.enqueue_dma source(%arg22 : memref<64x128xf32, #tpu.memory_space<vmem>>) target(%dma_start3A_434 : memref<64x128xf32, #tpu.memory_space<vmem_shared>>) target_semaphore(%run_scoped3A : memref<!tpu.dma_semaphore, #tpu.memory_space<semaphore_mem>>)
      %dma_wait3A_435 = arith.constant 0 : i32
      %dma_wait3A_436 = tpu.memref_slice %arg26[%add3A_27, %dma_wait3A_435] : memref<10000x128xf32, #tpu.memory_space<vmem_shared>> -> memref<64x128xf32, #tpu.memory_space<vmem_shared>>
      %dma_wait3A_437 = arith.constant 0 : i32
      %dma_wait3A_438 = tpu.memref_slice %arg26[%add3A_27, %dma_wait3A_437] : memref<10000x128xf32, #tpu.memory_space<vmem_shared>> -> memref<64x128xf32, #tpu.memory_space<vmem_shared>>
      tpu.wait_dma2 semaphore(%run_scoped3A : memref<!tpu.dma_semaphore, #tpu.memory_space<semaphore_mem>>) src(%arg22 : memref<64x128xf32, #tpu.memory_space<vmem>>) dst(%dma_wait3A_438 : memref<64x128xf32, #tpu.memory_space<vmem_shared>>)
      tpu.yield
    }) : () -> ()
    %mul3A_28 = arith.constant 624 : i32
    %mul3A_29 = arith.muli %arg1, %mul3A_28 : i32
    %add3A_30 = arith.constant 64 : i32
    %add3A_31 = arith.addi %mul3A_29, %add3A_30 : i32
    "tpu.region"() ({
      %run_scoped3A = tpu.sem_alloc : memref<!tpu.dma_semaphore, #tpu.memory_space<semaphore_mem>>
      %dma_start3A_431 = arith.constant 0 : i32
      %dma_start3A_432 = tpu.memref_slice %arg26[%add3A_31, %dma_start3A_431] : memref<10000x128xf32, #tpu.memory_space<vmem_shared>> -> memref<64x128xf32, #tpu.memory_space<vmem_shared>>
      %dma_start3A_433 = arith.constant 0 : i32
      %dma_start3A_434 = tpu.memref_slice %arg26[%add3A_31, %dma_start3A_433] : memref<10000x128xf32, #tpu.memory_space<vmem_shared>> -> memref<64x128xf32, #tpu.memory_space<vmem_shared>>
      tpu.enqueue_dma source(%arg22 : memref<64x128xf32, #tpu.memory_space<vmem>>) target(%dma_start3A_434 : memref<64x128xf32, #tpu.memory_space<vmem_shared>>) target_semaphore(%run_scoped3A : memref<!tpu.dma_semaphore, #tpu.memory_space<semaphore_mem>>)
      %dma_wait3A_435 = arith.constant 0 : i32
      %dma_wait3A_436 = tpu.memref_slice %arg26[%add3A_31, %dma_wait3A_435] : memref<10000x128xf32, #tpu.memory_space<vmem_shared>> -> memref<64x128xf32, #tpu.memory_space<vmem_shared>>
      %dma_wait3A_437 = arith.constant 0 : i32
      %dma_wait3A_438 = tpu.memref_slice %arg26[%add3A_31, %dma_wait3A_437] : memref<10000x128xf32, #tpu.memory_space<vmem_shared>> -> memref<64x128xf32, #tpu.memory_space<vmem_shared>>
      tpu.wait_dma2 semaphore(%run_scoped3A : memref<!tpu.dma_semaphore, #tpu.memory_space<semaphore_mem>>) src(%arg22 : memref<64x128xf32, #tpu.memory_space<vmem>>) dst(%dma_wait3A_438 : memref<64x128xf32, #tpu.memory_space<vmem_shared>>)
      tpu.yield
    }) : () -> ()
    %mul3A_32 = arith.constant 624 : i32
    %mul3A_33 = arith.muli %arg1, %mul3A_32 : i32
    %add3A_34 = arith.constant 128 : i32
    %add3A_35 = arith.addi %mul3A_33, %add3A_34 : i32
    "tpu.region"() ({
      %run_scoped3A = tpu.sem_alloc : memref<!tpu.dma_semaphore, #tpu.memory_space<semaphore_mem>>
      %dma_start3A_431 = arith.constant 0 : i32
      %dma_start3A_432 = tpu.memref_slice %arg26[%add3A_35, %dma_start3A_431] : memref<10000x128xf32, #tpu.memory_space<vmem_shared>> -> memref<64x128xf32, #tpu.memory_space<vmem_shared>>
      %dma_start3A_433 = arith.constant 0 : i32
      %dma_start3A_434 = tpu.memref_slice %arg26[%add3A_35, %dma_start3A_433] : memref<10000x128xf32, #tpu.memory_space<vmem_shared>> -> memref<64x128xf32, #tpu.memory_space<vmem_shared>>
      tpu.enqueue_dma source(%arg22 : memref<64x128xf32, #tpu.memory_space<vmem>>) target(%dma_start3A_434 : memref<64x128xf32, #tpu.memory_space<vmem_shared>>) target_semaphore(%run_scoped3A : memref<!tpu.dma_semaphore, #tpu.memory_space<semaphore_mem>>)
      %dma_wait3A_435 = arith.constant 0 : i32
      %dma_wait3A_436 = tpu.memref_slice %arg26[%add3A_35, %dma_wait3A_435] : memref<10000x128xf32, #tpu.memory_space<vmem_shared>> -> memref<64x128xf32, #tpu.memory_space<vmem_shared>>
      %dma_wait3A_437 = arith.constant 0 : i32
      %dma_wait3A_438 = tpu.memref_slice %arg26[%add3A_35, %dma_wait3A_437] : memref<10000x128xf32, #tpu.memory_space<vmem_shared>> -> memref<64x128xf32, #tpu.memory_space<vmem_shared>>
      tpu.wait_dma2 semaphore(%run_scoped3A : memref<!tpu.dma_semaphore, #tpu.memory_space<semaphore_mem>>) src(%arg22 : memref<64x128xf32, #tpu.memory_space<vmem>>) dst(%dma_wait3A_438 : memref<64x128xf32, #tpu.memory_space<vmem_shared>>)
      tpu.yield
    }) : () -> ()
    %mul3A_36 = arith.constant 624 : i32
    %mul3A_37 = arith.muli %arg1, %mul3A_36 : i32
    %add3A_38 = arith.constant 192 : i32
    %add3A_39 = arith.addi %mul3A_37, %add3A_38 : i32
    "tpu.region"() ({
      %run_scoped3A = tpu.sem_alloc : memref<!tpu.dma_semaphore, #tpu.memory_space<semaphore_mem>>
      %dma_start3A_431 = arith.constant 0 : i32
      %dma_start3A_432 = tpu.memref_slice %arg26[%add3A_39, %dma_start3A_431] : memref<10000x128xf32, #tpu.memory_space<vmem_shared>> -> memref<64x128xf32, #tpu.memory_space<vmem_shared>>
      %dma_start3A_433 = arith.constant 0 : i32
      %dma_start3A_434 = tpu.memref_slice %arg26[%add3A_39, %dma_start3A_433] : memref<10000x128xf32, #tpu.memory_space<vmem_shared>> -> memref<64x128xf32, #tpu.memory_space<vmem_shared>>
      tpu.enqueue_dma source(%arg22 : memref<64x128xf32, #tpu.memory_space<vmem>>) target(%dma_start3A_434 : memref<64x128xf32, #tpu.memory_space<vmem_shared>>) target_semaphore(%run_scoped3A : memref<!tpu.dma_semaphore, #tpu.memory_space<semaphore_mem>>)
      %dma_wait3A_435 = arith.constant 0 : i32
      %dma_wait3A_436 = tpu.memref_slice %arg26[%add3A_39, %dma_wait3A_435] : memref<10000x128xf32, #tpu.memory_space<vmem_shared>> -> memref<64x128xf32, #tpu.memory_space<vmem_shared>>
      %dma_wait3A_437 = arith.constant 0 : i32
      %dma_wait3A_438 = tpu.memref_slice %arg26[%add3A_39, %dma_wait3A_437] : memref<10000x128xf32, #tpu.memory_space<vmem_shared>> -> memref<64x128xf32, #tpu.memory_space<vmem_shared>>
      tpu.wait_dma2 semaphore(%run_scoped3A : memref<!tpu.dma_semaphore, #tpu.memory_space<semaphore_mem>>) src(%arg22 : memref<64x128xf32, #tpu.memory_space<vmem>>) dst(%dma_wait3A_438 : memref<64x128xf32, #tpu.memory_space<vmem_shared>>)
      tpu.yield
    }) : () -> ()
    %mul3A_40 = arith.constant 624 : i32
    %mul3A_41 = arith.muli %arg1, %mul3A_40 : i32
    %add3A_42 = arith.constant 256 : i32
    %add3A_43 = arith.addi %mul3A_41, %add3A_42 : i32
    "tpu.region"() ({
      %run_scoped3A = tpu.sem_alloc : memref<!tpu.dma_semaphore, #tpu.memory_space<semaphore_mem>>
      %dma_start3A_431 = arith.constant 0 : i32
      %dma_start3A_432 = tpu.memref_slice %arg26[%add3A_43, %dma_start3A_431] : memref<10000x128xf32, #tpu.memory_space<vmem_shared>> -> memref<64x128xf32, #tpu.memory_space<vmem_shared>>
      %dma_start3A_433 = arith.constant 0 : i32
      %dma_start3A_434 = tpu.memref_slice %arg26[%add3A_43, %dma_start3A_433] : memref<10000x128xf32, #tpu.memory_space<vmem_shared>> -> memref<64x128xf32, #tpu.memory_space<vmem_shared>>
      tpu.enqueue_dma source(%arg22 : memref<64x128xf32, #tpu.memory_space<vmem>>) target(%dma_start3A_434 : memref<64x128xf32, #tpu.memory_space<vmem_shared>>) target_semaphore(%run_scoped3A : memref<!tpu.dma_semaphore, #tpu.memory_space<semaphore_mem>>)
      %dma_wait3A_435 = arith.constant 0 : i32
      %dma_wait3A_436 = tpu.memref_slice %arg26[%add3A_43, %dma_wait3A_435] : memref<10000x128xf32, #tpu.memory_space<vmem_shared>> -> memref<64x128xf32, #tpu.memory_space<vmem_shared>>
      %dma_wait3A_437 = arith.constant 0 : i32
      %dma_wait3A_438 = tpu.memref_slice %arg26[%add3A_43, %dma_wait3A_437] : memref<10000x128xf32, #tpu.memory_space<vmem_shared>> -> memref<64x128xf32, #tpu.memory_space<vmem_shared>>
      tpu.wait_dma2 semaphore(%run_scoped3A : memref<!tpu.dma_semaphore, #tpu.memory_space<semaphore_mem>>) src(%arg22 : memref<64x128xf32, #tpu.memory_space<vmem>>) dst(%dma_wait3A_438 : memref<64x128xf32, #tpu.memory_space<vmem_shared>>)
      tpu.yield
    }) : () -> ()
    %mul3A_44 = arith.constant 624 : i32
    %mul3A_45 = arith.muli %arg1, %mul3A_44 : i32
    %add3A_46 = arith.constant 320 : i32
    %add3A_47 = arith.addi %mul3A_45, %add3A_46 : i32
    "tpu.region"() ({
      %run_scoped3A = tpu.sem_alloc : memref<!tpu.dma_semaphore, #tpu.memory_space<semaphore_mem>>
      %dma_start3A_431 = arith.constant 0 : i32
      %dma_start3A_432 = tpu.memref_slice %arg26[%add3A_47, %dma_start3A_431] : memref<10000x128xf32, #tpu.memory_space<vmem_shared>> -> memref<64x128xf32, #tpu.memory_space<vmem_shared>>
      %dma_start3A_433 = arith.constant 0 : i32
      %dma_start3A_434 = tpu.memref_slice %arg26[%add3A_47, %dma_start3A_433] : memref<10000x128xf32, #tpu.memory_space<vmem_shared>> -> memref<64x128xf32, #tpu.memory_space<vmem_shared>>
      tpu.enqueue_dma source(%arg22 : memref<64x128xf32, #tpu.memory_space<vmem>>) target(%dma_start3A_434 : memref<64x128xf32, #tpu.memory_space<vmem_shared>>) target_semaphore(%run_scoped3A : memref<!tpu.dma_semaphore, #tpu.memory_space<semaphore_mem>>)
      %dma_wait3A_435 = arith.constant 0 : i32
      %dma_wait3A_436 = tpu.memref_slice %arg26[%add3A_47, %dma_wait3A_435] : memref<10000x128xf32, #tpu.memory_space<vmem_shared>> -> memref<64x128xf32, #tpu.memory_space<vmem_shared>>
      %dma_wait3A_437 = arith.constant 0 : i32
      %dma_wait3A_438 = tpu.memref_slice %arg26[%add3A_47, %dma_wait3A_437] : memref<10000x128xf32, #tpu.memory_space<vmem_shared>> -> memref<64x128xf32, #tpu.memory_space<vmem_shared>>
      tpu.wait_dma2 semaphore(%run_scoped3A : memref<!tpu.dma_semaphore, #tpu.memory_space<semaphore_mem>>) src(%arg22 : memref<64x128xf32, #tpu.memory_space<vmem>>) dst(%dma_wait3A_438 : memref<64x128xf32, #tpu.memory_space<vmem_shared>>)
      tpu.yield
    }) : () -> ()
    %mul3A_48 = arith.constant 624 : i32
    %mul3A_49 = arith.muli %arg1, %mul3A_48 : i32
    %add3A_50 = arith.constant 384 : i32
    %add3A_51 = arith.addi %mul3A_49, %add3A_50 : i32
    "tpu.region"() ({
      %run_scoped3A = tpu.sem_alloc : memref<!tpu.dma_semaphore, #tpu.memory_space<semaphore_mem>>
      %dma_start3A_431 = arith.constant 0 : i32
      %dma_start3A_432 = tpu.memref_slice %arg26[%add3A_51, %dma_start3A_431] : memref<10000x128xf32, #tpu.memory_space<vmem_shared>> -> memref<64x128xf32, #tpu.memory_space<vmem_shared>>
      %dma_start3A_433 = arith.constant 0 : i32
      %dma_start3A_434 = tpu.memref_slice %arg26[%add3A_51, %dma_start3A_433] : memref<10000x128xf32, #tpu.memory_space<vmem_shared>> -> memref<64x128xf32, #tpu.memory_space<vmem_shared>>
      tpu.enqueue_dma source(%arg22 : memref<64x128xf32, #tpu.memory_space<vmem>>) target(%dma_start3A_434 : memref<64x128xf32, #tpu.memory_space<vmem_shared>>) target_semaphore(%run_scoped3A : memref<!tpu.dma_semaphore, #tpu.memory_space<semaphore_mem>>)
      %dma_wait3A_435 = arith.constant 0 : i32
      %dma_wait3A_436 = tpu.memref_slice %arg26[%add3A_51, %dma_wait3A_435] : memref<10000x128xf32, #tpu.memory_space<vmem_shared>> -> memref<64x128xf32, #tpu.memory_space<vmem_shared>>
      %dma_wait3A_437 = arith.constant 0 : i32
      %dma_wait3A_438 = tpu.memref_slice %arg26[%add3A_51, %dma_wait3A_437] : memref<10000x128xf32, #tpu.memory_space<vmem_shared>> -> memref<64x128xf32, #tpu.memory_space<vmem_shared>>
      tpu.wait_dma2 semaphore(%run_scoped3A : memref<!tpu.dma_semaphore, #tpu.memory_space<semaphore_mem>>) src(%arg22 : memref<64x128xf32, #tpu.memory_space<vmem>>) dst(%dma_wait3A_438 : memref<64x128xf32, #tpu.memory_space<vmem_shared>>)
      tpu.yield
    }) : () -> ()
    %mul3A_52 = arith.constant 624 : i32
    %mul3A_53 = arith.muli %arg1, %mul3A_52 : i32
    %add3A_54 = arith.constant 448 : i32
    %add3A_55 = arith.addi %mul3A_53, %add3A_54 : i32
    "tpu.region"() ({
      %run_scoped3A = tpu.sem_alloc : memref<!tpu.dma_semaphore, #tpu.memory_space<semaphore_mem>>
      %dma_start3A_431 = arith.constant 0 : i32
      %dma_start3A_432 = tpu.memref_slice %arg26[%add3A_55, %dma_start3A_431] : memref<10000x128xf32, #tpu.memory_space<vmem_shared>> -> memref<64x128xf32, #tpu.memory_space<vmem_shared>>
      %dma_start3A_433 = arith.constant 0 : i32
      %dma_start3A_434 = tpu.memref_slice %arg26[%add3A_55, %dma_start3A_433] : memref<10000x128xf32, #tpu.memory_space<vmem_shared>> -> memref<64x128xf32, #tpu.memory_space<vmem_shared>>
      tpu.enqueue_dma source(%arg22 : memref<64x128xf32, #tpu.memory_space<vmem>>) target(%dma_start3A_434 : memref<64x128xf32, #tpu.memory_space<vmem_shared>>) target_semaphore(%run_scoped3A : memref<!tpu.dma_semaphore, #tpu.memory_space<semaphore_mem>>)
      %dma_wait3A_435 = arith.constant 0 : i32
      %dma_wait3A_436 = tpu.memref_slice %arg26[%add3A_55, %dma_wait3A_435] : memref<10000x128xf32, #tpu.memory_space<vmem_shared>> -> memref<64x128xf32, #tpu.memory_space<vmem_shared>>
      %dma_wait3A_437 = arith.constant 0 : i32
      %dma_wait3A_438 = tpu.memref_slice %arg26[%add3A_55, %dma_wait3A_437] : memref<10000x128xf32, #tpu.memory_space<vmem_shared>> -> memref<64x128xf32, #tpu.memory_space<vmem_shared>>
      tpu.wait_dma2 semaphore(%run_scoped3A : memref<!tpu.dma_semaphore, #tpu.memory_space<semaphore_mem>>) src(%arg22 : memref<64x128xf32, #tpu.memory_space<vmem>>) dst(%dma_wait3A_438 : memref<64x128xf32, #tpu.memory_space<vmem_shared>>)
      tpu.yield
    }) : () -> ()
    %mul3A_56 = arith.constant 624 : i32
    %mul3A_57 = arith.muli %arg1, %mul3A_56 : i32
    %add3A_58 = arith.constant 512 : i32
    %add3A_59 = arith.addi %mul3A_57, %add3A_58 : i32
    "tpu.region"() ({
      %run_scoped3A = tpu.sem_alloc : memref<!tpu.dma_semaphore, #tpu.memory_space<semaphore_mem>>
      %dma_start3A_431 = arith.constant 0 : i32
      %dma_start3A_432 = tpu.memref_slice %arg26[%add3A_59, %dma_start3A_431] : memref<10000x128xf32, #tpu.memory_space<vmem_shared>> -> memref<64x128xf32, #tpu.memory_space<vmem_shared>>
      %dma_start3A_433 = arith.constant 0 : i32
      %dma_start3A_434 = tpu.memref_slice %arg26[%add3A_59, %dma_start3A_433] : memref<10000x128xf32, #tpu.memory_space<vmem_shared>> -> memref<64x128xf32, #tpu.memory_space<vmem_shared>>
      tpu.enqueue_dma source(%arg22 : memref<64x128xf32, #tpu.memory_space<vmem>>) target(%dma_start3A_434 : memref<64x128xf32, #tpu.memory_space<vmem_shared>>) target_semaphore(%run_scoped3A : memref<!tpu.dma_semaphore, #tpu.memory_space<semaphore_mem>>)
      %dma_wait3A_435 = arith.constant 0 : i32
      %dma_wait3A_436 = tpu.memref_slice %arg26[%add3A_59, %dma_wait3A_435] : memref<10000x128xf32, #tpu.memory_space<vmem_shared>> -> memref<64x128xf32, #tpu.memory_space<vmem_shared>>
      %dma_wait3A_437 = arith.constant 0 : i32
      %dma_wait3A_438 = tpu.memref_slice %arg26[%add3A_59, %dma_wait3A_437] : memref<10000x128xf32, #tpu.memory_space<vmem_shared>> -> memref<64x128xf32, #tpu.memory_space<vmem_shared>>
      tpu.wait_dma2 semaphore(%run_scoped3A : memref<!tpu.dma_semaphore, #tpu.memory_space<semaphore_mem>>) src(%arg22 : memref<64x128xf32, #tpu.memory_space<vmem>>) dst(%dma_wait3A_438 : memref<64x128xf32, #tpu.memory_space<vmem_shared>>)
      tpu.yield
    }) : () -> ()
    %mul3A_60 = arith.constant 624 : i32
    %mul3A_61 = arith.muli %arg1, %mul3A_60 : i32
    %add3A_62 = arith.constant 624 : i32
    %add3A_63 = arith.addi %mul3A_61, %add3A_62 : i32
    %sub3A = arith.constant 48 : i32
    %sub3A_64 = arith.subi %add3A_63, %sub3A : i32
    "tpu.region"() ({
      %run_scoped3A = tpu.sem_alloc : memref<!tpu.dma_semaphore, #tpu.memory_space<semaphore_mem>>
      %dma_start3A_431 = arith.constant 0 : i32
      %dma_start3A_432 = arith.constant 0 : i32
      %dma_start3A_433 = tpu.memref_slice %arg22[%dma_start3A_431, %dma_start3A_432] : memref<64x128xf32, #tpu.memory_space<vmem>> -> memref<48x128xf32, #tpu.memory_space<vmem>>
      %dma_start3A_434 = arith.constant 0 : i32
      %dma_start3A_435 = tpu.memref_slice %arg26[%sub3A_64, %dma_start3A_434] : memref<10000x128xf32, #tpu.memory_space<vmem_shared>> -> memref<48x128xf32, #tpu.memory_space<vmem_shared>>
      %dma_start3A_436 = arith.constant 0 : i32
      %dma_start3A_437 = tpu.memref_slice %arg26[%sub3A_64, %dma_start3A_436] : memref<10000x128xf32, #tpu.memory_space<vmem_shared>> -> memref<48x128xf32, #tpu.memory_space<vmem_shared>>
      %dma_start3A_438 = arith.constant 0 : i32
      %dma_start3A_439 = arith.constant 0 : i32
      %dma_start3A_440 = tpu.memref_slice %arg22[%dma_start3A_438, %dma_start3A_439] : memref<64x128xf32, #tpu.memory_space<vmem>> -> memref<48x128xf32, #tpu.memory_space<vmem>>
      tpu.enqueue_dma source(%dma_start3A_440 : memref<48x128xf32, #tpu.memory_space<vmem>>) target(%dma_start3A_437 : memref<48x128xf32, #tpu.memory_space<vmem_shared>>) target_semaphore(%run_scoped3A : memref<!tpu.dma_semaphore, #tpu.memory_space<semaphore_mem>>)
      %dma_wait3A_441 = arith.constant 0 : i32
      %dma_wait3A_442 = arith.constant 0 : i32
      %dma_wait3A_443 = tpu.memref_slice %arg22[%dma_wait3A_441, %dma_wait3A_442] : memref<64x128xf32, #tpu.memory_space<vmem>> -> memref<48x128xf32, #tpu.memory_space<vmem>>
      %dma_wait3A_444 = arith.constant 0 : i32
      %dma_wait3A_445 = tpu.memref_slice %arg26[%sub3A_64, %dma_wait3A_444] : memref<10000x128xf32, #tpu.memory_space<vmem_shared>> -> memref<48x128xf32, #tpu.memory_space<vmem_shared>>
      %dma_wait3A_446 = arith.constant 0 : i32
      %dma_wait3A_447 = tpu.memref_slice %arg26[%sub3A_64, %dma_wait3A_446] : memref<10000x128xf32, #tpu.memory_space<vmem_shared>> -> memref<48x128xf32, #tpu.memory_space<vmem_shared>>
      %dma_wait3A_448 = arith.constant 0 : i32
      %dma_wait3A_449 = arith.constant 0 : i32
      %dma_wait3A_450 = tpu.memref_slice %arg22[%dma_wait3A_448, %dma_wait3A_449] : memref<64x128xf32, #tpu.memory_space<vmem>> -> memref<48x128xf32, #tpu.memory_space<vmem>>
      tpu.wait_dma2 semaphore(%run_scoped3A : memref<!tpu.dma_semaphore, #tpu.memory_space<semaphore_mem>>) src(%dma_wait3A_450 : memref<48x128xf32, #tpu.memory_space<vmem>>) dst(%dma_wait3A_447 : memref<48x128xf32, #tpu.memory_space<vmem_shared>>)
      tpu.yield
    }) : () -> ()
    %eq3A = arith.constant 15 : i32
    %eq3A_65 = arith.cmpi eq, %arg1, %eq3A : i32
    %convert_element_type3A = arith.extui %eq3A_65 : i1 to i32
    %cond3A = arith.constant 0 : i32
    %cond3A_66 = arith.cmpi ne, %convert_element_type3A, %cond3A : i32
    scf.if %cond3A_66 {
      "tpu.region"() ({
        %run_scoped3A = tpu.sem_alloc : memref<!tpu.dma_semaphore, #tpu.memory_space<semaphore_mem>>
        %dma_start3A_431 = arith.constant 0 : i32
        %dma_start3A_432 = arith.constant 0 : i32
        %dma_start3A_433 = tpu.memref_slice %arg22[%dma_start3A_431, %dma_start3A_432] : memref<64x128xf32, #tpu.memory_space<vmem>> -> memref<16x128xf32, #tpu.memory_space<vmem>>
        %dma_start3A_434 = arith.constant 9984 : i32
        %dma_start3A_435 = arith.constant 0 : i32
        %dma_start3A_436 = tpu.memref_slice %arg26[%dma_start3A_434, %dma_start3A_435] : memref<10000x128xf32, #tpu.memory_space<vmem_shared>> -> memref<16x128xf32, #tpu.memory_space<vmem_shared>>
        %dma_start3A_437 = arith.constant 9984 : i32
        %dma_start3A_438 = arith.constant 0 : i32
        %dma_start3A_439 = tpu.memref_slice %arg26[%dma_start3A_437, %dma_start3A_438] : memref<10000x128xf32, #tpu.memory_space<vmem_shared>> -> memref<16x128xf32, #tpu.memory_space<vmem_shared>>
        %dma_start3A_440 = arith.constant 0 : i32
        %dma_start3A_441 = arith.constant 0 : i32
        %dma_start3A_442 = tpu.memref_slice %arg22[%dma_start3A_440, %dma_start3A_441] : memref<64x128xf32, #tpu.memory_space<vmem>> -> memref<16x128xf32, #tpu.memory_space<vmem>>
        tpu.enqueue_dma source(%dma_start3A_442 : memref<16x128xf32, #tpu.memory_space<vmem>>) target(%dma_start3A_439 : memref<16x128xf32, #tpu.memory_space<vmem_shared>>) target_semaphore(%run_scoped3A : memref<!tpu.dma_semaphore, #tpu.memory_space<semaphore_mem>>)
        %dma_wait3A_443 = arith.constant 0 : i32
        %dma_wait3A_444 = arith.constant 0 : i32
        %dma_wait3A_445 = tpu.memref_slice %arg22[%dma_wait3A_443, %dma_wait3A_444] : memref<64x128xf32, #tpu.memory_space<vmem>> -> memref<16x128xf32, #tpu.memory_space<vmem>>
        %dma_wait3A_446 = arith.constant 9984 : i32
        %dma_wait3A_447 = arith.constant 0 : i32
        %dma_wait3A_448 = tpu.memref_slice %arg26[%dma_wait3A_446, %dma_wait3A_447] : memref<10000x128xf32, #tpu.memory_space<vmem_shared>> -> memref<16x128xf32, #tpu.memory_space<vmem_shared>>
        %dma_wait3A_449 = arith.constant 9984 : i32
        %dma_wait3A_450 = arith.constant 0 : i32
        %dma_wait3A_451 = tpu.memref_slice %arg26[%dma_wait3A_449, %dma_wait3A_450] : memref<10000x128xf32, #tpu.memory_space<vmem_shared>> -> memref<16x128xf32, #tpu.memory_space<vmem_shared>>
        %dma_wait3A_452 = arith.constant 0 : i32
        %dma_wait3A_453 = arith.constant 0 : i32
        %dma_wait3A_454 = tpu.memref_slice %arg22[%dma_wait3A_452, %dma_wait3A_453] : memref<64x128xf32, #tpu.memory_space<vmem>> -> memref<16x128xf32, #tpu.memory_space<vmem>>
        tpu.wait_dma2 semaphore(%run_scoped3A : memref<!tpu.dma_semaphore, #tpu.memory_space<semaphore_mem>>) src(%dma_wait3A_454 : memref<16x128xf32, #tpu.memory_space<vmem>>) dst(%dma_wait3A_451 : memref<16x128xf32, #tpu.memory_space<vmem_shared>>)
        tpu.yield
      }) : () -> ()
    } else {
    }
    %barrier3A = arith.constant 0 : index
    tpu.barrier barrier_id(%barrier3A)
    %dma_wait3A = arith.constant 0 : i32
    %dma_wait3A_67 = tpu.memref_slice %arg2[%dma_wait3A] : memref<640000xi32, #tpu.memory_space<hbm>> -> memref<64xi32, #tpu.memory_space<hbm>>
    %dma_wait3A_68 = arith.constant 0 : i32
    %dma_wait3A_69 = tpu.memref_slice %arg2[%dma_wait3A_68] : memref<640000xi32, #tpu.memory_space<hbm>> -> memref<64xi32, #tpu.memory_space<hbm>>
    tpu.wait_dma2 semaphore(%arg29 : memref<!tpu.dma_semaphore, #tpu.memory_space<semaphore_mem>>) src(%dma_wait3A_69 : memref<64xi32, #tpu.memory_space<hbm>>) dst(%arg6 : memref<64xi32, #tpu.memory_space<vmem>>)
    %dma_wait3A_70 = arith.constant 0 : i32
    %dma_wait3A_71 = tpu.memref_slice %arg2[%dma_wait3A_70] : memref<640000xi32, #tpu.memory_space<hbm>> -> memref<64xi32, #tpu.memory_space<hbm>>
    %dma_wait3A_72 = arith.constant 0 : i32
    %dma_wait3A_73 = tpu.memref_slice %arg2[%dma_wait3A_72] : memref<640000xi32, #tpu.memory_space<hbm>> -> memref<64xi32, #tpu.memory_space<hbm>>
    tpu.wait_dma2 semaphore(%arg29 : memref<!tpu.dma_semaphore, #tpu.memory_space<semaphore_mem>>) src(%dma_wait3A_73 : memref<64xi32, #tpu.memory_space<hbm>>) dst(%arg7 : memref<64xi32, #tpu.memory_space<vmem>>)
    %get3A = arith.constant 0 : index
    %get3A_74 = tpu.vector_load %arg6[%get3A] {strides = array<i32>} : memref<64xi32, #tpu.memory_space<vmem>>, vector<16xi32>,
    %get3A_75 = vector.shape_cast %get3A_74 : vector<16xi32> to vector<16xi32>
    %get3A_76 = arith.constant 0 : index
    %get3A_77 = tpu.vector_load %arg7[%get3A_76] {strides = array<i32>} : memref<64xi32, #tpu.memory_space<vmem>>, vector<16xi32>,
    %get3A_78 = vector.shape_cast %get3A_77 : vector<16xi32> to vector<16xi32>
    %swap3A = arith.constant 0 : index
    %swap3A_79 = tpu.vector_load %arg10[%swap3A] {strides = array<i32>} : memref<64xi32, #tpu.memory_space<vmem>>, vector<16xi32>,
    %swap3A_80 = vector.shape_cast %swap3A_79 : vector<16xi32> to vector<16xi32>
    %swap3A_81 = vector.shape_cast %get3A_75 : vector<16xi32> to vector<16xi32>
    tpu.vector_store %arg10[%swap3A], %swap3A_81 {strides = array<i32>} : memref<64xi32, #tpu.memory_space<vmem>>, vector<16xi32>,
    %swap3A_82 = arith.constant 0 : index
    %swap3A_83 = tpu.vector_load %arg14[%swap3A_82] {strides = array<i32>} : memref<64xi32, #tpu.memory_space<vmem>>, vector<16xi32>,
    %swap3A_84 = vector.shape_cast %swap3A_83 : vector<16xi32> to vector<16xi32>
    %swap3A_85 = vector.shape_cast %get3A_78 : vector<16xi32> to vector<16xi32>
    tpu.vector_store %arg14[%swap3A_82], %swap3A_85 {strides = array<i32>} : memref<64xi32, #tpu.memory_space<vmem>>, vector<16xi32>,
    %sub3A_86 = arith.subi %get3A_75, %get3A_78 : vector<16xi32>
    %lt3A = arith.constant 0 : i32
    %lt3A_87 = vector.broadcast %lt3A : i32 to vector<16xi32>
    %lt3A_88 = arith.cmpi slt, %sub3A_86, %lt3A_87 : vector<16xi32>
    %add3A_89 = arith.constant 10000 : i32
    %add3A_90 = vector.broadcast %add3A_89 : i32 to vector<16xi32>
    %add3A_91 = arith.addi %sub3A_86, %add3A_90 : vector<16xi32>
    %select_n3A = arith.select %lt3A_88, %add3A_91, %sub3A_86 : vector<16xi1>, vector<16xi32>
    %swap3A_92 = arith.constant 0 : index
    %swap3A_93 = tpu.vector_load %arg12[%swap3A_92] {strides = array<i32>} : memref<64xi32, #tpu.memory_space<vmem>>, vector<16xi32>,
    %swap3A_94 = vector.shape_cast %swap3A_93 : vector<16xi32> to vector<16xi32>
    %swap3A_95 = vector.shape_cast %select_n3A : vector<16xi32> to vector<16xi32>
    tpu.vector_store %arg12[%swap3A_92], %swap3A_95 {strides = array<i32>} : memref<64xi32, #tpu.memory_space<vmem>>, vector<16xi32>,
    %get3A_96 = arith.constant 16 : index
    %get3A_97 = tpu.vector_load %arg6[%get3A_96] {strides = array<i32>} : memref<64xi32, #tpu.memory_space<vmem>>, vector<16xi32>,
    %get3A_98 = vector.shape_cast %get3A_97 : vector<16xi32> to vector<16xi32>
    %get3A_99 = arith.constant 16 : index
    %get3A_100 = tpu.vector_load %arg7[%get3A_99] {strides = array<i32>} : memref<64xi32, #tpu.memory_space<vmem>>, vector<16xi32>,
    %get3A_101 = vector.shape_cast %get3A_100 : vector<16xi32> to vector<16xi32>
    %swap3A_102 = arith.constant 16 : index
    %swap3A_103 = tpu.vector_load %arg10[%swap3A_102] {strides = array<i32>} : memref<64xi32, #tpu.memory_space<vmem>>, vector<16xi32>,
    %swap3A_104 = vector.shape_cast %swap3A_103 : vector<16xi32> to vector<16xi32>
    %swap3A_105 = vector.shape_cast %get3A_98 : vector<16xi32> to vector<16xi32>
    tpu.vector_store %arg10[%swap3A_102], %swap3A_105 {strides = array<i32>} : memref<64xi32, #tpu.memory_space<vmem>>, vector<16xi32>,
    %swap3A_106 = arith.constant 16 : index
    %swap3A_107 = tpu.vector_load %arg14[%swap3A_106] {strides = array<i32>} : memref<64xi32, #tpu.memory_space<vmem>>, vector<16xi32>,
    %swap3A_108 = vector.shape_cast %swap3A_107 : vector<16xi32> to vector<16xi32>
    %swap3A_109 = vector.shape_cast %get3A_101 : vector<16xi32> to vector<16xi32>
    tpu.vector_store %arg14[%swap3A_106], %swap3A_109 {strides = array<i32>} : memref<64xi32, #tpu.memory_space<vmem>>, vector<16xi32>,
    %sub3A_110 = arith.subi %get3A_98, %get3A_101 : vector<16xi32>
    %lt3A_111 = arith.constant 0 : i32
    %lt3A_112 = vector.broadcast %lt3A_111 : i32 to vector<16xi32>
    %lt3A_113 = arith.cmpi slt, %sub3A_110, %lt3A_112 : vector<16xi32>
    %add3A_114 = arith.constant 10000 : i32
    %add3A_115 = vector.broadcast %add3A_114 : i32 to vector<16xi32>
    %add3A_116 = arith.addi %sub3A_110, %add3A_115 : vector<16xi32>
    %select_n3A_117 = arith.select %lt3A_113, %add3A_116, %sub3A_110 : vector<16xi1>, vector<16xi32>
    %swap3A_118 = arith.constant 16 : index
    %swap3A_119 = tpu.vector_load %arg12[%swap3A_118] {strides = array<i32>} : memref<64xi32, #tpu.memory_space<vmem>>, vector<16xi32>,
    %swap3A_120 = vector.shape_cast %swap3A_119 : vector<16xi32> to vector<16xi32>
    %swap3A_121 = vector.shape_cast %select_n3A_117 : vector<16xi32> to vector<16xi32>
    tpu.vector_store %arg12[%swap3A_118], %swap3A_121 {strides = array<i32>} : memref<64xi32, #tpu.memory_space<vmem>>, vector<16xi32>,
    %get3A_122 = arith.constant 32 : index
    %get3A_123 = tpu.vector_load %arg6[%get3A_122] {strides = array<i32>} : memref<64xi32, #tpu.memory_space<vmem>>, vector<16xi32>,
    %get3A_124 = vector.shape_cast %get3A_123 : vector<16xi32> to vector<16xi32>
    %get3A_125 = arith.constant 32 : index
    %get3A_126 = tpu.vector_load %arg7[%get3A_125] {strides = array<i32>} : memref<64xi32, #tpu.memory_space<vmem>>, vector<16xi32>,
    %get3A_127 = vector.shape_cast %get3A_126 : vector<16xi32> to vector<16xi32>
    %swap3A_128 = arith.constant 32 : index
    %swap3A_129 = tpu.vector_load %arg10[%swap3A_128] {strides = array<i32>} : memref<64xi32, #tpu.memory_space<vmem>>, vector<16xi32>,
    %swap3A_130 = vector.shape_cast %swap3A_129 : vector<16xi32> to vector<16xi32>
    %swap3A_131 = vector.shape_cast %get3A_124 : vector<16xi32> to vector<16xi32>
    tpu.vector_store %arg10[%swap3A_128], %swap3A_131 {strides = array<i32>} : memref<64xi32, #tpu.memory_space<vmem>>, vector<16xi32>,
    %swap3A_132 = arith.constant 32 : index
    %swap3A_133 = tpu.vector_load %arg14[%swap3A_132] {strides = array<i32>} : memref<64xi32, #tpu.memory_space<vmem>>, vector<16xi32>,
    %swap3A_134 = vector.shape_cast %swap3A_133 : vector<16xi32> to vector<16xi32>
    %swap3A_135 = vector.shape_cast %get3A_127 : vector<16xi32> to vector<16xi32>
    tpu.vector_store %arg14[%swap3A_132], %swap3A_135 {strides = array<i32>} : memref<64xi32, #tpu.memory_space<vmem>>, vector<16xi32>,
    %sub3A_136 = arith.subi %get3A_124, %get3A_127 : vector<16xi32>
    %lt3A_137 = arith.constant 0 : i32
    %lt3A_138 = vector.broadcast %lt3A_137 : i32 to vector<16xi32>
    %lt3A_139 = arith.cmpi slt, %sub3A_136, %lt3A_138 : vector<16xi32>
    %add3A_140 = arith.constant 10000 : i32
    %add3A_141 = vector.broadcast %add3A_140 : i32 to vector<16xi32>
    %add3A_142 = arith.addi %sub3A_136, %add3A_141 : vector<16xi32>
    %select_n3A_143 = arith.select %lt3A_139, %add3A_142, %sub3A_136 : vector<16xi1>, vector<16xi32>
    %swap3A_144 = arith.constant 32 : index
    %swap3A_145 = tpu.vector_load %arg12[%swap3A_144] {strides = array<i32>} : memref<64xi32, #tpu.memory_space<vmem>>, vector<16xi32>,
    %swap3A_146 = vector.shape_cast %swap3A_145 : vector<16xi32> to vector<16xi32>
    %swap3A_147 = vector.shape_cast %select_n3A_143 : vector<16xi32> to vector<16xi32>
    tpu.vector_store %arg12[%swap3A_144], %swap3A_147 {strides = array<i32>} : memref<64xi32, #tpu.memory_space<vmem>>, vector<16xi32>,
    %get3A_148 = arith.constant 48 : index
    %get3A_149 = tpu.vector_load %arg6[%get3A_148] {strides = array<i32>} : memref<64xi32, #tpu.memory_space<vmem>>, vector<16xi32>,
    %get3A_150 = vector.shape_cast %get3A_149 : vector<16xi32> to vector<16xi32>
    %get3A_151 = arith.constant 48 : index
    %get3A_152 = tpu.vector_load %arg7[%get3A_151] {strides = array<i32>} : memref<64xi32, #tpu.memory_space<vmem>>, vector<16xi32>,
    %get3A_153 = vector.shape_cast %get3A_152 : vector<16xi32> to vector<16xi32>
    %swap3A_154 = arith.constant 48 : index
    %swap3A_155 = tpu.vector_load %arg10[%swap3A_154] {strides = array<i32>} : memref<64xi32, #tpu.memory_space<vmem>>, vector<16xi32>,
    %swap3A_156 = vector.shape_cast %swap3A_155 : vector<16xi32> to vector<16xi32>
    %swap3A_157 = vector.shape_cast %get3A_150 : vector<16xi32> to vector<16xi32>
    tpu.vector_store %arg10[%swap3A_154], %swap3A_157 {strides = array<i32>} : memref<64xi32, #tpu.memory_space<vmem>>, vector<16xi32>,
    %swap3A_158 = arith.constant 48 : index
    %swap3A_159 = tpu.vector_load %arg14[%swap3A_158] {strides = array<i32>} : memref<64xi32, #tpu.memory_space<vmem>>, vector<16xi32>,
    %swap3A_160 = vector.shape_cast %swap3A_159 : vector<16xi32> to vector<16xi32>
    %swap3A_161 = vector.shape_cast %get3A_153 : vector<16xi32> to vector<16xi32>
    tpu.vector_store %arg14[%swap3A_158], %swap3A_161 {strides = array<i32>} : memref<64xi32, #tpu.memory_space<vmem>>, vector<16xi32>,
    %sub3A_162 = arith.subi %get3A_150, %get3A_153 : vector<16xi32>
    %lt3A_163 = arith.constant 0 : i32
    %lt3A_164 = vector.broadcast %lt3A_163 : i32 to vector<16xi32>
    %lt3A_165 = arith.cmpi slt, %sub3A_162, %lt3A_164 : vector<16xi32>
    %add3A_166 = arith.constant 10000 : i32
    %add3A_167 = vector.broadcast %add3A_166 : i32 to vector<16xi32>
    %add3A_168 = arith.addi %sub3A_162, %add3A_167 : vector<16xi32>
    %select_n3A_169 = arith.select %lt3A_165, %add3A_168, %sub3A_162 : vector<16xi1>, vector<16xi32>
    %swap3A_170 = arith.constant 48 : index
    %swap3A_171 = tpu.vector_load %arg12[%swap3A_170] {strides = array<i32>} : memref<64xi32, #tpu.memory_space<vmem>>, vector<16xi32>,
    %swap3A_172 = vector.shape_cast %swap3A_171 : vector<16xi32> to vector<16xi32>
    %swap3A_173 = vector.shape_cast %select_n3A_169 : vector<16xi32> to vector<16xi32>
    tpu.vector_store %arg12[%swap3A_170], %swap3A_173 {strides = array<i32>} : memref<64xi32, #tpu.memory_space<vmem>>, vector<16xi32>,
    %dma_start3A_174 = arith.constant 0 : i32
    %dma_start3A_175 = arith.constant 0 : i32
    %dma_start3A_176 = tpu.memref_slice %arg3[%dma_start3A_174, %dma_start3A_175] : memref<10000x64xi32, #tpu.memory_space<hbm>> -> memref<10000x64xi32, #tpu.memory_space<hbm>>
    tpu.enqueue_indirect_dma source(%dma_start3A_176 : memref<10000x64xi32, #tpu.memory_space<hbm>>) target(%arg18 : memref<64x64xi32, #tpu.memory_space<vmem>>) offsets(%arg10 : memref<64xi32, #tpu.memory_space<vmem>>) semaphore(%arg27 : memref<!tpu.dma_semaphore, #tpu.memory_space<semaphore_mem>>)
    %dma_start3A_177 = arith.constant 0 : i32
    %dma_start3A_178 = arith.constant 0 : i32
    %dma_start3A_179 = tpu.memref_slice %arg4[%dma_start3A_177, %dma_start3A_178] : memref<10000x64xi32, #tpu.memory_space<hbm>> -> memref<10000x64xi32, #tpu.memory_space<hbm>>
    tpu.enqueue_indirect_dma source(%dma_start3A_179 : memref<10000x64xi32, #tpu.memory_space<hbm>>) target(%arg20 : memref<64x64xi32, #tpu.memory_space<vmem>>) offsets(%arg12 : memref<64xi32, #tpu.memory_space<vmem>>) semaphore(%arg27 : memref<!tpu.dma_semaphore, #tpu.memory_space<semaphore_mem>>)
    %add3A_180 = arith.constant 128 : i32
    %add3A_181 = arith.addi %mul3A_2, %add3A_180 : i32
    %dma_start3A_182 = tpu.memref_slice %arg2[%add3A_181] : memref<640000xi32, #tpu.memory_space<hbm>> -> memref<64xi32, #tpu.memory_space<hbm>>
    %dma_start3A_183 = tpu.memref_slice %arg2[%add3A_181] : memref<640000xi32, #tpu.memory_space<hbm>> -> memref<64xi32, #tpu.memory_space<hbm>>
    tpu.enqueue_dma source(%dma_start3A_183 : memref<64xi32, #tpu.memory_space<hbm>>) target(%arg6 : memref<64xi32, #tpu.memory_space<vmem>>) target_semaphore(%arg29 : memref<!tpu.dma_semaphore, #tpu.memory_space<semaphore_mem>>)
    %add3A_184 = arith.constant 320000 : i32
    %add3A_185 = arith.addi %add3A_184, %add3A_181 : i32
    %dma_start3A_186 = tpu.memref_slice %arg2[%add3A_185] : memref<640000xi32, #tpu.memory_space<hbm>> -> memref<64xi32, #tpu.memory_space<hbm>>
    %dma_start3A_187 = tpu.memref_slice %arg2[%add3A_185] : memref<640000xi32, #tpu.memory_space<hbm>> -> memref<64xi32, #tpu.memory_space<hbm>>
    tpu.enqueue_dma source(%dma_start3A_187 : memref<64xi32, #tpu.memory_space<hbm>>) target(%arg7 : memref<64xi32, #tpu.memory_space<vmem>>) target_semaphore(%arg29 : memref<!tpu.dma_semaphore, #tpu.memory_space<semaphore_mem>>)
    %dma_wait3A_188 = arith.constant 0 : i32
    %dma_wait3A_189 = tpu.memref_slice %arg2[%dma_wait3A_188] : memref<640000xi32, #tpu.memory_space<hbm>> -> memref<64xi32, #tpu.memory_space<hbm>>
    %dma_wait3A_190 = arith.constant 0 : i32
    %dma_wait3A_191 = tpu.memref_slice %arg2[%dma_wait3A_190] : memref<640000xi32, #tpu.memory_space<hbm>> -> memref<64xi32, #tpu.memory_space<hbm>>
    tpu.wait_dma2 semaphore(%arg30 : memref<!tpu.dma_semaphore, #tpu.memory_space<semaphore_mem>>) src(%dma_wait3A_191 : memref<64xi32, #tpu.memory_space<hbm>>) dst(%arg8 : memref<64xi32, #tpu.memory_space<vmem>>)
    %dma_wait3A_192 = arith.constant 0 : i32
    %dma_wait3A_193 = tpu.memref_slice %arg2[%dma_wait3A_192] : memref<640000xi32, #tpu.memory_space<hbm>> -> memref<64xi32, #tpu.memory_space<hbm>>
    %dma_wait3A_194 = arith.constant 0 : i32
    %dma_wait3A_195 = tpu.memref_slice %arg2[%dma_wait3A_194] : memref<640000xi32, #tpu.memory_space<hbm>> -> memref<64xi32, #tpu.memory_space<hbm>>
    tpu.wait_dma2 semaphore(%arg30 : memref<!tpu.dma_semaphore, #tpu.memory_space<semaphore_mem>>) src(%dma_wait3A_195 : memref<64xi32, #tpu.memory_space<hbm>>) dst(%arg9 : memref<64xi32, #tpu.memory_space<vmem>>)
    %get3A_196 = arith.constant 0 : index
    %get3A_197 = tpu.vector_load %arg8[%get3A_196] {strides = array<i32>} : memref<64xi32, #tpu.memory_space<vmem>>, vector<16xi32>,
    %get3A_198 = vector.shape_cast %get3A_197 : vector<16xi32> to vector<16xi32>
    %get3A_199 = arith.constant 0 : index
    %get3A_200 = tpu.vector_load %arg9[%get3A_199] {strides = array<i32>} : memref<64xi32, #tpu.memory_space<vmem>>, vector<16xi32>,
    %get3A_201 = vector.shape_cast %get3A_200 : vector<16xi32> to vector<16xi32>
    %swap3A_202 = arith.constant 0 : index
    %swap3A_203 = tpu.vector_load %arg11[%swap3A_202] {strides = array<i32>} : memref<64xi32, #tpu.memory_space<vmem>>, vector<16xi32>,
    %swap3A_204 = vector.shape_cast %swap3A_203 : vector<16xi32> to vector<16xi32>
    %swap3A_205 = vector.shape_cast %get3A_198 : vector<16xi32> to vector<16xi32>
    tpu.vector_store %arg11[%swap3A_202], %swap3A_205 {strides = array<i32>} : memref<64xi32, #tpu.memory_space<vmem>>, vector<16xi32>,
    %swap3A_206 = arith.constant 0 : index
    %swap3A_207 = tpu.vector_load %arg15[%swap3A_206] {strides = array<i32>} : memref<64xi32, #tpu.memory_space<vmem>>, vector<16xi32>,
    %swap3A_208 = vector.shape_cast %swap3A_207 : vector<16xi32> to vector<16xi32>
    %swap3A_209 = vector.shape_cast %get3A_201 : vector<16xi32> to vector<16xi32>
    tpu.vector_store %arg15[%swap3A_206], %swap3A_209 {strides = array<i32>} : memref<64xi32, #tpu.memory_space<vmem>>, vector<16xi32>,
    %sub3A_210 = arith.subi %get3A_198, %get3A_201 : vector<16xi32>
    %lt3A_211 = arith.constant 0 : i32
    %lt3A_212 = vector.broadcast %lt3A_211 : i32 to vector<16xi32>
    %lt3A_213 = arith.cmpi slt, %sub3A_210, %lt3A_212 : vector<16xi32>
    %add3A_214 = arith.constant 10000 : i32
    %add3A_215 = vector.broadcast %add3A_214 : i32 to vector<16xi32>
    %add3A_216 = arith.addi %sub3A_210, %add3A_215 : vector<16xi32>
    %select_n3A_217 = arith.select %lt3A_213, %add3A_216, %sub3A_210 : vector<16xi1>, vector<16xi32>
    %swap3A_218 = arith.constant 0 : index
    %swap3A_219 = tpu.vector_load %arg13[%swap3A_218] {strides = array<i32>} : memref<64xi32, #tpu.memory_space<vmem>>, vector<16xi32>,
    %swap3A_220 = vector.shape_cast %swap3A_219 : vector<16xi32> to vector<16xi32>
    %swap3A_221 = vector.shape_cast %select_n3A_217 : vector<16xi32> to vector<16xi32>
    tpu.vector_store %arg13[%swap3A_218], %swap3A_221 {strides = array<i32>} : memref<64xi32, #tpu.memory_space<vmem>>, vector<16xi32>,
    %get3A_222 = arith.constant 16 : index
    %get3A_223 = tpu.vector_load %arg8[%get3A_222] {strides = array<i32>} : memref<64xi32, #tpu.memory_space<vmem>>, vector<16xi32>,
    %get3A_224 = vector.shape_cast %get3A_223 : vector<16xi32> to vector<16xi32>
    %get3A_225 = arith.constant 16 : index
    %get3A_226 = tpu.vector_load %arg9[%get3A_225] {strides = array<i32>} : memref<64xi32, #tpu.memory_space<vmem>>, vector<16xi32>,
    %get3A_227 = vector.shape_cast %get3A_226 : vector<16xi32> to vector<16xi32>
    %swap3A_228 = arith.constant 16 : index
    %swap3A_229 = tpu.vector_load %arg11[%swap3A_228] {strides = array<i32>} : memref<64xi32, #tpu.memory_space<vmem>>, vector<16xi32>,
    %swap3A_230 = vector.shape_cast %swap3A_229 : vector<16xi32> to vector<16xi32>
    %swap3A_231 = vector.shape_cast %get3A_224 : vector<16xi32> to vector<16xi32>
    tpu.vector_store %arg11[%swap3A_228], %swap3A_231 {strides = array<i32>} : memref<64xi32, #tpu.memory_space<vmem>>, vector<16xi32>,
    %swap3A_232 = arith.constant 16 : index
    %swap3A_233 = tpu.vector_load %arg15[%swap3A_232] {strides = array<i32>} : memref<64xi32, #tpu.memory_space<vmem>>, vector<16xi32>,
    %swap3A_234 = vector.shape_cast %swap3A_233 : vector<16xi32> to vector<16xi32>
    %swap3A_235 = vector.shape_cast %get3A_227 : vector<16xi32> to vector<16xi32>
    tpu.vector_store %arg15[%swap3A_232], %swap3A_235 {strides = array<i32>} : memref<64xi32, #tpu.memory_space<vmem>>, vector<16xi32>,
    %sub3A_236 = arith.subi %get3A_224, %get3A_227 : vector<16xi32>
    %lt3A_237 = arith.constant 0 : i32
    %lt3A_238 = vector.broadcast %lt3A_237 : i32 to vector<16xi32>
    %lt3A_239 = arith.cmpi slt, %sub3A_236, %lt3A_238 : vector<16xi32>
    %add3A_240 = arith.constant 10000 : i32
    %add3A_241 = vector.broadcast %add3A_240 : i32 to vector<16xi32>
    %add3A_242 = arith.addi %sub3A_236, %add3A_241 : vector<16xi32>
    %select_n3A_243 = arith.select %lt3A_239, %add3A_242, %sub3A_236 : vector<16xi1>, vector<16xi32>
    %swap3A_244 = arith.constant 16 : index
    %swap3A_245 = tpu.vector_load %arg13[%swap3A_244] {strides = array<i32>} : memref<64xi32, #tpu.memory_space<vmem>>, vector<16xi32>,
    %swap3A_246 = vector.shape_cast %swap3A_245 : vector<16xi32> to vector<16xi32>
    %swap3A_247 = vector.shape_cast %select_n3A_243 : vector<16xi32> to vector<16xi32>
    tpu.vector_store %arg13[%swap3A_244], %swap3A_247 {strides = array<i32>} : memref<64xi32, #tpu.memory_space<vmem>>, vector<16xi32>,
    %get3A_248 = arith.constant 32 : index
    %get3A_249 = tpu.vector_load %arg8[%get3A_248] {strides = array<i32>} : memref<64xi32, #tpu.memory_space<vmem>>, vector<16xi32>,
    %get3A_250 = vector.shape_cast %get3A_249 : vector<16xi32> to vector<16xi32>
    %get3A_251 = arith.constant 32 : index
    %get3A_252 = tpu.vector_load %arg9[%get3A_251] {strides = array<i32>} : memref<64xi32, #tpu.memory_space<vmem>>, vector<16xi32>,
    %get3A_253 = vector.shape_cast %get3A_252 : vector<16xi32> to vector<16xi32>
    %swap3A_254 = arith.constant 32 : index
    %swap3A_255 = tpu.vector_load %arg11[%swap3A_254] {strides = array<i32>} : memref<64xi32, #tpu.memory_space<vmem>>, vector<16xi32>,
    %swap3A_256 = vector.shape_cast %swap3A_255 : vector<16xi32> to vector<16xi32>
    %swap3A_257 = vector.shape_cast %get3A_250 : vector<16xi32> to vector<16xi32>
    tpu.vector_store %arg11[%swap3A_254], %swap3A_257 {strides = array<i32>} : memref<64xi32, #tpu.memory_space<vmem>>, vector<16xi32>,
    %swap3A_258 = arith.constant 32 : index
    %swap3A_259 = tpu.vector_load %arg15[%swap3A_258] {strides = array<i32>} : memref<64xi32, #tpu.memory_space<vmem>>, vector<16xi32>,
    %swap3A_260 = vector.shape_cast %swap3A_259 : vector<16xi32> to vector<16xi32>
    %swap3A_261 = vector.shape_cast %get3A_253 : vector<16xi32> to vector<16xi32>
    tpu.vector_store %arg15[%swap3A_258], %swap3A_261 {strides = array<i32>} : memref<64xi32, #tpu.memory_space<vmem>>, vector<16xi32>,
    %sub3A_262 = arith.subi %get3A_250, %get3A_253 : vector<16xi32>
    %lt3A_263 = arith.constant 0 : i32
    %lt3A_264 = vector.broadcast %lt3A_263 : i32 to vector<16xi32>
    %lt3A_265 = arith.cmpi slt, %sub3A_262, %lt3A_264 : vector<16xi32>
    %add3A_266 = arith.constant 10000 : i32
    %add3A_267 = vector.broadcast %add3A_266 : i32 to vector<16xi32>
    %add3A_268 = arith.addi %sub3A_262, %add3A_267 : vector<16xi32>
    %select_n3A_269 = arith.select %lt3A_265, %add3A_268, %sub3A_262 : vector<16xi1>, vector<16xi32>
    %swap3A_270 = arith.constant 32 : index
    %swap3A_271 = tpu.vector_load %arg13[%swap3A_270] {strides = array<i32>} : memref<64xi32, #tpu.memory_space<vmem>>, vector<16xi32>,
    %swap3A_272 = vector.shape_cast %swap3A_271 : vector<16xi32> to vector<16xi32>
    %swap3A_273 = vector.shape_cast %select_n3A_269 : vector<16xi32> to vector<16xi32>
    tpu.vector_store %arg13[%swap3A_270], %swap3A_273 {strides = array<i32>} : memref<64xi32, #tpu.memory_space<vmem>>, vector<16xi32>,
    %get3A_274 = arith.constant 48 : index
    %get3A_275 = tpu.vector_load %arg8[%get3A_274] {strides = array<i32>} : memref<64xi32, #tpu.memory_space<vmem>>, vector<16xi32>,
    %get3A_276 = vector.shape_cast %get3A_275 : vector<16xi32> to vector<16xi32>
    %get3A_277 = arith.constant 48 : index
    %get3A_278 = tpu.vector_load %arg9[%get3A_277] {strides = array<i32>} : memref<64xi32, #tpu.memory_space<vmem>>, vector<16xi32>,
    %get3A_279 = vector.shape_cast %get3A_278 : vector<16xi32> to vector<16xi32>
    %swap3A_280 = arith.constant 48 : index
    %swap3A_281 = tpu.vector_load %arg11[%swap3A_280] {strides = array<i32>} : memref<64xi32, #tpu.memory_space<vmem>>, vector<16xi32>,
    %swap3A_282 = vector.shape_cast %swap3A_281 : vector<16xi32> to vector<16xi32>
    %swap3A_283 = vector.shape_cast %get3A_276 : vector<16xi32> to vector<16xi32>
    tpu.vector_store %arg11[%swap3A_280], %swap3A_283 {strides = array<i32>} : memref<64xi32, #tpu.memory_space<vmem>>, vector<16xi32>,
    %swap3A_284 = arith.constant 48 : index
    %swap3A_285 = tpu.vector_load %arg15[%swap3A_284] {strides = array<i32>} : memref<64xi32, #tpu.memory_space<vmem>>, vector<16xi32>,
    %swap3A_286 = vector.shape_cast %swap3A_285 : vector<16xi32> to vector<16xi32>
    %swap3A_287 = vector.shape_cast %get3A_279 : vector<16xi32> to vector<16xi32>
    tpu.vector_store %arg15[%swap3A_284], %swap3A_287 {strides = array<i32>} : memref<64xi32, #tpu.memory_space<vmem>>, vector<16xi32>,
    %sub3A_288 = arith.subi %get3A_276, %get3A_279 : vector<16xi32>
    %lt3A_289 = arith.constant 0 : i32
    %lt3A_290 = vector.broadcast %lt3A_289 : i32 to vector<16xi32>
    %lt3A_291 = arith.cmpi slt, %sub3A_288, %lt3A_290 : vector<16xi32>
    %add3A_292 = arith.constant 10000 : i32
    %add3A_293 = vector.broadcast %add3A_292 : i32 to vector<16xi32>
    %add3A_294 = arith.addi %sub3A_288, %add3A_293 : vector<16xi32>
    %select_n3A_295 = arith.select %lt3A_291, %add3A_294, %sub3A_288 : vector<16xi1>, vector<16xi32>
    %swap3A_296 = arith.constant 48 : index
    %swap3A_297 = tpu.vector_load %arg13[%swap3A_296] {strides = array<i32>} : memref<64xi32, #tpu.memory_space<vmem>>, vector<16xi32>,
    %swap3A_298 = vector.shape_cast %swap3A_297 : vector<16xi32> to vector<16xi32>
    %swap3A_299 = vector.shape_cast %select_n3A_295 : vector<16xi32> to vector<16xi32>
    tpu.vector_store %arg13[%swap3A_296], %swap3A_299 {strides = array<i32>} : memref<64xi32, #tpu.memory_space<vmem>>, vector<16xi32>,
    %dma_start3A_300 = arith.constant 0 : i32
    %dma_start3A_301 = arith.constant 0 : i32
    %dma_start3A_302 = tpu.memref_slice %arg3[%dma_start3A_300, %dma_start3A_301] : memref<10000x64xi32, #tpu.memory_space<hbm>> -> memref<10000x64xi32, #tpu.memory_space<hbm>>
    tpu.enqueue_indirect_dma source(%dma_start3A_302 : memref<10000x64xi32, #tpu.memory_space<hbm>>) target(%arg19 : memref<64x64xi32, #tpu.memory_space<vmem>>) offsets(%arg11 : memref<64xi32, #tpu.memory_space<vmem>>) semaphore(%arg28 : memref<!tpu.dma_semaphore, #tpu.memory_space<semaphore_mem>>)
    %dma_start3A_303 = arith.constant 0 : i32
    %dma_start3A_304 = arith.constant 0 : i32
    %dma_start3A_305 = tpu.memref_slice %arg4[%dma_start3A_303, %dma_start3A_304] : memref<10000x64xi32, #tpu.memory_space<hbm>> -> memref<10000x64xi32, #tpu.memory_space<hbm>>
    tpu.enqueue_indirect_dma source(%dma_start3A_305 : memref<10000x64xi32, #tpu.memory_space<hbm>>) target(%arg21 : memref<64x64xi32, #tpu.memory_space<vmem>>) offsets(%arg13 : memref<64xi32, #tpu.memory_space<vmem>>) semaphore(%arg28 : memref<!tpu.dma_semaphore, #tpu.memory_space<semaphore_mem>>)
    %add3A_306 = arith.constant 192 : i32
    %add3A_307 = arith.addi %mul3A_2, %add3A_306 : i32
    %dma_start3A_308 = tpu.memref_slice %arg2[%add3A_307] : memref<640000xi32, #tpu.memory_space<hbm>> -> memref<64xi32, #tpu.memory_space<hbm>>
    %dma_start3A_309 = tpu.memref_slice %arg2[%add3A_307] : memref<640000xi32, #tpu.memory_space<hbm>> -> memref<64xi32, #tpu.memory_space<hbm>>
    tpu.enqueue_dma source(%dma_start3A_309 : memref<64xi32, #tpu.memory_space<hbm>>) target(%arg8 : memref<64xi32, #tpu.memory_space<vmem>>) target_semaphore(%arg30 : memref<!tpu.dma_semaphore, #tpu.memory_space<semaphore_mem>>)
    %add3A_310 = arith.constant 320000 : i32
    %add3A_311 = arith.addi %add3A_310, %add3A_307 : i32
    %dma_start3A_312 = tpu.memref_slice %arg2[%add3A_311] : memref<640000xi32, #tpu.memory_space<hbm>> -> memref<64xi32, #tpu.memory_space<hbm>>
    %dma_start3A_313 = tpu.memref_slice %arg2[%add3A_311] : memref<640000xi32, #tpu.memory_space<hbm>> -> memref<64xi32, #tpu.memory_space<hbm>>
    tpu.enqueue_dma source(%dma_start3A_313 : memref<64xi32, #tpu.memory_space<hbm>>) target(%arg9 : memref<64xi32, #tpu.memory_space<vmem>>) target_semaphore(%arg30 : memref<!tpu.dma_semaphore, #tpu.memory_space<semaphore_mem>>)
    %scan3A_314 = arith.constant 0 : i32
    %scan3A_315 = arith.constant 0 : i32
    %scan3A_316 = arith.constant 39 : i32
    %scan3A_317 = arith.addi %scan3A_315, %scan3A_316 : i32
    %scan3A_318 = arith.constant 1 : i32
    scf.for %scan3A_431 = %scan3A_315 to %scan3A_317 step %scan3A_318  : i32 {
      %ge3A = arith.constant 1 : i32
      %ge3A_432 = arith.cmpi sge, %scan3A_431, %ge3A : i32
      %le3A = arith.constant 37 : i32
      %le3A_433 = arith.cmpi sle, %scan3A_431, %le3A : i32
      %dma_wait3A_434 = arith.constant 0 : i32
      %dma_wait3A_435 = arith.constant 0 : i32
      %dma_wait3A_436 = tpu.memref_slice %arg3[%dma_wait3A_434, %dma_wait3A_435] : memref<10000x64xi32, #tpu.memory_space<hbm>> -> memref<10000x64xi32, #tpu.memory_space<hbm>>
      tpu.wait_indirect_dma semaphore(%arg27 : memref<!tpu.dma_semaphore, #tpu.memory_space<semaphore_mem>>) src(%dma_wait3A_436 : memref<10000x64xi32, #tpu.memory_space<hbm>>) dst(%arg18 : memref<64x64xi32, #tpu.memory_space<vmem>>)
      %dma_wait3A_437 = arith.constant 0 : i32
      %dma_wait3A_438 = arith.constant 0 : i32
      %dma_wait3A_439 = tpu.memref_slice %arg4[%dma_wait3A_437, %dma_wait3A_438] : memref<10000x64xi32, #tpu.memory_space<hbm>> -> memref<10000x64xi32, #tpu.memory_space<hbm>>
      tpu.wait_indirect_dma semaphore(%arg27 : memref<!tpu.dma_semaphore, #tpu.memory_space<semaphore_mem>>) src(%dma_wait3A_439 : memref<10000x64xi32, #tpu.memory_space<hbm>>) dst(%arg20 : memref<64x64xi32, #tpu.memory_space<vmem>>)
      %convert_element_type3A_440 = arith.extui %ge3A_432 : i1 to i32
      %cond3A_441 = arith.constant 0 : i32
      %cond3A_442 = arith.cmpi ne, %convert_element_type3A_440, %cond3A_441 : i32
      scf.if %cond3A_442 {
        %dma_wait3A_774 = arith.constant 0 : i32
        %dma_wait3A_775 = arith.constant 0 : i32
        %dma_wait3A_776 = tpu.memref_slice %arg26[%dma_wait3A_774, %dma_wait3A_775] : memref<10000x128xf32, #tpu.memory_space<vmem_shared>> -> memref<10000x128xf32, #tpu.memory_space<vmem_shared>>
        tpu.wait_indirect_dma semaphore(%arg31 : memref<!tpu.dma_semaphore, #tpu.memory_space<semaphore_mem>>) src(%arg24 : memref<64x128xf32, #tpu.memory_space<vmem>>) dst(%dma_wait3A_776 : memref<10000x128xf32, #tpu.memory_space<vmem_shared>>)
      } else {
      }
      %scan3A_443 = arith.constant 0 : i32
      %scan3A_444 = arith.constant 0 : i32
      %scan3A_445 = arith.constant 64 : i32
      %scan3A_446 = arith.addi %scan3A_444, %scan3A_445 : i32
      %scan3A_447 = arith.constant 4 : i32
      scf.for %scan3A_774 = %scan3A_444 to %scan3A_446 step %scan3A_447  : i32 {
        %get3A_775 = arith.index_cast %scan3A_774 : i32 to index
        %get3A_776 = arith.constant 0 : index
        %get3A_777 = tpu.vector_load %arg18[%get3A_775, %get3A_776] {strides = array<i32>} : memref<64x64xi32, #tpu.memory_space<vmem>>, vector<1x16xi32>,
        %get3A_778 = vector.shape_cast %get3A_777 : vector<1x16xi32> to vector<16xi32>
        %get3A_779 = arith.index_cast %scan3A_774 : i32 to index
        %get3A_780 = arith.constant 0 : index
        %get3A_781 = tpu.vector_load %arg20[%get3A_779, %get3A_780] {strides = array<i32>} : memref<64x64xi32, #tpu.memory_space<vmem>>, vector<1x16xi32>,
        %get3A_782 = vector.shape_cast %get3A_781 : vector<1x16xi32> to vector<16xi32>
        %shift_left3A = arith.constant 16 : i32
        %shift_left3A_783 = vector.broadcast %shift_left3A : i32 to vector<16xi32>
        %shift_left3A_784 = arith.shli %get3A_778, %shift_left3A_783 : vector<16xi32>
        %bitcast_convert_type3A = tpu.bitcast %shift_left3A_784 : vector<16xi32> -> vector<16xf32>
        %shift_left3A_785 = arith.constant 16 : i32
        %shift_left3A_786 = vector.broadcast %shift_left3A_785 : i32 to vector<16xi32>
        %shift_left3A_787 = arith.shli %get3A_782, %shift_left3A_786 : vector<16xi32>
        %bitcast_convert_type3A_788 = tpu.bitcast %shift_left3A_787 : vector<16xi32> -> vector<16xf32>
        %mul3A_789 = arith.mulf %bitcast_convert_type3A, %bitcast_convert_type3A_788 : vector<16xf32>
        %and3A = arith.constant -65536 : i32
        %and3A_790 = vector.broadcast %and3A : i32 to vector<16xi32>
        %and3A_791 = arith.andi %get3A_778, %and3A_790 : vector<16xi32>
        %bitcast_convert_type3A_792 = tpu.bitcast %and3A_791 : vector<16xi32> -> vector<16xf32>
        %and3A_793 = arith.constant -65536 : i32
        %and3A_794 = vector.broadcast %and3A_793 : i32 to vector<16xi32>
        %and3A_795 = arith.andi %get3A_782, %and3A_794 : vector<16xi32>
        %bitcast_convert_type3A_796 = tpu.bitcast %and3A_795 : vector<16xi32> -> vector<16xf32>
        %mul3A_797 = arith.mulf %bitcast_convert_type3A_792, %bitcast_convert_type3A_796 : vector<16xf32>
        %swap3A_798 = arith.index_cast %scan3A_774 : i32 to index
        %swap3A_799 = arith.constant 0 : index
        %swap3A_800 = tpu.vector_load %arg22[%swap3A_798, %swap3A_799] {strides = array<i32>} : memref<64x128xf32, #tpu.memory_space<vmem>>, vector<1x16xf32>,
        %swap3A_801 = vector.shape_cast %swap3A_800 : vector<1x16xf32> to vector<16xf32>
        %swap3A_802 = vector.shape_cast %mul3A_789 : vector<16xf32> to vector<1x16xf32>
        tpu.vector_store %arg22[%swap3A_798, %swap3A_799], %swap3A_802 {strides = array<i32>} : memref<64x128xf32, #tpu.memory_space<vmem>>, vector<1x16xf32>,
        %swap3A_803 = arith.index_cast %scan3A_774 : i32 to index
        %swap3A_804 = arith.constant 16 : index
        %swap3A_805 = tpu.vector_load %arg22[%swap3A_803, %swap3A_804] {strides = array<i32>} : memref<64x128xf32, #tpu.memory_space<vmem>>, vector<1x16xf32>,
        %swap3A_806 = vector.shape_cast %swap3A_805 : vector<1x16xf32> to vector<16xf32>
        %swap3A_807 = vector.shape_cast %mul3A_797 : vector<16xf32> to vector<1x16xf32>
        tpu.vector_store %arg22[%swap3A_803, %swap3A_804], %swap3A_807 {strides = array<i32>} : memref<64x128xf32, #tpu.memory_space<vmem>>, vector<1x16xf32>,
        %get3A_808 = arith.index_cast %scan3A_774 : i32 to index
        %get3A_809 = arith.constant 16 : index
        %get3A_810 = tpu.vector_load %arg18[%get3A_808, %get3A_809] {strides = array<i32>} : memref<64x64xi32, #tpu.memory_space<vmem>>, vector<1x16xi32>,
        %get3A_811 = vector.shape_cast %get3A_810 : vector<1x16xi32> to vector<16xi32>
        %get3A_812 = arith.index_cast %scan3A_774 : i32 to index
        %get3A_813 = arith.constant 16 : index
        %get3A_814 = tpu.vector_load %arg20[%get3A_812, %get3A_813] {strides = array<i32>} : memref<64x64xi32, #tpu.memory_space<vmem>>, vector<1x16xi32>,
        %get3A_815 = vector.shape_cast %get3A_814 : vector<1x16xi32> to vector<16xi32>
        %shift_left3A_816 = arith.constant 16 : i32
        %shift_left3A_817 = vector.broadcast %shift_left3A_816 : i32 to vector<16xi32>
        %shift_left3A_818 = arith.shli %get3A_811, %shift_left3A_817 : vector<16xi32>
        %bitcast_convert_type3A_819 = tpu.bitcast %shift_left3A_818 : vector<16xi32> -> vector<16xf32>
        %shift_left3A_820 = arith.constant 16 : i32
        %shift_left3A_821 = vector.broadcast %shift_left3A_820 : i32 to vector<16xi32>
        %shift_left3A_822 = arith.shli %get3A_815, %shift_left3A_821 : vector<16xi32>
        %bitcast_convert_type3A_823 = tpu.bitcast %shift_left3A_822 : vector<16xi32> -> vector<16xf32>
        %mul3A_824 = arith.mulf %bitcast_convert_type3A_819, %bitcast_convert_type3A_823 : vector<16xf32>
        %and3A_825 = arith.constant -65536 : i32
        %and3A_826 = vector.broadcast %and3A_825 : i32 to vector<16xi32>
        %and3A_827 = arith.andi %get3A_811, %and3A_826 : vector<16xi32>
        %bitcast_convert_type3A_828 = tpu.bitcast %and3A_827 : vector<16xi32> -> vector<16xf32>
        %and3A_829 = arith.constant -65536 : i32
        %and3A_830 = vector.broadcast %and3A_829 : i32 to vector<16xi32>
        %and3A_831 = arith.andi %get3A_815, %and3A_830 : vector<16xi32>
        %bitcast_convert_type3A_832 = tpu.bitcast %and3A_831 : vector<16xi32> -> vector<16xf32>
        %mul3A_833 = arith.mulf %bitcast_convert_type3A_828, %bitcast_convert_type3A_832 : vector<16xf32>
        %swap3A_834 = arith.index_cast %scan3A_774 : i32 to index
        %swap3A_835 = arith.constant 32 : index
        %swap3A_836 = tpu.vector_load %arg22[%swap3A_834, %swap3A_835] {strides = array<i32>} : memref<64x128xf32, #tpu.memory_space<vmem>>, vector<1x16xf32>,
        %swap3A_837 = vector.shape_cast %swap3A_836 : vector<1x16xf32> to vector<16xf32>
        %swap3A_838 = vector.shape_cast %mul3A_824 : vector<16xf32> to vector<1x16xf32>
        tpu.vector_store %arg22[%swap3A_834, %swap3A_835], %swap3A_838 {strides = array<i32>} : memref<64x128xf32, #tpu.memory_space<vmem>>, vector<1x16xf32>,
        %swap3A_839 = arith.index_cast %scan3A_774 : i32 to index
        %swap3A_840 = arith.constant 48 : index
        %swap3A_841 = tpu.vector_load %arg22[%swap3A_839, %swap3A_840] {strides = array<i32>} : memref<64x128xf32, #tpu.memory_space<vmem>>, vector<1x16xf32>,
        %swap3A_842 = vector.shape_cast %swap3A_841 : vector<1x16xf32> to vector<16xf32>
        %swap3A_843 = vector.shape_cast %mul3A_833 : vector<16xf32> to vector<1x16xf32>
        tpu.vector_store %arg22[%swap3A_839, %swap3A_840], %swap3A_843 {strides = array<i32>} : memref<64x128xf32, #tpu.memory_space<vmem>>, vector<1x16xf32>,
        %get3A_844 = arith.index_cast %scan3A_774 : i32 to index
        %get3A_845 = arith.constant 32 : index
        %get3A_846 = tpu.vector_load %arg18[%get3A_844, %get3A_845] {strides = array<i32>} : memref<64x64xi32, #tpu.memory_space<vmem>>, vector<1x16xi32>,
        %get3A_847 = vector.shape_cast %get3A_846 : vector<1x16xi32> to vector<16xi32>
        %get3A_848 = arith.index_cast %scan3A_774 : i32 to index
        %get3A_849 = arith.constant 32 : index
        %get3A_850 = tpu.vector_load %arg20[%get3A_848, %get3A_849] {strides = array<i32>} : memref<64x64xi32, #tpu.memory_space<vmem>>, vector<1x16xi32>,
        %get3A_851 = vector.shape_cast %get3A_850 : vector<1x16xi32> to vector<16xi32>
        %shift_left3A_852 = arith.constant 16 : i32
        %shift_left3A_853 = vector.broadcast %shift_left3A_852 : i32 to vector<16xi32>
        %shift_left3A_854 = arith.shli %get3A_847, %shift_left3A_853 : vector<16xi32>
        %bitcast_convert_type3A_855 = tpu.bitcast %shift_left3A_854 : vector<16xi32> -> vector<16xf32>
        %shift_left3A_856 = arith.constant 16 : i32
        %shift_left3A_857 = vector.broadcast %shift_left3A_856 : i32 to vector<16xi32>
        %shift_left3A_858 = arith.shli %get3A_851, %shift_left3A_857 : vector<16xi32>
        %bitcast_convert_type3A_859 = tpu.bitcast %shift_left3A_858 : vector<16xi32> -> vector<16xf32>
        %mul3A_860 = arith.mulf %bitcast_convert_type3A_855, %bitcast_convert_type3A_859 : vector<16xf32>
        %and3A_861 = arith.constant -65536 : i32
        %and3A_862 = vector.broadcast %and3A_861 : i32 to vector<16xi32>
        %and3A_863 = arith.andi %get3A_847, %and3A_862 : vector<16xi32>
        %bitcast_convert_type3A_864 = tpu.bitcast %and3A_863 : vector<16xi32> -> vector<16xf32>
        %and3A_865 = arith.constant -65536 : i32
        %and3A_866 = vector.broadcast %and3A_865 : i32 to vector<16xi32>
        %and3A_867 = arith.andi %get3A_851, %and3A_866 : vector<16xi32>
        %bitcast_convert_type3A_868 = tpu.bitcast %and3A_867 : vector<16xi32> -> vector<16xf32>
        %mul3A_869 = arith.mulf %bitcast_convert_type3A_864, %bitcast_convert_type3A_868 : vector<16xf32>
        %swap3A_870 = arith.index_cast %scan3A_774 : i32 to index
        %swap3A_871 = arith.constant 64 : index
        %swap3A_872 = tpu.vector_load %arg22[%swap3A_870, %swap3A_871] {strides = array<i32>} : memref<64x128xf32, #tpu.memory_space<vmem>>, vector<1x16xf32>,
        %swap3A_873 = vector.shape_cast %swap3A_872 : vector<1x16xf32> to vector<16xf32>
        %swap3A_874 = vector.shape_cast %mul3A_860 : vector<16xf32> to vector<1x16xf32>
        tpu.vector_store %arg22[%swap3A_870, %swap3A_871], %swap3A_874 {strides = array<i32>} : memref<64x128xf32, #tpu.memory_space<vmem>>, vector<1x16xf32>,
        %swap3A_875 = arith.index_cast %scan3A_774 : i32 to index
        %swap3A_876 = arith.constant 80 : index
        %swap3A_877 = tpu.vector_load %arg22[%swap3A_875, %swap3A_876] {strides = array<i32>} : memref<64x128xf32, #tpu.memory_space<vmem>>, vector<1x16xf32>,
        %swap3A_878 = vector.shape_cast %swap3A_877 : vector<1x16xf32> to vector<16xf32>
        %swap3A_879 = vector.shape_cast %mul3A_869 : vector<16xf32> to vector<1x16xf32>
        tpu.vector_store %arg22[%swap3A_875, %swap3A_876], %swap3A_879 {strides = array<i32>} : memref<64x128xf32, #tpu.memory_space<vmem>>, vector<1x16xf32>,
        %get3A_880 = arith.index_cast %scan3A_774 : i32 to index
        %get3A_881 = arith.constant 48 : index
        %get3A_882 = tpu.vector_load %arg18[%get3A_880, %get3A_881] {strides = array<i32>} : memref<64x64xi32, #tpu.memory_space<vmem>>, vector<1x16xi32>,
        %get3A_883 = vector.shape_cast %get3A_882 : vector<1x16xi32> to vector<16xi32>
        %get3A_884 = arith.index_cast %scan3A_774 : i32 to index
        %get3A_885 = arith.constant 48 : index
        %get3A_886 = tpu.vector_load %arg20[%get3A_884, %get3A_885] {strides = array<i32>} : memref<64x64xi32, #tpu.memory_space<vmem>>, vector<1x16xi32>,
        %get3A_887 = vector.shape_cast %get3A_886 : vector<1x16xi32> to vector<16xi32>
        %shift_left3A_888 = arith.constant 16 : i32
        %shift_left3A_889 = vector.broadcast %shift_left3A_888 : i32 to vector<16xi32>
        %shift_left3A_890 = arith.shli %get3A_883, %shift_left3A_889 : vector<16xi32>
        %bitcast_convert_type3A_891 = tpu.bitcast %shift_left3A_890 : vector<16xi32> -> vector<16xf32>
        %shift_left3A_892 = arith.constant 16 : i32
        %shift_left3A_893 = vector.broadcast %shift_left3A_892 : i32 to vector<16xi32>
        %shift_left3A_894 = arith.shli %get3A_887, %shift_left3A_893 : vector<16xi32>
        %bitcast_convert_type3A_895 = tpu.bitcast %shift_left3A_894 : vector<16xi32> -> vector<16xf32>
        %mul3A_896 = arith.mulf %bitcast_convert_type3A_891, %bitcast_convert_type3A_895 : vector<16xf32>
        %and3A_897 = arith.constant -65536 : i32
        %and3A_898 = vector.broadcast %and3A_897 : i32 to vector<16xi32>
        %and3A_899 = arith.andi %get3A_883, %and3A_898 : vector<16xi32>
        %bitcast_convert_type3A_900 = tpu.bitcast %and3A_899 : vector<16xi32> -> vector<16xf32>
        %and3A_901 = arith.constant -65536 : i32
        %and3A_902 = vector.broadcast %and3A_901 : i32 to vector<16xi32>
        %and3A_903 = arith.andi %get3A_887, %and3A_902 : vector<16xi32>
        %bitcast_convert_type3A_904 = tpu.bitcast %and3A_903 : vector<16xi32> -> vector<16xf32>
        %mul3A_905 = arith.mulf %bitcast_convert_type3A_900, %bitcast_convert_type3A_904 : vector<16xf32>
        %swap3A_906 = arith.index_cast %scan3A_774 : i32 to index
        %swap3A_907 = arith.constant 96 : index
        %swap3A_908 = tpu.vector_load %arg22[%swap3A_906, %swap3A_907] {strides = array<i32>} : memref<64x128xf32, #tpu.memory_space<vmem>>, vector<1x16xf32>,
        %swap3A_909 = vector.shape_cast %swap3A_908 : vector<1x16xf32> to vector<16xf32>
        %swap3A_910 = vector.shape_cast %mul3A_896 : vector<16xf32> to vector<1x16xf32>
        tpu.vector_store %arg22[%swap3A_906, %swap3A_907], %swap3A_910 {strides = array<i32>} : memref<64x128xf32, #tpu.memory_space<vmem>>, vector<1x16xf32>,
        %swap3A_911 = arith.index_cast %scan3A_774 : i32 to index
        %swap3A_912 = arith.constant 112 : index
        %swap3A_913 = tpu.vector_load %arg22[%swap3A_911, %swap3A_912] {strides = array<i32>} : memref<64x128xf32, #tpu.memory_space<vmem>>, vector<1x16xf32>,
        %swap3A_914 = vector.shape_cast %swap3A_913 : vector<1x16xf32> to vector<16xf32>
        %swap3A_915 = vector.shape_cast %mul3A_905 : vector<16xf32> to vector<1x16xf32>
        tpu.vector_store %arg22[%swap3A_911, %swap3A_912], %swap3A_915 {strides = array<i32>} : memref<64x128xf32, #tpu.memory_space<vmem>>, vector<1x16xf32>,
        %scan3A_916 = arith.constant 1 : i32
        %scan3A_917 = arith.addi %scan3A_774, %scan3A_916 : i32
        %get3A_918 = arith.index_cast %scan3A_917 : i32 to index
        %get3A_919 = arith.constant 0 : index
        %get3A_920 = tpu.vector_load %arg18[%get3A_918, %get3A_919] {strides = array<i32>} : memref<64x64xi32, #tpu.memory_space<vmem>>, vector<1x16xi32>,
        %get3A_921 = vector.shape_cast %get3A_920 : vector<1x16xi32> to vector<16xi32>
        %get3A_922 = arith.index_cast %scan3A_917 : i32 to index
        %get3A_923 = arith.constant 0 : index
        %get3A_924 = tpu.vector_load %arg20[%get3A_922, %get3A_923] {strides = array<i32>} : memref<64x64xi32, #tpu.memory_space<vmem>>, vector<1x16xi32>,
        %get3A_925 = vector.shape_cast %get3A_924 : vector<1x16xi32> to vector<16xi32>
        %shift_left3A_926 = arith.constant 16 : i32
        %shift_left3A_927 = vector.broadcast %shift_left3A_926 : i32 to vector<16xi32>
        %shift_left3A_928 = arith.shli %get3A_921, %shift_left3A_927 : vector<16xi32>
        %bitcast_convert_type3A_929 = tpu.bitcast %shift_left3A_928 : vector<16xi32> -> vector<16xf32>
        %shift_left3A_930 = arith.constant 16 : i32
        %shift_left3A_931 = vector.broadcast %shift_left3A_930 : i32 to vector<16xi32>
        %shift_left3A_932 = arith.shli %get3A_925, %shift_left3A_931 : vector<16xi32>
        %bitcast_convert_type3A_933 = tpu.bitcast %shift_left3A_932 : vector<16xi32> -> vector<16xf32>
        %mul3A_934 = arith.mulf %bitcast_convert_type3A_929, %bitcast_convert_type3A_933 : vector<16xf32>
        %and3A_935 = arith.constant -65536 : i32
        %and3A_936 = vector.broadcast %and3A_935 : i32 to vector<16xi32>
        %and3A_937 = arith.andi %get3A_921, %and3A_936 : vector<16xi32>
        %bitcast_convert_type3A_938 = tpu.bitcast %and3A_937 : vector<16xi32> -> vector<16xf32>
        %and3A_939 = arith.constant -65536 : i32
        %and3A_940 = vector.broadcast %and3A_939 : i32 to vector<16xi32>
        %and3A_941 = arith.andi %get3A_925, %and3A_940 : vector<16xi32>
        %bitcast_convert_type3A_942 = tpu.bitcast %and3A_941 : vector<16xi32> -> vector<16xf32>
        %mul3A_943 = arith.mulf %bitcast_convert_type3A_938, %bitcast_convert_type3A_942 : vector<16xf32>
        %swap3A_944 = arith.index_cast %scan3A_917 : i32 to index
        %swap3A_945 = arith.constant 0 : index
        %swap3A_946 = tpu.vector_load %arg22[%swap3A_944, %swap3A_945] {strides = array<i32>} : memref<64x128xf32, #tpu.memory_space<vmem>>, vector<1x16xf32>,
        %swap3A_947 = vector.shape_cast %swap3A_946 : vector<1x16xf32> to vector<16xf32>
        %swap3A_948 = vector.shape_cast %mul3A_934 : vector<16xf32> to vector<1x16xf32>
        tpu.vector_store %arg22[%swap3A_944, %swap3A_945], %swap3A_948 {strides = array<i32>} : memref<64x128xf32, #tpu.memory_space<vmem>>, vector<1x16xf32>,
        %swap3A_949 = arith.index_cast %scan3A_917 : i32 to index
        %swap3A_950 = arith.constant 16 : index
        %swap3A_951 = tpu.vector_load %arg22[%swap3A_949, %swap3A_950] {strides = array<i32>} : memref<64x128xf32, #tpu.memory_space<vmem>>, vector<1x16xf32>,
        %swap3A_952 = vector.shape_cast %swap3A_951 : vector<1x16xf32> to vector<16xf32>
        %swap3A_953 = vector.shape_cast %mul3A_943 : vector<16xf32> to vector<1x16xf32>
        tpu.vector_store %arg22[%swap3A_949, %swap3A_950], %swap3A_953 {strides = array<i32>} : memref<64x128xf32, #tpu.memory_space<vmem>>, vector<1x16xf32>,
        %get3A_954 = arith.index_cast %scan3A_917 : i32 to index
        %get3A_955 = arith.constant 16 : index
        %get3A_956 = tpu.vector_load %arg18[%get3A_954, %get3A_955] {strides = array<i32>} : memref<64x64xi32, #tpu.memory_space<vmem>>, vector<1x16xi32>,
        %get3A_957 = vector.shape_cast %get3A_956 : vector<1x16xi32> to vector<16xi32>
        %get3A_958 = arith.index_cast %scan3A_917 : i32 to index
        %get3A_959 = arith.constant 16 : index
        %get3A_960 = tpu.vector_load %arg20[%get3A_958, %get3A_959] {strides = array<i32>} : memref<64x64xi32, #tpu.memory_space<vmem>>, vector<1x16xi32>,
        %get3A_961 = vector.shape_cast %get3A_960 : vector<1x16xi32> to vector<16xi32>
        %shift_left3A_962 = arith.constant 16 : i32
        %shift_left3A_963 = vector.broadcast %shift_left3A_962 : i32 to vector<16xi32>
        %shift_left3A_964 = arith.shli %get3A_957, %shift_left3A_963 : vector<16xi32>
        %bitcast_convert_type3A_965 = tpu.bitcast %shift_left3A_964 : vector<16xi32> -> vector<16xf32>
        %shift_left3A_966 = arith.constant 16 : i32
        %shift_left3A_967 = vector.broadcast %shift_left3A_966 : i32 to vector<16xi32>
        %shift_left3A_968 = arith.shli %get3A_961, %shift_left3A_967 : vector<16xi32>
        %bitcast_convert_type3A_969 = tpu.bitcast %shift_left3A_968 : vector<16xi32> -> vector<16xf32>
        %mul3A_970 = arith.mulf %bitcast_convert_type3A_965, %bitcast_convert_type3A_969 : vector<16xf32>
        %and3A_971 = arith.constant -65536 : i32
        %and3A_972 = vector.broadcast %and3A_971 : i32 to vector<16xi32>
        %and3A_973 = arith.andi %get3A_957, %and3A_972 : vector<16xi32>
        %bitcast_convert_type3A_974 = tpu.bitcast %and3A_973 : vector<16xi32> -> vector<16xf32>
        %and3A_975 = arith.constant -65536 : i32
        %and3A_976 = vector.broadcast %and3A_975 : i32 to vector<16xi32>
        %and3A_977 = arith.andi %get3A_961, %and3A_976 : vector<16xi32>
        %bitcast_convert_type3A_978 = tpu.bitcast %and3A_977 : vector<16xi32> -> vector<16xf32>
        %mul3A_979 = arith.mulf %bitcast_convert_type3A_974, %bitcast_convert_type3A_978 : vector<16xf32>
        %swap3A_980 = arith.index_cast %scan3A_917 : i32 to index
        %swap3A_981 = arith.constant 32 : index
        %swap3A_982 = tpu.vector_load %arg22[%swap3A_980, %swap3A_981] {strides = array<i32>} : memref<64x128xf32, #tpu.memory_space<vmem>>, vector<1x16xf32>,
        %swap3A_983 = vector.shape_cast %swap3A_982 : vector<1x16xf32> to vector<16xf32>
        %swap3A_984 = vector.shape_cast %mul3A_970 : vector<16xf32> to vector<1x16xf32>
        tpu.vector_store %arg22[%swap3A_980, %swap3A_981], %swap3A_984 {strides = array<i32>} : memref<64x128xf32, #tpu.memory_space<vmem>>, vector<1x16xf32>,
        %swap3A_985 = arith.index_cast %scan3A_917 : i32 to index
        %swap3A_986 = arith.constant 48 : index
        %swap3A_987 = tpu.vector_load %arg22[%swap3A_985, %swap3A_986] {strides = array<i32>} : memref<64x128xf32, #tpu.memory_space<vmem>>, vector<1x16xf32>,
        %swap3A_988 = vector.shape_cast %swap3A_987 : vector<1x16xf32> to vector<16xf32>
        %swap3A_989 = vector.shape_cast %mul3A_979 : vector<16xf32> to vector<1x16xf32>
        tpu.vector_store %arg22[%swap3A_985, %swap3A_986], %swap3A_989 {strides = array<i32>} : memref<64x128xf32, #tpu.memory_space<vmem>>, vector<1x16xf32>,
        %get3A_990 = arith.index_cast %scan3A_917 : i32 to index
        %get3A_991 = arith.constant 32 : index
        %get3A_992 = tpu.vector_load %arg18[%get3A_990, %get3A_991] {strides = array<i32>} : memref<64x64xi32, #tpu.memory_space<vmem>>, vector<1x16xi32>,
        %get3A_993 = vector.shape_cast %get3A_992 : vector<1x16xi32> to vector<16xi32>
        %get3A_994 = arith.index_cast %scan3A_917 : i32 to index
        %get3A_995 = arith.constant 32 : index
        %get3A_996 = tpu.vector_load %arg20[%get3A_994, %get3A_995] {strides = array<i32>} : memref<64x64xi32, #tpu.memory_space<vmem>>, vector<1x16xi32>,
        %get3A_997 = vector.shape_cast %get3A_996 : vector<1x16xi32> to vector<16xi32>
        %shift_left3A_998 = arith.constant 16 : i32
        %shift_left3A_999 = vector.broadcast %shift_left3A_998 : i32 to vector<16xi32>
        %shift_left3A_1000 = arith.shli %get3A_993, %shift_left3A_999 : vector<16xi32>
        %bitcast_convert_type3A_1001 = tpu.bitcast %shift_left3A_1000 : vector<16xi32> -> vector<16xf32>
        %shift_left3A_1002 = arith.constant 16 : i32
        %shift_left3A_1003 = vector.broadcast %shift_left3A_1002 : i32 to vector<16xi32>
        %shift_left3A_1004 = arith.shli %get3A_997, %shift_left3A_1003 : vector<16xi32>
        %bitcast_convert_type3A_1005 = tpu.bitcast %shift_left3A_1004 : vector<16xi32> -> vector<16xf32>
        %mul3A_1006 = arith.mulf %bitcast_convert_type3A_1001, %bitcast_convert_type3A_1005 : vector<16xf32>
        %and3A_1007 = arith.constant -65536 : i32
        %and3A_1008 = vector.broadcast %and3A_1007 : i32 to vector<16xi32>
        %and3A_1009 = arith.andi %get3A_993, %and3A_1008 : vector<16xi32>
        %bitcast_convert_type3A_1010 = tpu.bitcast %and3A_1009 : vector<16xi32> -> vector<16xf32>
        %and3A_1011 = arith.constant -65536 : i32
        %and3A_1012 = vector.broadcast %and3A_1011 : i32 to vector<16xi32>
        %and3A_1013 = arith.andi %get3A_997, %and3A_1012 : vector<16xi32>
        %bitcast_convert_type3A_1014 = tpu.bitcast %and3A_1013 : vector<16xi32> -> vector<16xf32>
        %mul3A_1015 = arith.mulf %bitcast_convert_type3A_1010, %bitcast_convert_type3A_1014 : vector<16xf32>
        %swap3A_1016 = arith.index_cast %scan3A_917 : i32 to index
        %swap3A_1017 = arith.constant 64 : index
        %swap3A_1018 = tpu.vector_load %arg22[%swap3A_1016, %swap3A_1017] {strides = array<i32>} : memref<64x128xf32, #tpu.memory_space<vmem>>, vector<1x16xf32>,
        %swap3A_1019 = vector.shape_cast %swap3A_1018 : vector<1x16xf32> to vector<16xf32>
        %swap3A_1020 = vector.shape_cast %mul3A_1006 : vector<16xf32> to vector<1x16xf32>
        tpu.vector_store %arg22[%swap3A_1016, %swap3A_1017], %swap3A_1020 {strides = array<i32>} : memref<64x128xf32, #tpu.memory_space<vmem>>, vector<1x16xf32>,
        %swap3A_1021 = arith.index_cast %scan3A_917 : i32 to index
        %swap3A_1022 = arith.constant 80 : index
        %swap3A_1023 = tpu.vector_load %arg22[%swap3A_1021, %swap3A_1022] {strides = array<i32>} : memref<64x128xf32, #tpu.memory_space<vmem>>, vector<1x16xf32>,
        %swap3A_1024 = vector.shape_cast %swap3A_1023 : vector<1x16xf32> to vector<16xf32>
        %swap3A_1025 = vector.shape_cast %mul3A_1015 : vector<16xf32> to vector<1x16xf32>
        tpu.vector_store %arg22[%swap3A_1021, %swap3A_1022], %swap3A_1025 {strides = array<i32>} : memref<64x128xf32, #tpu.memory_space<vmem>>, vector<1x16xf32>,
        %get3A_1026 = arith.index_cast %scan3A_917 : i32 to index
        %get3A_1027 = arith.constant 48 : index
        %get3A_1028 = tpu.vector_load %arg18[%get3A_1026, %get3A_1027] {strides = array<i32>} : memref<64x64xi32, #tpu.memory_space<vmem>>, vector<1x16xi32>,
        %get3A_1029 = vector.shape_cast %get3A_1028 : vector<1x16xi32> to vector<16xi32>
        %get3A_1030 = arith.index_cast %scan3A_917 : i32 to index
        %get3A_1031 = arith.constant 48 : index
        %get3A_1032 = tpu.vector_load %arg20[%get3A_1030, %get3A_1031] {strides = array<i32>} : memref<64x64xi32, #tpu.memory_space<vmem>>, vector<1x16xi32>,
        %get3A_1033 = vector.shape_cast %get3A_1032 : vector<1x16xi32> to vector<16xi32>
        %shift_left3A_1034 = arith.constant 16 : i32
        %shift_left3A_1035 = vector.broadcast %shift_left3A_1034 : i32 to vector<16xi32>
        %shift_left3A_1036 = arith.shli %get3A_1029, %shift_left3A_1035 : vector<16xi32>
        %bitcast_convert_type3A_1037 = tpu.bitcast %shift_left3A_1036 : vector<16xi32> -> vector<16xf32>
        %shift_left3A_1038 = arith.constant 16 : i32
        %shift_left3A_1039 = vector.broadcast %shift_left3A_1038 : i32 to vector<16xi32>
        %shift_left3A_1040 = arith.shli %get3A_1033, %shift_left3A_1039 : vector<16xi32>
        %bitcast_convert_type3A_1041 = tpu.bitcast %shift_left3A_1040 : vector<16xi32> -> vector<16xf32>
        %mul3A_1042 = arith.mulf %bitcast_convert_type3A_1037, %bitcast_convert_type3A_1041 : vector<16xf32>
        %and3A_1043 = arith.constant -65536 : i32
        %and3A_1044 = vector.broadcast %and3A_1043 : i32 to vector<16xi32>
        %and3A_1045 = arith.andi %get3A_1029, %and3A_1044 : vector<16xi32>
        %bitcast_convert_type3A_1046 = tpu.bitcast %and3A_1045 : vector<16xi32> -> vector<16xf32>
        %and3A_1047 = arith.constant -65536 : i32
        %and3A_1048 = vector.broadcast %and3A_1047 : i32 to vector<16xi32>
        %and3A_1049 = arith.andi %get3A_1033, %and3A_1048 : vector<16xi32>
        %bitcast_convert_type3A_1050 = tpu.bitcast %and3A_1049 : vector<16xi32> -> vector<16xf32>
        %mul3A_1051 = arith.mulf %bitcast_convert_type3A_1046, %bitcast_convert_type3A_1050 : vector<16xf32>
        %swap3A_1052 = arith.index_cast %scan3A_917 : i32 to index
        %swap3A_1053 = arith.constant 96 : index
        %swap3A_1054 = tpu.vector_load %arg22[%swap3A_1052, %swap3A_1053] {strides = array<i32>} : memref<64x128xf32, #tpu.memory_space<vmem>>, vector<1x16xf32>,
        %swap3A_1055 = vector.shape_cast %swap3A_1054 : vector<1x16xf32> to vector<16xf32>
        %swap3A_1056 = vector.shape_cast %mul3A_1042 : vector<16xf32> to vector<1x16xf32>
        tpu.vector_store %arg22[%swap3A_1052, %swap3A_1053], %swap3A_1056 {strides = array<i32>} : memref<64x128xf32, #tpu.memory_space<vmem>>, vector<1x16xf32>,
        %swap3A_1057 = arith.index_cast %scan3A_917 : i32 to index
        %swap3A_1058 = arith.constant 112 : index
        %swap3A_1059 = tpu.vector_load %arg22[%swap3A_1057, %swap3A_1058] {strides = array<i32>} : memref<64x128xf32, #tpu.memory_space<vmem>>, vector<1x16xf32>,
        %swap3A_1060 = vector.shape_cast %swap3A_1059 : vector<1x16xf32> to vector<16xf32>
        %swap3A_1061 = vector.shape_cast %mul3A_1051 : vector<16xf32> to vector<1x16xf32>
        tpu.vector_store %arg22[%swap3A_1057, %swap3A_1058], %swap3A_1061 {strides = array<i32>} : memref<64x128xf32, #tpu.memory_space<vmem>>, vector<1x16xf32>,
        %scan3A_1062 = arith.constant 2 : i32
        %scan3A_1063 = arith.addi %scan3A_774, %scan3A_1062 : i32
        %get3A_1064 = arith.index_cast %scan3A_1063 : i32 to index
        %get3A_1065 = arith.constant 0 : index
        %get3A_1066 = tpu.vector_load %arg18[%get3A_1064, %get3A_1065] {strides = array<i32>} : memref<64x64xi32, #tpu.memory_space<vmem>>, vector<1x16xi32>,
        %get3A_1067 = vector.shape_cast %get3A_1066 : vector<1x16xi32> to vector<16xi32>
        %get3A_1068 = arith.index_cast %scan3A_1063 : i32 to index
        %get3A_1069 = arith.constant 0 : index
        %get3A_1070 = tpu.vector_load %arg20[%get3A_1068, %get3A_1069] {strides = array<i32>} : memref<64x64xi32, #tpu.memory_space<vmem>>, vector<1x16xi32>,
        %get3A_1071 = vector.shape_cast %get3A_1070 : vector<1x16xi32> to vector<16xi32>
        %shift_left3A_1072 = arith.constant 16 : i32
        %shift_left3A_1073 = vector.broadcast %shift_left3A_1072 : i32 to vector<16xi32>
        %shift_left3A_1074 = arith.shli %get3A_1067, %shift_left3A_1073 : vector<16xi32>
        %bitcast_convert_type3A_1075 = tpu.bitcast %shift_left3A_1074 : vector<16xi32> -> vector<16xf32>
        %shift_left3A_1076 = arith.constant 16 : i32
        %shift_left3A_1077 = vector.broadcast %shift_left3A_1076 : i32 to vector<16xi32>
        %shift_left3A_1078 = arith.shli %get3A_1071, %shift_left3A_1077 : vector<16xi32>
        %bitcast_convert_type3A_1079 = tpu.bitcast %shift_left3A_1078 : vector<16xi32> -> vector<16xf32>
        %mul3A_1080 = arith.mulf %bitcast_convert_type3A_1075, %bitcast_convert_type3A_1079 : vector<16xf32>
        %and3A_1081 = arith.constant -65536 : i32
        %and3A_1082 = vector.broadcast %and3A_1081 : i32 to vector<16xi32>
        %and3A_1083 = arith.andi %get3A_1067, %and3A_1082 : vector<16xi32>
        %bitcast_convert_type3A_1084 = tpu.bitcast %and3A_1083 : vector<16xi32> -> vector<16xf32>
        %and3A_1085 = arith.constant -65536 : i32
        %and3A_1086 = vector.broadcast %and3A_1085 : i32 to vector<16xi32>
        %and3A_1087 = arith.andi %get3A_1071, %and3A_1086 : vector<16xi32>
        %bitcast_convert_type3A_1088 = tpu.bitcast %and3A_1087 : vector<16xi32> -> vector<16xf32>
        %mul3A_1089 = arith.mulf %bitcast_convert_type3A_1084, %bitcast_convert_type3A_1088 : vector<16xf32>
        %swap3A_1090 = arith.index_cast %scan3A_1063 : i32 to index
        %swap3A_1091 = arith.constant 0 : index
        %swap3A_1092 = tpu.vector_load %arg22[%swap3A_1090, %swap3A_1091] {strides = array<i32>} : memref<64x128xf32, #tpu.memory_space<vmem>>, vector<1x16xf32>,
        %swap3A_1093 = vector.shape_cast %swap3A_1092 : vector<1x16xf32> to vector<16xf32>
        %swap3A_1094 = vector.shape_cast %mul3A_1080 : vector<16xf32> to vector<1x16xf32>
        tpu.vector_store %arg22[%swap3A_1090, %swap3A_1091], %swap3A_1094 {strides = array<i32>} : memref<64x128xf32, #tpu.memory_space<vmem>>, vector<1x16xf32>,
        %swap3A_1095 = arith.index_cast %scan3A_1063 : i32 to index
        %swap3A_1096 = arith.constant 16 : index
        %swap3A_1097 = tpu.vector_load %arg22[%swap3A_1095, %swap3A_1096] {strides = array<i32>} : memref<64x128xf32, #tpu.memory_space<vmem>>, vector<1x16xf32>,
        %swap3A_1098 = vector.shape_cast %swap3A_1097 : vector<1x16xf32> to vector<16xf32>
        %swap3A_1099 = vector.shape_cast %mul3A_1089 : vector<16xf32> to vector<1x16xf32>
        tpu.vector_store %arg22[%swap3A_1095, %swap3A_1096], %swap3A_1099 {strides = array<i32>} : memref<64x128xf32, #tpu.memory_space<vmem>>, vector<1x16xf32>,
        %get3A_1100 = arith.index_cast %scan3A_1063 : i32 to index
        %get3A_1101 = arith.constant 16 : index
        %get3A_1102 = tpu.vector_load %arg18[%get3A_1100, %get3A_1101] {strides = array<i32>} : memref<64x64xi32, #tpu.memory_space<vmem>>, vector<1x16xi32>,
        %get3A_1103 = vector.shape_cast %get3A_1102 : vector<1x16xi32> to vector<16xi32>
        %get3A_1104 = arith.index_cast %scan3A_1063 : i32 to index
        %get3A_1105 = arith.constant 16 : index
        %get3A_1106 = tpu.vector_load %arg20[%get3A_1104, %get3A_1105] {strides = array<i32>} : memref<64x64xi32, #tpu.memory_space<vmem>>, vector<1x16xi32>,
        %get3A_1107 = vector.shape_cast %get3A_1106 : vector<1x16xi32> to vector<16xi32>
        %shift_left3A_1108 = arith.constant 16 : i32
        %shift_left3A_1109 = vector.broadcast %shift_left3A_1108 : i32 to vector<16xi32>
        %shift_left3A_1110 = arith.shli %get3A_1103, %shift_left3A_1109 : vector<16xi32>
        %bitcast_convert_type3A_1111 = tpu.bitcast %shift_left3A_1110 : vector<16xi32> -> vector<16xf32>
        %shift_left3A_1112 = arith.constant 16 : i32
        %shift_left3A_1113 = vector.broadcast %shift_left3A_1112 : i32 to vector<16xi32>
        %shift_left3A_1114 = arith.shli %get3A_1107, %shift_left3A_1113 : vector<16xi32>
        %bitcast_convert_type3A_1115 = tpu.bitcast %shift_left3A_1114 : vector<16xi32> -> vector<16xf32>
        %mul3A_1116 = arith.mulf %bitcast_convert_type3A_1111, %bitcast_convert_type3A_1115 : vector<16xf32>
        %and3A_1117 = arith.constant -65536 : i32
        %and3A_1118 = vector.broadcast %and3A_1117 : i32 to vector<16xi32>
        %and3A_1119 = arith.andi %get3A_1103, %and3A_1118 : vector<16xi32>
        %bitcast_convert_type3A_1120 = tpu.bitcast %and3A_1119 : vector<16xi32> -> vector<16xf32>
        %and3A_1121 = arith.constant -65536 : i32
        %and3A_1122 = vector.broadcast %and3A_1121 : i32 to vector<16xi32>
        %and3A_1123 = arith.andi %get3A_1107, %and3A_1122 : vector<16xi32>
        %bitcast_convert_type3A_1124 = tpu.bitcast %and3A_1123 : vector<16xi32> -> vector<16xf32>
        %mul3A_1125 = arith.mulf %bitcast_convert_type3A_1120, %bitcast_convert_type3A_1124 : vector<16xf32>
        %swap3A_1126 = arith.index_cast %scan3A_1063 : i32 to index
        %swap3A_1127 = arith.constant 32 : index
        %swap3A_1128 = tpu.vector_load %arg22[%swap3A_1126, %swap3A_1127] {strides = array<i32>} : memref<64x128xf32, #tpu.memory_space<vmem>>, vector<1x16xf32>,
        %swap3A_1129 = vector.shape_cast %swap3A_1128 : vector<1x16xf32> to vector<16xf32>
        %swap3A_1130 = vector.shape_cast %mul3A_1116 : vector<16xf32> to vector<1x16xf32>
        tpu.vector_store %arg22[%swap3A_1126, %swap3A_1127], %swap3A_1130 {strides = array<i32>} : memref<64x128xf32, #tpu.memory_space<vmem>>, vector<1x16xf32>,
        %swap3A_1131 = arith.index_cast %scan3A_1063 : i32 to index
        %swap3A_1132 = arith.constant 48 : index
        %swap3A_1133 = tpu.vector_load %arg22[%swap3A_1131, %swap3A_1132] {strides = array<i32>} : memref<64x128xf32, #tpu.memory_space<vmem>>, vector<1x16xf32>,
        %swap3A_1134 = vector.shape_cast %swap3A_1133 : vector<1x16xf32> to vector<16xf32>
        %swap3A_1135 = vector.shape_cast %mul3A_1125 : vector<16xf32> to vector<1x16xf32>
        tpu.vector_store %arg22[%swap3A_1131, %swap3A_1132], %swap3A_1135 {strides = array<i32>} : memref<64x128xf32, #tpu.memory_space<vmem>>, vector<1x16xf32>,
        %get3A_1136 = arith.index_cast %scan3A_1063 : i32 to index
        %get3A_1137 = arith.constant 32 : index
        %get3A_1138 = tpu.vector_load %arg18[%get3A_1136, %get3A_1137] {strides = array<i32>} : memref<64x64xi32, #tpu.memory_space<vmem>>, vector<1x16xi32>,
        %get3A_1139 = vector.shape_cast %get3A_1138 : vector<1x16xi32> to vector<16xi32>
        %get3A_1140 = arith.index_cast %scan3A_1063 : i32 to index
        %get3A_1141 = arith.constant 32 : index
        %get3A_1142 = tpu.vector_load %arg20[%get3A_1140, %get3A_1141] {strides = array<i32>} : memref<64x64xi32, #tpu.memory_space<vmem>>, vector<1x16xi32>,
        %get3A_1143 = vector.shape_cast %get3A_1142 : vector<1x16xi32> to vector<16xi32>
        %shift_left3A_1144 = arith.constant 16 : i32
        %shift_left3A_1145 = vector.broadcast %shift_left3A_1144 : i32 to vector<16xi32>
        %shift_left3A_1146 = arith.shli %get3A_1139, %shift_left3A_1145 : vector<16xi32>
        %bitcast_convert_type3A_1147 = tpu.bitcast %shift_left3A_1146 : vector<16xi32> -> vector<16xf32>
        %shift_left3A_1148 = arith.constant 16 : i32
        %shift_left3A_1149 = vector.broadcast %shift_left3A_1148 : i32 to vector<16xi32>
        %shift_left3A_1150 = arith.shli %get3A_1143, %shift_left3A_1149 : vector<16xi32>
        %bitcast_convert_type3A_1151 = tpu.bitcast %shift_left3A_1150 : vector<16xi32> -> vector<16xf32>
        %mul3A_1152 = arith.mulf %bitcast_convert_type3A_1147, %bitcast_convert_type3A_1151 : vector<16xf32>
        %and3A_1153 = arith.constant -65536 : i32
        %and3A_1154 = vector.broadcast %and3A_1153 : i32 to vector<16xi32>
        %and3A_1155 = arith.andi %get3A_1139, %and3A_1154 : vector<16xi32>
        %bitcast_convert_type3A_1156 = tpu.bitcast %and3A_1155 : vector<16xi32> -> vector<16xf32>
        %and3A_1157 = arith.constant -65536 : i32
        %and3A_1158 = vector.broadcast %and3A_1157 : i32 to vector<16xi32>
        %and3A_1159 = arith.andi %get3A_1143, %and3A_1158 : vector<16xi32>
        %bitcast_convert_type3A_1160 = tpu.bitcast %and3A_1159 : vector<16xi32> -> vector<16xf32>
        %mul3A_1161 = arith.mulf %bitcast_convert_type3A_1156, %bitcast_convert_type3A_1160 : vector<16xf32>
        %swap3A_1162 = arith.index_cast %scan3A_1063 : i32 to index
        %swap3A_1163 = arith.constant 64 : index
        %swap3A_1164 = tpu.vector_load %arg22[%swap3A_1162, %swap3A_1163] {strides = array<i32>} : memref<64x128xf32, #tpu.memory_space<vmem>>, vector<1x16xf32>,
        %swap3A_1165 = vector.shape_cast %swap3A_1164 : vector<1x16xf32> to vector<16xf32>
        %swap3A_1166 = vector.shape_cast %mul3A_1152 : vector<16xf32> to vector<1x16xf32>
        tpu.vector_store %arg22[%swap3A_1162, %swap3A_1163], %swap3A_1166 {strides = array<i32>} : memref<64x128xf32, #tpu.memory_space<vmem>>, vector<1x16xf32>,
        %swap3A_1167 = arith.index_cast %scan3A_1063 : i32 to index
        %swap3A_1168 = arith.constant 80 : index
        %swap3A_1169 = tpu.vector_load %arg22[%swap3A_1167, %swap3A_1168] {strides = array<i32>} : memref<64x128xf32, #tpu.memory_space<vmem>>, vector<1x16xf32>,
        %swap3A_1170 = vector.shape_cast %swap3A_1169 : vector<1x16xf32> to vector<16xf32>
        %swap3A_1171 = vector.shape_cast %mul3A_1161 : vector<16xf32> to vector<1x16xf32>
        tpu.vector_store %arg22[%swap3A_1167, %swap3A_1168], %swap3A_1171 {strides = array<i32>} : memref<64x128xf32, #tpu.memory_space<vmem>>, vector<1x16xf32>,
        %get3A_1172 = arith.index_cast %scan3A_1063 : i32 to index
        %get3A_1173 = arith.constant 48 : index
        %get3A_1174 = tpu.vector_load %arg18[%get3A_1172, %get3A_1173] {strides = array<i32>} : memref<64x64xi32, #tpu.memory_space<vmem>>, vector<1x16xi32>,
        %get3A_1175 = vector.shape_cast %get3A_1174 : vector<1x16xi32> to vector<16xi32>
        %get3A_1176 = arith.index_cast %scan3A_1063 : i32 to index
        %get3A_1177 = arith.constant 48 : index
        %get3A_1178 = tpu.vector_load %arg20[%get3A_1176, %get3A_1177] {strides = array<i32>} : memref<64x64xi32, #tpu.memory_space<vmem>>, vector<1x16xi32>,
        %get3A_1179 = vector.shape_cast %get3A_1178 : vector<1x16xi32> to vector<16xi32>
        %shift_left3A_1180 = arith.constant 16 : i32
        %shift_left3A_1181 = vector.broadcast %shift_left3A_1180 : i32 to vector<16xi32>
        %shift_left3A_1182 = arith.shli %get3A_1175, %shift_left3A_1181 : vector<16xi32>
        %bitcast_convert_type3A_1183 = tpu.bitcast %shift_left3A_1182 : vector<16xi32> -> vector<16xf32>
        %shift_left3A_1184 = arith.constant 16 : i32
        %shift_left3A_1185 = vector.broadcast %shift_left3A_1184 : i32 to vector<16xi32>
        %shift_left3A_1186 = arith.shli %get3A_1179, %shift_left3A_1185 : vector<16xi32>
        %bitcast_convert_type3A_1187 = tpu.bitcast %shift_left3A_1186 : vector<16xi32> -> vector<16xf32>
        %mul3A_1188 = arith.mulf %bitcast_convert_type3A_1183, %bitcast_convert_type3A_1187 : vector<16xf32>
        %and3A_1189 = arith.constant -65536 : i32
        %and3A_1190 = vector.broadcast %and3A_1189 : i32 to vector<16xi32>
        %and3A_1191 = arith.andi %get3A_1175, %and3A_1190 : vector<16xi32>
        %bitcast_convert_type3A_1192 = tpu.bitcast %and3A_1191 : vector<16xi32> -> vector<16xf32>
        %and3A_1193 = arith.constant -65536 : i32
        %and3A_1194 = vector.broadcast %and3A_1193 : i32 to vector<16xi32>
        %and3A_1195 = arith.andi %get3A_1179, %and3A_1194 : vector<16xi32>
        %bitcast_convert_type3A_1196 = tpu.bitcast %and3A_1195 : vector<16xi32> -> vector<16xf32>
        %mul3A_1197 = arith.mulf %bitcast_convert_type3A_1192, %bitcast_convert_type3A_1196 : vector<16xf32>
        %swap3A_1198 = arith.index_cast %scan3A_1063 : i32 to index
        %swap3A_1199 = arith.constant 96 : index
        %swap3A_1200 = tpu.vector_load %arg22[%swap3A_1198, %swap3A_1199] {strides = array<i32>} : memref<64x128xf32, #tpu.memory_space<vmem>>, vector<1x16xf32>,
        %swap3A_1201 = vector.shape_cast %swap3A_1200 : vector<1x16xf32> to vector<16xf32>
        %swap3A_1202 = vector.shape_cast %mul3A_1188 : vector<16xf32> to vector<1x16xf32>
        tpu.vector_store %arg22[%swap3A_1198, %swap3A_1199], %swap3A_1202 {strides = array<i32>} : memref<64x128xf32, #tpu.memory_space<vmem>>, vector<1x16xf32>,
        %swap3A_1203 = arith.index_cast %scan3A_1063 : i32 to index
        %swap3A_1204 = arith.constant 112 : index
        %swap3A_1205 = tpu.vector_load %arg22[%swap3A_1203, %swap3A_1204] {strides = array<i32>} : memref<64x128xf32, #tpu.memory_space<vmem>>, vector<1x16xf32>,
        %swap3A_1206 = vector.shape_cast %swap3A_1205 : vector<1x16xf32> to vector<16xf32>
        %swap3A_1207 = vector.shape_cast %mul3A_1197 : vector<16xf32> to vector<1x16xf32>
        tpu.vector_store %arg22[%swap3A_1203, %swap3A_1204], %swap3A_1207 {strides = array<i32>} : memref<64x128xf32, #tpu.memory_space<vmem>>, vector<1x16xf32>,
        %scan3A_1208 = arith.constant 3 : i32
        %scan3A_1209 = arith.addi %scan3A_774, %scan3A_1208 : i32
        %get3A_1210 = arith.index_cast %scan3A_1209 : i32 to index
        %get3A_1211 = arith.constant 0 : index
        %get3A_1212 = tpu.vector_load %arg18[%get3A_1210, %get3A_1211] {strides = array<i32>} : memref<64x64xi32, #tpu.memory_space<vmem>>, vector<1x16xi32>,
        %get3A_1213 = vector.shape_cast %get3A_1212 : vector<1x16xi32> to vector<16xi32>
        %get3A_1214 = arith.index_cast %scan3A_1209 : i32 to index
        %get3A_1215 = arith.constant 0 : index
        %get3A_1216 = tpu.vector_load %arg20[%get3A_1214, %get3A_1215] {strides = array<i32>} : memref<64x64xi32, #tpu.memory_space<vmem>>, vector<1x16xi32>,
        %get3A_1217 = vector.shape_cast %get3A_1216 : vector<1x16xi32> to vector<16xi32>
        %shift_left3A_1218 = arith.constant 16 : i32
        %shift_left3A_1219 = vector.broadcast %shift_left3A_1218 : i32 to vector<16xi32>
        %shift_left3A_1220 = arith.shli %get3A_1213, %shift_left3A_1219 : vector<16xi32>
        %bitcast_convert_type3A_1221 = tpu.bitcast %shift_left3A_1220 : vector<16xi32> -> vector<16xf32>
        %shift_left3A_1222 = arith.constant 16 : i32
        %shift_left3A_1223 = vector.broadcast %shift_left3A_1222 : i32 to vector<16xi32>
        %shift_left3A_1224 = arith.shli %get3A_1217, %shift_left3A_1223 : vector<16xi32>
        %bitcast_convert_type3A_1225 = tpu.bitcast %shift_left3A_1224 : vector<16xi32> -> vector<16xf32>
        %mul3A_1226 = arith.mulf %bitcast_convert_type3A_1221, %bitcast_convert_type3A_1225 : vector<16xf32>
        %and3A_1227 = arith.constant -65536 : i32
        %and3A_1228 = vector.broadcast %and3A_1227 : i32 to vector<16xi32>
        %and3A_1229 = arith.andi %get3A_1213, %and3A_1228 : vector<16xi32>
        %bitcast_convert_type3A_1230 = tpu.bitcast %and3A_1229 : vector<16xi32> -> vector<16xf32>
        %and3A_1231 = arith.constant -65536 : i32
        %and3A_1232 = vector.broadcast %and3A_1231 : i32 to vector<16xi32>
        %and3A_1233 = arith.andi %get3A_1217, %and3A_1232 : vector<16xi32>
        %bitcast_convert_type3A_1234 = tpu.bitcast %and3A_1233 : vector<16xi32> -> vector<16xf32>
        %mul3A_1235 = arith.mulf %bitcast_convert_type3A_1230, %bitcast_convert_type3A_1234 : vector<16xf32>
        %swap3A_1236 = arith.index_cast %scan3A_1209 : i32 to index
        %swap3A_1237 = arith.constant 0 : index
        %swap3A_1238 = tpu.vector_load %arg22[%swap3A_1236, %swap3A_1237] {strides = array<i32>} : memref<64x128xf32, #tpu.memory_space<vmem>>, vector<1x16xf32>,
        %swap3A_1239 = vector.shape_cast %swap3A_1238 : vector<1x16xf32> to vector<16xf32>
        %swap3A_1240 = vector.shape_cast %mul3A_1226 : vector<16xf32> to vector<1x16xf32>
        tpu.vector_store %arg22[%swap3A_1236, %swap3A_1237], %swap3A_1240 {strides = array<i32>} : memref<64x128xf32, #tpu.memory_space<vmem>>, vector<1x16xf32>,
        %swap3A_1241 = arith.index_cast %scan3A_1209 : i32 to index
        %swap3A_1242 = arith.constant 16 : index
        %swap3A_1243 = tpu.vector_load %arg22[%swap3A_1241, %swap3A_1242] {strides = array<i32>} : memref<64x128xf32, #tpu.memory_space<vmem>>, vector<1x16xf32>,
        %swap3A_1244 = vector.shape_cast %swap3A_1243 : vector<1x16xf32> to vector<16xf32>
        %swap3A_1245 = vector.shape_cast %mul3A_1235 : vector<16xf32> to vector<1x16xf32>
        tpu.vector_store %arg22[%swap3A_1241, %swap3A_1242], %swap3A_1245 {strides = array<i32>} : memref<64x128xf32, #tpu.memory_space<vmem>>, vector<1x16xf32>,
        %get3A_1246 = arith.index_cast %scan3A_1209 : i32 to index
        %get3A_1247 = arith.constant 16 : index
        %get3A_1248 = tpu.vector_load %arg18[%get3A_1246, %get3A_1247] {strides = array<i32>} : memref<64x64xi32, #tpu.memory_space<vmem>>, vector<1x16xi32>,
        %get3A_1249 = vector.shape_cast %get3A_1248 : vector<1x16xi32> to vector<16xi32>
        %get3A_1250 = arith.index_cast %scan3A_1209 : i32 to index
        %get3A_1251 = arith.constant 16 : index
        %get3A_1252 = tpu.vector_load %arg20[%get3A_1250, %get3A_1251] {strides = array<i32>} : memref<64x64xi32, #tpu.memory_space<vmem>>, vector<1x16xi32>,
        %get3A_1253 = vector.shape_cast %get3A_1252 : vector<1x16xi32> to vector<16xi32>
        %shift_left3A_1254 = arith.constant 16 : i32
        %shift_left3A_1255 = vector.broadcast %shift_left3A_1254 : i32 to vector<16xi32>
        %shift_left3A_1256 = arith.shli %get3A_1249, %shift_left3A_1255 : vector<16xi32>
        %bitcast_convert_type3A_1257 = tpu.bitcast %shift_left3A_1256 : vector<16xi32> -> vector<16xf32>
        %shift_left3A_1258 = arith.constant 16 : i32
        %shift_left3A_1259 = vector.broadcast %shift_left3A_1258 : i32 to vector<16xi32>
        %shift_left3A_1260 = arith.shli %get3A_1253, %shift_left3A_1259 : vector<16xi32>
        %bitcast_convert_type3A_1261 = tpu.bitcast %shift_left3A_1260 : vector<16xi32> -> vector<16xf32>
        %mul3A_1262 = arith.mulf %bitcast_convert_type3A_1257, %bitcast_convert_type3A_1261 : vector<16xf32>
        %and3A_1263 = arith.constant -65536 : i32
        %and3A_1264 = vector.broadcast %and3A_1263 : i32 to vector<16xi32>
        %and3A_1265 = arith.andi %get3A_1249, %and3A_1264 : vector<16xi32>
        %bitcast_convert_type3A_1266 = tpu.bitcast %and3A_1265 : vector<16xi32> -> vector<16xf32>
        %and3A_1267 = arith.constant -65536 : i32
        %and3A_1268 = vector.broadcast %and3A_1267 : i32 to vector<16xi32>
        %and3A_1269 = arith.andi %get3A_1253, %and3A_1268 : vector<16xi32>
        %bitcast_convert_type3A_1270 = tpu.bitcast %and3A_1269 : vector<16xi32> -> vector<16xf32>
        %mul3A_1271 = arith.mulf %bitcast_convert_type3A_1266, %bitcast_convert_type3A_1270 : vector<16xf32>
        %swap3A_1272 = arith.index_cast %scan3A_1209 : i32 to index
        %swap3A_1273 = arith.constant 32 : index
        %swap3A_1274 = tpu.vector_load %arg22[%swap3A_1272, %swap3A_1273] {strides = array<i32>} : memref<64x128xf32, #tpu.memory_space<vmem>>, vector<1x16xf32>,
        %swap3A_1275 = vector.shape_cast %swap3A_1274 : vector<1x16xf32> to vector<16xf32>
        %swap3A_1276 = vector.shape_cast %mul3A_1262 : vector<16xf32> to vector<1x16xf32>
        tpu.vector_store %arg22[%swap3A_1272, %swap3A_1273], %swap3A_1276 {strides = array<i32>} : memref<64x128xf32, #tpu.memory_space<vmem>>, vector<1x16xf32>,
        %swap3A_1277 = arith.index_cast %scan3A_1209 : i32 to index
        %swap3A_1278 = arith.constant 48 : index
        %swap3A_1279 = tpu.vector_load %arg22[%swap3A_1277, %swap3A_1278] {strides = array<i32>} : memref<64x128xf32, #tpu.memory_space<vmem>>, vector<1x16xf32>,
        %swap3A_1280 = vector.shape_cast %swap3A_1279 : vector<1x16xf32> to vector<16xf32>
        %swap3A_1281 = vector.shape_cast %mul3A_1271 : vector<16xf32> to vector<1x16xf32>
        tpu.vector_store %arg22[%swap3A_1277, %swap3A_1278], %swap3A_1281 {strides = array<i32>} : memref<64x128xf32, #tpu.memory_space<vmem>>, vector<1x16xf32>,
        %get3A_1282 = arith.index_cast %scan3A_1209 : i32 to index
        %get3A_1283 = arith.constant 32 : index
        %get3A_1284 = tpu.vector_load %arg18[%get3A_1282, %get3A_1283] {strides = array<i32>} : memref<64x64xi32, #tpu.memory_space<vmem>>, vector<1x16xi32>,
        %get3A_1285 = vector.shape_cast %get3A_1284 : vector<1x16xi32> to vector<16xi32>
        %get3A_1286 = arith.index_cast %scan3A_1209 : i32 to index
        %get3A_1287 = arith.constant 32 : index
        %get3A_1288 = tpu.vector_load %arg20[%get3A_1286, %get3A_1287] {strides = array<i32>} : memref<64x64xi32, #tpu.memory_space<vmem>>, vector<1x16xi32>,
        %get3A_1289 = vector.shape_cast %get3A_1288 : vector<1x16xi32> to vector<16xi32>
        %shift_left3A_1290 = arith.constant 16 : i32
        %shift_left3A_1291 = vector.broadcast %shift_left3A_1290 : i32 to vector<16xi32>
        %shift_left3A_1292 = arith.shli %get3A_1285, %shift_left3A_1291 : vector<16xi32>
        %bitcast_convert_type3A_1293 = tpu.bitcast %shift_left3A_1292 : vector<16xi32> -> vector<16xf32>
        %shift_left3A_1294 = arith.constant 16 : i32
        %shift_left3A_1295 = vector.broadcast %shift_left3A_1294 : i32 to vector<16xi32>
        %shift_left3A_1296 = arith.shli %get3A_1289, %shift_left3A_1295 : vector<16xi32>
        %bitcast_convert_type3A_1297 = tpu.bitcast %shift_left3A_1296 : vector<16xi32> -> vector<16xf32>
        %mul3A_1298 = arith.mulf %bitcast_convert_type3A_1293, %bitcast_convert_type3A_1297 : vector<16xf32>
        %and3A_1299 = arith.constant -65536 : i32
        %and3A_1300 = vector.broadcast %and3A_1299 : i32 to vector<16xi32>
        %and3A_1301 = arith.andi %get3A_1285, %and3A_1300 : vector<16xi32>
        %bitcast_convert_type3A_1302 = tpu.bitcast %and3A_1301 : vector<16xi32> -> vector<16xf32>
        %and3A_1303 = arith.constant -65536 : i32
        %and3A_1304 = vector.broadcast %and3A_1303 : i32 to vector<16xi32>
        %and3A_1305 = arith.andi %get3A_1289, %and3A_1304 : vector<16xi32>
        %bitcast_convert_type3A_1306 = tpu.bitcast %and3A_1305 : vector<16xi32> -> vector<16xf32>
        %mul3A_1307 = arith.mulf %bitcast_convert_type3A_1302, %bitcast_convert_type3A_1306 : vector<16xf32>
        %swap3A_1308 = arith.index_cast %scan3A_1209 : i32 to index
        %swap3A_1309 = arith.constant 64 : index
        %swap3A_1310 = tpu.vector_load %arg22[%swap3A_1308, %swap3A_1309] {strides = array<i32>} : memref<64x128xf32, #tpu.memory_space<vmem>>, vector<1x16xf32>,
        %swap3A_1311 = vector.shape_cast %swap3A_1310 : vector<1x16xf32> to vector<16xf32>
        %swap3A_1312 = vector.shape_cast %mul3A_1298 : vector<16xf32> to vector<1x16xf32>
        tpu.vector_store %arg22[%swap3A_1308, %swap3A_1309], %swap3A_1312 {strides = array<i32>} : memref<64x128xf32, #tpu.memory_space<vmem>>, vector<1x16xf32>,
        %swap3A_1313 = arith.index_cast %scan3A_1209 : i32 to index
        %swap3A_1314 = arith.constant 80 : index
        %swap3A_1315 = tpu.vector_load %arg22[%swap3A_1313, %swap3A_1314] {strides = array<i32>} : memref<64x128xf32, #tpu.memory_space<vmem>>, vector<1x16xf32>,
        %swap3A_1316 = vector.shape_cast %swap3A_1315 : vector<1x16xf32> to vector<16xf32>
        %swap3A_1317 = vector.shape_cast %mul3A_1307 : vector<16xf32> to vector<1x16xf32>
        tpu.vector_store %arg22[%swap3A_1313, %swap3A_1314], %swap3A_1317 {strides = array<i32>} : memref<64x128xf32, #tpu.memory_space<vmem>>, vector<1x16xf32>,
        %get3A_1318 = arith.index_cast %scan3A_1209 : i32 to index
        %get3A_1319 = arith.constant 48 : index
        %get3A_1320 = tpu.vector_load %arg18[%get3A_1318, %get3A_1319] {strides = array<i32>} : memref<64x64xi32, #tpu.memory_space<vmem>>, vector<1x16xi32>,
        %get3A_1321 = vector.shape_cast %get3A_1320 : vector<1x16xi32> to vector<16xi32>
        %get3A_1322 = arith.index_cast %scan3A_1209 : i32 to index
        %get3A_1323 = arith.constant 48 : index
        %get3A_1324 = tpu.vector_load %arg20[%get3A_1322, %get3A_1323] {strides = array<i32>} : memref<64x64xi32, #tpu.memory_space<vmem>>, vector<1x16xi32>,
        %get3A_1325 = vector.shape_cast %get3A_1324 : vector<1x16xi32> to vector<16xi32>
        %shift_left3A_1326 = arith.constant 16 : i32
        %shift_left3A_1327 = vector.broadcast %shift_left3A_1326 : i32 to vector<16xi32>
        %shift_left3A_1328 = arith.shli %get3A_1321, %shift_left3A_1327 : vector<16xi32>
        %bitcast_convert_type3A_1329 = tpu.bitcast %shift_left3A_1328 : vector<16xi32> -> vector<16xf32>
        %shift_left3A_1330 = arith.constant 16 : i32
        %shift_left3A_1331 = vector.broadcast %shift_left3A_1330 : i32 to vector<16xi32>
        %shift_left3A_1332 = arith.shli %get3A_1325, %shift_left3A_1331 : vector<16xi32>
        %bitcast_convert_type3A_1333 = tpu.bitcast %shift_left3A_1332 : vector<16xi32> -> vector<16xf32>
        %mul3A_1334 = arith.mulf %bitcast_convert_type3A_1329, %bitcast_convert_type3A_1333 : vector<16xf32>
        %and3A_1335 = arith.constant -65536 : i32
        %and3A_1336 = vector.broadcast %and3A_1335 : i32 to vector<16xi32>
        %and3A_1337 = arith.andi %get3A_1321, %and3A_1336 : vector<16xi32>
        %bitcast_convert_type3A_1338 = tpu.bitcast %and3A_1337 : vector<16xi32> -> vector<16xf32>
        %and3A_1339 = arith.constant -65536 : i32
        %and3A_1340 = vector.broadcast %and3A_1339 : i32 to vector<16xi32>
        %and3A_1341 = arith.andi %get3A_1325, %and3A_1340 : vector<16xi32>
        %bitcast_convert_type3A_1342 = tpu.bitcast %and3A_1341 : vector<16xi32> -> vector<16xf32>
        %mul3A_1343 = arith.mulf %bitcast_convert_type3A_1338, %bitcast_convert_type3A_1342 : vector<16xf32>
        %swap3A_1344 = arith.index_cast %scan3A_1209 : i32 to index
        %swap3A_1345 = arith.constant 96 : index
        %swap3A_1346 = tpu.vector_load %arg22[%swap3A_1344, %swap3A_1345] {strides = array<i32>} : memref<64x128xf32, #tpu.memory_space<vmem>>, vector<1x16xf32>,
        %swap3A_1347 = vector.shape_cast %swap3A_1346 : vector<1x16xf32> to vector<16xf32>
        %swap3A_1348 = vector.shape_cast %mul3A_1334 : vector<16xf32> to vector<1x16xf32>
        tpu.vector_store %arg22[%swap3A_1344, %swap3A_1345], %swap3A_1348 {strides = array<i32>} : memref<64x128xf32, #tpu.memory_space<vmem>>, vector<1x16xf32>,
        %swap3A_1349 = arith.index_cast %scan3A_1209 : i32 to index
        %swap3A_1350 = arith.constant 112 : index
        %swap3A_1351 = tpu.vector_load %arg22[%swap3A_1349, %swap3A_1350] {strides = array<i32>} : memref<64x128xf32, #tpu.memory_space<vmem>>, vector<1x16xf32>,
        %swap3A_1352 = vector.shape_cast %swap3A_1351 : vector<1x16xf32> to vector<16xf32>
        %swap3A_1353 = vector.shape_cast %mul3A_1343 : vector<16xf32> to vector<1x16xf32>
        tpu.vector_store %arg22[%swap3A_1349, %swap3A_1350], %swap3A_1353 {strides = array<i32>} : memref<64x128xf32, #tpu.memory_space<vmem>>, vector<1x16xf32>,
      }
      %scan3A_448 = arith.constant 64 : i32
      %dma_start3A_449 = arith.constant 0 : i32
      %dma_start3A_450 = arith.constant 0 : i32
      %dma_start3A_451 = tpu.memref_slice %arg26[%dma_start3A_449, %dma_start3A_450] : memref<10000x128xf32, #tpu.memory_space<vmem_shared>> -> memref<10000x128xf32, #tpu.memory_space<vmem_shared>>
      tpu.enqueue_indirect_dma source(%arg22 : memref<64x128xf32, #tpu.memory_space<vmem>>) target(%dma_start3A_451 : memref<10000x128xf32, #tpu.memory_space<vmem_shared>>) offsets(%arg14 : memref<64xi32, #tpu.memory_space<vmem>>) semaphore(%arg31 : memref<!tpu.dma_semaphore, #tpu.memory_space<semaphore_mem>>) {add = true}
      %mul3A_452 = arith.constant 4 : i32
      %mul3A_453 = arith.muli %mul3A_452, %scan3A_431 : i32
      %add3A_454 = arith.constant 0 : i32
      %add3A_455 = arith.addi %mul3A_453, %add3A_454 : i32
      %add3A_456 = arith.constant 2 : i32
      %add3A_457 = arith.addi %add3A_455, %add3A_456 : i32
      %dma_wait3A_458 = arith.constant 0 : i32
      %dma_wait3A_459 = tpu.memref_slice %arg2[%dma_wait3A_458] : memref<640000xi32, #tpu.memory_space<hbm>> -> memref<64xi32, #tpu.memory_space<hbm>>
      %dma_wait3A_460 = arith.constant 0 : i32
      %dma_wait3A_461 = tpu.memref_slice %arg2[%dma_wait3A_460] : memref<640000xi32, #tpu.memory_space<hbm>> -> memref<64xi32, #tpu.memory_space<hbm>>
      tpu.wait_dma2 semaphore(%arg29 : memref<!tpu.dma_semaphore, #tpu.memory_space<semaphore_mem>>) src(%dma_wait3A_461 : memref<64xi32, #tpu.memory_space<hbm>>) dst(%arg6 : memref<64xi32, #tpu.memory_space<vmem>>)
      %dma_wait3A_462 = arith.constant 0 : i32
      %dma_wait3A_463 = tpu.memref_slice %arg2[%dma_wait3A_462] : memref<640000xi32, #tpu.memory_space<hbm>> -> memref<64xi32, #tpu.memory_space<hbm>>
      %dma_wait3A_464 = arith.constant 0 : i32
      %dma_wait3A_465 = tpu.memref_slice %arg2[%dma_wait3A_464] : memref<640000xi32, #tpu.memory_space<hbm>> -> memref<64xi32, #tpu.memory_space<hbm>>
      tpu.wait_dma2 semaphore(%arg29 : memref<!tpu.dma_semaphore, #tpu.memory_space<semaphore_mem>>) src(%dma_wait3A_465 : memref<64xi32, #tpu.memory_space<hbm>>) dst(%arg7 : memref<64xi32, #tpu.memory_space<vmem>>)
      %get3A_466 = arith.constant 0 : index
      %get3A_467 = tpu.vector_load %arg6[%get3A_466] {strides = array<i32>} : memref<64xi32, #tpu.memory_space<vmem>>, vector<16xi32>,
      %get3A_468 = vector.shape_cast %get3A_467 : vector<16xi32> to vector<16xi32>
      %get3A_469 = arith.constant 0 : index
      %get3A_470 = tpu.vector_load %arg7[%get3A_469] {strides = array<i32>} : memref<64xi32, #tpu.memory_space<vmem>>, vector<16xi32>,
      %get3A_471 = vector.shape_cast %get3A_470 : vector<16xi32> to vector<16xi32>
      %swap3A_472 = arith.constant 0 : index
      %swap3A_473 = tpu.vector_load %arg10[%swap3A_472] {strides = array<i32>} : memref<64xi32, #tpu.memory_space<vmem>>, vector<16xi32>,
      %swap3A_474 = vector.shape_cast %swap3A_473 : vector<16xi32> to vector<16xi32>
      %swap3A_475 = vector.shape_cast %get3A_468 : vector<16xi32> to vector<16xi32>
      tpu.vector_store %arg10[%swap3A_472], %swap3A_475 {strides = array<i32>} : memref<64xi32, #tpu.memory_space<vmem>>, vector<16xi32>,
      %swap3A_476 = arith.constant 0 : index
      %swap3A_477 = tpu.vector_load %arg16[%swap3A_476] {strides = array<i32>} : memref<64xi32, #tpu.memory_space<vmem>>, vector<16xi32>,
      %swap3A_478 = vector.shape_cast %swap3A_477 : vector<16xi32> to vector<16xi32>
      %swap3A_479 = vector.shape_cast %get3A_471 : vector<16xi32> to vector<16xi32>
      tpu.vector_store %arg16[%swap3A_476], %swap3A_479 {strides = array<i32>} : memref<64xi32, #tpu.memory_space<vmem>>, vector<16xi32>,
      %sub3A_480 = arith.subi %get3A_468, %get3A_471 : vector<16xi32>
      %lt3A_481 = arith.constant 0 : i32
      %lt3A_482 = vector.broadcast %lt3A_481 : i32 to vector<16xi32>
      %lt3A_483 = arith.cmpi slt, %sub3A_480, %lt3A_482 : vector<16xi32>
      %add3A_484 = arith.constant 10000 : i32
      %add3A_485 = vector.broadcast %add3A_484 : i32 to vector<16xi32>
      %add3A_486 = arith.addi %sub3A_480, %add3A_485 : vector<16xi32>
      %select_n3A_487 = arith.select %lt3A_483, %add3A_486, %sub3A_480 : vector<16xi1>, vector<16xi32>
      %swap3A_488 = arith.constant 0 : index
      %swap3A_489 = tpu.vector_load %arg12[%swap3A_488] {strides = array<i32>} : memref<64xi32, #tpu.memory_space<vmem>>, vector<16xi32>,
      %swap3A_490 = vector.shape_cast %swap3A_489 : vector<16xi32> to vector<16xi32>
      %swap3A_491 = vector.shape_cast %select_n3A_487 : vector<16xi32> to vector<16xi32>
      tpu.vector_store %arg12[%swap3A_488], %swap3A_491 {strides = array<i32>} : memref<64xi32, #tpu.memory_space<vmem>>, vector<16xi32>,
      %get3A_492 = arith.constant 16 : index
      %get3A_493 = tpu.vector_load %arg6[%get3A_492] {strides = array<i32>} : memref<64xi32, #tpu.memory_space<vmem>>, vector<16xi32>,
      %get3A_494 = vector.shape_cast %get3A_493 : vector<16xi32> to vector<16xi32>
      %get3A_495 = arith.constant 16 : index
      %get3A_496 = tpu.vector_load %arg7[%get3A_495] {strides = array<i32>} : memref<64xi32, #tpu.memory_space<vmem>>, vector<16xi32>,
      %get3A_497 = vector.shape_cast %get3A_496 : vector<16xi32> to vector<16xi32>
      %swap3A_498 = arith.constant 16 : index
      %swap3A_499 = tpu.vector_load %arg10[%swap3A_498] {strides = array<i32>} : memref<64xi32, #tpu.memory_space<vmem>>, vector<16xi32>,
      %swap3A_500 = vector.shape_cast %swap3A_499 : vector<16xi32> to vector<16xi32>
      %swap3A_501 = vector.shape_cast %get3A_494 : vector<16xi32> to vector<16xi32>
      tpu.vector_store %arg10[%swap3A_498], %swap3A_501 {strides = array<i32>} : memref<64xi32, #tpu.memory_space<vmem>>, vector<16xi32>,
      %swap3A_502 = arith.constant 16 : index
      %swap3A_503 = tpu.vector_load %arg16[%swap3A_502] {strides = array<i32>} : memref<64xi32, #tpu.memory_space<vmem>>, vector<16xi32>,
      %swap3A_504 = vector.shape_cast %swap3A_503 : vector<16xi32> to vector<16xi32>
      %swap3A_505 = vector.shape_cast %get3A_497 : vector<16xi32> to vector<16xi32>
      tpu.vector_store %arg16[%swap3A_502], %swap3A_505 {strides = array<i32>} : memref<64xi32, #tpu.memory_space<vmem>>, vector<16xi32>,
      %sub3A_506 = arith.subi %get3A_494, %get3A_497 : vector<16xi32>
      %lt3A_507 = arith.constant 0 : i32
      %lt3A_508 = vector.broadcast %lt3A_507 : i32 to vector<16xi32>
      %lt3A_509 = arith.cmpi slt, %sub3A_506, %lt3A_508 : vector<16xi32>
      %add3A_510 = arith.constant 10000 : i32
      %add3A_511 = vector.broadcast %add3A_510 : i32 to vector<16xi32>
      %add3A_512 = arith.addi %sub3A_506, %add3A_511 : vector<16xi32>
      %select_n3A_513 = arith.select %lt3A_509, %add3A_512, %sub3A_506 : vector<16xi1>, vector<16xi32>
      %swap3A_514 = arith.constant 16 : index
      %swap3A_515 = tpu.vector_load %arg12[%swap3A_514] {strides = array<i32>} : memref<64xi32, #tpu.memory_space<vmem>>, vector<16xi32>,
      %swap3A_516 = vector.shape_cast %swap3A_515 : vector<16xi32> to vector<16xi32>
      %swap3A_517 = vector.shape_cast %select_n3A_513 : vector<16xi32> to vector<16xi32>
      tpu.vector_store %arg12[%swap3A_514], %swap3A_517 {strides = array<i32>} : memref<64xi32, #tpu.memory_space<vmem>>, vector<16xi32>,
      %get3A_518 = arith.constant 32 : index
      %get3A_519 = tpu.vector_load %arg6[%get3A_518] {strides = array<i32>} : memref<64xi32, #tpu.memory_space<vmem>>, vector<16xi32>,
      %get3A_520 = vector.shape_cast %get3A_519 : vector<16xi32> to vector<16xi32>
      %get3A_521 = arith.constant 32 : index
      %get3A_522 = tpu.vector_load %arg7[%get3A_521] {strides = array<i32>} : memref<64xi32, #tpu.memory_space<vmem>>, vector<16xi32>,
      %get3A_523 = vector.shape_cast %get3A_522 : vector<16xi32> to vector<16xi32>
      %swap3A_524 = arith.constant 32 : index
      %swap3A_525 = tpu.vector_load %arg10[%swap3A_524] {strides = array<i32>} : memref<64xi32, #tpu.memory_space<vmem>>, vector<16xi32>,
      %swap3A_526 = vector.shape_cast %swap3A_525 : vector<16xi32> to vector<16xi32>
      %swap3A_527 = vector.shape_cast %get3A_520 : vector<16xi32> to vector<16xi32>
      tpu.vector_store %arg10[%swap3A_524], %swap3A_527 {strides = array<i32>} : memref<64xi32, #tpu.memory_space<vmem>>, vector<16xi32>,
      %swap3A_528 = arith.constant 32 : index
      %swap3A_529 = tpu.vector_load %arg16[%swap3A_528] {strides = array<i32>} : memref<64xi32, #tpu.memory_space<vmem>>, vector<16xi32>,
      %swap3A_530 = vector.shape_cast %swap3A_529 : vector<16xi32> to vector<16xi32>
      %swap3A_531 = vector.shape_cast %get3A_523 : vector<16xi32> to vector<16xi32>
      tpu.vector_store %arg16[%swap3A_528], %swap3A_531 {strides = array<i32>} : memref<64xi32, #tpu.memory_space<vmem>>, vector<16xi32>,
      %sub3A_532 = arith.subi %get3A_520, %get3A_523 : vector<16xi32>
      %lt3A_533 = arith.constant 0 : i32
      %lt3A_534 = vector.broadcast %lt3A_533 : i32 to vector<16xi32>
      %lt3A_535 = arith.cmpi slt, %sub3A_532, %lt3A_534 : vector<16xi32>
      %add3A_536 = arith.constant 10000 : i32
      %add3A_537 = vector.broadcast %add3A_536 : i32 to vector<16xi32>
      %add3A_538 = arith.addi %sub3A_532, %add3A_537 : vector<16xi32>
      %select_n3A_539 = arith.select %lt3A_535, %add3A_538, %sub3A_532 : vector<16xi1>, vector<16xi32>
      %swap3A_540 = arith.constant 32 : index
      %swap3A_541 = tpu.vector_load %arg12[%swap3A_540] {strides = array<i32>} : memref<64xi32, #tpu.memory_space<vmem>>, vector<16xi32>,
      %swap3A_542 = vector.shape_cast %swap3A_541 : vector<16xi32> to vector<16xi32>
      %swap3A_543 = vector.shape_cast %select_n3A_539 : vector<16xi32> to vector<16xi32>
      tpu.vector_store %arg12[%swap3A_540], %swap3A_543 {strides = array<i32>} : memref<64xi32, #tpu.memory_space<vmem>>, vector<16xi32>,
      %get3A_544 = arith.constant 48 : index
      %get3A_545 = tpu.vector_load %arg6[%get3A_544] {strides = array<i32>} : memref<64xi32, #tpu.memory_space<vmem>>, vector<16xi32>,
      %get3A_546 = vector.shape_cast %get3A_545 : vector<16xi32> to vector<16xi32>
      %get3A_547 = arith.constant 48 : index
      %get3A_548 = tpu.vector_load %arg7[%get3A_547] {strides = array<i32>} : memref<64xi32, #tpu.memory_space<vmem>>, vector<16xi32>,
      %get3A_549 = vector.shape_cast %get3A_548 : vector<16xi32> to vector<16xi32>
      %swap3A_550 = arith.constant 48 : index
      %swap3A_551 = tpu.vector_load %arg10[%swap3A_550] {strides = array<i32>} : memref<64xi32, #tpu.memory_space<vmem>>, vector<16xi32>,
      %swap3A_552 = vector.shape_cast %swap3A_551 : vector<16xi32> to vector<16xi32>
      %swap3A_553 = vector.shape_cast %get3A_546 : vector<16xi32> to vector<16xi32>
      tpu.vector_store %arg10[%swap3A_550], %swap3A_553 {strides = array<i32>} : memref<64xi32, #tpu.memory_space<vmem>>, vector<16xi32>,
      %swap3A_554 = arith.constant 48 : index
      %swap3A_555 = tpu.vector_load %arg16[%swap3A_554] {strides = array<i32>} : memref<64xi32, #tpu.memory_space<vmem>>, vector<16xi32>,
      %swap3A_556 = vector.shape_cast %swap3A_555 : vector<16xi32> to vector<16xi32>
      %swap3A_557 = vector.shape_cast %get3A_549 : vector<16xi32> to vector<16xi32>
      tpu.vector_store %arg16[%swap3A_554], %swap3A_557 {strides = array<i32>} : memref<64xi32, #tpu.memory_space<vmem>>, vector<16xi32>,
      %sub3A_558 = arith.subi %get3A_546, %get3A_549 : vector<16xi32>
      %lt3A_559 = arith.constant 0 : i32
      %lt3A_560 = vector.broadcast %lt3A_559 : i32 to vector<16xi32>
      %lt3A_561 = arith.cmpi slt, %sub3A_558, %lt3A_560 : vector<16xi32>
      %add3A_562 = arith.constant 10000 : i32
      %add3A_563 = vector.broadcast %add3A_562 : i32 to vector<16xi32>
      %add3A_564 = arith.addi %sub3A_558, %add3A_563 : vector<16xi32>
      %select_n3A_565 = arith.select %lt3A_561, %add3A_564, %sub3A_558 : vector<16xi1>, vector<16xi32>
      %swap3A_566 = arith.constant 48 : index
      %swap3A_567 = tpu.vector_load %arg12[%swap3A_566] {strides = array<i32>} : memref<64xi32, #tpu.memory_space<vmem>>, vector<16xi32>,
      %swap3A_568 = vector.shape_cast %swap3A_567 : vector<16xi32> to vector<16xi32>
      %swap3A_569 = vector.shape_cast %select_n3A_565 : vector<16xi32> to vector<16xi32>
      tpu.vector_store %arg12[%swap3A_566], %swap3A_569 {strides = array<i32>} : memref<64xi32, #tpu.memory_space<vmem>>, vector<16xi32>,
      %dma_start3A_570 = arith.constant 0 : i32
      %dma_start3A_571 = arith.constant 0 : i32
      %dma_start3A_572 = tpu.memref_slice %arg3[%dma_start3A_570, %dma_start3A_571] : memref<10000x64xi32, #tpu.memory_space<hbm>> -> memref<10000x64xi32, #tpu.memory_space<hbm>>
      tpu.enqueue_indirect_dma source(%dma_start3A_572 : memref<10000x64xi32, #tpu.memory_space<hbm>>) target(%arg18 : memref<64x64xi32, #tpu.memory_space<vmem>>) offsets(%arg10 : memref<64xi32, #tpu.memory_space<vmem>>) semaphore(%arg27 : memref<!tpu.dma_semaphore, #tpu.memory_space<semaphore_mem>>)
      %dma_start3A_573 = arith.constant 0 : i32
      %dma_start3A_574 = arith.constant 0 : i32
      %dma_start3A_575 = tpu.memref_slice %arg4[%dma_start3A_573, %dma_start3A_574] : memref<10000x64xi32, #tpu.memory_space<hbm>> -> memref<10000x64xi32, #tpu.memory_space<hbm>>
      tpu.enqueue_indirect_dma source(%dma_start3A_575 : memref<10000x64xi32, #tpu.memory_space<hbm>>) target(%arg20 : memref<64x64xi32, #tpu.memory_space<vmem>>) offsets(%arg12 : memref<64xi32, #tpu.memory_space<vmem>>) semaphore(%arg27 : memref<!tpu.dma_semaphore, #tpu.memory_space<semaphore_mem>>)
      %convert_element_type3A_576 = arith.extui %le3A_433 : i1 to i32
      %cond3A_577 = arith.constant 0 : i32
      %cond3A_578 = arith.cmpi ne, %convert_element_type3A_576, %cond3A_577 : i32
      scf.if %cond3A_578 {
        %add3A_774 = arith.constant 2 : i32
        %add3A_775 = arith.addi %add3A_457, %add3A_774 : i32
        %mul3A_776 = arith.constant 64 : i32
        %mul3A_777 = arith.muli %add3A_775, %mul3A_776 : i32
        %add3A_778 = arith.addi %mul3A_2, %mul3A_777 : i32
        %dma_start3A_779 = tpu.memref_slice %arg2[%add3A_778] : memref<640000xi32, #tpu.memory_space<hbm>> -> memref<64xi32, #tpu.memory_space<hbm>>
        %dma_start3A_780 = tpu.memref_slice %arg2[%add3A_778] : memref<640000xi32, #tpu.memory_space<hbm>> -> memref<64xi32, #tpu.memory_space<hbm>>
        tpu.enqueue_dma source(%dma_start3A_780 : memref<64xi32, #tpu.memory_space<hbm>>) target(%arg6 : memref<64xi32, #tpu.memory_space<vmem>>) target_semaphore(%arg29 : memref<!tpu.dma_semaphore, #tpu.memory_space<semaphore_mem>>)
        %add3A_781 = arith.constant 320000 : i32
        %add3A_782 = arith.addi %add3A_781, %add3A_778 : i32
        %dma_start3A_783 = tpu.memref_slice %arg2[%add3A_782] : memref<640000xi32, #tpu.memory_space<hbm>> -> memref<64xi32, #tpu.memory_space<hbm>>
        %dma_start3A_784 = tpu.memref_slice %arg2[%add3A_782] : memref<640000xi32, #tpu.memory_space<hbm>> -> memref<64xi32, #tpu.memory_space<hbm>>
        tpu.enqueue_dma source(%dma_start3A_784 : memref<64xi32, #tpu.memory_space<hbm>>) target(%arg7 : memref<64xi32, #tpu.memory_space<vmem>>) target_semaphore(%arg29 : memref<!tpu.dma_semaphore, #tpu.memory_space<semaphore_mem>>)
      } else {
      }
      %ge3A_579 = arith.constant 1 : i32
      %ge3A_580 = arith.cmpi sge, %scan3A_431, %ge3A_579 : i32
      %le3A_581 = arith.constant 37 : i32
      %le3A_582 = arith.cmpi sle, %scan3A_431, %le3A_581 : i32
      %dma_wait3A_583 = arith.constant 0 : i32
      %dma_wait3A_584 = arith.constant 0 : i32
      %dma_wait3A_585 = tpu.memref_slice %arg3[%dma_wait3A_583, %dma_wait3A_584] : memref<10000x64xi32, #tpu.memory_space<hbm>> -> memref<10000x64xi32, #tpu.memory_space<hbm>>
      tpu.wait_indirect_dma semaphore(%arg28 : memref<!tpu.dma_semaphore, #tpu.memory_space<semaphore_mem>>) src(%dma_wait3A_585 : memref<10000x64xi32, #tpu.memory_space<hbm>>) dst(%arg19 : memref<64x64xi32, #tpu.memory_space<vmem>>)
      %dma_wait3A_586 = arith.constant 0 : i32
      %dma_wait3A_587 = arith.constant 0 : i32
      %dma_wait3A_588 = tpu.memref_slice %arg4[%dma_wait3A_586, %dma_wait3A_587] : memref<10000x64xi32, #tpu.memory_space<hbm>> -> memref<10000x64xi32, #tpu.memory_space<hbm>>
      tpu.wait_indirect_dma semaphore(%arg28 : memref<!tpu.dma_semaphore, #tpu.memory_space<semaphore_mem>>) src(%dma_wait3A_588 : memref<10000x64xi32, #tpu.memory_space<hbm>>) dst(%arg21 : memref<64x64xi32, #tpu.memory_space<vmem>>)
      %convert_element_type3A_589 = arith.extui %ge3A_580 : i1 to i32
      %cond3A_590 = arith.constant 0 : i32
      %cond3A_591 = arith.cmpi ne, %convert_element_type3A_589, %cond3A_590 : i32
      scf.if %cond3A_591 {
        %dma_wait3A_774 = arith.constant 0 : i32
        %dma_wait3A_775 = arith.constant 0 : i32
        %dma_wait3A_776 = tpu.memref_slice %arg26[%dma_wait3A_774, %dma_wait3A_775] : memref<10000x128xf32, #tpu.memory_space<vmem_shared>> -> memref<10000x128xf32, #tpu.memory_space<vmem_shared>>
        tpu.wait_indirect_dma semaphore(%arg32 : memref<!tpu.dma_semaphore, #tpu.memory_space<semaphore_mem>>) src(%arg25 : memref<64x128xf32, #tpu.memory_space<vmem>>) dst(%dma_wait3A_776 : memref<10000x128xf32, #tpu.memory_space<vmem_shared>>)
      } else {
      }
      %scan3A_592 = arith.constant 0 : i32
      %scan3A_593 = arith.constant 0 : i32
      %scan3A_594 = arith.constant 64 : i32
      %scan3A_595 = arith.addi %scan3A_593, %scan3A_594 : i32
      %scan3A_596 = arith.constant 4 : i32
      scf.for %scan3A_774 = %scan3A_593 to %scan3A_595 step %scan3A_596  : i32 {
        %get3A_775 = arith.index_cast %scan3A_774 : i32 to index
        %get3A_776 = arith.constant 0 : index
        %get3A_777 = tpu.vector_load %arg19[%get3A_775, %get3A_776] {strides = array<i32>} : memref<64x64xi32, #tpu.memory_space<vmem>>, vector<1x16xi32>,
        %get3A_778 = vector.shape_cast %get3A_777 : vector<1x16xi32> to vector<16xi32>
        %get3A_779 = arith.index_cast %scan3A_774 : i32 to index
        %get3A_780 = arith.constant 0 : index
        %get3A_781 = tpu.vector_load %arg21[%get3A_779, %get3A_780] {strides = array<i32>} : memref<64x64xi32, #tpu.memory_space<vmem>>, vector<1x16xi32>,
        %get3A_782 = vector.shape_cast %get3A_781 : vector<1x16xi32> to vector<16xi32>
        %shift_left3A = arith.constant 16 : i32
        %shift_left3A_783 = vector.broadcast %shift_left3A : i32 to vector<16xi32>
        %shift_left3A_784 = arith.shli %get3A_778, %shift_left3A_783 : vector<16xi32>
        %bitcast_convert_type3A = tpu.bitcast %shift_left3A_784 : vector<16xi32> -> vector<16xf32>
        %shift_left3A_785 = arith.constant 16 : i32
        %shift_left3A_786 = vector.broadcast %shift_left3A_785 : i32 to vector<16xi32>
        %shift_left3A_787 = arith.shli %get3A_782, %shift_left3A_786 : vector<16xi32>
        %bitcast_convert_type3A_788 = tpu.bitcast %shift_left3A_787 : vector<16xi32> -> vector<16xf32>
        %mul3A_789 = arith.mulf %bitcast_convert_type3A, %bitcast_convert_type3A_788 : vector<16xf32>
        %and3A = arith.constant -65536 : i32
        %and3A_790 = vector.broadcast %and3A : i32 to vector<16xi32>
        %and3A_791 = arith.andi %get3A_778, %and3A_790 : vector<16xi32>
        %bitcast_convert_type3A_792 = tpu.bitcast %and3A_791 : vector<16xi32> -> vector<16xf32>
        %and3A_793 = arith.constant -65536 : i32
        %and3A_794 = vector.broadcast %and3A_793 : i32 to vector<16xi32>
        %and3A_795 = arith.andi %get3A_782, %and3A_794 : vector<16xi32>
        %bitcast_convert_type3A_796 = tpu.bitcast %and3A_795 : vector<16xi32> -> vector<16xf32>
        %mul3A_797 = arith.mulf %bitcast_convert_type3A_792, %bitcast_convert_type3A_796 : vector<16xf32>
        %swap3A_798 = arith.index_cast %scan3A_774 : i32 to index
        %swap3A_799 = arith.constant 0 : index
        %swap3A_800 = tpu.vector_load %arg23[%swap3A_798, %swap3A_799] {strides = array<i32>} : memref<64x128xf32, #tpu.memory_space<vmem>>, vector<1x16xf32>,
        %swap3A_801 = vector.shape_cast %swap3A_800 : vector<1x16xf32> to vector<16xf32>
        %swap3A_802 = vector.shape_cast %mul3A_789 : vector<16xf32> to vector<1x16xf32>
        tpu.vector_store %arg23[%swap3A_798, %swap3A_799], %swap3A_802 {strides = array<i32>} : memref<64x128xf32, #tpu.memory_space<vmem>>, vector<1x16xf32>,
        %swap3A_803 = arith.index_cast %scan3A_774 : i32 to index
        %swap3A_804 = arith.constant 16 : index
        %swap3A_805 = tpu.vector_load %arg23[%swap3A_803, %swap3A_804] {strides = array<i32>} : memref<64x128xf32, #tpu.memory_space<vmem>>, vector<1x16xf32>,
        %swap3A_806 = vector.shape_cast %swap3A_805 : vector<1x16xf32> to vector<16xf32>
        %swap3A_807 = vector.shape_cast %mul3A_797 : vector<16xf32> to vector<1x16xf32>
        tpu.vector_store %arg23[%swap3A_803, %swap3A_804], %swap3A_807 {strides = array<i32>} : memref<64x128xf32, #tpu.memory_space<vmem>>, vector<1x16xf32>,
        %get3A_808 = arith.index_cast %scan3A_774 : i32 to index
        %get3A_809 = arith.constant 16 : index
        %get3A_810 = tpu.vector_load %arg19[%get3A_808, %get3A_809] {strides = array<i32>} : memref<64x64xi32, #tpu.memory_space<vmem>>, vector<1x16xi32>,
        %get3A_811 = vector.shape_cast %get3A_810 : vector<1x16xi32> to vector<16xi32>
        %get3A_812 = arith.index_cast %scan3A_774 : i32 to index
        %get3A_813 = arith.constant 16 : index
        %get3A_814 = tpu.vector_load %arg21[%get3A_812, %get3A_813] {strides = array<i32>} : memref<64x64xi32, #tpu.memory_space<vmem>>, vector<1x16xi32>,
        %get3A_815 = vector.shape_cast %get3A_814 : vector<1x16xi32> to vector<16xi32>
        %shift_left3A_816 = arith.constant 16 : i32
        %shift_left3A_817 = vector.broadcast %shift_left3A_816 : i32 to vector<16xi32>
        %shift_left3A_818 = arith.shli %get3A_811, %shift_left3A_817 : vector<16xi32>
        %bitcast_convert_type3A_819 = tpu.bitcast %shift_left3A_818 : vector<16xi32> -> vector<16xf32>
        %shift_left3A_820 = arith.constant 16 : i32
        %shift_left3A_821 = vector.broadcast %shift_left3A_820 : i32 to vector<16xi32>
        %shift_left3A_822 = arith.shli %get3A_815, %shift_left3A_821 : vector<16xi32>
        %bitcast_convert_type3A_823 = tpu.bitcast %shift_left3A_822 : vector<16xi32> -> vector<16xf32>
        %mul3A_824 = arith.mulf %bitcast_convert_type3A_819, %bitcast_convert_type3A_823 : vector<16xf32>
        %and3A_825 = arith.constant -65536 : i32
        %and3A_826 = vector.broadcast %and3A_825 : i32 to vector<16xi32>
        %and3A_827 = arith.andi %get3A_811, %and3A_826 : vector<16xi32>
        %bitcast_convert_type3A_828 = tpu.bitcast %and3A_827 : vector<16xi32> -> vector<16xf32>
        %and3A_829 = arith.constant -65536 : i32
        %and3A_830 = vector.broadcast %and3A_829 : i32 to vector<16xi32>
        %and3A_831 = arith.andi %get3A_815, %and3A_830 : vector<16xi32>
        %bitcast_convert_type3A_832 = tpu.bitcast %and3A_831 : vector<16xi32> -> vector<16xf32>
        %mul3A_833 = arith.mulf %bitcast_convert_type3A_828, %bitcast_convert_type3A_832 : vector<16xf32>
        %swap3A_834 = arith.index_cast %scan3A_774 : i32 to index
        %swap3A_835 = arith.constant 32 : index
        %swap3A_836 = tpu.vector_load %arg23[%swap3A_834, %swap3A_835] {strides = array<i32>} : memref<64x128xf32, #tpu.memory_space<vmem>>, vector<1x16xf32>,
        %swap3A_837 = vector.shape_cast %swap3A_836 : vector<1x16xf32> to vector<16xf32>
        %swap3A_838 = vector.shape_cast %mul3A_824 : vector<16xf32> to vector<1x16xf32>
        tpu.vector_store %arg23[%swap3A_834, %swap3A_835], %swap3A_838 {strides = array<i32>} : memref<64x128xf32, #tpu.memory_space<vmem>>, vector<1x16xf32>,
        %swap3A_839 = arith.index_cast %scan3A_774 : i32 to index
        %swap3A_840 = arith.constant 48 : index
        %swap3A_841 = tpu.vector_load %arg23[%swap3A_839, %swap3A_840] {strides = array<i32>} : memref<64x128xf32, #tpu.memory_space<vmem>>, vector<1x16xf32>,
        %swap3A_842 = vector.shape_cast %swap3A_841 : vector<1x16xf32> to vector<16xf32>
        %swap3A_843 = vector.shape_cast %mul3A_833 : vector<16xf32> to vector<1x16xf32>
        tpu.vector_store %arg23[%swap3A_839, %swap3A_840], %swap3A_843 {strides = array<i32>} : memref<64x128xf32, #tpu.memory_space<vmem>>, vector<1x16xf32>,
        %get3A_844 = arith.index_cast %scan3A_774 : i32 to index
        %get3A_845 = arith.constant 32 : index
        %get3A_846 = tpu.vector_load %arg19[%get3A_844, %get3A_845] {strides = array<i32>} : memref<64x64xi32, #tpu.memory_space<vmem>>, vector<1x16xi32>,
        %get3A_847 = vector.shape_cast %get3A_846 : vector<1x16xi32> to vector<16xi32>
        %get3A_848 = arith.index_cast %scan3A_774 : i32 to index
        %get3A_849 = arith.constant 32 : index
        %get3A_850 = tpu.vector_load %arg21[%get3A_848, %get3A_849] {strides = array<i32>} : memref<64x64xi32, #tpu.memory_space<vmem>>, vector<1x16xi32>,
        %get3A_851 = vector.shape_cast %get3A_850 : vector<1x16xi32> to vector<16xi32>
        %shift_left3A_852 = arith.constant 16 : i32
        %shift_left3A_853 = vector.broadcast %shift_left3A_852 : i32 to vector<16xi32>
        %shift_left3A_854 = arith.shli %get3A_847, %shift_left3A_853 : vector<16xi32>
        %bitcast_convert_type3A_855 = tpu.bitcast %shift_left3A_854 : vector<16xi32> -> vector<16xf32>
        %shift_left3A_856 = arith.constant 16 : i32
        %shift_left3A_857 = vector.broadcast %shift_left3A_856 : i32 to vector<16xi32>
        %shift_left3A_858 = arith.shli %get3A_851, %shift_left3A_857 : vector<16xi32>
        %bitcast_convert_type3A_859 = tpu.bitcast %shift_left3A_858 : vector<16xi32> -> vector<16xf32>
        %mul3A_860 = arith.mulf %bitcast_convert_type3A_855, %bitcast_convert_type3A_859 : vector<16xf32>
        %and3A_861 = arith.constant -65536 : i32
        %and3A_862 = vector.broadcast %and3A_861 : i32 to vector<16xi32>
        %and3A_863 = arith.andi %get3A_847, %and3A_862 : vector<16xi32>
        %bitcast_convert_type3A_864 = tpu.bitcast %and3A_863 : vector<16xi32> -> vector<16xf32>
        %and3A_865 = arith.constant -65536 : i32
        %and3A_866 = vector.broadcast %and3A_865 : i32 to vector<16xi32>
        %and3A_867 = arith.andi %get3A_851, %and3A_866 : vector<16xi32>
        %bitcast_convert_type3A_868 = tpu.bitcast %and3A_867 : vector<16xi32> -> vector<16xf32>
        %mul3A_869 = arith.mulf %bitcast_convert_type3A_864, %bitcast_convert_type3A_868 : vector<16xf32>
        %swap3A_870 = arith.index_cast %scan3A_774 : i32 to index
        %swap3A_871 = arith.constant 64 : index
        %swap3A_872 = tpu.vector_load %arg23[%swap3A_870, %swap3A_871] {strides = array<i32>} : memref<64x128xf32, #tpu.memory_space<vmem>>, vector<1x16xf32>,
        %swap3A_873 = vector.shape_cast %swap3A_872 : vector<1x16xf32> to vector<16xf32>
        %swap3A_874 = vector.shape_cast %mul3A_860 : vector<16xf32> to vector<1x16xf32>
        tpu.vector_store %arg23[%swap3A_870, %swap3A_871], %swap3A_874 {strides = array<i32>} : memref<64x128xf32, #tpu.memory_space<vmem>>, vector<1x16xf32>,
        %swap3A_875 = arith.index_cast %scan3A_774 : i32 to index
        %swap3A_876 = arith.constant 80 : index
        %swap3A_877 = tpu.vector_load %arg23[%swap3A_875, %swap3A_876] {strides = array<i32>} : memref<64x128xf32, #tpu.memory_space<vmem>>, vector<1x16xf32>,
        %swap3A_878 = vector.shape_cast %swap3A_877 : vector<1x16xf32> to vector<16xf32>
        %swap3A_879 = vector.shape_cast %mul3A_869 : vector<16xf32> to vector<1x16xf32>
        tpu.vector_store %arg23[%swap3A_875, %swap3A_876], %swap3A_879 {strides = array<i32>} : memref<64x128xf32, #tpu.memory_space<vmem>>, vector<1x16xf32>,
        %get3A_880 = arith.index_cast %scan3A_774 : i32 to index
        %get3A_881 = arith.constant 48 : index
        %get3A_882 = tpu.vector_load %arg19[%get3A_880, %get3A_881] {strides = array<i32>} : memref<64x64xi32, #tpu.memory_space<vmem>>, vector<1x16xi32>,
        %get3A_883 = vector.shape_cast %get3A_882 : vector<1x16xi32> to vector<16xi32>
        %get3A_884 = arith.index_cast %scan3A_774 : i32 to index
        %get3A_885 = arith.constant 48 : index
        %get3A_886 = tpu.vector_load %arg21[%get3A_884, %get3A_885] {strides = array<i32>} : memref<64x64xi32, #tpu.memory_space<vmem>>, vector<1x16xi32>,
        %get3A_887 = vector.shape_cast %get3A_886 : vector<1x16xi32> to vector<16xi32>
        %shift_left3A_888 = arith.constant 16 : i32
        %shift_left3A_889 = vector.broadcast %shift_left3A_888 : i32 to vector<16xi32>
        %shift_left3A_890 = arith.shli %get3A_883, %shift_left3A_889 : vector<16xi32>
        %bitcast_convert_type3A_891 = tpu.bitcast %shift_left3A_890 : vector<16xi32> -> vector<16xf32>
        %shift_left3A_892 = arith.constant 16 : i32
        %shift_left3A_893 = vector.broadcast %shift_left3A_892 : i32 to vector<16xi32>
        %shift_left3A_894 = arith.shli %get3A_887, %shift_left3A_893 : vector<16xi32>
        %bitcast_convert_type3A_895 = tpu.bitcast %shift_left3A_894 : vector<16xi32> -> vector<16xf32>
        %mul3A_896 = arith.mulf %bitcast_convert_type3A_891, %bitcast_convert_type3A_895 : vector<16xf32>
        %and3A_897 = arith.constant -65536 : i32
        %and3A_898 = vector.broadcast %and3A_897 : i32 to vector<16xi32>
        %and3A_899 = arith.andi %get3A_883, %and3A_898 : vector<16xi32>
        %bitcast_convert_type3A_900 = tpu.bitcast %and3A_899 : vector<16xi32> -> vector<16xf32>
        %and3A_901 = arith.constant -65536 : i32
        %and3A_902 = vector.broadcast %and3A_901 : i32 to vector<16xi32>
        %and3A_903 = arith.andi %get3A_887, %and3A_902 : vector<16xi32>
        %bitcast_convert_type3A_904 = tpu.bitcast %and3A_903 : vector<16xi32> -> vector<16xf32>
        %mul3A_905 = arith.mulf %bitcast_convert_type3A_900, %bitcast_convert_type3A_904 : vector<16xf32>
        %swap3A_906 = arith.index_cast %scan3A_774 : i32 to index
        %swap3A_907 = arith.constant 96 : index
        %swap3A_908 = tpu.vector_load %arg23[%swap3A_906, %swap3A_907] {strides = array<i32>} : memref<64x128xf32, #tpu.memory_space<vmem>>, vector<1x16xf32>,
        %swap3A_909 = vector.shape_cast %swap3A_908 : vector<1x16xf32> to vector<16xf32>
        %swap3A_910 = vector.shape_cast %mul3A_896 : vector<16xf32> to vector<1x16xf32>
        tpu.vector_store %arg23[%swap3A_906, %swap3A_907], %swap3A_910 {strides = array<i32>} : memref<64x128xf32, #tpu.memory_space<vmem>>, vector<1x16xf32>,
        %swap3A_911 = arith.index_cast %scan3A_774 : i32 to index
        %swap3A_912 = arith.constant 112 : index
        %swap3A_913 = tpu.vector_load %arg23[%swap3A_911, %swap3A_912] {strides = array<i32>} : memref<64x128xf32, #tpu.memory_space<vmem>>, vector<1x16xf32>,
        %swap3A_914 = vector.shape_cast %swap3A_913 : vector<1x16xf32> to vector<16xf32>
        %swap3A_915 = vector.shape_cast %mul3A_905 : vector<16xf32> to vector<1x16xf32>
        tpu.vector_store %arg23[%swap3A_911, %swap3A_912], %swap3A_915 {strides = array<i32>} : memref<64x128xf32, #tpu.memory_space<vmem>>, vector<1x16xf32>,
        %scan3A_916 = arith.constant 1 : i32
        %scan3A_917 = arith.addi %scan3A_774, %scan3A_916 : i32
        %get3A_918 = arith.index_cast %scan3A_917 : i32 to index
        %get3A_919 = arith.constant 0 : index
        %get3A_920 = tpu.vector_load %arg19[%get3A_918, %get3A_919] {strides = array<i32>} : memref<64x64xi32, #tpu.memory_space<vmem>>, vector<1x16xi32>,
        %get3A_921 = vector.shape_cast %get3A_920 : vector<1x16xi32> to vector<16xi32>
        %get3A_922 = arith.index_cast %scan3A_917 : i32 to index
        %get3A_923 = arith.constant 0 : index
        %get3A_924 = tpu.vector_load %arg21[%get3A_922, %get3A_923] {strides = array<i32>} : memref<64x64xi32, #tpu.memory_space<vmem>>, vector<1x16xi32>,
        %get3A_925 = vector.shape_cast %get3A_924 : vector<1x16xi32> to vector<16xi32>
        %shift_left3A_926 = arith.constant 16 : i32
        %shift_left3A_927 = vector.broadcast %shift_left3A_926 : i32 to vector<16xi32>
        %shift_left3A_928 = arith.shli %get3A_921, %shift_left3A_927 : vector<16xi32>
        %bitcast_convert_type3A_929 = tpu.bitcast %shift_left3A_928 : vector<16xi32> -> vector<16xf32>
        %shift_left3A_930 = arith.constant 16 : i32
        %shift_left3A_931 = vector.broadcast %shift_left3A_930 : i32 to vector<16xi32>
        %shift_left3A_932 = arith.shli %get3A_925, %shift_left3A_931 : vector<16xi32>
        %bitcast_convert_type3A_933 = tpu.bitcast %shift_left3A_932 : vector<16xi32> -> vector<16xf32>
        %mul3A_934 = arith.mulf %bitcast_convert_type3A_929, %bitcast_convert_type3A_933 : vector<16xf32>
        %and3A_935 = arith.constant -65536 : i32
        %and3A_936 = vector.broadcast %and3A_935 : i32 to vector<16xi32>
        %and3A_937 = arith.andi %get3A_921, %and3A_936 : vector<16xi32>
        %bitcast_convert_type3A_938 = tpu.bitcast %and3A_937 : vector<16xi32> -> vector<16xf32>
        %and3A_939 = arith.constant -65536 : i32
        %and3A_940 = vector.broadcast %and3A_939 : i32 to vector<16xi32>
        %and3A_941 = arith.andi %get3A_925, %and3A_940 : vector<16xi32>
        %bitcast_convert_type3A_942 = tpu.bitcast %and3A_941 : vector<16xi32> -> vector<16xf32>
        %mul3A_943 = arith.mulf %bitcast_convert_type3A_938, %bitcast_convert_type3A_942 : vector<16xf32>
        %swap3A_944 = arith.index_cast %scan3A_917 : i32 to index
        %swap3A_945 = arith.constant 0 : index
        %swap3A_946 = tpu.vector_load %arg23[%swap3A_944, %swap3A_945] {strides = array<i32>} : memref<64x128xf32, #tpu.memory_space<vmem>>, vector<1x16xf32>,
        %swap3A_947 = vector.shape_cast %swap3A_946 : vector<1x16xf32> to vector<16xf32>
        %swap3A_948 = vector.shape_cast %mul3A_934 : vector<16xf32> to vector<1x16xf32>
        tpu.vector_store %arg23[%swap3A_944, %swap3A_945], %swap3A_948 {strides = array<i32>} : memref<64x128xf32, #tpu.memory_space<vmem>>, vector<1x16xf32>,
        %swap3A_949 = arith.index_cast %scan3A_917 : i32 to index
        %swap3A_950 = arith.constant 16 : index
        %swap3A_951 = tpu.vector_load %arg23[%swap3A_949, %swap3A_950] {strides = array<i32>} : memref<64x128xf32, #tpu.memory_space<vmem>>, vector<1x16xf32>,
        %swap3A_952 = vector.shape_cast %swap3A_951 : vector<1x16xf32> to vector<16xf32>
        %swap3A_953 = vector.shape_cast %mul3A_943 : vector<16xf32> to vector<1x16xf32>
        tpu.vector_store %arg23[%swap3A_949, %swap3A_950], %swap3A_953 {strides = array<i32>} : memref<64x128xf32, #tpu.memory_space<vmem>>, vector<1x16xf32>,
        %get3A_954 = arith.index_cast %scan3A_917 : i32 to index
        %get3A_955 = arith.constant 16 : index
        %get3A_956 = tpu.vector_load %arg19[%get3A_954, %get3A_955] {strides = array<i32>} : memref<64x64xi32, #tpu.memory_space<vmem>>, vector<1x16xi32>,
        %get3A_957 = vector.shape_cast %get3A_956 : vector<1x16xi32> to vector<16xi32>
        %get3A_958 = arith.index_cast %scan3A_917 : i32 to index
        %get3A_959 = arith.constant 16 : index
        %get3A_960 = tpu.vector_load %arg21[%get3A_958, %get3A_959] {strides = array<i32>} : memref<64x64xi32, #tpu.memory_space<vmem>>, vector<1x16xi32>,
        %get3A_961 = vector.shape_cast %get3A_960 : vector<1x16xi32> to vector<16xi32>
        %shift_left3A_962 = arith.constant 16 : i32
        %shift_left3A_963 = vector.broadcast %shift_left3A_962 : i32 to vector<16xi32>
        %shift_left3A_964 = arith.shli %get3A_957, %shift_left3A_963 : vector<16xi32>
        %bitcast_convert_type3A_965 = tpu.bitcast %shift_left3A_964 : vector<16xi32> -> vector<16xf32>
        %shift_left3A_966 = arith.constant 16 : i32
        %shift_left3A_967 = vector.broadcast %shift_left3A_966 : i32 to vector<16xi32>
        %shift_left3A_968 = arith.shli %get3A_961, %shift_left3A_967 : vector<16xi32>
        %bitcast_convert_type3A_969 = tpu.bitcast %shift_left3A_968 : vector<16xi32> -> vector<16xf32>
        %mul3A_970 = arith.mulf %bitcast_convert_type3A_965, %bitcast_convert_type3A_969 : vector<16xf32>
        %and3A_971 = arith.constant -65536 : i32
        %and3A_972 = vector.broadcast %and3A_971 : i32 to vector<16xi32>
        %and3A_973 = arith.andi %get3A_957, %and3A_972 : vector<16xi32>
        %bitcast_convert_type3A_974 = tpu.bitcast %and3A_973 : vector<16xi32> -> vector<16xf32>
        %and3A_975 = arith.constant -65536 : i32
        %and3A_976 = vector.broadcast %and3A_975 : i32 to vector<16xi32>
        %and3A_977 = arith.andi %get3A_961, %and3A_976 : vector<16xi32>
        %bitcast_convert_type3A_978 = tpu.bitcast %and3A_977 : vector<16xi32> -> vector<16xf32>
        %mul3A_979 = arith.mulf %bitcast_convert_type3A_974, %bitcast_convert_type3A_978 : vector<16xf32>
        %swap3A_980 = arith.index_cast %scan3A_917 : i32 to index
        %swap3A_981 = arith.constant 32 : index
        %swap3A_982 = tpu.vector_load %arg23[%swap3A_980, %swap3A_981] {strides = array<i32>} : memref<64x128xf32, #tpu.memory_space<vmem>>, vector<1x16xf32>,
        %swap3A_983 = vector.shape_cast %swap3A_982 : vector<1x16xf32> to vector<16xf32>
        %swap3A_984 = vector.shape_cast %mul3A_970 : vector<16xf32> to vector<1x16xf32>
        tpu.vector_store %arg23[%swap3A_980, %swap3A_981], %swap3A_984 {strides = array<i32>} : memref<64x128xf32, #tpu.memory_space<vmem>>, vector<1x16xf32>,
        %swap3A_985 = arith.index_cast %scan3A_917 : i32 to index
        %swap3A_986 = arith.constant 48 : index
        %swap3A_987 = tpu.vector_load %arg23[%swap3A_985, %swap3A_986] {strides = array<i32>} : memref<64x128xf32, #tpu.memory_space<vmem>>, vector<1x16xf32>,
        %swap3A_988 = vector.shape_cast %swap3A_987 : vector<1x16xf32> to vector<16xf32>
        %swap3A_989 = vector.shape_cast %mul3A_979 : vector<16xf32> to vector<1x16xf32>
        tpu.vector_store %arg23[%swap3A_985, %swap3A_986], %swap3A_989 {strides = array<i32>} : memref<64x128xf32, #tpu.memory_space<vmem>>, vector<1x16xf32>,
        %get3A_990 = arith.index_cast %scan3A_917 : i32 to index
        %get3A_991 = arith.constant 32 : index
        %get3A_992 = tpu.vector_load %arg19[%get3A_990, %get3A_991] {strides = array<i32>} : memref<64x64xi32, #tpu.memory_space<vmem>>, vector<1x16xi32>,
        %get3A_993 = vector.shape_cast %get3A_992 : vector<1x16xi32> to vector<16xi32>
        %get3A_994 = arith.index_cast %scan3A_917 : i32 to index
        %get3A_995 = arith.constant 32 : index
        %get3A_996 = tpu.vector_load %arg21[%get3A_994, %get3A_995] {strides = array<i32>} : memref<64x64xi32, #tpu.memory_space<vmem>>, vector<1x16xi32>,
        %get3A_997 = vector.shape_cast %get3A_996 : vector<1x16xi32> to vector<16xi32>
        %shift_left3A_998 = arith.constant 16 : i32
        %shift_left3A_999 = vector.broadcast %shift_left3A_998 : i32 to vector<16xi32>
        %shift_left3A_1000 = arith.shli %get3A_993, %shift_left3A_999 : vector<16xi32>
        %bitcast_convert_type3A_1001 = tpu.bitcast %shift_left3A_1000 : vector<16xi32> -> vector<16xf32>
        %shift_left3A_1002 = arith.constant 16 : i32
        %shift_left3A_1003 = vector.broadcast %shift_left3A_1002 : i32 to vector<16xi32>
        %shift_left3A_1004 = arith.shli %get3A_997, %shift_left3A_1003 : vector<16xi32>
        %bitcast_convert_type3A_1005 = tpu.bitcast %shift_left3A_1004 : vector<16xi32> -> vector<16xf32>
        %mul3A_1006 = arith.mulf %bitcast_convert_type3A_1001, %bitcast_convert_type3A_1005 : vector<16xf32>
        %and3A_1007 = arith.constant -65536 : i32
        %and3A_1008 = vector.broadcast %and3A_1007 : i32 to vector<16xi32>
        %and3A_1009 = arith.andi %get3A_993, %and3A_1008 : vector<16xi32>
        %bitcast_convert_type3A_1010 = tpu.bitcast %and3A_1009 : vector<16xi32> -> vector<16xf32>
        %and3A_1011 = arith.constant -65536 : i32
        %and3A_1012 = vector.broadcast %and3A_1011 : i32 to vector<16xi32>
        %and3A_1013 = arith.andi %get3A_997, %and3A_1012 : vector<16xi32>
        %bitcast_convert_type3A_1014 = tpu.bitcast %and3A_1013 : vector<16xi32> -> vector<16xf32>
        %mul3A_1015 = arith.mulf %bitcast_convert_type3A_1010, %bitcast_convert_type3A_1014 : vector<16xf32>
        %swap3A_1016 = arith.index_cast %scan3A_917 : i32 to index
        %swap3A_1017 = arith.constant 64 : index
        %swap3A_1018 = tpu.vector_load %arg23[%swap3A_1016, %swap3A_1017] {strides = array<i32>} : memref<64x128xf32, #tpu.memory_space<vmem>>, vector<1x16xf32>,
        %swap3A_1019 = vector.shape_cast %swap3A_1018 : vector<1x16xf32> to vector<16xf32>
        %swap3A_1020 = vector.shape_cast %mul3A_1006 : vector<16xf32> to vector<1x16xf32>
        tpu.vector_store %arg23[%swap3A_1016, %swap3A_1017], %swap3A_1020 {strides = array<i32>} : memref<64x128xf32, #tpu.memory_space<vmem>>, vector<1x16xf32>,
        %swap3A_1021 = arith.index_cast %scan3A_917 : i32 to index
        %swap3A_1022 = arith.constant 80 : index
        %swap3A_1023 = tpu.vector_load %arg23[%swap3A_1021, %swap3A_1022] {strides = array<i32>} : memref<64x128xf32, #tpu.memory_space<vmem>>, vector<1x16xf32>,
        %swap3A_1024 = vector.shape_cast %swap3A_1023 : vector<1x16xf32> to vector<16xf32>
        %swap3A_1025 = vector.shape_cast %mul3A_1015 : vector<16xf32> to vector<1x16xf32>
        tpu.vector_store %arg23[%swap3A_1021, %swap3A_1022], %swap3A_1025 {strides = array<i32>} : memref<64x128xf32, #tpu.memory_space<vmem>>, vector<1x16xf32>,
        %get3A_1026 = arith.index_cast %scan3A_917 : i32 to index
        %get3A_1027 = arith.constant 48 : index
        %get3A_1028 = tpu.vector_load %arg19[%get3A_1026, %get3A_1027] {strides = array<i32>} : memref<64x64xi32, #tpu.memory_space<vmem>>, vector<1x16xi32>,
        %get3A_1029 = vector.shape_cast %get3A_1028 : vector<1x16xi32> to vector<16xi32>
        %get3A_1030 = arith.index_cast %scan3A_917 : i32 to index
        %get3A_1031 = arith.constant 48 : index
        %get3A_1032 = tpu.vector_load %arg21[%get3A_1030, %get3A_1031] {strides = array<i32>} : memref<64x64xi32, #tpu.memory_space<vmem>>, vector<1x16xi32>,
        %get3A_1033 = vector.shape_cast %get3A_1032 : vector<1x16xi32> to vector<16xi32>
        %shift_left3A_1034 = arith.constant 16 : i32
        %shift_left3A_1035 = vector.broadcast %shift_left3A_1034 : i32 to vector<16xi32>
        %shift_left3A_1036 = arith.shli %get3A_1029, %shift_left3A_1035 : vector<16xi32>
        %bitcast_convert_type3A_1037 = tpu.bitcast %shift_left3A_1036 : vector<16xi32> -> vector<16xf32>
        %shift_left3A_1038 = arith.constant 16 : i32
        %shift_left3A_1039 = vector.broadcast %shift_left3A_1038 : i32 to vector<16xi32>
        %shift_left3A_1040 = arith.shli %get3A_1033, %shift_left3A_1039 : vector<16xi32>
        %bitcast_convert_type3A_1041 = tpu.bitcast %shift_left3A_1040 : vector<16xi32> -> vector<16xf32>
        %mul3A_1042 = arith.mulf %bitcast_convert_type3A_1037, %bitcast_convert_type3A_1041 : vector<16xf32>
        %and3A_1043 = arith.constant -65536 : i32
        %and3A_1044 = vector.broadcast %and3A_1043 : i32 to vector<16xi32>
        %and3A_1045 = arith.andi %get3A_1029, %and3A_1044 : vector<16xi32>
        %bitcast_convert_type3A_1046 = tpu.bitcast %and3A_1045 : vector<16xi32> -> vector<16xf32>
        %and3A_1047 = arith.constant -65536 : i32
        %and3A_1048 = vector.broadcast %and3A_1047 : i32 to vector<16xi32>
        %and3A_1049 = arith.andi %get3A_1033, %and3A_1048 : vector<16xi32>
        %bitcast_convert_type3A_1050 = tpu.bitcast %and3A_1049 : vector<16xi32> -> vector<16xf32>
        %mul3A_1051 = arith.mulf %bitcast_convert_type3A_1046, %bitcast_convert_type3A_1050 : vector<16xf32>
        %swap3A_1052 = arith.index_cast %scan3A_917 : i32 to index
        %swap3A_1053 = arith.constant 96 : index
        %swap3A_1054 = tpu.vector_load %arg23[%swap3A_1052, %swap3A_1053] {strides = array<i32>} : memref<64x128xf32, #tpu.memory_space<vmem>>, vector<1x16xf32>,
        %swap3A_1055 = vector.shape_cast %swap3A_1054 : vector<1x16xf32> to vector<16xf32>
        %swap3A_1056 = vector.shape_cast %mul3A_1042 : vector<16xf32> to vector<1x16xf32>
        tpu.vector_store %arg23[%swap3A_1052, %swap3A_1053], %swap3A_1056 {strides = array<i32>} : memref<64x128xf32, #tpu.memory_space<vmem>>, vector<1x16xf32>,
        %swap3A_1057 = arith.index_cast %scan3A_917 : i32 to index
        %swap3A_1058 = arith.constant 112 : index
        %swap3A_1059 = tpu.vector_load %arg23[%swap3A_1057, %swap3A_1058] {strides = array<i32>} : memref<64x128xf32, #tpu.memory_space<vmem>>, vector<1x16xf32>,
        %swap3A_1060 = vector.shape_cast %swap3A_1059 : vector<1x16xf32> to vector<16xf32>
        %swap3A_1061 = vector.shape_cast %mul3A_1051 : vector<16xf32> to vector<1x16xf32>
        tpu.vector_store %arg23[%swap3A_1057, %swap3A_1058], %swap3A_1061 {strides = array<i32>} : memref<64x128xf32, #tpu.memory_space<vmem>>, vector<1x16xf32>,
        %scan3A_1062 = arith.constant 2 : i32
        %scan3A_1063 = arith.addi %scan3A_774, %scan3A_1062 : i32
        %get3A_1064 = arith.index_cast %scan3A_1063 : i32 to index
        %get3A_1065 = arith.constant 0 : index
        %get3A_1066 = tpu.vector_load %arg19[%get3A_1064, %get3A_1065] {strides = array<i32>} : memref<64x64xi32, #tpu.memory_space<vmem>>, vector<1x16xi32>,
        %get3A_1067 = vector.shape_cast %get3A_1066 : vector<1x16xi32> to vector<16xi32>
        %get3A_1068 = arith.index_cast %scan3A_1063 : i32 to index
        %get3A_1069 = arith.constant 0 : index
        %get3A_1070 = tpu.vector_load %arg21[%get3A_1068, %get3A_1069] {strides = array<i32>} : memref<64x64xi32, #tpu.memory_space<vmem>>, vector<1x16xi32>,
        %get3A_1071 = vector.shape_cast %get3A_1070 : vector<1x16xi32> to vector<16xi32>
        %shift_left3A_1072 = arith.constant 16 : i32
        %shift_left3A_1073 = vector.broadcast %shift_left3A_1072 : i32 to vector<16xi32>
        %shift_left3A_1074 = arith.shli %get3A_1067, %shift_left3A_1073 : vector<16xi32>
        %bitcast_convert_type3A_1075 = tpu.bitcast %shift_left3A_1074 : vector<16xi32> -> vector<16xf32>
        %shift_left3A_1076 = arith.constant 16 : i32
        %shift_left3A_1077 = vector.broadcast %shift_left3A_1076 : i32 to vector<16xi32>
        %shift_left3A_1078 = arith.shli %get3A_1071, %shift_left3A_1077 : vector<16xi32>
        %bitcast_convert_type3A_1079 = tpu.bitcast %shift_left3A_1078 : vector<16xi32> -> vector<16xf32>
        %mul3A_1080 = arith.mulf %bitcast_convert_type3A_1075, %bitcast_convert_type3A_1079 : vector<16xf32>
        %and3A_1081 = arith.constant -65536 : i32
        %and3A_1082 = vector.broadcast %and3A_1081 : i32 to vector<16xi32>
        %and3A_1083 = arith.andi %get3A_1067, %and3A_1082 : vector<16xi32>
        %bitcast_convert_type3A_1084 = tpu.bitcast %and3A_1083 : vector<16xi32> -> vector<16xf32>
        %and3A_1085 = arith.constant -65536 : i32
        %and3A_1086 = vector.broadcast %and3A_1085 : i32 to vector<16xi32>
        %and3A_1087 = arith.andi %get3A_1071, %and3A_1086 : vector<16xi32>
        %bitcast_convert_type3A_1088 = tpu.bitcast %and3A_1087 : vector<16xi32> -> vector<16xf32>
        %mul3A_1089 = arith.mulf %bitcast_convert_type3A_1084, %bitcast_convert_type3A_1088 : vector<16xf32>
        %swap3A_1090 = arith.index_cast %scan3A_1063 : i32 to index
        %swap3A_1091 = arith.constant 0 : index
        %swap3A_1092 = tpu.vector_load %arg23[%swap3A_1090, %swap3A_1091] {strides = array<i32>} : memref<64x128xf32, #tpu.memory_space<vmem>>, vector<1x16xf32>,
        %swap3A_1093 = vector.shape_cast %swap3A_1092 : vector<1x16xf32> to vector<16xf32>
        %swap3A_1094 = vector.shape_cast %mul3A_1080 : vector<16xf32> to vector<1x16xf32>
        tpu.vector_store %arg23[%swap3A_1090, %swap3A_1091], %swap3A_1094 {strides = array<i32>} : memref<64x128xf32, #tpu.memory_space<vmem>>, vector<1x16xf32>,
        %swap3A_1095 = arith.index_cast %scan3A_1063 : i32 to index
        %swap3A_1096 = arith.constant 16 : index
        %swap3A_1097 = tpu.vector_load %arg23[%swap3A_1095, %swap3A_1096] {strides = array<i32>} : memref<64x128xf32, #tpu.memory_space<vmem>>, vector<1x16xf32>,
        %swap3A_1098 = vector.shape_cast %swap3A_1097 : vector<1x16xf32> to vector<16xf32>
        %swap3A_1099 = vector.shape_cast %mul3A_1089 : vector<16xf32> to vector<1x16xf32>
        tpu.vector_store %arg23[%swap3A_1095, %swap3A_1096], %swap3A_1099 {strides = array<i32>} : memref<64x128xf32, #tpu.memory_space<vmem>>, vector<1x16xf32>,
        %get3A_1100 = arith.index_cast %scan3A_1063 : i32 to index
        %get3A_1101 = arith.constant 16 : index
        %get3A_1102 = tpu.vector_load %arg19[%get3A_1100, %get3A_1101] {strides = array<i32>} : memref<64x64xi32, #tpu.memory_space<vmem>>, vector<1x16xi32>,
        %get3A_1103 = vector.shape_cast %get3A_1102 : vector<1x16xi32> to vector<16xi32>
        %get3A_1104 = arith.index_cast %scan3A_1063 : i32 to index
        %get3A_1105 = arith.constant 16 : index
        %get3A_1106 = tpu.vector_load %arg21[%get3A_1104, %get3A_1105] {strides = array<i32>} : memref<64x64xi32, #tpu.memory_space<vmem>>, vector<1x16xi32>,
        %get3A_1107 = vector.shape_cast %get3A_1106 : vector<1x16xi32> to vector<16xi32>
        %shift_left3A_1108 = arith.constant 16 : i32
        %shift_left3A_1109 = vector.broadcast %shift_left3A_1108 : i32 to vector<16xi32>
        %shift_left3A_1110 = arith.shli %get3A_1103, %shift_left3A_1109 : vector<16xi32>
        %bitcast_convert_type3A_1111 = tpu.bitcast %shift_left3A_1110 : vector<16xi32> -> vector<16xf32>
        %shift_left3A_1112 = arith.constant 16 : i32
        %shift_left3A_1113 = vector.broadcast %shift_left3A_1112 : i32 to vector<16xi32>
        %shift_left3A_1114 = arith.shli %get3A_1107, %shift_left3A_1113 : vector<16xi32>
        %bitcast_convert_type3A_1115 = tpu.bitcast %shift_left3A_1114 : vector<16xi32> -> vector<16xf32>
        %mul3A_1116 = arith.mulf %bitcast_convert_type3A_1111, %bitcast_convert_type3A_1115 : vector<16xf32>
        %and3A_1117 = arith.constant -65536 : i32
        %and3A_1118 = vector.broadcast %and3A_1117 : i32 to vector<16xi32>
        %and3A_1119 = arith.andi %get3A_1103, %and3A_1118 : vector<16xi32>
        %bitcast_convert_type3A_1120 = tpu.bitcast %and3A_1119 : vector<16xi32> -> vector<16xf32>
        %and3A_1121 = arith.constant -65536 : i32
        %and3A_1122 = vector.broadcast %and3A_1121 : i32 to vector<16xi32>
        %and3A_1123 = arith.andi %get3A_1107, %and3A_1122 : vector<16xi32>
        %bitcast_convert_type3A_1124 = tpu.bitcast %and3A_1123 : vector<16xi32> -> vector<16xf32>
        %mul3A_1125 = arith.mulf %bitcast_convert_type3A_1120, %bitcast_convert_type3A_1124 : vector<16xf32>
        %swap3A_1126 = arith.index_cast %scan3A_1063 : i32 to index
        %swap3A_1127 = arith.constant 32 : index
        %swap3A_1128 = tpu.vector_load %arg23[%swap3A_1126, %swap3A_1127] {strides = array<i32>} : memref<64x128xf32, #tpu.memory_space<vmem>>, vector<1x16xf32>,
        %swap3A_1129 = vector.shape_cast %swap3A_1128 : vector<1x16xf32> to vector<16xf32>
        %swap3A_1130 = vector.shape_cast %mul3A_1116 : vector<16xf32> to vector<1x16xf32>
        tpu.vector_store %arg23[%swap3A_1126, %swap3A_1127], %swap3A_1130 {strides = array<i32>} : memref<64x128xf32, #tpu.memory_space<vmem>>, vector<1x16xf32>,
        %swap3A_1131 = arith.index_cast %scan3A_1063 : i32 to index
        %swap3A_1132 = arith.constant 48 : index
        %swap3A_1133 = tpu.vector_load %arg23[%swap3A_1131, %swap3A_1132] {strides = array<i32>} : memref<64x128xf32, #tpu.memory_space<vmem>>, vector<1x16xf32>,
        %swap3A_1134 = vector.shape_cast %swap3A_1133 : vector<1x16xf32> to vector<16xf32>
        %swap3A_1135 = vector.shape_cast %mul3A_1125 : vector<16xf32> to vector<1x16xf32>
        tpu.vector_store %arg23[%swap3A_1131, %swap3A_1132], %swap3A_1135 {strides = array<i32>} : memref<64x128xf32, #tpu.memory_space<vmem>>, vector<1x16xf32>,
        %get3A_1136 = arith.index_cast %scan3A_1063 : i32 to index
        %get3A_1137 = arith.constant 32 : index
        %get3A_1138 = tpu.vector_load %arg19[%get3A_1136, %get3A_1137] {strides = array<i32>} : memref<64x64xi32, #tpu.memory_space<vmem>>, vector<1x16xi32>,
        %get3A_1139 = vector.shape_cast %get3A_1138 : vector<1x16xi32> to vector<16xi32>
        %get3A_1140 = arith.index_cast %scan3A_1063 : i32 to index
        %get3A_1141 = arith.constant 32 : index
        %get3A_1142 = tpu.vector_load %arg21[%get3A_1140, %get3A_1141] {strides = array<i32>} : memref<64x64xi32, #tpu.memory_space<vmem>>, vector<1x16xi32>,
        %get3A_1143 = vector.shape_cast %get3A_1142 : vector<1x16xi32> to vector<16xi32>
        %shift_left3A_1144 = arith.constant 16 : i32
        %shift_left3A_1145 = vector.broadcast %shift_left3A_1144 : i32 to vector<16xi32>
        %shift_left3A_1146 = arith.shli %get3A_1139, %shift_left3A_1145 : vector<16xi32>
        %bitcast_convert_type3A_1147 = tpu.bitcast %shift_left3A_1146 : vector<16xi32> -> vector<16xf32>
        %shift_left3A_1148 = arith.constant 16 : i32
        %shift_left3A_1149 = vector.broadcast %shift_left3A_1148 : i32 to vector<16xi32>
        %shift_left3A_1150 = arith.shli %get3A_1143, %shift_left3A_1149 : vector<16xi32>
        %bitcast_convert_type3A_1151 = tpu.bitcast %shift_left3A_1150 : vector<16xi32> -> vector<16xf32>
        %mul3A_1152 = arith.mulf %bitcast_convert_type3A_1147, %bitcast_convert_type3A_1151 : vector<16xf32>
        %and3A_1153 = arith.constant -65536 : i32
        %and3A_1154 = vector.broadcast %and3A_1153 : i32 to vector<16xi32>
        %and3A_1155 = arith.andi %get3A_1139, %and3A_1154 : vector<16xi32>
        %bitcast_convert_type3A_1156 = tpu.bitcast %and3A_1155 : vector<16xi32> -> vector<16xf32>
        %and3A_1157 = arith.constant -65536 : i32
        %and3A_1158 = vector.broadcast %and3A_1157 : i32 to vector<16xi32>
        %and3A_1159 = arith.andi %get3A_1143, %and3A_1158 : vector<16xi32>
        %bitcast_convert_type3A_1160 = tpu.bitcast %and3A_1159 : vector<16xi32> -> vector<16xf32>
        %mul3A_1161 = arith.mulf %bitcast_convert_type3A_1156, %bitcast_convert_type3A_1160 : vector<16xf32>
        %swap3A_1162 = arith.index_cast %scan3A_1063 : i32 to index
        %swap3A_1163 = arith.constant 64 : index
        %swap3A_1164 = tpu.vector_load %arg23[%swap3A_1162, %swap3A_1163] {strides = array<i32>} : memref<64x128xf32, #tpu.memory_space<vmem>>, vector<1x16xf32>,
        %swap3A_1165 = vector.shape_cast %swap3A_1164 : vector<1x16xf32> to vector<16xf32>
        %swap3A_1166 = vector.shape_cast %mul3A_1152 : vector<16xf32> to vector<1x16xf32>
        tpu.vector_store %arg23[%swap3A_1162, %swap3A_1163], %swap3A_1166 {strides = array<i32>} : memref<64x128xf32, #tpu.memory_space<vmem>>, vector<1x16xf32>,
        %swap3A_1167 = arith.index_cast %scan3A_1063 : i32 to index
        %swap3A_1168 = arith.constant 80 : index
        %swap3A_1169 = tpu.vector_load %arg23[%swap3A_1167, %swap3A_1168] {strides = array<i32>} : memref<64x128xf32, #tpu.memory_space<vmem>>, vector<1x16xf32>,
        %swap3A_1170 = vector.shape_cast %swap3A_1169 : vector<1x16xf32> to vector<16xf32>
        %swap3A_1171 = vector.shape_cast %mul3A_1161 : vector<16xf32> to vector<1x16xf32>
        tpu.vector_store %arg23[%swap3A_1167, %swap3A_1168], %swap3A_1171 {strides = array<i32>} : memref<64x128xf32, #tpu.memory_space<vmem>>, vector<1x16xf32>,
        %get3A_1172 = arith.index_cast %scan3A_1063 : i32 to index
        %get3A_1173 = arith.constant 48 : index
        %get3A_1174 = tpu.vector_load %arg19[%get3A_1172, %get3A_1173] {strides = array<i32>} : memref<64x64xi32, #tpu.memory_space<vmem>>, vector<1x16xi32>,
        %get3A_1175 = vector.shape_cast %get3A_1174 : vector<1x16xi32> to vector<16xi32>
        %get3A_1176 = arith.index_cast %scan3A_1063 : i32 to index
        %get3A_1177 = arith.constant 48 : index
        %get3A_1178 = tpu.vector_load %arg21[%get3A_1176, %get3A_1177] {strides = array<i32>} : memref<64x64xi32, #tpu.memory_space<vmem>>, vector<1x16xi32>,
        %get3A_1179 = vector.shape_cast %get3A_1178 : vector<1x16xi32> to vector<16xi32>
        %shift_left3A_1180 = arith.constant 16 : i32
        %shift_left3A_1181 = vector.broadcast %shift_left3A_1180 : i32 to vector<16xi32>
        %shift_left3A_1182 = arith.shli %get3A_1175, %shift_left3A_1181 : vector<16xi32>
        %bitcast_convert_type3A_1183 = tpu.bitcast %shift_left3A_1182 : vector<16xi32> -> vector<16xf32>
        %shift_left3A_1184 = arith.constant 16 : i32
        %shift_left3A_1185 = vector.broadcast %shift_left3A_1184 : i32 to vector<16xi32>
        %shift_left3A_1186 = arith.shli %get3A_1179, %shift_left3A_1185 : vector<16xi32>
        %bitcast_convert_type3A_1187 = tpu.bitcast %shift_left3A_1186 : vector<16xi32> -> vector<16xf32>
        %mul3A_1188 = arith.mulf %bitcast_convert_type3A_1183, %bitcast_convert_type3A_1187 : vector<16xf32>
        %and3A_1189 = arith.constant -65536 : i32
        %and3A_1190 = vector.broadcast %and3A_1189 : i32 to vector<16xi32>
        %and3A_1191 = arith.andi %get3A_1175, %and3A_1190 : vector<16xi32>
        %bitcast_convert_type3A_1192 = tpu.bitcast %and3A_1191 : vector<16xi32> -> vector<16xf32>
        %and3A_1193 = arith.constant -65536 : i32
        %and3A_1194 = vector.broadcast %and3A_1193 : i32 to vector<16xi32>
        %and3A_1195 = arith.andi %get3A_1179, %and3A_1194 : vector<16xi32>
        %bitcast_convert_type3A_1196 = tpu.bitcast %and3A_1195 : vector<16xi32> -> vector<16xf32>
        %mul3A_1197 = arith.mulf %bitcast_convert_type3A_1192, %bitcast_convert_type3A_1196 : vector<16xf32>
        %swap3A_1198 = arith.index_cast %scan3A_1063 : i32 to index
        %swap3A_1199 = arith.constant 96 : index
        %swap3A_1200 = tpu.vector_load %arg23[%swap3A_1198, %swap3A_1199] {strides = array<i32>} : memref<64x128xf32, #tpu.memory_space<vmem>>, vector<1x16xf32>,
        %swap3A_1201 = vector.shape_cast %swap3A_1200 : vector<1x16xf32> to vector<16xf32>
        %swap3A_1202 = vector.shape_cast %mul3A_1188 : vector<16xf32> to vector<1x16xf32>
        tpu.vector_store %arg23[%swap3A_1198, %swap3A_1199], %swap3A_1202 {strides = array<i32>} : memref<64x128xf32, #tpu.memory_space<vmem>>, vector<1x16xf32>,
        %swap3A_1203 = arith.index_cast %scan3A_1063 : i32 to index
        %swap3A_1204 = arith.constant 112 : index
        %swap3A_1205 = tpu.vector_load %arg23[%swap3A_1203, %swap3A_1204] {strides = array<i32>} : memref<64x128xf32, #tpu.memory_space<vmem>>, vector<1x16xf32>,
        %swap3A_1206 = vector.shape_cast %swap3A_1205 : vector<1x16xf32> to vector<16xf32>
        %swap3A_1207 = vector.shape_cast %mul3A_1197 : vector<16xf32> to vector<1x16xf32>
        tpu.vector_store %arg23[%swap3A_1203, %swap3A_1204], %swap3A_1207 {strides = array<i32>} : memref<64x128xf32, #tpu.memory_space<vmem>>, vector<1x16xf32>,
        %scan3A_1208 = arith.constant 3 : i32
        %scan3A_1209 = arith.addi %scan3A_774, %scan3A_1208 : i32
        %get3A_1210 = arith.index_cast %scan3A_1209 : i32 to index
        %get3A_1211 = arith.constant 0 : index
        %get3A_1212 = tpu.vector_load %arg19[%get3A_1210, %get3A_1211] {strides = array<i32>} : memref<64x64xi32, #tpu.memory_space<vmem>>, vector<1x16xi32>,
        %get3A_1213 = vector.shape_cast %get3A_1212 : vector<1x16xi32> to vector<16xi32>
        %get3A_1214 = arith.index_cast %scan3A_1209 : i32 to index
        %get3A_1215 = arith.constant 0 : index
        %get3A_1216 = tpu.vector_load %arg21[%get3A_1214, %get3A_1215] {strides = array<i32>} : memref<64x64xi32, #tpu.memory_space<vmem>>, vector<1x16xi32>,
        %get3A_1217 = vector.shape_cast %get3A_1216 : vector<1x16xi32> to vector<16xi32>
        %shift_left3A_1218 = arith.constant 16 : i32
        %shift_left3A_1219 = vector.broadcast %shift_left3A_1218 : i32 to vector<16xi32>
        %shift_left3A_1220 = arith.shli %get3A_1213, %shift_left3A_1219 : vector<16xi32>
        %bitcast_convert_type3A_1221 = tpu.bitcast %shift_left3A_1220 : vector<16xi32> -> vector<16xf32>
        %shift_left3A_1222 = arith.constant 16 : i32
        %shift_left3A_1223 = vector.broadcast %shift_left3A_1222 : i32 to vector<16xi32>
        %shift_left3A_1224 = arith.shli %get3A_1217, %shift_left3A_1223 : vector<16xi32>
        %bitcast_convert_type3A_1225 = tpu.bitcast %shift_left3A_1224 : vector<16xi32> -> vector<16xf32>
        %mul3A_1226 = arith.mulf %bitcast_convert_type3A_1221, %bitcast_convert_type3A_1225 : vector<16xf32>
        %and3A_1227 = arith.constant -65536 : i32
        %and3A_1228 = vector.broadcast %and3A_1227 : i32 to vector<16xi32>
        %and3A_1229 = arith.andi %get3A_1213, %and3A_1228 : vector<16xi32>
        %bitcast_convert_type3A_1230 = tpu.bitcast %and3A_1229 : vector<16xi32> -> vector<16xf32>
        %and3A_1231 = arith.constant -65536 : i32
        %and3A_1232 = vector.broadcast %and3A_1231 : i32 to vector<16xi32>
        %and3A_1233 = arith.andi %get3A_1217, %and3A_1232 : vector<16xi32>
        %bitcast_convert_type3A_1234 = tpu.bitcast %and3A_1233 : vector<16xi32> -> vector<16xf32>
        %mul3A_1235 = arith.mulf %bitcast_convert_type3A_1230, %bitcast_convert_type3A_1234 : vector<16xf32>
        %swap3A_1236 = arith.index_cast %scan3A_1209 : i32 to index
        %swap3A_1237 = arith.constant 0 : index
        %swap3A_1238 = tpu.vector_load %arg23[%swap3A_1236, %swap3A_1237] {strides = array<i32>} : memref<64x128xf32, #tpu.memory_space<vmem>>, vector<1x16xf32>,
        %swap3A_1239 = vector.shape_cast %swap3A_1238 : vector<1x16xf32> to vector<16xf32>
        %swap3A_1240 = vector.shape_cast %mul3A_1226 : vector<16xf32> to vector<1x16xf32>
        tpu.vector_store %arg23[%swap3A_1236, %swap3A_1237], %swap3A_1240 {strides = array<i32>} : memref<64x128xf32, #tpu.memory_space<vmem>>, vector<1x16xf32>,
        %swap3A_1241 = arith.index_cast %scan3A_1209 : i32 to index
        %swap3A_1242 = arith.constant 16 : index
        %swap3A_1243 = tpu.vector_load %arg23[%swap3A_1241, %swap3A_1242] {strides = array<i32>} : memref<64x128xf32, #tpu.memory_space<vmem>>, vector<1x16xf32>,
        %swap3A_1244 = vector.shape_cast %swap3A_1243 : vector<1x16xf32> to vector<16xf32>
        %swap3A_1245 = vector.shape_cast %mul3A_1235 : vector<16xf32> to vector<1x16xf32>
        tpu.vector_store %arg23[%swap3A_1241, %swap3A_1242], %swap3A_1245 {strides = array<i32>} : memref<64x128xf32, #tpu.memory_space<vmem>>, vector<1x16xf32>,
        %get3A_1246 = arith.index_cast %scan3A_1209 : i32 to index
        %get3A_1247 = arith.constant 16 : index
        %get3A_1248 = tpu.vector_load %arg19[%get3A_1246, %get3A_1247] {strides = array<i32>} : memref<64x64xi32, #tpu.memory_space<vmem>>, vector<1x16xi32>,
        %get3A_1249 = vector.shape_cast %get3A_1248 : vector<1x16xi32> to vector<16xi32>
        %get3A_1250 = arith.index_cast %scan3A_1209 : i32 to index
        %get3A_1251 = arith.constant 16 : index
        %get3A_1252 = tpu.vector_load %arg21[%get3A_1250, %get3A_1251] {strides = array<i32>} : memref<64x64xi32, #tpu.memory_space<vmem>>, vector<1x16xi32>,
        %get3A_1253 = vector.shape_cast %get3A_1252 : vector<1x16xi32> to vector<16xi32>
        %shift_left3A_1254 = arith.constant 16 : i32
        %shift_left3A_1255 = vector.broadcast %shift_left3A_1254 : i32 to vector<16xi32>
        %shift_left3A_1256 = arith.shli %get3A_1249, %shift_left3A_1255 : vector<16xi32>
        %bitcast_convert_type3A_1257 = tpu.bitcast %shift_left3A_1256 : vector<16xi32> -> vector<16xf32>
        %shift_left3A_1258 = arith.constant 16 : i32
        %shift_left3A_1259 = vector.broadcast %shift_left3A_1258 : i32 to vector<16xi32>
        %shift_left3A_1260 = arith.shli %get3A_1253, %shift_left3A_1259 : vector<16xi32>
        %bitcast_convert_type3A_1261 = tpu.bitcast %shift_left3A_1260 : vector<16xi32> -> vector<16xf32>
        %mul3A_1262 = arith.mulf %bitcast_convert_type3A_1257, %bitcast_convert_type3A_1261 : vector<16xf32>
        %and3A_1263 = arith.constant -65536 : i32
        %and3A_1264 = vector.broadcast %and3A_1263 : i32 to vector<16xi32>
        %and3A_1265 = arith.andi %get3A_1249, %and3A_1264 : vector<16xi32>
        %bitcast_convert_type3A_1266 = tpu.bitcast %and3A_1265 : vector<16xi32> -> vector<16xf32>
        %and3A_1267 = arith.constant -65536 : i32
        %and3A_1268 = vector.broadcast %and3A_1267 : i32 to vector<16xi32>
        %and3A_1269 = arith.andi %get3A_1253, %and3A_1268 : vector<16xi32>
        %bitcast_convert_type3A_1270 = tpu.bitcast %and3A_1269 : vector<16xi32> -> vector<16xf32>
        %mul3A_1271 = arith.mulf %bitcast_convert_type3A_1266, %bitcast_convert_type3A_1270 : vector<16xf32>
        %swap3A_1272 = arith.index_cast %scan3A_1209 : i32 to index
        %swap3A_1273 = arith.constant 32 : index
        %swap3A_1274 = tpu.vector_load %arg23[%swap3A_1272, %swap3A_1273] {strides = array<i32>} : memref<64x128xf32, #tpu.memory_space<vmem>>, vector<1x16xf32>,
        %swap3A_1275 = vector.shape_cast %swap3A_1274 : vector<1x16xf32> to vector<16xf32>
        %swap3A_1276 = vector.shape_cast %mul3A_1262 : vector<16xf32> to vector<1x16xf32>
        tpu.vector_store %arg23[%swap3A_1272, %swap3A_1273], %swap3A_1276 {strides = array<i32>} : memref<64x128xf32, #tpu.memory_space<vmem>>, vector<1x16xf32>,
        %swap3A_1277 = arith.index_cast %scan3A_1209 : i32 to index
        %swap3A_1278 = arith.constant 48 : index
        %swap3A_1279 = tpu.vector_load %arg23[%swap3A_1277, %swap3A_1278] {strides = array<i32>} : memref<64x128xf32, #tpu.memory_space<vmem>>, vector<1x16xf32>,
        %swap3A_1280 = vector.shape_cast %swap3A_1279 : vector<1x16xf32> to vector<16xf32>
        %swap3A_1281 = vector.shape_cast %mul3A_1271 : vector<16xf32> to vector<1x16xf32>
        tpu.vector_store %arg23[%swap3A_1277, %swap3A_1278], %swap3A_1281 {strides = array<i32>} : memref<64x128xf32, #tpu.memory_space<vmem>>, vector<1x16xf32>,
        %get3A_1282 = arith.index_cast %scan3A_1209 : i32 to index
        %get3A_1283 = arith.constant 32 : index
        %get3A_1284 = tpu.vector_load %arg19[%get3A_1282, %get3A_1283] {strides = array<i32>} : memref<64x64xi32, #tpu.memory_space<vmem>>, vector<1x16xi32>,
        %get3A_1285 = vector.shape_cast %get3A_1284 : vector<1x16xi32> to vector<16xi32>
        %get3A_1286 = arith.index_cast %scan3A_1209 : i32 to index
        %get3A_1287 = arith.constant 32 : index
        %get3A_1288 = tpu.vector_load %arg21[%get3A_1286, %get3A_1287] {strides = array<i32>} : memref<64x64xi32, #tpu.memory_space<vmem>>, vector<1x16xi32>,
        %get3A_1289 = vector.shape_cast %get3A_1288 : vector<1x16xi32> to vector<16xi32>
        %shift_left3A_1290 = arith.constant 16 : i32
        %shift_left3A_1291 = vector.broadcast %shift_left3A_1290 : i32 to vector<16xi32>
        %shift_left3A_1292 = arith.shli %get3A_1285, %shift_left3A_1291 : vector<16xi32>
        %bitcast_convert_type3A_1293 = tpu.bitcast %shift_left3A_1292 : vector<16xi32> -> vector<16xf32>
        %shift_left3A_1294 = arith.constant 16 : i32
        %shift_left3A_1295 = vector.broadcast %shift_left3A_1294 : i32 to vector<16xi32>
        %shift_left3A_1296 = arith.shli %get3A_1289, %shift_left3A_1295 : vector<16xi32>
        %bitcast_convert_type3A_1297 = tpu.bitcast %shift_left3A_1296 : vector<16xi32> -> vector<16xf32>
        %mul3A_1298 = arith.mulf %bitcast_convert_type3A_1293, %bitcast_convert_type3A_1297 : vector<16xf32>
        %and3A_1299 = arith.constant -65536 : i32
        %and3A_1300 = vector.broadcast %and3A_1299 : i32 to vector<16xi32>
        %and3A_1301 = arith.andi %get3A_1285, %and3A_1300 : vector<16xi32>
        %bitcast_convert_type3A_1302 = tpu.bitcast %and3A_1301 : vector<16xi32> -> vector<16xf32>
        %and3A_1303 = arith.constant -65536 : i32
        %and3A_1304 = vector.broadcast %and3A_1303 : i32 to vector<16xi32>
        %and3A_1305 = arith.andi %get3A_1289, %and3A_1304 : vector<16xi32>
        %bitcast_convert_type3A_1306 = tpu.bitcast %and3A_1305 : vector<16xi32> -> vector<16xf32>
        %mul3A_1307 = arith.mulf %bitcast_convert_type3A_1302, %bitcast_convert_type3A_1306 : vector<16xf32>
        %swap3A_1308 = arith.index_cast %scan3A_1209 : i32 to index
        %swap3A_1309 = arith.constant 64 : index
        %swap3A_1310 = tpu.vector_load %arg23[%swap3A_1308, %swap3A_1309] {strides = array<i32>} : memref<64x128xf32, #tpu.memory_space<vmem>>, vector<1x16xf32>,
        %swap3A_1311 = vector.shape_cast %swap3A_1310 : vector<1x16xf32> to vector<16xf32>
        %swap3A_1312 = vector.shape_cast %mul3A_1298 : vector<16xf32> to vector<1x16xf32>
        tpu.vector_store %arg23[%swap3A_1308, %swap3A_1309], %swap3A_1312 {strides = array<i32>} : memref<64x128xf32, #tpu.memory_space<vmem>>, vector<1x16xf32>,
        %swap3A_1313 = arith.index_cast %scan3A_1209 : i32 to index
        %swap3A_1314 = arith.constant 80 : index
        %swap3A_1315 = tpu.vector_load %arg23[%swap3A_1313, %swap3A_1314] {strides = array<i32>} : memref<64x128xf32, #tpu.memory_space<vmem>>, vector<1x16xf32>,
        %swap3A_1316 = vector.shape_cast %swap3A_1315 : vector<1x16xf32> to vector<16xf32>
        %swap3A_1317 = vector.shape_cast %mul3A_1307 : vector<16xf32> to vector<1x16xf32>
        tpu.vector_store %arg23[%swap3A_1313, %swap3A_1314], %swap3A_1317 {strides = array<i32>} : memref<64x128xf32, #tpu.memory_space<vmem>>, vector<1x16xf32>,
        %get3A_1318 = arith.index_cast %scan3A_1209 : i32 to index
        %get3A_1319 = arith.constant 48 : index
        %get3A_1320 = tpu.vector_load %arg19[%get3A_1318, %get3A_1319] {strides = array<i32>} : memref<64x64xi32, #tpu.memory_space<vmem>>, vector<1x16xi32>,
        %get3A_1321 = vector.shape_cast %get3A_1320 : vector<1x16xi32> to vector<16xi32>
        %get3A_1322 = arith.index_cast %scan3A_1209 : i32 to index
        %get3A_1323 = arith.constant 48 : index
        %get3A_1324 = tpu.vector_load %arg21[%get3A_1322, %get3A_1323] {strides = array<i32>} : memref<64x64xi32, #tpu.memory_space<vmem>>, vector<1x16xi32>,
        %get3A_1325 = vector.shape_cast %get3A_1324 : vector<1x16xi32> to vector<16xi32>
        %shift_left3A_1326 = arith.constant 16 : i32
        %shift_left3A_1327 = vector.broadcast %shift_left3A_1326 : i32 to vector<16xi32>
        %shift_left3A_1328 = arith.shli %get3A_1321, %shift_left3A_1327 : vector<16xi32>
        %bitcast_convert_type3A_1329 = tpu.bitcast %shift_left3A_1328 : vector<16xi32> -> vector<16xf32>
        %shift_left3A_1330 = arith.constant 16 : i32
        %shift_left3A_1331 = vector.broadcast %shift_left3A_1330 : i32 to vector<16xi32>
        %shift_left3A_1332 = arith.shli %get3A_1325, %shift_left3A_1331 : vector<16xi32>
        %bitcast_convert_type3A_1333 = tpu.bitcast %shift_left3A_1332 : vector<16xi32> -> vector<16xf32>
        %mul3A_1334 = arith.mulf %bitcast_convert_type3A_1329, %bitcast_convert_type3A_1333 : vector<16xf32>
        %and3A_1335 = arith.constant -65536 : i32
        %and3A_1336 = vector.broadcast %and3A_1335 : i32 to vector<16xi32>
        %and3A_1337 = arith.andi %get3A_1321, %and3A_1336 : vector<16xi32>
        %bitcast_convert_type3A_1338 = tpu.bitcast %and3A_1337 : vector<16xi32> -> vector<16xf32>
        %and3A_1339 = arith.constant -65536 : i32
        %and3A_1340 = vector.broadcast %and3A_1339 : i32 to vector<16xi32>
        %and3A_1341 = arith.andi %get3A_1325, %and3A_1340 : vector<16xi32>
        %bitcast_convert_type3A_1342 = tpu.bitcast %and3A_1341 : vector<16xi32> -> vector<16xf32>
        %mul3A_1343 = arith.mulf %bitcast_convert_type3A_1338, %bitcast_convert_type3A_1342 : vector<16xf32>
        %swap3A_1344 = arith.index_cast %scan3A_1209 : i32 to index
        %swap3A_1345 = arith.constant 96 : index
        %swap3A_1346 = tpu.vector_load %arg23[%swap3A_1344, %swap3A_1345] {strides = array<i32>} : memref<64x128xf32, #tpu.memory_space<vmem>>, vector<1x16xf32>,
        %swap3A_1347 = vector.shape_cast %swap3A_1346 : vector<1x16xf32> to vector<16xf32>
        %swap3A_1348 = vector.shape_cast %mul3A_1334 : vector<16xf32> to vector<1x16xf32>
        tpu.vector_store %arg23[%swap3A_1344, %swap3A_1345], %swap3A_1348 {strides = array<i32>} : memref<64x128xf32, #tpu.memory_space<vmem>>, vector<1x16xf32>,
        %swap3A_1349 = arith.index_cast %scan3A_1209 : i32 to index
        %swap3A_1350 = arith.constant 112 : index
        %swap3A_1351 = tpu.vector_load %arg23[%swap3A_1349, %swap3A_1350] {strides = array<i32>} : memref<64x128xf32, #tpu.memory_space<vmem>>, vector<1x16xf32>,
        %swap3A_1352 = vector.shape_cast %swap3A_1351 : vector<1x16xf32> to vector<16xf32>
        %swap3A_1353 = vector.shape_cast %mul3A_1343 : vector<16xf32> to vector<1x16xf32>
        tpu.vector_store %arg23[%swap3A_1349, %swap3A_1350], %swap3A_1353 {strides = array<i32>} : memref<64x128xf32, #tpu.memory_space<vmem>>, vector<1x16xf32>,
      }
      %scan3A_597 = arith.constant 64 : i32
      %dma_start3A_598 = arith.constant 0 : i32
      %dma_start3A_599 = arith.constant 0 : i32
      %dma_start3A_600 = tpu.memref_slice %arg26[%dma_start3A_598, %dma_start3A_599] : memref<10000x128xf32, #tpu.memory_space<vmem_shared>> -> memref<10000x128xf32, #tpu.memory_space<vmem_shared>>
      tpu.enqueue_indirect_dma source(%arg23 : memref<64x128xf32, #tpu.memory_space<vmem>>) target(%dma_start3A_600 : memref<10000x128xf32, #tpu.memory_space<vmem_shared>>) offsets(%arg15 : memref<64xi32, #tpu.memory_space<vmem>>) semaphore(%arg32 : memref<!tpu.dma_semaphore, #tpu.memory_space<semaphore_mem>>) {add = true}
      %mul3A_601 = arith.constant 4 : i32
      %mul3A_602 = arith.muli %mul3A_601, %scan3A_431 : i32
      %add3A_603 = arith.constant 1 : i32
      %add3A_604 = arith.addi %mul3A_602, %add3A_603 : i32
      %add3A_605 = arith.constant 2 : i32
      %add3A_606 = arith.addi %add3A_604, %add3A_605 : i32
      %dma_wait3A_607 = arith.constant 0 : i32
      %dma_wait3A_608 = tpu.memref_slice %arg2[%dma_wait3A_607] : memref<640000xi32, #tpu.memory_space<hbm>> -> memref<64xi32, #tpu.memory_space<hbm>>
      %dma_wait3A_609 = arith.constant 0 : i32
      %dma_wait3A_610 = tpu.memref_slice %arg2[%dma_wait3A_609] : memref<640000xi32, #tpu.memory_space<hbm>> -> memref<64xi32, #tpu.memory_space<hbm>>
      tpu.wait_dma2 semaphore(%arg30 : memref<!tpu.dma_semaphore, #tpu.memory_space<semaphore_mem>>) src(%dma_wait3A_610 : memref<64xi32, #tpu.memory_space<hbm>>) dst(%arg8 : memref<64xi32, #tpu.memory_space<vmem>>)
      %dma_wait3A_611 = arith.constant 0 : i32
      %dma_wait3A_612 = tpu.memref_slice %arg2[%dma_wait3A_611] : memref<640000xi32, #tpu.memory_space<hbm>> -> memref<64xi32, #tpu.memory_space<hbm>>
      %dma_wait3A_613 = arith.constant 0 : i32
      %dma_wait3A_614 = tpu.memref_slice %arg2[%dma_wait3A_613] : memref<640000xi32, #tpu.memory_space<hbm>> -> memref<64xi32, #tpu.memory_space<hbm>>
      tpu.wait_dma2 semaphore(%arg30 : memref<!tpu.dma_semaphore, #tpu.memory_space<semaphore_mem>>) src(%dma_wait3A_614 : memref<64xi32, #tpu.memory_space<hbm>>) dst(%arg9 : memref<64xi32, #tpu.memory_space<vmem>>)
      %get3A_615 = arith.constant 0 : index
      %get3A_616 = tpu.vector_load %arg8[%get3A_615] {strides = array<i32>} : memref<64xi32, #tpu.memory_space<vmem>>, vector<16xi32>,
      %get3A_617 = vector.shape_cast %get3A_616 : vector<16xi32> to vector<16xi32>
      %get3A_618 = arith.constant 0 : index
      %get3A_619 = tpu.vector_load %arg9[%get3A_618] {strides = array<i32>} : memref<64xi32, #tpu.memory_space<vmem>>, vector<16xi32>,
      %get3A_620 = vector.shape_cast %get3A_619 : vector<16xi32> to vector<16xi32>
      %swap3A_621 = arith.constant 0 : index
      %swap3A_622 = tpu.vector_load %arg11[%swap3A_621] {strides = array<i32>} : memref<64xi32, #tpu.memory_space<vmem>>, vector<16xi32>,
      %swap3A_623 = vector.shape_cast %swap3A_622 : vector<16xi32> to vector<16xi32>
      %swap3A_624 = vector.shape_cast %get3A_617 : vector<16xi32> to vector<16xi32>
      tpu.vector_store %arg11[%swap3A_621], %swap3A_624 {strides = array<i32>} : memref<64xi32, #tpu.memory_space<vmem>>, vector<16xi32>,
      %swap3A_625 = arith.constant 0 : index
      %swap3A_626 = tpu.vector_load %arg17[%swap3A_625] {strides = array<i32>} : memref<64xi32, #tpu.memory_space<vmem>>, vector<16xi32>,
      %swap3A_627 = vector.shape_cast %swap3A_626 : vector<16xi32> to vector<16xi32>
      %swap3A_628 = vector.shape_cast %get3A_620 : vector<16xi32> to vector<16xi32>
      tpu.vector_store %arg17[%swap3A_625], %swap3A_628 {strides = array<i32>} : memref<64xi32, #tpu.memory_space<vmem>>, vector<16xi32>,
      %sub3A_629 = arith.subi %get3A_617, %get3A_620 : vector<16xi32>
      %lt3A_630 = arith.constant 0 : i32
      %lt3A_631 = vector.broadcast %lt3A_630 : i32 to vector<16xi32>
      %lt3A_632 = arith.cmpi slt, %sub3A_629, %lt3A_631 : vector<16xi32>
      %add3A_633 = arith.constant 10000 : i32
      %add3A_634 = vector.broadcast %add3A_633 : i32 to vector<16xi32>
      %add3A_635 = arith.addi %sub3A_629, %add3A_634 : vector<16xi32>
      %select_n3A_636 = arith.select %lt3A_632, %add3A_635, %sub3A_629 : vector<16xi1>, vector<16xi32>
      %swap3A_637 = arith.constant 0 : index
      %swap3A_638 = tpu.vector_load %arg13[%swap3A_637] {strides = array<i32>} : memref<64xi32, #tpu.memory_space<vmem>>, vector<16xi32>,
      %swap3A_639 = vector.shape_cast %swap3A_638 : vector<16xi32> to vector<16xi32>
      %swap3A_640 = vector.shape_cast %select_n3A_636 : vector<16xi32> to vector<16xi32>
      tpu.vector_store %arg13[%swap3A_637], %swap3A_640 {strides = array<i32>} : memref<64xi32, #tpu.memory_space<vmem>>, vector<16xi32>,
      %get3A_641 = arith.constant 16 : index
      %get3A_642 = tpu.vector_load %arg8[%get3A_641] {strides = array<i32>} : memref<64xi32, #tpu.memory_space<vmem>>, vector<16xi32>,
      %get3A_643 = vector.shape_cast %get3A_642 : vector<16xi32> to vector<16xi32>
      %get3A_644 = arith.constant 16 : index
      %get3A_645 = tpu.vector_load %arg9[%get3A_644] {strides = array<i32>} : memref<64xi32, #tpu.memory_space<vmem>>, vector<16xi32>,
      %get3A_646 = vector.shape_cast %get3A_645 : vector<16xi32> to vector<16xi32>
      %swap3A_647 = arith.constant 16 : index
      %swap3A_648 = tpu.vector_load %arg11[%swap3A_647] {strides = array<i32>} : memref<64xi32, #tpu.memory_space<vmem>>, vector<16xi32>,
      %swap3A_649 = vector.shape_cast %swap3A_648 : vector<16xi32> to vector<16xi32>
      %swap3A_650 = vector.shape_cast %get3A_643 : vector<16xi32> to vector<16xi32>
      tpu.vector_store %arg11[%swap3A_647], %swap3A_650 {strides = array<i32>} : memref<64xi32, #tpu.memory_space<vmem>>, vector<16xi32>,
      %swap3A_651 = arith.constant 16 : index
      %swap3A_652 = tpu.vector_load %arg17[%swap3A_651] {strides = array<i32>} : memref<64xi32, #tpu.memory_space<vmem>>, vector<16xi32>,
      %swap3A_653 = vector.shape_cast %swap3A_652 : vector<16xi32> to vector<16xi32>
      %swap3A_654 = vector.shape_cast %get3A_646 : vector<16xi32> to vector<16xi32>
      tpu.vector_store %arg17[%swap3A_651], %swap3A_654 {strides = array<i32>} : memref<64xi32, #tpu.memory_space<vmem>>, vector<16xi32>,
      %sub3A_655 = arith.subi %get3A_643, %get3A_646 : vector<16xi32>
      %lt3A_656 = arith.constant 0 : i32
      %lt3A_657 = vector.broadcast %lt3A_656 : i32 to vector<16xi32>
      %lt3A_658 = arith.cmpi slt, %sub3A_655, %lt3A_657 : vector<16xi32>
      %add3A_659 = arith.constant 10000 : i32
      %add3A_660 = vector.broadcast %add3A_659 : i32 to vector<16xi32>
      %add3A_661 = arith.addi %sub3A_655, %add3A_660 : vector<16xi32>
      %select_n3A_662 = arith.select %lt3A_658, %add3A_661, %sub3A_655 : vector<16xi1>, vector<16xi32>
      %swap3A_663 = arith.constant 16 : index
      %swap3A_664 = tpu.vector_load %arg13[%swap3A_663] {strides = array<i32>} : memref<64xi32, #tpu.memory_space<vmem>>, vector<16xi32>,
      %swap3A_665 = vector.shape_cast %swap3A_664 : vector<16xi32> to vector<16xi32>
      %swap3A_666 = vector.shape_cast %select_n3A_662 : vector<16xi32> to vector<16xi32>
      tpu.vector_store %arg13[%swap3A_663], %swap3A_666 {strides = array<i32>} : memref<64xi32, #tpu.memory_space<vmem>>, vector<16xi32>,
      %get3A_667 = arith.constant 32 : index
      %get3A_668 = tpu.vector_load %arg8[%get3A_667] {strides = array<i32>} : memref<64xi32, #tpu.memory_space<vmem>>, vector<16xi32>,
      %get3A_669 = vector.shape_cast %get3A_668 : vector<16xi32> to vector<16xi32>
      %get3A_670 = arith.constant 32 : index
      %get3A_671 = tpu.vector_load %arg9[%get3A_670] {strides = array<i32>} : memref<64xi32, #tpu.memory_space<vmem>>, vector<16xi32>,
      %get3A_672 = vector.shape_cast %get3A_671 : vector<16xi32> to vector<16xi32>
      %swap3A_673 = arith.constant 32 : index
      %swap3A_674 = tpu.vector_load %arg11[%swap3A_673] {strides = array<i32>} : memref<64xi32, #tpu.memory_space<vmem>>, vector<16xi32>,
      %swap3A_675 = vector.shape_cast %swap3A_674 : vector<16xi32> to vector<16xi32>
      %swap3A_676 = vector.shape_cast %get3A_669 : vector<16xi32> to vector<16xi32>
      tpu.vector_store %arg11[%swap3A_673], %swap3A_676 {strides = array<i32>} : memref<64xi32, #tpu.memory_space<vmem>>, vector<16xi32>,
      %swap3A_677 = arith.constant 32 : index
      %swap3A_678 = tpu.vector_load %arg17[%swap3A_677] {strides = array<i32>} : memref<64xi32, #tpu.memory_space<vmem>>, vector<16xi32>,
      %swap3A_679 = vector.shape_cast %swap3A_678 : vector<16xi32> to vector<16xi32>
      %swap3A_680 = vector.shape_cast %get3A_672 : vector<16xi32> to vector<16xi32>
      tpu.vector_store %arg17[%swap3A_677], %swap3A_680 {strides = array<i32>} : memref<64xi32, #tpu.memory_space<vmem>>, vector<16xi32>,
      %sub3A_681 = arith.subi %get3A_669, %get3A_672 : vector<16xi32>
      %lt3A_682 = arith.constant 0 : i32
      %lt3A_683 = vector.broadcast %lt3A_682 : i32 to vector<16xi32>
      %lt3A_684 = arith.cmpi slt, %sub3A_681, %lt3A_683 : vector<16xi32>
      %add3A_685 = arith.constant 10000 : i32
      %add3A_686 = vector.broadcast %add3A_685 : i32 to vector<16xi32>
      %add3A_687 = arith.addi %sub3A_681, %add3A_686 : vector<16xi32>
      %select_n3A_688 = arith.select %lt3A_684, %add3A_687, %sub3A_681 : vector<16xi1>, vector<16xi32>
      %swap3A_689 = arith.constant 32 : index
      %swap3A_690 = tpu.vector_load %arg13[%swap3A_689] {strides = array<i32>} : memref<64xi32, #tpu.memory_space<vmem>>, vector<16xi32>,
      %swap3A_691 = vector.shape_cast %swap3A_690 : vector<16xi32> to vector<16xi32>
      %swap3A_692 = vector.shape_cast %select_n3A_688 : vector<16xi32> to vector<16xi32>
      tpu.vector_store %arg13[%swap3A_689], %swap3A_692 {strides = array<i32>} : memref<64xi32, #tpu.memory_space<vmem>>, vector<16xi32>,
      %get3A_693 = arith.constant 48 : index
      %get3A_694 = tpu.vector_load %arg8[%get3A_693] {strides = array<i32>} : memref<64xi32, #tpu.memory_space<vmem>>, vector<16xi32>,
      %get3A_695 = vector.shape_cast %get3A_694 : vector<16xi32> to vector<16xi32>
      %get3A_696 = arith.constant 48 : index
      %get3A_697 = tpu.vector_load %arg9[%get3A_696] {strides = array<i32>} : memref<64xi32, #tpu.memory_space<vmem>>, vector<16xi32>,
      %get3A_698 = vector.shape_cast %get3A_697 : vector<16xi32> to vector<16xi32>
      %swap3A_699 = arith.constant 48 : index
      %swap3A_700 = tpu.vector_load %arg11[%swap3A_699] {strides = array<i32>} : memref<64xi32, #tpu.memory_space<vmem>>, vector<16xi32>,
      %swap3A_701 = vector.shape_cast %swap3A_700 : vector<16xi32> to vector<16xi32>
      %swap3A_702 = vector.shape_cast %get3A_695 : vector<16xi32> to vector<16xi32>
      tpu.vector_store %arg11[%swap3A_699], %swap3A_702 {strides = array<i32>} : memref<64xi32, #tpu.memory_space<vmem>>, vector<16xi32>,
      %swap3A_703 = arith.constant 48 : index
      %swap3A_704 = tpu.vector_load %arg17[%swap3A_703] {strides = array<i32>} : memref<64xi32, #tpu.memory_space<vmem>>, vector<16xi32>,
      %swap3A_705 = vector.shape_cast %swap3A_704 : vector<16xi32> to vector<16xi32>
      %swap3A_706 = vector.shape_cast %get3A_698 : vector<16xi32> to vector<16xi32>
      tpu.vector_store %arg17[%swap3A_703], %swap3A_706 {strides = array<i32>} : memref<64xi32, #tpu.memory_space<vmem>>, vector<16xi32>,
      %sub3A_707 = arith.subi %get3A_695, %get3A_698 : vector<16xi32>
      %lt3A_708 = arith.constant 0 : i32
      %lt3A_709 = vector.broadcast %lt3A_708 : i32 to vector<16xi32>
      %lt3A_710 = arith.cmpi slt, %sub3A_707, %lt3A_709 : vector<16xi32>
      %add3A_711 = arith.constant 10000 : i32
      %add3A_712 = vector.broadcast %add3A_711 : i32 to vector<16xi32>
      %add3A_713 = arith.addi %sub3A_707, %add3A_712 : vector<16xi32>
      %select_n3A_714 = arith.select %lt3A_710, %add3A_713, %sub3A_707 : vector<16xi1>, vector<16xi32>
      %swap3A_715 = arith.constant 48 : index
      %swap3A_716 = tpu.vector_load %arg13[%swap3A_715] {strides = array<i32>} : memref<64xi32, #tpu.memory_space<vmem>>, vector<16xi32>,
      %swap3A_717 = vector.shape_cast %swap3A_716 : vector<16xi32> to vector<16xi32>
      %swap3A_718 = vector.shape_cast %select_n3A_714 : vector<16xi32> to vector<16xi32>
      tpu.vector_store %arg13[%swap3A_715], %swap3A_718 {strides = array<i32>} : memref<64xi32, #tpu.memory_space<vmem>>, vector<16xi32>,
      %dma_start3A_719 = arith.constant 0 : i32
      %dma_start3A_720 = arith.constant 0 : i32
      %dma_start3A_721 = tpu.memref_slice %arg3[%dma_start3A_719, %dma_start3A_720] : memref<10000x64xi32, #tpu.memory_space<hbm>> -> memref<10000x64xi32, #tpu.memory_space<hbm>>
      tpu.enqueue_indirect_dma source(%dma_start3A_721 : memref<10000x64xi32, #tpu.memory_space<hbm>>) target(%arg19 : memref<64x64xi32, #tpu.memory_space<vmem>>) offsets(%arg11 : memref<64xi32, #tpu.memory_space<vmem>>) semaphore(%arg28 : memref<!tpu.dma_semaphore, #tpu.memory_space<semaphore_mem>>)
      %dma_start3A_722 = arith.constant 0 : i32
      %dma_start3A_723 = arith.constant 0 : i32
      %dma_start3A_724 = tpu.memref_slice %arg4[%dma_start3A_722, %dma_start3A_723] : memref<10000x64xi32, #tpu.memory_space<hbm>> -> memref<10000x64xi32, #tpu.memory_space<hbm>>
      tpu.enqueue_indirect_dma source(%dma_start3A_724 : memref<10000x64xi32, #tpu.memory_space<hbm>>) target(%arg21 : memref<64x64xi32, #tpu.memory_space<vmem>>) offsets(%arg13 : memref<64xi32, #tpu.memory_space<vmem>>) semaphore(%arg28 : memref<!tpu.dma_semaphore, #tpu.memory_space<semaphore_mem>>)
      %convert_element_type3A_725 = arith.extui %le3A_582 : i1 to i32
      %cond3A_726 = arith.constant 0 : i32
      %cond3A_727 = arith.cmpi ne, %convert_element_type3A_725, %cond3A_726 : i32
      scf.if %cond3A_727 {
        %add3A_774 = arith.constant 2 : i32
        %add3A_775 = arith.addi %add3A_606, %add3A_774 : i32
        %mul3A_776 = arith.constant 64 : i32
        %mul3A_777 = arith.muli %add3A_775, %mul3A_776 : i32
        %add3A_778 = arith.addi %mul3A_2, %mul3A_777 : i32
        %dma_start3A_779 = tpu.memref_slice %arg2[%add3A_778] : memref<640000xi32, #tpu.memory_space<hbm>> -> memref<64xi32, #tpu.memory_space<hbm>>
        %dma_start3A_780 = tpu.memref_slice %arg2[%add3A_778] : memref<640000xi32, #tpu.memory_space<hbm>> -> memref<64xi32, #tpu.memory_space<hbm>>
        tpu.enqueue_dma source(%dma_start3A_780 : memref<64xi32, #tpu.memory_space<hbm>>) target(%arg8 : memref<64xi32, #tpu.memory_space<vmem>>) target_semaphore(%arg30 : memref<!tpu.dma_semaphore, #tpu.memory_space<semaphore_mem>>)
        %add3A_781 = arith.constant 320000 : i32
        %add3A_782 = arith.addi %add3A_781, %add3A_778 : i32
        %dma_start3A_783 = tpu.memref_slice %arg2[%add3A_782] : memref<640000xi32, #tpu.memory_space<hbm>> -> memref<64xi32, #tpu.memory_space<hbm>>
        %dma_start3A_784 = tpu.memref_slice %arg2[%add3A_782] : memref<640000xi32, #tpu.memory_space<hbm>> -> memref<64xi32, #tpu.memory_space<hbm>>
        tpu.enqueue_dma source(%dma_start3A_784 : memref<64xi32, #tpu.memory_space<hbm>>) target(%arg9 : memref<64xi32, #tpu.memory_space<vmem>>) target_semaphore(%arg30 : memref<!tpu.dma_semaphore, #tpu.memory_space<semaphore_mem>>)
      } else {
      }
      %le3A_728 = arith.constant 37 : i32
      %le3A_729 = arith.cmpi sle, %scan3A_431, %le3A_728 : i32
      %dma_wait3A_730 = arith.constant 0 : i32
      %dma_wait3A_731 = arith.constant 0 : i32
      %dma_wait3A_732 = tpu.memref_slice %arg3[%dma_wait3A_730, %dma_wait3A_731] : memref<10000x64xi32, #tpu.memory_space<hbm>> -> memref<10000x64xi32, #tpu.memory_space<hbm>>
      tpu.wait_indirect_dma semaphore(%arg27 : memref<!tpu.dma_semaphore, #tpu.memory_space<semaphore_mem>>) src(%dma_wait3A_732 : memref<10000x64xi32, #tpu.memory_space<hbm>>) dst(%arg18 : memref<64x64xi32, #tpu.memory_space<vmem>>)
      %dma_wait3A_733 = arith.constant 0 : i32
      %dma_wait3A_734 = arith.constant 0 : i32
      %dma_wait3A_735 = tpu.memref_slice %arg4[%dma_wait3A_733, %dma_wait3A_734] : memref<10000x64xi32, #tpu.memory_space<hbm>> -> memref<10000x64xi32, #tpu.memory_space<hbm>>
      tpu.wait_indirect_dma semaphore(%arg27 : memref<!tpu.dma_semaphore, #tpu.memory_space<semaphore_mem>>) src(%dma_wait3A_735 : memref<10000x64xi32, #tpu.memory_space<hbm>>) dst(%arg20 : memref<64x64xi32, #tpu.memory_space<vmem>>)
      %dma_wait3A_736 = arith.constant 0 : i32
      %dma_wait3A_737 = arith.constant 0 : i32
      %dma_wait3A_738 = tpu.memref_slice %arg26[%dma_wait3A_736, %dma_wait3A_737] : memref<10000x128xf32, #tpu.memory_space<vmem_shared>> -> memref<10000x128xf32, #tpu.memory_space<vmem_shared>>
      tpu.wait_indirect_dma semaphore(%arg31 : memref<!tpu.dma_semaphore, #tpu.memory_space<semaphore_mem>>) src(%arg22 : memref<64x128xf32, #tpu.memory_space<vmem>>) dst(%dma_wait3A_738 : memref<10000x128xf32, #tpu.memory_space<vmem_shared>>)
      %scan3A_739 = arith.constant 0 : i32
      %scan3A_740 = arith.constant 0 : i32
      %scan3A_741 = arith.constant 64 : i32
      %scan3A_742 = arith.addi %scan3A_740, %scan3A_741 : i32
      %scan3A_743 = arith.constant 4 : i32
      scf.for %scan3A_774 = %scan3A_740 to %scan3A_742 step %scan3A_743  : i32 {
        %get3A_775 = arith.index_cast %scan3A_774 : i32 to index
        %get3A_776 = arith.constant 0 : index
        %get3A_777 = tpu.vector_load %arg18[%get3A_775, %get3A_776] {strides = array<i32>} : memref<64x64xi32, #tpu.memory_space<vmem>>, vector<1x16xi32>,
        %get3A_778 = vector.shape_cast %get3A_777 : vector<1x16xi32> to vector<16xi32>
        %get3A_779 = arith.index_cast %scan3A_774 : i32 to index
        %get3A_780 = arith.constant 0 : index
        %get3A_781 = tpu.vector_load %arg20[%get3A_779, %get3A_780] {strides = array<i32>} : memref<64x64xi32, #tpu.memory_space<vmem>>, vector<1x16xi32>,
        %get3A_782 = vector.shape_cast %get3A_781 : vector<1x16xi32> to vector<16xi32>
        %shift_left3A = arith.constant 16 : i32
        %shift_left3A_783 = vector.broadcast %shift_left3A : i32 to vector<16xi32>
        %shift_left3A_784 = arith.shli %get3A_778, %shift_left3A_783 : vector<16xi32>
        %bitcast_convert_type3A = tpu.bitcast %shift_left3A_784 : vector<16xi32> -> vector<16xf32>
        %shift_left3A_785 = arith.constant 16 : i32
        %shift_left3A_786 = vector.broadcast %shift_left3A_785 : i32 to vector<16xi32>
        %shift_left3A_787 = arith.shli %get3A_782, %shift_left3A_786 : vector<16xi32>
        %bitcast_convert_type3A_788 = tpu.bitcast %shift_left3A_787 : vector<16xi32> -> vector<16xf32>
        %mul3A_789 = arith.mulf %bitcast_convert_type3A, %bitcast_convert_type3A_788 : vector<16xf32>
        %and3A = arith.constant -65536 : i32
        %and3A_790 = vector.broadcast %and3A : i32 to vector<16xi32>
        %and3A_791 = arith.andi %get3A_778, %and3A_790 : vector<16xi32>
        %bitcast_convert_type3A_792 = tpu.bitcast %and3A_791 : vector<16xi32> -> vector<16xf32>
        %and3A_793 = arith.constant -65536 : i32
        %and3A_794 = vector.broadcast %and3A_793 : i32 to vector<16xi32>
        %and3A_795 = arith.andi %get3A_782, %and3A_794 : vector<16xi32>
        %bitcast_convert_type3A_796 = tpu.bitcast %and3A_795 : vector<16xi32> -> vector<16xf32>
        %mul3A_797 = arith.mulf %bitcast_convert_type3A_792, %bitcast_convert_type3A_796 : vector<16xf32>
        %swap3A_798 = arith.index_cast %scan3A_774 : i32 to index
        %swap3A_799 = arith.constant 0 : index
        %swap3A_800 = tpu.vector_load %arg24[%swap3A_798, %swap3A_799] {strides = array<i32>} : memref<64x128xf32, #tpu.memory_space<vmem>>, vector<1x16xf32>,
        %swap3A_801 = vector.shape_cast %swap3A_800 : vector<1x16xf32> to vector<16xf32>
        %swap3A_802 = vector.shape_cast %mul3A_789 : vector<16xf32> to vector<1x16xf32>
        tpu.vector_store %arg24[%swap3A_798, %swap3A_799], %swap3A_802 {strides = array<i32>} : memref<64x128xf32, #tpu.memory_space<vmem>>, vector<1x16xf32>,
        %swap3A_803 = arith.index_cast %scan3A_774 : i32 to index
        %swap3A_804 = arith.constant 16 : index
        %swap3A_805 = tpu.vector_load %arg24[%swap3A_803, %swap3A_804] {strides = array<i32>} : memref<64x128xf32, #tpu.memory_space<vmem>>, vector<1x16xf32>,
        %swap3A_806 = vector.shape_cast %swap3A_805 : vector<1x16xf32> to vector<16xf32>
        %swap3A_807 = vector.shape_cast %mul3A_797 : vector<16xf32> to vector<1x16xf32>
        tpu.vector_store %arg24[%swap3A_803, %swap3A_804], %swap3A_807 {strides = array<i32>} : memref<64x128xf32, #tpu.memory_space<vmem>>, vector<1x16xf32>,
        %get3A_808 = arith.index_cast %scan3A_774 : i32 to index
        %get3A_809 = arith.constant 16 : index
        %get3A_810 = tpu.vector_load %arg18[%get3A_808, %get3A_809] {strides = array<i32>} : memref<64x64xi32, #tpu.memory_space<vmem>>, vector<1x16xi32>,
        %get3A_811 = vector.shape_cast %get3A_810 : vector<1x16xi32> to vector<16xi32>
        %get3A_812 = arith.index_cast %scan3A_774 : i32 to index
        %get3A_813 = arith.constant 16 : index
        %get3A_814 = tpu.vector_load %arg20[%get3A_812, %get3A_813] {strides = array<i32>} : memref<64x64xi32, #tpu.memory_space<vmem>>, vector<1x16xi32>,
        %get3A_815 = vector.shape_cast %get3A_814 : vector<1x16xi32> to vector<16xi32>
        %shift_left3A_816 = arith.constant 16 : i32
        %shift_left3A_817 = vector.broadcast %shift_left3A_816 : i32 to vector<16xi32>
        %shift_left3A_818 = arith.shli %get3A_811, %shift_left3A_817 : vector<16xi32>
        %bitcast_convert_type3A_819 = tpu.bitcast %shift_left3A_818 : vector<16xi32> -> vector<16xf32>
        %shift_left3A_820 = arith.constant 16 : i32
        %shift_left3A_821 = vector.broadcast %shift_left3A_820 : i32 to vector<16xi32>
        %shift_left3A_822 = arith.shli %get3A_815, %shift_left3A_821 : vector<16xi32>
        %bitcast_convert_type3A_823 = tpu.bitcast %shift_left3A_822 : vector<16xi32> -> vector<16xf32>
        %mul3A_824 = arith.mulf %bitcast_convert_type3A_819, %bitcast_convert_type3A_823 : vector<16xf32>
        %and3A_825 = arith.constant -65536 : i32
        %and3A_826 = vector.broadcast %and3A_825 : i32 to vector<16xi32>
        %and3A_827 = arith.andi %get3A_811, %and3A_826 : vector<16xi32>
        %bitcast_convert_type3A_828 = tpu.bitcast %and3A_827 : vector<16xi32> -> vector<16xf32>
        %and3A_829 = arith.constant -65536 : i32
        %and3A_830 = vector.broadcast %and3A_829 : i32 to vector<16xi32>
        %and3A_831 = arith.andi %get3A_815, %and3A_830 : vector<16xi32>
        %bitcast_convert_type3A_832 = tpu.bitcast %and3A_831 : vector<16xi32> -> vector<16xf32>
        %mul3A_833 = arith.mulf %bitcast_convert_type3A_828, %bitcast_convert_type3A_832 : vector<16xf32>
        %swap3A_834 = arith.index_cast %scan3A_774 : i32 to index
        %swap3A_835 = arith.constant 32 : index
        %swap3A_836 = tpu.vector_load %arg24[%swap3A_834, %swap3A_835] {strides = array<i32>} : memref<64x128xf32, #tpu.memory_space<vmem>>, vector<1x16xf32>,
        %swap3A_837 = vector.shape_cast %swap3A_836 : vector<1x16xf32> to vector<16xf32>
        %swap3A_838 = vector.shape_cast %mul3A_824 : vector<16xf32> to vector<1x16xf32>
        tpu.vector_store %arg24[%swap3A_834, %swap3A_835], %swap3A_838 {strides = array<i32>} : memref<64x128xf32, #tpu.memory_space<vmem>>, vector<1x16xf32>,
        %swap3A_839 = arith.index_cast %scan3A_774 : i32 to index
        %swap3A_840 = arith.constant 48 : index
        %swap3A_841 = tpu.vector_load %arg24[%swap3A_839, %swap3A_840] {strides = array<i32>} : memref<64x128xf32, #tpu.memory_space<vmem>>, vector<1x16xf32>,
        %swap3A_842 = vector.shape_cast %swap3A_841 : vector<1x16xf32> to vector<16xf32>
        %swap3A_843 = vector.shape_cast %mul3A_833 : vector<16xf32> to vector<1x16xf32>
        tpu.vector_store %arg24[%swap3A_839, %swap3A_840], %swap3A_843 {strides = array<i32>} : memref<64x128xf32, #tpu.memory_space<vmem>>, vector<1x16xf32>,
        %get3A_844 = arith.index_cast %scan3A_774 : i32 to index
        %get3A_845 = arith.constant 32 : index
        %get3A_846 = tpu.vector_load %arg18[%get3A_844, %get3A_845] {strides = array<i32>} : memref<64x64xi32, #tpu.memory_space<vmem>>, vector<1x16xi32>,
        %get3A_847 = vector.shape_cast %get3A_846 : vector<1x16xi32> to vector<16xi32>
        %get3A_848 = arith.index_cast %scan3A_774 : i32 to index
        %get3A_849 = arith.constant 32 : index
        %get3A_850 = tpu.vector_load %arg20[%get3A_848, %get3A_849] {strides = array<i32>} : memref<64x64xi32, #tpu.memory_space<vmem>>, vector<1x16xi32>,
        %get3A_851 = vector.shape_cast %get3A_850 : vector<1x16xi32> to vector<16xi32>
        %shift_left3A_852 = arith.constant 16 : i32
        %shift_left3A_853 = vector.broadcast %shift_left3A_852 : i32 to vector<16xi32>
        %shift_left3A_854 = arith.shli %get3A_847, %shift_left3A_853 : vector<16xi32>
        %bitcast_convert_type3A_855 = tpu.bitcast %shift_left3A_854 : vector<16xi32> -> vector<16xf32>
        %shift_left3A_856 = arith.constant 16 : i32
        %shift_left3A_857 = vector.broadcast %shift_left3A_856 : i32 to vector<16xi32>
        %shift_left3A_858 = arith.shli %get3A_851, %shift_left3A_857 : vector<16xi32>
        %bitcast_convert_type3A_859 = tpu.bitcast %shift_left3A_858 : vector<16xi32> -> vector<16xf32>
        %mul3A_860 = arith.mulf %bitcast_convert_type3A_855, %bitcast_convert_type3A_859 : vector<16xf32>
        %and3A_861 = arith.constant -65536 : i32
        %and3A_862 = vector.broadcast %and3A_861 : i32 to vector<16xi32>
        %and3A_863 = arith.andi %get3A_847, %and3A_862 : vector<16xi32>
        %bitcast_convert_type3A_864 = tpu.bitcast %and3A_863 : vector<16xi32> -> vector<16xf32>
        %and3A_865 = arith.constant -65536 : i32
        %and3A_866 = vector.broadcast %and3A_865 : i32 to vector<16xi32>
        %and3A_867 = arith.andi %get3A_851, %and3A_866 : vector<16xi32>
        %bitcast_convert_type3A_868 = tpu.bitcast %and3A_867 : vector<16xi32> -> vector<16xf32>
        %mul3A_869 = arith.mulf %bitcast_convert_type3A_864, %bitcast_convert_type3A_868 : vector<16xf32>
        %swap3A_870 = arith.index_cast %scan3A_774 : i32 to index
        %swap3A_871 = arith.constant 64 : index
        %swap3A_872 = tpu.vector_load %arg24[%swap3A_870, %swap3A_871] {strides = array<i32>} : memref<64x128xf32, #tpu.memory_space<vmem>>, vector<1x16xf32>,
        %swap3A_873 = vector.shape_cast %swap3A_872 : vector<1x16xf32> to vector<16xf32>
        %swap3A_874 = vector.shape_cast %mul3A_860 : vector<16xf32> to vector<1x16xf32>
        tpu.vector_store %arg24[%swap3A_870, %swap3A_871], %swap3A_874 {strides = array<i32>} : memref<64x128xf32, #tpu.memory_space<vmem>>, vector<1x16xf32>,
        %swap3A_875 = arith.index_cast %scan3A_774 : i32 to index
        %swap3A_876 = arith.constant 80 : index
        %swap3A_877 = tpu.vector_load %arg24[%swap3A_875, %swap3A_876] {strides = array<i32>} : memref<64x128xf32, #tpu.memory_space<vmem>>, vector<1x16xf32>,
        %swap3A_878 = vector.shape_cast %swap3A_877 : vector<1x16xf32> to vector<16xf32>
        %swap3A_879 = vector.shape_cast %mul3A_869 : vector<16xf32> to vector<1x16xf32>
        tpu.vector_store %arg24[%swap3A_875, %swap3A_876], %swap3A_879 {strides = array<i32>} : memref<64x128xf32, #tpu.memory_space<vmem>>, vector<1x16xf32>,
        %get3A_880 = arith.index_cast %scan3A_774 : i32 to index
        %get3A_881 = arith.constant 48 : index
        %get3A_882 = tpu.vector_load %arg18[%get3A_880, %get3A_881] {strides = array<i32>} : memref<64x64xi32, #tpu.memory_space<vmem>>, vector<1x16xi32>,
        %get3A_883 = vector.shape_cast %get3A_882 : vector<1x16xi32> to vector<16xi32>
        %get3A_884 = arith.index_cast %scan3A_774 : i32 to index
        %get3A_885 = arith.constant 48 : index
        %get3A_886 = tpu.vector_load %arg20[%get3A_884, %get3A_885] {strides = array<i32>} : memref<64x64xi32, #tpu.memory_space<vmem>>, vector<1x16xi32>,
        %get3A_887 = vector.shape_cast %get3A_886 : vector<1x16xi32> to vector<16xi32>
        %shift_left3A_888 = arith.constant 16 : i32
        %shift_left3A_889 = vector.broadcast %shift_left3A_888 : i32 to vector<16xi32>
        %shift_left3A_890 = arith.shli %get3A_883, %shift_left3A_889 : vector<16xi32>
        %bitcast_convert_type3A_891 = tpu.bitcast %shift_left3A_890 : vector<16xi32> -> vector<16xf32>
        %shift_left3A_892 = arith.constant 16 : i32
        %shift_left3A_893 = vector.broadcast %shift_left3A_892 : i32 to vector<16xi32>
        %shift_left3A_894 = arith.shli %get3A_887, %shift_left3A_893 : vector<16xi32>
        %bitcast_convert_type3A_895 = tpu.bitcast %shift_left3A_894 : vector<16xi32> -> vector<16xf32>
        %mul3A_896 = arith.mulf %bitcast_convert_type3A_891, %bitcast_convert_type3A_895 : vector<16xf32>
        %and3A_897 = arith.constant -65536 : i32
        %and3A_898 = vector.broadcast %and3A_897 : i32 to vector<16xi32>
        %and3A_899 = arith.andi %get3A_883, %and3A_898 : vector<16xi32>
        %bitcast_convert_type3A_900 = tpu.bitcast %and3A_899 : vector<16xi32> -> vector<16xf32>
        %and3A_901 = arith.constant -65536 : i32
        %and3A_902 = vector.broadcast %and3A_901 : i32 to vector<16xi32>
        %and3A_903 = arith.andi %get3A_887, %and3A_902 : vector<16xi32>
        %bitcast_convert_type3A_904 = tpu.bitcast %and3A_903 : vector<16xi32> -> vector<16xf32>
        %mul3A_905 = arith.mulf %bitcast_convert_type3A_900, %bitcast_convert_type3A_904 : vector<16xf32>
        %swap3A_906 = arith.index_cast %scan3A_774 : i32 to index
        %swap3A_907 = arith.constant 96 : index
        %swap3A_908 = tpu.vector_load %arg24[%swap3A_906, %swap3A_907] {strides = array<i32>} : memref<64x128xf32, #tpu.memory_space<vmem>>, vector<1x16xf32>,
        %swap3A_909 = vector.shape_cast %swap3A_908 : vector<1x16xf32> to vector<16xf32>
        %swap3A_910 = vector.shape_cast %mul3A_896 : vector<16xf32> to vector<1x16xf32>
        tpu.vector_store %arg24[%swap3A_906, %swap3A_907], %swap3A_910 {strides = array<i32>} : memref<64x128xf32, #tpu.memory_space<vmem>>, vector<1x16xf32>,
        %swap3A_911 = arith.index_cast %scan3A_774 : i32 to index
        %swap3A_912 = arith.constant 112 : index
        %swap3A_913 = tpu.vector_load %arg24[%swap3A_911, %swap3A_912] {strides = array<i32>} : memref<64x128xf32, #tpu.memory_space<vmem>>, vector<1x16xf32>,
        %swap3A_914 = vector.shape_cast %swap3A_913 : vector<1x16xf32> to vector<16xf32>
        %swap3A_915 = vector.shape_cast %mul3A_905 : vector<16xf32> to vector<1x16xf32>
        tpu.vector_store %arg24[%swap3A_911, %swap3A_912], %swap3A_915 {strides = array<i32>} : memref<64x128xf32, #tpu.memory_space<vmem>>, vector<1x16xf32>,
        %scan3A_916 = arith.constant 1 : i32
        %scan3A_917 = arith.addi %scan3A_774, %scan3A_916 : i32
        %get3A_918 = arith.index_cast %scan3A_917 : i32 to index
        %get3A_919 = arith.constant 0 : index
        %get3A_920 = tpu.vector_load %arg18[%get3A_918, %get3A_919] {strides = array<i32>} : memref<64x64xi32, #tpu.memory_space<vmem>>, vector<1x16xi32>,
        %get3A_921 = vector.shape_cast %get3A_920 : vector<1x16xi32> to vector<16xi32>
        %get3A_922 = arith.index_cast %scan3A_917 : i32 to index
        %get3A_923 = arith.constant 0 : index
        %get3A_924 = tpu.vector_load %arg20[%get3A_922, %get3A_923] {strides = array<i32>} : memref<64x64xi32, #tpu.memory_space<vmem>>, vector<1x16xi32>,
        %get3A_925 = vector.shape_cast %get3A_924 : vector<1x16xi32> to vector<16xi32>
        %shift_left3A_926 = arith.constant 16 : i32
        %shift_left3A_927 = vector.broadcast %shift_left3A_926 : i32 to vector<16xi32>
        %shift_left3A_928 = arith.shli %get3A_921, %shift_left3A_927 : vector<16xi32>
        %bitcast_convert_type3A_929 = tpu.bitcast %shift_left3A_928 : vector<16xi32> -> vector<16xf32>
        %shift_left3A_930 = arith.constant 16 : i32
        %shift_left3A_931 = vector.broadcast %shift_left3A_930 : i32 to vector<16xi32>
        %shift_left3A_932 = arith.shli %get3A_925, %shift_left3A_931 : vector<16xi32>
        %bitcast_convert_type3A_933 = tpu.bitcast %shift_left3A_932 : vector<16xi32> -> vector<16xf32>
        %mul3A_934 = arith.mulf %bitcast_convert_type3A_929, %bitcast_convert_type3A_933 : vector<16xf32>
        %and3A_935 = arith.constant -65536 : i32
        %and3A_936 = vector.broadcast %and3A_935 : i32 to vector<16xi32>
        %and3A_937 = arith.andi %get3A_921, %and3A_936 : vector<16xi32>
        %bitcast_convert_type3A_938 = tpu.bitcast %and3A_937 : vector<16xi32> -> vector<16xf32>
        %and3A_939 = arith.constant -65536 : i32
        %and3A_940 = vector.broadcast %and3A_939 : i32 to vector<16xi32>
        %and3A_941 = arith.andi %get3A_925, %and3A_940 : vector<16xi32>
        %bitcast_convert_type3A_942 = tpu.bitcast %and3A_941 : vector<16xi32> -> vector<16xf32>
        %mul3A_943 = arith.mulf %bitcast_convert_type3A_938, %bitcast_convert_type3A_942 : vector<16xf32>
        %swap3A_944 = arith.index_cast %scan3A_917 : i32 to index
        %swap3A_945 = arith.constant 0 : index
        %swap3A_946 = tpu.vector_load %arg24[%swap3A_944, %swap3A_945] {strides = array<i32>} : memref<64x128xf32, #tpu.memory_space<vmem>>, vector<1x16xf32>,
        %swap3A_947 = vector.shape_cast %swap3A_946 : vector<1x16xf32> to vector<16xf32>
        %swap3A_948 = vector.shape_cast %mul3A_934 : vector<16xf32> to vector<1x16xf32>
        tpu.vector_store %arg24[%swap3A_944, %swap3A_945], %swap3A_948 {strides = array<i32>} : memref<64x128xf32, #tpu.memory_space<vmem>>, vector<1x16xf32>,
        %swap3A_949 = arith.index_cast %scan3A_917 : i32 to index
        %swap3A_950 = arith.constant 16 : index
        %swap3A_951 = tpu.vector_load %arg24[%swap3A_949, %swap3A_950] {strides = array<i32>} : memref<64x128xf32, #tpu.memory_space<vmem>>, vector<1x16xf32>,
        %swap3A_952 = vector.shape_cast %swap3A_951 : vector<1x16xf32> to vector<16xf32>
        %swap3A_953 = vector.shape_cast %mul3A_943 : vector<16xf32> to vector<1x16xf32>
        tpu.vector_store %arg24[%swap3A_949, %swap3A_950], %swap3A_953 {strides = array<i32>} : memref<64x128xf32, #tpu.memory_space<vmem>>, vector<1x16xf32>,
        %get3A_954 = arith.index_cast %scan3A_917 : i32 to index
        %get3A_955 = arith.constant 16 : index
        %get3A_956 = tpu.vector_load %arg18[%get3A_954, %get3A_955] {strides = array<i32>} : memref<64x64xi32, #tpu.memory_space<vmem>>, vector<1x16xi32>,
        %get3A_957 = vector.shape_cast %get3A_956 : vector<1x16xi32> to vector<16xi32>
        %get3A_958 = arith.index_cast %scan3A_917 : i32 to index
        %get3A_959 = arith.constant 16 : index
        %get3A_960 = tpu.vector_load %arg20[%get3A_958, %get3A_959] {strides = array<i32>} : memref<64x64xi32, #tpu.memory_space<vmem>>, vector<1x16xi32>,
        %get3A_961 = vector.shape_cast %get3A_960 : vector<1x16xi32> to vector<16xi32>
        %shift_left3A_962 = arith.constant 16 : i32
        %shift_left3A_963 = vector.broadcast %shift_left3A_962 : i32 to vector<16xi32>
        %shift_left3A_964 = arith.shli %get3A_957, %shift_left3A_963 : vector<16xi32>
        %bitcast_convert_type3A_965 = tpu.bitcast %shift_left3A_964 : vector<16xi32> -> vector<16xf32>
        %shift_left3A_966 = arith.constant 16 : i32
        %shift_left3A_967 = vector.broadcast %shift_left3A_966 : i32 to vector<16xi32>
        %shift_left3A_968 = arith.shli %get3A_961, %shift_left3A_967 : vector<16xi32>
        %bitcast_convert_type3A_969 = tpu.bitcast %shift_left3A_968 : vector<16xi32> -> vector<16xf32>
        %mul3A_970 = arith.mulf %bitcast_convert_type3A_965, %bitcast_convert_type3A_969 : vector<16xf32>
        %and3A_971 = arith.constant -65536 : i32
        %and3A_972 = vector.broadcast %and3A_971 : i32 to vector<16xi32>
        %and3A_973 = arith.andi %get3A_957, %and3A_972 : vector<16xi32>
        %bitcast_convert_type3A_974 = tpu.bitcast %and3A_973 : vector<16xi32> -> vector<16xf32>
        %and3A_975 = arith.constant -65536 : i32
        %and3A_976 = vector.broadcast %and3A_975 : i32 to vector<16xi32>
        %and3A_977 = arith.andi %get3A_961, %and3A_976 : vector<16xi32>
        %bitcast_convert_type3A_978 = tpu.bitcast %and3A_977 : vector<16xi32> -> vector<16xf32>
        %mul3A_979 = arith.mulf %bitcast_convert_type3A_974, %bitcast_convert_type3A_978 : vector<16xf32>
        %swap3A_980 = arith.index_cast %scan3A_917 : i32 to index
        %swap3A_981 = arith.constant 32 : index
        %swap3A_982 = tpu.vector_load %arg24[%swap3A_980, %swap3A_981] {strides = array<i32>} : memref<64x128xf32, #tpu.memory_space<vmem>>, vector<1x16xf32>,
        %swap3A_983 = vector.shape_cast %swap3A_982 : vector<1x16xf32> to vector<16xf32>
        %swap3A_984 = vector.shape_cast %mul3A_970 : vector<16xf32> to vector<1x16xf32>
        tpu.vector_store %arg24[%swap3A_980, %swap3A_981], %swap3A_984 {strides = array<i32>} : memref<64x128xf32, #tpu.memory_space<vmem>>, vector<1x16xf32>,
        %swap3A_985 = arith.index_cast %scan3A_917 : i32 to index
        %swap3A_986 = arith.constant 48 : index
        %swap3A_987 = tpu.vector_load %arg24[%swap3A_985, %swap3A_986] {strides = array<i32>} : memref<64x128xf32, #tpu.memory_space<vmem>>, vector<1x16xf32>,
        %swap3A_988 = vector.shape_cast %swap3A_987 : vector<1x16xf32> to vector<16xf32>
        %swap3A_989 = vector.shape_cast %mul3A_979 : vector<16xf32> to vector<1x16xf32>
        tpu.vector_store %arg24[%swap3A_985, %swap3A_986], %swap3A_989 {strides = array<i32>} : memref<64x128xf32, #tpu.memory_space<vmem>>, vector<1x16xf32>,
        %get3A_990 = arith.index_cast %scan3A_917 : i32 to index
        %get3A_991 = arith.constant 32 : index
        %get3A_992 = tpu.vector_load %arg18[%get3A_990, %get3A_991] {strides = array<i32>} : memref<64x64xi32, #tpu.memory_space<vmem>>, vector<1x16xi32>,
        %get3A_993 = vector.shape_cast %get3A_992 : vector<1x16xi32> to vector<16xi32>
        %get3A_994 = arith.index_cast %scan3A_917 : i32 to index
        %get3A_995 = arith.constant 32 : index
        %get3A_996 = tpu.vector_load %arg20[%get3A_994, %get3A_995] {strides = array<i32>} : memref<64x64xi32, #tpu.memory_space<vmem>>, vector<1x16xi32>,
        %get3A_997 = vector.shape_cast %get3A_996 : vector<1x16xi32> to vector<16xi32>
        %shift_left3A_998 = arith.constant 16 : i32
        %shift_left3A_999 = vector.broadcast %shift_left3A_998 : i32 to vector<16xi32>
        %shift_left3A_1000 = arith.shli %get3A_993, %shift_left3A_999 : vector<16xi32>
        %bitcast_convert_type3A_1001 = tpu.bitcast %shift_left3A_1000 : vector<16xi32> -> vector<16xf32>
        %shift_left3A_1002 = arith.constant 16 : i32
        %shift_left3A_1003 = vector.broadcast %shift_left3A_1002 : i32 to vector<16xi32>
        %shift_left3A_1004 = arith.shli %get3A_997, %shift_left3A_1003 : vector<16xi32>
        %bitcast_convert_type3A_1005 = tpu.bitcast %shift_left3A_1004 : vector<16xi32> -> vector<16xf32>
        %mul3A_1006 = arith.mulf %bitcast_convert_type3A_1001, %bitcast_convert_type3A_1005 : vector<16xf32>
        %and3A_1007 = arith.constant -65536 : i32
        %and3A_1008 = vector.broadcast %and3A_1007 : i32 to vector<16xi32>
        %and3A_1009 = arith.andi %get3A_993, %and3A_1008 : vector<16xi32>
        %bitcast_convert_type3A_1010 = tpu.bitcast %and3A_1009 : vector<16xi32> -> vector<16xf32>
        %and3A_1011 = arith.constant -65536 : i32
        %and3A_1012 = vector.broadcast %and3A_1011 : i32 to vector<16xi32>
        %and3A_1013 = arith.andi %get3A_997, %and3A_1012 : vector<16xi32>
        %bitcast_convert_type3A_1014 = tpu.bitcast %and3A_1013 : vector<16xi32> -> vector<16xf32>
        %mul3A_1015 = arith.mulf %bitcast_convert_type3A_1010, %bitcast_convert_type3A_1014 : vector<16xf32>
        %swap3A_1016 = arith.index_cast %scan3A_917 : i32 to index
        %swap3A_1017 = arith.constant 64 : index
        %swap3A_1018 = tpu.vector_load %arg24[%swap3A_1016, %swap3A_1017] {strides = array<i32>} : memref<64x128xf32, #tpu.memory_space<vmem>>, vector<1x16xf32>,
        %swap3A_1019 = vector.shape_cast %swap3A_1018 : vector<1x16xf32> to vector<16xf32>
        %swap3A_1020 = vector.shape_cast %mul3A_1006 : vector<16xf32> to vector<1x16xf32>
        tpu.vector_store %arg24[%swap3A_1016, %swap3A_1017], %swap3A_1020 {strides = array<i32>} : memref<64x128xf32, #tpu.memory_space<vmem>>, vector<1x16xf32>,
        %swap3A_1021 = arith.index_cast %scan3A_917 : i32 to index
        %swap3A_1022 = arith.constant 80 : index
        %swap3A_1023 = tpu.vector_load %arg24[%swap3A_1021, %swap3A_1022] {strides = array<i32>} : memref<64x128xf32, #tpu.memory_space<vmem>>, vector<1x16xf32>,
        %swap3A_1024 = vector.shape_cast %swap3A_1023 : vector<1x16xf32> to vector<16xf32>
        %swap3A_1025 = vector.shape_cast %mul3A_1015 : vector<16xf32> to vector<1x16xf32>
        tpu.vector_store %arg24[%swap3A_1021, %swap3A_1022], %swap3A_1025 {strides = array<i32>} : memref<64x128xf32, #tpu.memory_space<vmem>>, vector<1x16xf32>,
        %get3A_1026 = arith.index_cast %scan3A_917 : i32 to index
        %get3A_1027 = arith.constant 48 : index
        %get3A_1028 = tpu.vector_load %arg18[%get3A_1026, %get3A_1027] {strides = array<i32>} : memref<64x64xi32, #tpu.memory_space<vmem>>, vector<1x16xi32>,
        %get3A_1029 = vector.shape_cast %get3A_1028 : vector<1x16xi32> to vector<16xi32>
        %get3A_1030 = arith.index_cast %scan3A_917 : i32 to index
        %get3A_1031 = arith.constant 48 : index
        %get3A_1032 = tpu.vector_load %arg20[%get3A_1030, %get3A_1031] {strides = array<i32>} : memref<64x64xi32, #tpu.memory_space<vmem>>, vector<1x16xi32>,
        %get3A_1033 = vector.shape_cast %get3A_1032 : vector<1x16xi32> to vector<16xi32>
        %shift_left3A_1034 = arith.constant 16 : i32
        %shift_left3A_1035 = vector.broadcast %shift_left3A_1034 : i32 to vector<16xi32>
        %shift_left3A_1036 = arith.shli %get3A_1029, %shift_left3A_1035 : vector<16xi32>
        %bitcast_convert_type3A_1037 = tpu.bitcast %shift_left3A_1036 : vector<16xi32> -> vector<16xf32>
        %shift_left3A_1038 = arith.constant 16 : i32
        %shift_left3A_1039 = vector.broadcast %shift_left3A_1038 : i32 to vector<16xi32>
        %shift_left3A_1040 = arith.shli %get3A_1033, %shift_left3A_1039 : vector<16xi32>
        %bitcast_convert_type3A_1041 = tpu.bitcast %shift_left3A_1040 : vector<16xi32> -> vector<16xf32>
        %mul3A_1042 = arith.mulf %bitcast_convert_type3A_1037, %bitcast_convert_type3A_1041 : vector<16xf32>
        %and3A_1043 = arith.constant -65536 : i32
        %and3A_1044 = vector.broadcast %and3A_1043 : i32 to vector<16xi32>
        %and3A_1045 = arith.andi %get3A_1029, %and3A_1044 : vector<16xi32>
        %bitcast_convert_type3A_1046 = tpu.bitcast %and3A_1045 : vector<16xi32> -> vector<16xf32>
        %and3A_1047 = arith.constant -65536 : i32
        %and3A_1048 = vector.broadcast %and3A_1047 : i32 to vector<16xi32>
        %and3A_1049 = arith.andi %get3A_1033, %and3A_1048 : vector<16xi32>
        %bitcast_convert_type3A_1050 = tpu.bitcast %and3A_1049 : vector<16xi32> -> vector<16xf32>
        %mul3A_1051 = arith.mulf %bitcast_convert_type3A_1046, %bitcast_convert_type3A_1050 : vector<16xf32>
        %swap3A_1052 = arith.index_cast %scan3A_917 : i32 to index
        %swap3A_1053 = arith.constant 96 : index
        %swap3A_1054 = tpu.vector_load %arg24[%swap3A_1052, %swap3A_1053] {strides = array<i32>} : memref<64x128xf32, #tpu.memory_space<vmem>>, vector<1x16xf32>,
        %swap3A_1055 = vector.shape_cast %swap3A_1054 : vector<1x16xf32> to vector<16xf32>
        %swap3A_1056 = vector.shape_cast %mul3A_1042 : vector<16xf32> to vector<1x16xf32>
        tpu.vector_store %arg24[%swap3A_1052, %swap3A_1053], %swap3A_1056 {strides = array<i32>} : memref<64x128xf32, #tpu.memory_space<vmem>>, vector<1x16xf32>,
        %swap3A_1057 = arith.index_cast %scan3A_917 : i32 to index
        %swap3A_1058 = arith.constant 112 : index
        %swap3A_1059 = tpu.vector_load %arg24[%swap3A_1057, %swap3A_1058] {strides = array<i32>} : memref<64x128xf32, #tpu.memory_space<vmem>>, vector<1x16xf32>,
        %swap3A_1060 = vector.shape_cast %swap3A_1059 : vector<1x16xf32> to vector<16xf32>
        %swap3A_1061 = vector.shape_cast %mul3A_1051 : vector<16xf32> to vector<1x16xf32>
        tpu.vector_store %arg24[%swap3A_1057, %swap3A_1058], %swap3A_1061 {strides = array<i32>} : memref<64x128xf32, #tpu.memory_space<vmem>>, vector<1x16xf32>,
        %scan3A_1062 = arith.constant 2 : i32
        %scan3A_1063 = arith.addi %scan3A_774, %scan3A_1062 : i32
        %get3A_1064 = arith.index_cast %scan3A_1063 : i32 to index
        %get3A_1065 = arith.constant 0 : index
        %get3A_1066 = tpu.vector_load %arg18[%get3A_1064, %get3A_1065] {strides = array<i32>} : memref<64x64xi32, #tpu.memory_space<vmem>>, vector<1x16xi32>,
        %get3A_1067 = vector.shape_cast %get3A_1066 : vector<1x16xi32> to vector<16xi32>
        %get3A_1068 = arith.index_cast %scan3A_1063 : i32 to index
        %get3A_1069 = arith.constant 0 : index
        %get3A_1070 = tpu.vector_load %arg20[%get3A_1068, %get3A_1069] {strides = array<i32>} : memref<64x64xi32, #tpu.memory_space<vmem>>, vector<1x16xi32>,
        %get3A_1071 = vector.shape_cast %get3A_1070 : vector<1x16xi32> to vector<16xi32>
        %shift_left3A_1072 = arith.constant 16 : i32
        %shift_left3A_1073 = vector.broadcast %shift_left3A_1072 : i32 to vector<16xi32>
        %shift_left3A_1074 = arith.shli %get3A_1067, %shift_left3A_1073 : vector<16xi32>
        %bitcast_convert_type3A_1075 = tpu.bitcast %shift_left3A_1074 : vector<16xi32> -> vector<16xf32>
        %shift_left3A_1076 = arith.constant 16 : i32
        %shift_left3A_1077 = vector.broadcast %shift_left3A_1076 : i32 to vector<16xi32>
        %shift_left3A_1078 = arith.shli %get3A_1071, %shift_left3A_1077 : vector<16xi32>
        %bitcast_convert_type3A_1079 = tpu.bitcast %shift_left3A_1078 : vector<16xi32> -> vector<16xf32>
        %mul3A_1080 = arith.mulf %bitcast_convert_type3A_1075, %bitcast_convert_type3A_1079 : vector<16xf32>
        %and3A_1081 = arith.constant -65536 : i32
        %and3A_1082 = vector.broadcast %and3A_1081 : i32 to vector<16xi32>
        %and3A_1083 = arith.andi %get3A_1067, %and3A_1082 : vector<16xi32>
        %bitcast_convert_type3A_1084 = tpu.bitcast %and3A_1083 : vector<16xi32> -> vector<16xf32>
        %and3A_1085 = arith.constant -65536 : i32
        %and3A_1086 = vector.broadcast %and3A_1085 : i32 to vector<16xi32>
        %and3A_1087 = arith.andi %get3A_1071, %and3A_1086 : vector<16xi32>
        %bitcast_convert_type3A_1088 = tpu.bitcast %and3A_1087 : vector<16xi32> -> vector<16xf32>
        %mul3A_1089 = arith.mulf %bitcast_convert_type3A_1084, %bitcast_convert_type3A_1088 : vector<16xf32>
        %swap3A_1090 = arith.index_cast %scan3A_1063 : i32 to index
        %swap3A_1091 = arith.constant 0 : index
        %swap3A_1092 = tpu.vector_load %arg24[%swap3A_1090, %swap3A_1091] {strides = array<i32>} : memref<64x128xf32, #tpu.memory_space<vmem>>, vector<1x16xf32>,
        %swap3A_1093 = vector.shape_cast %swap3A_1092 : vector<1x16xf32> to vector<16xf32>
        %swap3A_1094 = vector.shape_cast %mul3A_1080 : vector<16xf32> to vector<1x16xf32>
        tpu.vector_store %arg24[%swap3A_1090, %swap3A_1091], %swap3A_1094 {strides = array<i32>} : memref<64x128xf32, #tpu.memory_space<vmem>>, vector<1x16xf32>,
        %swap3A_1095 = arith.index_cast %scan3A_1063 : i32 to index
        %swap3A_1096 = arith.constant 16 : index
        %swap3A_1097 = tpu.vector_load %arg24[%swap3A_1095, %swap3A_1096] {strides = array<i32>} : memref<64x128xf32, #tpu.memory_space<vmem>>, vector<1x16xf32>,
        %swap3A_1098 = vector.shape_cast %swap3A_1097 : vector<1x16xf32> to vector<16xf32>
        %swap3A_1099 = vector.shape_cast %mul3A_1089 : vector<16xf32> to vector<1x16xf32>
        tpu.vector_store %arg24[%swap3A_1095, %swap3A_1096], %swap3A_1099 {strides = array<i32>} : memref<64x128xf32, #tpu.memory_space<vmem>>, vector<1x16xf32>,
        %get3A_1100 = arith.index_cast %scan3A_1063 : i32 to index
        %get3A_1101 = arith.constant 16 : index
        %get3A_1102 = tpu.vector_load %arg18[%get3A_1100, %get3A_1101] {strides = array<i32>} : memref<64x64xi32, #tpu.memory_space<vmem>>, vector<1x16xi32>,
        %get3A_1103 = vector.shape_cast %get3A_1102 : vector<1x16xi32> to vector<16xi32>
        %get3A_1104 = arith.index_cast %scan3A_1063 : i32 to index
        %get3A_1105 = arith.constant 16 : index
        %get3A_1106 = tpu.vector_load %arg20[%get3A_1104, %get3A_1105] {strides = array<i32>} : memref<64x64xi32, #tpu.memory_space<vmem>>, vector<1x16xi32>,
        %get3A_1107 = vector.shape_cast %get3A_1106 : vector<1x16xi32> to vector<16xi32>
        %shift_left3A_1108 = arith.constant 16 : i32
        %shift_left3A_1109 = vector.broadcast %shift_left3A_1108 : i32 to vector<16xi32>
        %shift_left3A_1110 = arith.shli %get3A_1103, %shift_left3A_1109 : vector<16xi32>
        %bitcast_convert_type3A_1111 = tpu.bitcast %shift_left3A_1110 : vector<16xi32> -> vector<16xf32>
        %shift_left3A_1112 = arith.constant 16 : i32
        %shift_left3A_1113 = vector.broadcast %shift_left3A_1112 : i32 to vector<16xi32>
        %shift_left3A_1114 = arith.shli %get3A_1107, %shift_left3A_1113 : vector<16xi32>
        %bitcast_convert_type3A_1115 = tpu.bitcast %shift_left3A_1114 : vector<16xi32> -> vector<16xf32>
        %mul3A_1116 = arith.mulf %bitcast_convert_type3A_1111, %bitcast_convert_type3A_1115 : vector<16xf32>
        %and3A_1117 = arith.constant -65536 : i32
        %and3A_1118 = vector.broadcast %and3A_1117 : i32 to vector<16xi32>
        %and3A_1119 = arith.andi %get3A_1103, %and3A_1118 : vector<16xi32>
        %bitcast_convert_type3A_1120 = tpu.bitcast %and3A_1119 : vector<16xi32> -> vector<16xf32>
        %and3A_1121 = arith.constant -65536 : i32
        %and3A_1122 = vector.broadcast %and3A_1121 : i32 to vector<16xi32>
        %and3A_1123 = arith.andi %get3A_1107, %and3A_1122 : vector<16xi32>
        %bitcast_convert_type3A_1124 = tpu.bitcast %and3A_1123 : vector<16xi32> -> vector<16xf32>
        %mul3A_1125 = arith.mulf %bitcast_convert_type3A_1120, %bitcast_convert_type3A_1124 : vector<16xf32>
        %swap3A_1126 = arith.index_cast %scan3A_1063 : i32 to index
        %swap3A_1127 = arith.constant 32 : index
        %swap3A_1128 = tpu.vector_load %arg24[%swap3A_1126, %swap3A_1127] {strides = array<i32>} : memref<64x128xf32, #tpu.memory_space<vmem>>, vector<1x16xf32>,
        %swap3A_1129 = vector.shape_cast %swap3A_1128 : vector<1x16xf32> to vector<16xf32>
        %swap3A_1130 = vector.shape_cast %mul3A_1116 : vector<16xf32> to vector<1x16xf32>
        tpu.vector_store %arg24[%swap3A_1126, %swap3A_1127], %swap3A_1130 {strides = array<i32>} : memref<64x128xf32, #tpu.memory_space<vmem>>, vector<1x16xf32>,
        %swap3A_1131 = arith.index_cast %scan3A_1063 : i32 to index
        %swap3A_1132 = arith.constant 48 : index
        %swap3A_1133 = tpu.vector_load %arg24[%swap3A_1131, %swap3A_1132] {strides = array<i32>} : memref<64x128xf32, #tpu.memory_space<vmem>>, vector<1x16xf32>,
        %swap3A_1134 = vector.shape_cast %swap3A_1133 : vector<1x16xf32> to vector<16xf32>
        %swap3A_1135 = vector.shape_cast %mul3A_1125 : vector<16xf32> to vector<1x16xf32>
        tpu.vector_store %arg24[%swap3A_1131, %swap3A_1132], %swap3A_1135 {strides = array<i32>} : memref<64x128xf32, #tpu.memory_space<vmem>>, vector<1x16xf32>,
        %get3A_1136 = arith.index_cast %scan3A_1063 : i32 to index
        %get3A_1137 = arith.constant 32 : index
        %get3A_1138 = tpu.vector_load %arg18[%get3A_1136, %get3A_1137] {strides = array<i32>} : memref<64x64xi32, #tpu.memory_space<vmem>>, vector<1x16xi32>,
        %get3A_1139 = vector.shape_cast %get3A_1138 : vector<1x16xi32> to vector<16xi32>
        %get3A_1140 = arith.index_cast %scan3A_1063 : i32 to index
        %get3A_1141 = arith.constant 32 : index
        %get3A_1142 = tpu.vector_load %arg20[%get3A_1140, %get3A_1141] {strides = array<i32>} : memref<64x64xi32, #tpu.memory_space<vmem>>, vector<1x16xi32>,
        %get3A_1143 = vector.shape_cast %get3A_1142 : vector<1x16xi32> to vector<16xi32>
        %shift_left3A_1144 = arith.constant 16 : i32
        %shift_left3A_1145 = vector.broadcast %shift_left3A_1144 : i32 to vector<16xi32>
        %shift_left3A_1146 = arith.shli %get3A_1139, %shift_left3A_1145 : vector<16xi32>
        %bitcast_convert_type3A_1147 = tpu.bitcast %shift_left3A_1146 : vector<16xi32> -> vector<16xf32>
        %shift_left3A_1148 = arith.constant 16 : i32
        %shift_left3A_1149 = vector.broadcast %shift_left3A_1148 : i32 to vector<16xi32>
        %shift_left3A_1150 = arith.shli %get3A_1143, %shift_left3A_1149 : vector<16xi32>
        %bitcast_convert_type3A_1151 = tpu.bitcast %shift_left3A_1150 : vector<16xi32> -> vector<16xf32>
        %mul3A_1152 = arith.mulf %bitcast_convert_type3A_1147, %bitcast_convert_type3A_1151 : vector<16xf32>
        %and3A_1153 = arith.constant -65536 : i32
        %and3A_1154 = vector.broadcast %and3A_1153 : i32 to vector<16xi32>
        %and3A_1155 = arith.andi %get3A_1139, %and3A_1154 : vector<16xi32>
        %bitcast_convert_type3A_1156 = tpu.bitcast %and3A_1155 : vector<16xi32> -> vector<16xf32>
        %and3A_1157 = arith.constant -65536 : i32
        %and3A_1158 = vector.broadcast %and3A_1157 : i32 to vector<16xi32>
        %and3A_1159 = arith.andi %get3A_1143, %and3A_1158 : vector<16xi32>
        %bitcast_convert_type3A_1160 = tpu.bitcast %and3A_1159 : vector<16xi32> -> vector<16xf32>
        %mul3A_1161 = arith.mulf %bitcast_convert_type3A_1156, %bitcast_convert_type3A_1160 : vector<16xf32>
        %swap3A_1162 = arith.index_cast %scan3A_1063 : i32 to index
        %swap3A_1163 = arith.constant 64 : index
        %swap3A_1164 = tpu.vector_load %arg24[%swap3A_1162, %swap3A_1163] {strides = array<i32>} : memref<64x128xf32, #tpu.memory_space<vmem>>, vector<1x16xf32>,
        %swap3A_1165 = vector.shape_cast %swap3A_1164 : vector<1x16xf32> to vector<16xf32>
        %swap3A_1166 = vector.shape_cast %mul3A_1152 : vector<16xf32> to vector<1x16xf32>
        tpu.vector_store %arg24[%swap3A_1162, %swap3A_1163], %swap3A_1166 {strides = array<i32>} : memref<64x128xf32, #tpu.memory_space<vmem>>, vector<1x16xf32>,
        %swap3A_1167 = arith.index_cast %scan3A_1063 : i32 to index
        %swap3A_1168 = arith.constant 80 : index
        %swap3A_1169 = tpu.vector_load %arg24[%swap3A_1167, %swap3A_1168] {strides = array<i32>} : memref<64x128xf32, #tpu.memory_space<vmem>>, vector<1x16xf32>,
        %swap3A_1170 = vector.shape_cast %swap3A_1169 : vector<1x16xf32> to vector<16xf32>
        %swap3A_1171 = vector.shape_cast %mul3A_1161 : vector<16xf32> to vector<1x16xf32>
        tpu.vector_store %arg24[%swap3A_1167, %swap3A_1168], %swap3A_1171 {strides = array<i32>} : memref<64x128xf32, #tpu.memory_space<vmem>>, vector<1x16xf32>,
        %get3A_1172 = arith.index_cast %scan3A_1063 : i32 to index
        %get3A_1173 = arith.constant 48 : index
        %get3A_1174 = tpu.vector_load %arg18[%get3A_1172, %get3A_1173] {strides = array<i32>} : memref<64x64xi32, #tpu.memory_space<vmem>>, vector<1x16xi32>,
        %get3A_1175 = vector.shape_cast %get3A_1174 : vector<1x16xi32> to vector<16xi32>
        %get3A_1176 = arith.index_cast %scan3A_1063 : i32 to index
        %get3A_1177 = arith.constant 48 : index
        %get3A_1178 = tpu.vector_load %arg20[%get3A_1176, %get3A_1177] {strides = array<i32>} : memref<64x64xi32, #tpu.memory_space<vmem>>, vector<1x16xi32>,
        %get3A_1179 = vector.shape_cast %get3A_1178 : vector<1x16xi32> to vector<16xi32>
        %shift_left3A_1180 = arith.constant 16 : i32
        %shift_left3A_1181 = vector.broadcast %shift_left3A_1180 : i32 to vector<16xi32>
        %shift_left3A_1182 = arith.shli %get3A_1175, %shift_left3A_1181 : vector<16xi32>
        %bitcast_convert_type3A_1183 = tpu.bitcast %shift_left3A_1182 : vector<16xi32> -> vector<16xf32>
        %shift_left3A_1184 = arith.constant 16 : i32
        %shift_left3A_1185 = vector.broadcast %shift_left3A_1184 : i32 to vector<16xi32>
        %shift_left3A_1186 = arith.shli %get3A_1179, %shift_left3A_1185 : vector<16xi32>
        %bitcast_convert_type3A_1187 = tpu.bitcast %shift_left3A_1186 : vector<16xi32> -> vector<16xf32>
        %mul3A_1188 = arith.mulf %bitcast_convert_type3A_1183, %bitcast_convert_type3A_1187 : vector<16xf32>
        %and3A_1189 = arith.constant -65536 : i32
        %and3A_1190 = vector.broadcast %and3A_1189 : i32 to vector<16xi32>
        %and3A_1191 = arith.andi %get3A_1175, %and3A_1190 : vector<16xi32>
        %bitcast_convert_type3A_1192 = tpu.bitcast %and3A_1191 : vector<16xi32> -> vector<16xf32>
        %and3A_1193 = arith.constant -65536 : i32
        %and3A_1194 = vector.broadcast %and3A_1193 : i32 to vector<16xi32>
        %and3A_1195 = arith.andi %get3A_1179, %and3A_1194 : vector<16xi32>
        %bitcast_convert_type3A_1196 = tpu.bitcast %and3A_1195 : vector<16xi32> -> vector<16xf32>
        %mul3A_1197 = arith.mulf %bitcast_convert_type3A_1192, %bitcast_convert_type3A_1196 : vector<16xf32>
        %swap3A_1198 = arith.index_cast %scan3A_1063 : i32 to index
        %swap3A_1199 = arith.constant 96 : index
        %swap3A_1200 = tpu.vector_load %arg24[%swap3A_1198, %swap3A_1199] {strides = array<i32>} : memref<64x128xf32, #tpu.memory_space<vmem>>, vector<1x16xf32>,
        %swap3A_1201 = vector.shape_cast %swap3A_1200 : vector<1x16xf32> to vector<16xf32>
        %swap3A_1202 = vector.shape_cast %mul3A_1188 : vector<16xf32> to vector<1x16xf32>
        tpu.vector_store %arg24[%swap3A_1198, %swap3A_1199], %swap3A_1202 {strides = array<i32>} : memref<64x128xf32, #tpu.memory_space<vmem>>, vector<1x16xf32>,
        %swap3A_1203 = arith.index_cast %scan3A_1063 : i32 to index
        %swap3A_1204 = arith.constant 112 : index
        %swap3A_1205 = tpu.vector_load %arg24[%swap3A_1203, %swap3A_1204] {strides = array<i32>} : memref<64x128xf32, #tpu.memory_space<vmem>>, vector<1x16xf32>,
        %swap3A_1206 = vector.shape_cast %swap3A_1205 : vector<1x16xf32> to vector<16xf32>
        %swap3A_1207 = vector.shape_cast %mul3A_1197 : vector<16xf32> to vector<1x16xf32>
        tpu.vector_store %arg24[%swap3A_1203, %swap3A_1204], %swap3A_1207 {strides = array<i32>} : memref<64x128xf32, #tpu.memory_space<vmem>>, vector<1x16xf32>,
        %scan3A_1208 = arith.constant 3 : i32
        %scan3A_1209 = arith.addi %scan3A_774, %scan3A_1208 : i32
        %get3A_1210 = arith.index_cast %scan3A_1209 : i32 to index
        %get3A_1211 = arith.constant 0 : index
        %get3A_1212 = tpu.vector_load %arg18[%get3A_1210, %get3A_1211] {strides = array<i32>} : memref<64x64xi32, #tpu.memory_space<vmem>>, vector<1x16xi32>,
        %get3A_1213 = vector.shape_cast %get3A_1212 : vector<1x16xi32> to vector<16xi32>
        %get3A_1214 = arith.index_cast %scan3A_1209 : i32 to index
        %get3A_1215 = arith.constant 0 : index
        %get3A_1216 = tpu.vector_load %arg20[%get3A_1214, %get3A_1215] {strides = array<i32>} : memref<64x64xi32, #tpu.memory_space<vmem>>, vector<1x16xi32>,
        %get3A_1217 = vector.shape_cast %get3A_1216 : vector<1x16xi32> to vector<16xi32>
        %shift_left3A_1218 = arith.constant 16 : i32
        %shift_left3A_1219 = vector.broadcast %shift_left3A_1218 : i32 to vector<16xi32>
        %shift_left3A_1220 = arith.shli %get3A_1213, %shift_left3A_1219 : vector<16xi32>
        %bitcast_convert_type3A_1221 = tpu.bitcast %shift_left3A_1220 : vector<16xi32> -> vector<16xf32>
        %shift_left3A_1222 = arith.constant 16 : i32
        %shift_left3A_1223 = vector.broadcast %shift_left3A_1222 : i32 to vector<16xi32>
        %shift_left3A_1224 = arith.shli %get3A_1217, %shift_left3A_1223 : vector<16xi32>
        %bitcast_convert_type3A_1225 = tpu.bitcast %shift_left3A_1224 : vector<16xi32> -> vector<16xf32>
        %mul3A_1226 = arith.mulf %bitcast_convert_type3A_1221, %bitcast_convert_type3A_1225 : vector<16xf32>
        %and3A_1227 = arith.constant -65536 : i32
        %and3A_1228 = vector.broadcast %and3A_1227 : i32 to vector<16xi32>
        %and3A_1229 = arith.andi %get3A_1213, %and3A_1228 : vector<16xi32>
        %bitcast_convert_type3A_1230 = tpu.bitcast %and3A_1229 : vector<16xi32> -> vector<16xf32>
        %and3A_1231 = arith.constant -65536 : i32
        %and3A_1232 = vector.broadcast %and3A_1231 : i32 to vector<16xi32>
        %and3A_1233 = arith.andi %get3A_1217, %and3A_1232 : vector<16xi32>
        %bitcast_convert_type3A_1234 = tpu.bitcast %and3A_1233 : vector<16xi32> -> vector<16xf32>
        %mul3A_1235 = arith.mulf %bitcast_convert_type3A_1230, %bitcast_convert_type3A_1234 : vector<16xf32>
        %swap3A_1236 = arith.index_cast %scan3A_1209 : i32 to index
        %swap3A_1237 = arith.constant 0 : index
        %swap3A_1238 = tpu.vector_load %arg24[%swap3A_1236, %swap3A_1237] {strides = array<i32>} : memref<64x128xf32, #tpu.memory_space<vmem>>, vector<1x16xf32>,
        %swap3A_1239 = vector.shape_cast %swap3A_1238 : vector<1x16xf32> to vector<16xf32>
        %swap3A_1240 = vector.shape_cast %mul3A_1226 : vector<16xf32> to vector<1x16xf32>
        tpu.vector_store %arg24[%swap3A_1236, %swap3A_1237], %swap3A_1240 {strides = array<i32>} : memref<64x128xf32, #tpu.memory_space<vmem>>, vector<1x16xf32>,
        %swap3A_1241 = arith.index_cast %scan3A_1209 : i32 to index
        %swap3A_1242 = arith.constant 16 : index
        %swap3A_1243 = tpu.vector_load %arg24[%swap3A_1241, %swap3A_1242] {strides = array<i32>} : memref<64x128xf32, #tpu.memory_space<vmem>>, vector<1x16xf32>,
        %swap3A_1244 = vector.shape_cast %swap3A_1243 : vector<1x16xf32> to vector<16xf32>
        %swap3A_1245 = vector.shape_cast %mul3A_1235 : vector<16xf32> to vector<1x16xf32>
        tpu.vector_store %arg24[%swap3A_1241, %swap3A_1242], %swap3A_1245 {strides = array<i32>} : memref<64x128xf32, #tpu.memory_space<vmem>>, vector<1x16xf32>,
        %get3A_1246 = arith.index_cast %scan3A_1209 : i32 to index
        %get3A_1247 = arith.constant 16 : index
        %get3A_1248 = tpu.vector_load %arg18[%get3A_1246, %get3A_1247] {strides = array<i32>} : memref<64x64xi32, #tpu.memory_space<vmem>>, vector<1x16xi32>,
        %get3A_1249 = vector.shape_cast %get3A_1248 : vector<1x16xi32> to vector<16xi32>
        %get3A_1250 = arith.index_cast %scan3A_1209 : i32 to index
        %get3A_1251 = arith.constant 16 : index
        %get3A_1252 = tpu.vector_load %arg20[%get3A_1250, %get3A_1251] {strides = array<i32>} : memref<64x64xi32, #tpu.memory_space<vmem>>, vector<1x16xi32>,
        %get3A_1253 = vector.shape_cast %get3A_1252 : vector<1x16xi32> to vector<16xi32>
        %shift_left3A_1254 = arith.constant 16 : i32
        %shift_left3A_1255 = vector.broadcast %shift_left3A_1254 : i32 to vector<16xi32>
        %shift_left3A_1256 = arith.shli %get3A_1249, %shift_left3A_1255 : vector<16xi32>
        %bitcast_convert_type3A_1257 = tpu.bitcast %shift_left3A_1256 : vector<16xi32> -> vector<16xf32>
        %shift_left3A_1258 = arith.constant 16 : i32
        %shift_left3A_1259 = vector.broadcast %shift_left3A_1258 : i32 to vector<16xi32>
        %shift_left3A_1260 = arith.shli %get3A_1253, %shift_left3A_1259 : vector<16xi32>
        %bitcast_convert_type3A_1261 = tpu.bitcast %shift_left3A_1260 : vector<16xi32> -> vector<16xf32>
        %mul3A_1262 = arith.mulf %bitcast_convert_type3A_1257, %bitcast_convert_type3A_1261 : vector<16xf32>
        %and3A_1263 = arith.constant -65536 : i32
        %and3A_1264 = vector.broadcast %and3A_1263 : i32 to vector<16xi32>
        %and3A_1265 = arith.andi %get3A_1249, %and3A_1264 : vector<16xi32>
        %bitcast_convert_type3A_1266 = tpu.bitcast %and3A_1265 : vector<16xi32> -> vector<16xf32>
        %and3A_1267 = arith.constant -65536 : i32
        %and3A_1268 = vector.broadcast %and3A_1267 : i32 to vector<16xi32>
        %and3A_1269 = arith.andi %get3A_1253, %and3A_1268 : vector<16xi32>
        %bitcast_convert_type3A_1270 = tpu.bitcast %and3A_1269 : vector<16xi32> -> vector<16xf32>
        %mul3A_1271 = arith.mulf %bitcast_convert_type3A_1266, %bitcast_convert_type3A_1270 : vector<16xf32>
        %swap3A_1272 = arith.index_cast %scan3A_1209 : i32 to index
        %swap3A_1273 = arith.constant 32 : index
        %swap3A_1274 = tpu.vector_load %arg24[%swap3A_1272, %swap3A_1273] {strides = array<i32>} : memref<64x128xf32, #tpu.memory_space<vmem>>, vector<1x16xf32>,
        %swap3A_1275 = vector.shape_cast %swap3A_1274 : vector<1x16xf32> to vector<16xf32>
        %swap3A_1276 = vector.shape_cast %mul3A_1262 : vector<16xf32> to vector<1x16xf32>
        tpu.vector_store %arg24[%swap3A_1272, %swap3A_1273], %swap3A_1276 {strides = array<i32>} : memref<64x128xf32, #tpu.memory_space<vmem>>, vector<1x16xf32>,
        %swap3A_1277 = arith.index_cast %scan3A_1209 : i32 to index
        %swap3A_1278 = arith.constant 48 : index
        %swap3A_1279 = tpu.vector_load %arg24[%swap3A_1277, %swap3A_1278] {strides = array<i32>} : memref<64x128xf32, #tpu.memory_space<vmem>>, vector<1x16xf32>,
        %swap3A_1280 = vector.shape_cast %swap3A_1279 : vector<1x16xf32> to vector<16xf32>
        %swap3A_1281 = vector.shape_cast %mul3A_1271 : vector<16xf32> to vector<1x16xf32>
        tpu.vector_store %arg24[%swap3A_1277, %swap3A_1278], %swap3A_1281 {strides = array<i32>} : memref<64x128xf32, #tpu.memory_space<vmem>>, vector<1x16xf32>,
        %get3A_1282 = arith.index_cast %scan3A_1209 : i32 to index
        %get3A_1283 = arith.constant 32 : index
        %get3A_1284 = tpu.vector_load %arg18[%get3A_1282, %get3A_1283] {strides = array<i32>} : memref<64x64xi32, #tpu.memory_space<vmem>>, vector<1x16xi32>,
        %get3A_1285 = vector.shape_cast %get3A_1284 : vector<1x16xi32> to vector<16xi32>
        %get3A_1286 = arith.index_cast %scan3A_1209 : i32 to index
        %get3A_1287 = arith.constant 32 : index
        %get3A_1288 = tpu.vector_load %arg20[%get3A_1286, %get3A_1287] {strides = array<i32>} : memref<64x64xi32, #tpu.memory_space<vmem>>, vector<1x16xi32>,
        %get3A_1289 = vector.shape_cast %get3A_1288 : vector<1x16xi32> to vector<16xi32>
        %shift_left3A_1290 = arith.constant 16 : i32
        %shift_left3A_1291 = vector.broadcast %shift_left3A_1290 : i32 to vector<16xi32>
        %shift_left3A_1292 = arith.shli %get3A_1285, %shift_left3A_1291 : vector<16xi32>
        %bitcast_convert_type3A_1293 = tpu.bitcast %shift_left3A_1292 : vector<16xi32> -> vector<16xf32>
        %shift_left3A_1294 = arith.constant 16 : i32
        %shift_left3A_1295 = vector.broadcast %shift_left3A_1294 : i32 to vector<16xi32>
        %shift_left3A_1296 = arith.shli %get3A_1289, %shift_left3A_1295 : vector<16xi32>
        %bitcast_convert_type3A_1297 = tpu.bitcast %shift_left3A_1296 : vector<16xi32> -> vector<16xf32>
        %mul3A_1298 = arith.mulf %bitcast_convert_type3A_1293, %bitcast_convert_type3A_1297 : vector<16xf32>
        %and3A_1299 = arith.constant -65536 : i32
        %and3A_1300 = vector.broadcast %and3A_1299 : i32 to vector<16xi32>
        %and3A_1301 = arith.andi %get3A_1285, %and3A_1300 : vector<16xi32>
        %bitcast_convert_type3A_1302 = tpu.bitcast %and3A_1301 : vector<16xi32> -> vector<16xf32>
        %and3A_1303 = arith.constant -65536 : i32
        %and3A_1304 = vector.broadcast %and3A_1303 : i32 to vector<16xi32>
        %and3A_1305 = arith.andi %get3A_1289, %and3A_1304 : vector<16xi32>
        %bitcast_convert_type3A_1306 = tpu.bitcast %and3A_1305 : vector<16xi32> -> vector<16xf32>
        %mul3A_1307 = arith.mulf %bitcast_convert_type3A_1302, %bitcast_convert_type3A_1306 : vector<16xf32>
        %swap3A_1308 = arith.index_cast %scan3A_1209 : i32 to index
        %swap3A_1309 = arith.constant 64 : index
        %swap3A_1310 = tpu.vector_load %arg24[%swap3A_1308, %swap3A_1309] {strides = array<i32>} : memref<64x128xf32, #tpu.memory_space<vmem>>, vector<1x16xf32>,
        %swap3A_1311 = vector.shape_cast %swap3A_1310 : vector<1x16xf32> to vector<16xf32>
        %swap3A_1312 = vector.shape_cast %mul3A_1298 : vector<16xf32> to vector<1x16xf32>
        tpu.vector_store %arg24[%swap3A_1308, %swap3A_1309], %swap3A_1312 {strides = array<i32>} : memref<64x128xf32, #tpu.memory_space<vmem>>, vector<1x16xf32>,
        %swap3A_1313 = arith.index_cast %scan3A_1209 : i32 to index
        %swap3A_1314 = arith.constant 80 : index
        %swap3A_1315 = tpu.vector_load %arg24[%swap3A_1313, %swap3A_1314] {strides = array<i32>} : memref<64x128xf32, #tpu.memory_space<vmem>>, vector<1x16xf32>,
        %swap3A_1316 = vector.shape_cast %swap3A_1315 : vector<1x16xf32> to vector<16xf32>
        %swap3A_1317 = vector.shape_cast %mul3A_1307 : vector<16xf32> to vector<1x16xf32>
        tpu.vector_store %arg24[%swap3A_1313, %swap3A_1314], %swap3A_1317 {strides = array<i32>} : memref<64x128xf32, #tpu.memory_space<vmem>>, vector<1x16xf32>,
        %get3A_1318 = arith.index_cast %scan3A_1209 : i32 to index
        %get3A_1319 = arith.constant 48 : index
        %get3A_1320 = tpu.vector_load %arg18[%get3A_1318, %get3A_1319] {strides = array<i32>} : memref<64x64xi32, #tpu.memory_space<vmem>>, vector<1x16xi32>,
        %get3A_1321 = vector.shape_cast %get3A_1320 : vector<1x16xi32> to vector<16xi32>
        %get3A_1322 = arith.index_cast %scan3A_1209 : i32 to index
        %get3A_1323 = arith.constant 48 : index
        %get3A_1324 = tpu.vector_load %arg20[%get3A_1322, %get3A_1323] {strides = array<i32>} : memref<64x64xi32, #tpu.memory_space<vmem>>, vector<1x16xi32>,
        %get3A_1325 = vector.shape_cast %get3A_1324 : vector<1x16xi32> to vector<16xi32>
        %shift_left3A_1326 = arith.constant 16 : i32
        %shift_left3A_1327 = vector.broadcast %shift_left3A_1326 : i32 to vector<16xi32>
        %shift_left3A_1328 = arith.shli %get3A_1321, %shift_left3A_1327 : vector<16xi32>
        %bitcast_convert_type3A_1329 = tpu.bitcast %shift_left3A_1328 : vector<16xi32> -> vector<16xf32>
        %shift_left3A_1330 = arith.constant 16 : i32
        %shift_left3A_1331 = vector.broadcast %shift_left3A_1330 : i32 to vector<16xi32>
        %shift_left3A_1332 = arith.shli %get3A_1325, %shift_left3A_1331 : vector<16xi32>
        %bitcast_convert_type3A_1333 = tpu.bitcast %shift_left3A_1332 : vector<16xi32> -> vector<16xf32>
        %mul3A_1334 = arith.mulf %bitcast_convert_type3A_1329, %bitcast_convert_type3A_1333 : vector<16xf32>
        %and3A_1335 = arith.constant -65536 : i32
        %and3A_1336 = vector.broadcast %and3A_1335 : i32 to vector<16xi32>
        %and3A_1337 = arith.andi %get3A_1321, %and3A_1336 : vector<16xi32>
        %bitcast_convert_type3A_1338 = tpu.bitcast %and3A_1337 : vector<16xi32> -> vector<16xf32>
        %and3A_1339 = arith.constant -65536 : i32
        %and3A_1340 = vector.broadcast %and3A_1339 : i32 to vector<16xi32>
        %and3A_1341 = arith.andi %get3A_1325, %and3A_1340 : vector<16xi32>
        %bitcast_convert_type3A_1342 = tpu.bitcast %and3A_1341 : vector<16xi32> -> vector<16xf32>
        %mul3A_1343 = arith.mulf %bitcast_convert_type3A_1338, %bitcast_convert_type3A_1342 : vector<16xf32>
        %swap3A_1344 = arith.index_cast %scan3A_1209 : i32 to index
        %swap3A_1345 = arith.constant 96 : index
        %swap3A_1346 = tpu.vector_load %arg24[%swap3A_1344, %swap3A_1345] {strides = array<i32>} : memref<64x128xf32, #tpu.memory_space<vmem>>, vector<1x16xf32>,
        %swap3A_1347 = vector.shape_cast %swap3A_1346 : vector<1x16xf32> to vector<16xf32>
        %swap3A_1348 = vector.shape_cast %mul3A_1334 : vector<16xf32> to vector<1x16xf32>
        tpu.vector_store %arg24[%swap3A_1344, %swap3A_1345], %swap3A_1348 {strides = array<i32>} : memref<64x128xf32, #tpu.memory_space<vmem>>, vector<1x16xf32>,
        %swap3A_1349 = arith.index_cast %scan3A_1209 : i32 to index
        %swap3A_1350 = arith.constant 112 : index
        %swap3A_1351 = tpu.vector_load %arg24[%swap3A_1349, %swap3A_1350] {strides = array<i32>} : memref<64x128xf32, #tpu.memory_space<vmem>>, vector<1x16xf32>,
        %swap3A_1352 = vector.shape_cast %swap3A_1351 : vector<1x16xf32> to vector<16xf32>
        %swap3A_1353 = vector.shape_cast %mul3A_1343 : vector<16xf32> to vector<1x16xf32>
        tpu.vector_store %arg24[%swap3A_1349, %swap3A_1350], %swap3A_1353 {strides = array<i32>} : memref<64x128xf32, #tpu.memory_space<vmem>>, vector<1x16xf32>,
      }
      %scan3A_744 = arith.constant 64 : i32
      %dma_start3A_745 = arith.constant 0 : i32
      %dma_start3A_746 = arith.constant 0 : i32
      %dma_start3A_747 = tpu.memref_slice %arg26[%dma_start3A_745, %dma_start3A_746] : memref<10000x128xf32, #tpu.memory_space<vmem_shared>> -> memref<10000x128xf32, #tpu.memory_space<vmem_shared>>
      tpu.enqueue_indirect_dma source(%arg24 : memref<64x128xf32, #tpu.memory_space<vmem>>) target(%dma_start3A_747 : memref<10000x128xf32, #tpu.memory_space<vmem_shared>>) offsets(%arg16 : memref<64xi32, #tpu.memory_space<vmem>>) semaphore(%arg31 : memref<!tpu.dma_semaphore, #tpu.memory_space<semaphore_mem>>) {add = true}
      %convert_element_type3A_748 = arith.extui %le3A_729 : i1 to i32
      %cond3A_749 = arith.constant 0 : i32
      %cond3A_750 = arith.cmpi ne, %convert_element_type3A_748, %cond3A_749 : i32
      scf.if %cond3A_750 {
        %mul3A_774 = arith.constant 4 : i32
        %mul3A_775 = arith.muli %mul3A_774, %scan3A_431 : i32
        %add3A_776 = arith.constant 2 : i32
        %add3A_777 = arith.addi %mul3A_775, %add3A_776 : i32
        %add3A_778 = arith.constant 2 : i32
        %add3A_779 = arith.addi %add3A_777, %add3A_778 : i32
        %dma_wait3A_780 = arith.constant 0 : i32
        %dma_wait3A_781 = tpu.memref_slice %arg2[%dma_wait3A_780] : memref<640000xi32, #tpu.memory_space<hbm>> -> memref<64xi32, #tpu.memory_space<hbm>>
        %dma_wait3A_782 = arith.constant 0 : i32
        %dma_wait3A_783 = tpu.memref_slice %arg2[%dma_wait3A_782] : memref<640000xi32, #tpu.memory_space<hbm>> -> memref<64xi32, #tpu.memory_space<hbm>>
        tpu.wait_dma2 semaphore(%arg29 : memref<!tpu.dma_semaphore, #tpu.memory_space<semaphore_mem>>) src(%dma_wait3A_783 : memref<64xi32, #tpu.memory_space<hbm>>) dst(%arg6 : memref<64xi32, #tpu.memory_space<vmem>>)
        %dma_wait3A_784 = arith.constant 0 : i32
        %dma_wait3A_785 = tpu.memref_slice %arg2[%dma_wait3A_784] : memref<640000xi32, #tpu.memory_space<hbm>> -> memref<64xi32, #tpu.memory_space<hbm>>
        %dma_wait3A_786 = arith.constant 0 : i32
        %dma_wait3A_787 = tpu.memref_slice %arg2[%dma_wait3A_786] : memref<640000xi32, #tpu.memory_space<hbm>> -> memref<64xi32, #tpu.memory_space<hbm>>
        tpu.wait_dma2 semaphore(%arg29 : memref<!tpu.dma_semaphore, #tpu.memory_space<semaphore_mem>>) src(%dma_wait3A_787 : memref<64xi32, #tpu.memory_space<hbm>>) dst(%arg7 : memref<64xi32, #tpu.memory_space<vmem>>)
        %get3A_788 = arith.constant 0 : index
        %get3A_789 = tpu.vector_load %arg6[%get3A_788] {strides = array<i32>} : memref<64xi32, #tpu.memory_space<vmem>>, vector<16xi32>,
        %get3A_790 = vector.shape_cast %get3A_789 : vector<16xi32> to vector<16xi32>
        %get3A_791 = arith.constant 0 : index
        %get3A_792 = tpu.vector_load %arg7[%get3A_791] {strides = array<i32>} : memref<64xi32, #tpu.memory_space<vmem>>, vector<16xi32>,
        %get3A_793 = vector.shape_cast %get3A_792 : vector<16xi32> to vector<16xi32>
        %swap3A_794 = arith.constant 0 : index
        %swap3A_795 = tpu.vector_load %arg10[%swap3A_794] {strides = array<i32>} : memref<64xi32, #tpu.memory_space<vmem>>, vector<16xi32>,
        %swap3A_796 = vector.shape_cast %swap3A_795 : vector<16xi32> to vector<16xi32>
        %swap3A_797 = vector.shape_cast %get3A_790 : vector<16xi32> to vector<16xi32>
        tpu.vector_store %arg10[%swap3A_794], %swap3A_797 {strides = array<i32>} : memref<64xi32, #tpu.memory_space<vmem>>, vector<16xi32>,
        %swap3A_798 = arith.constant 0 : index
        %swap3A_799 = tpu.vector_load %arg14[%swap3A_798] {strides = array<i32>} : memref<64xi32, #tpu.memory_space<vmem>>, vector<16xi32>,
        %swap3A_800 = vector.shape_cast %swap3A_799 : vector<16xi32> to vector<16xi32>
        %swap3A_801 = vector.shape_cast %get3A_793 : vector<16xi32> to vector<16xi32>
        tpu.vector_store %arg14[%swap3A_798], %swap3A_801 {strides = array<i32>} : memref<64xi32, #tpu.memory_space<vmem>>, vector<16xi32>,
        %sub3A_802 = arith.subi %get3A_790, %get3A_793 : vector<16xi32>
        %lt3A_803 = arith.constant 0 : i32
        %lt3A_804 = vector.broadcast %lt3A_803 : i32 to vector<16xi32>
        %lt3A_805 = arith.cmpi slt, %sub3A_802, %lt3A_804 : vector<16xi32>
        %add3A_806 = arith.constant 10000 : i32
        %add3A_807 = vector.broadcast %add3A_806 : i32 to vector<16xi32>
        %add3A_808 = arith.addi %sub3A_802, %add3A_807 : vector<16xi32>
        %select_n3A_809 = arith.select %lt3A_805, %add3A_808, %sub3A_802 : vector<16xi1>, vector<16xi32>
        %swap3A_810 = arith.constant 0 : index
        %swap3A_811 = tpu.vector_load %arg12[%swap3A_810] {strides = array<i32>} : memref<64xi32, #tpu.memory_space<vmem>>, vector<16xi32>,
        %swap3A_812 = vector.shape_cast %swap3A_811 : vector<16xi32> to vector<16xi32>
        %swap3A_813 = vector.shape_cast %select_n3A_809 : vector<16xi32> to vector<16xi32>
        tpu.vector_store %arg12[%swap3A_810], %swap3A_813 {strides = array<i32>} : memref<64xi32, #tpu.memory_space<vmem>>, vector<16xi32>,
        %get3A_814 = arith.constant 16 : index
        %get3A_815 = tpu.vector_load %arg6[%get3A_814] {strides = array<i32>} : memref<64xi32, #tpu.memory_space<vmem>>, vector<16xi32>,
        %get3A_816 = vector.shape_cast %get3A_815 : vector<16xi32> to vector<16xi32>
        %get3A_817 = arith.constant 16 : index
        %get3A_818 = tpu.vector_load %arg7[%get3A_817] {strides = array<i32>} : memref<64xi32, #tpu.memory_space<vmem>>, vector<16xi32>,
        %get3A_819 = vector.shape_cast %get3A_818 : vector<16xi32> to vector<16xi32>
        %swap3A_820 = arith.constant 16 : index
        %swap3A_821 = tpu.vector_load %arg10[%swap3A_820] {strides = array<i32>} : memref<64xi32, #tpu.memory_space<vmem>>, vector<16xi32>,
        %swap3A_822 = vector.shape_cast %swap3A_821 : vector<16xi32> to vector<16xi32>
        %swap3A_823 = vector.shape_cast %get3A_816 : vector<16xi32> to vector<16xi32>
        tpu.vector_store %arg10[%swap3A_820], %swap3A_823 {strides = array<i32>} : memref<64xi32, #tpu.memory_space<vmem>>, vector<16xi32>,
        %swap3A_824 = arith.constant 16 : index
        %swap3A_825 = tpu.vector_load %arg14[%swap3A_824] {strides = array<i32>} : memref<64xi32, #tpu.memory_space<vmem>>, vector<16xi32>,
        %swap3A_826 = vector.shape_cast %swap3A_825 : vector<16xi32> to vector<16xi32>
        %swap3A_827 = vector.shape_cast %get3A_819 : vector<16xi32> to vector<16xi32>
        tpu.vector_store %arg14[%swap3A_824], %swap3A_827 {strides = array<i32>} : memref<64xi32, #tpu.memory_space<vmem>>, vector<16xi32>,
        %sub3A_828 = arith.subi %get3A_816, %get3A_819 : vector<16xi32>
        %lt3A_829 = arith.constant 0 : i32
        %lt3A_830 = vector.broadcast %lt3A_829 : i32 to vector<16xi32>
        %lt3A_831 = arith.cmpi slt, %sub3A_828, %lt3A_830 : vector<16xi32>
        %add3A_832 = arith.constant 10000 : i32
        %add3A_833 = vector.broadcast %add3A_832 : i32 to vector<16xi32>
        %add3A_834 = arith.addi %sub3A_828, %add3A_833 : vector<16xi32>
        %select_n3A_835 = arith.select %lt3A_831, %add3A_834, %sub3A_828 : vector<16xi1>, vector<16xi32>
        %swap3A_836 = arith.constant 16 : index
        %swap3A_837 = tpu.vector_load %arg12[%swap3A_836] {strides = array<i32>} : memref<64xi32, #tpu.memory_space<vmem>>, vector<16xi32>,
        %swap3A_838 = vector.shape_cast %swap3A_837 : vector<16xi32> to vector<16xi32>
        %swap3A_839 = vector.shape_cast %select_n3A_835 : vector<16xi32> to vector<16xi32>
        tpu.vector_store %arg12[%swap3A_836], %swap3A_839 {strides = array<i32>} : memref<64xi32, #tpu.memory_space<vmem>>, vector<16xi32>,
        %get3A_840 = arith.constant 32 : index
        %get3A_841 = tpu.vector_load %arg6[%get3A_840] {strides = array<i32>} : memref<64xi32, #tpu.memory_space<vmem>>, vector<16xi32>,
        %get3A_842 = vector.shape_cast %get3A_841 : vector<16xi32> to vector<16xi32>
        %get3A_843 = arith.constant 32 : index
        %get3A_844 = tpu.vector_load %arg7[%get3A_843] {strides = array<i32>} : memref<64xi32, #tpu.memory_space<vmem>>, vector<16xi32>,
        %get3A_845 = vector.shape_cast %get3A_844 : vector<16xi32> to vector<16xi32>
        %swap3A_846 = arith.constant 32 : index
        %swap3A_847 = tpu.vector_load %arg10[%swap3A_846] {strides = array<i32>} : memref<64xi32, #tpu.memory_space<vmem>>, vector<16xi32>,
        %swap3A_848 = vector.shape_cast %swap3A_847 : vector<16xi32> to vector<16xi32>
        %swap3A_849 = vector.shape_cast %get3A_842 : vector<16xi32> to vector<16xi32>
        tpu.vector_store %arg10[%swap3A_846], %swap3A_849 {strides = array<i32>} : memref<64xi32, #tpu.memory_space<vmem>>, vector<16xi32>,
        %swap3A_850 = arith.constant 32 : index
        %swap3A_851 = tpu.vector_load %arg14[%swap3A_850] {strides = array<i32>} : memref<64xi32, #tpu.memory_space<vmem>>, vector<16xi32>,
        %swap3A_852 = vector.shape_cast %swap3A_851 : vector<16xi32> to vector<16xi32>
        %swap3A_853 = vector.shape_cast %get3A_845 : vector<16xi32> to vector<16xi32>
        tpu.vector_store %arg14[%swap3A_850], %swap3A_853 {strides = array<i32>} : memref<64xi32, #tpu.memory_space<vmem>>, vector<16xi32>,
        %sub3A_854 = arith.subi %get3A_842, %get3A_845 : vector<16xi32>
        %lt3A_855 = arith.constant 0 : i32
        %lt3A_856 = vector.broadcast %lt3A_855 : i32 to vector<16xi32>
        %lt3A_857 = arith.cmpi slt, %sub3A_854, %lt3A_856 : vector<16xi32>
        %add3A_858 = arith.constant 10000 : i32
        %add3A_859 = vector.broadcast %add3A_858 : i32 to vector<16xi32>
        %add3A_860 = arith.addi %sub3A_854, %add3A_859 : vector<16xi32>
        %select_n3A_861 = arith.select %lt3A_857, %add3A_860, %sub3A_854 : vector<16xi1>, vector<16xi32>
        %swap3A_862 = arith.constant 32 : index
        %swap3A_863 = tpu.vector_load %arg12[%swap3A_862] {strides = array<i32>} : memref<64xi32, #tpu.memory_space<vmem>>, vector<16xi32>,
        %swap3A_864 = vector.shape_cast %swap3A_863 : vector<16xi32> to vector<16xi32>
        %swap3A_865 = vector.shape_cast %select_n3A_861 : vector<16xi32> to vector<16xi32>
        tpu.vector_store %arg12[%swap3A_862], %swap3A_865 {strides = array<i32>} : memref<64xi32, #tpu.memory_space<vmem>>, vector<16xi32>,
        %get3A_866 = arith.constant 48 : index
        %get3A_867 = tpu.vector_load %arg6[%get3A_866] {strides = array<i32>} : memref<64xi32, #tpu.memory_space<vmem>>, vector<16xi32>,
        %get3A_868 = vector.shape_cast %get3A_867 : vector<16xi32> to vector<16xi32>
        %get3A_869 = arith.constant 48 : index
        %get3A_870 = tpu.vector_load %arg7[%get3A_869] {strides = array<i32>} : memref<64xi32, #tpu.memory_space<vmem>>, vector<16xi32>,
        %get3A_871 = vector.shape_cast %get3A_870 : vector<16xi32> to vector<16xi32>
        %swap3A_872 = arith.constant 48 : index
        %swap3A_873 = tpu.vector_load %arg10[%swap3A_872] {strides = array<i32>} : memref<64xi32, #tpu.memory_space<vmem>>, vector<16xi32>,
        %swap3A_874 = vector.shape_cast %swap3A_873 : vector<16xi32> to vector<16xi32>
        %swap3A_875 = vector.shape_cast %get3A_868 : vector<16xi32> to vector<16xi32>
        tpu.vector_store %arg10[%swap3A_872], %swap3A_875 {strides = array<i32>} : memref<64xi32, #tpu.memory_space<vmem>>, vector<16xi32>,
        %swap3A_876 = arith.constant 48 : index
        %swap3A_877 = tpu.vector_load %arg14[%swap3A_876] {strides = array<i32>} : memref<64xi32, #tpu.memory_space<vmem>>, vector<16xi32>,
        %swap3A_878 = vector.shape_cast %swap3A_877 : vector<16xi32> to vector<16xi32>
        %swap3A_879 = vector.shape_cast %get3A_871 : vector<16xi32> to vector<16xi32>
        tpu.vector_store %arg14[%swap3A_876], %swap3A_879 {strides = array<i32>} : memref<64xi32, #tpu.memory_space<vmem>>, vector<16xi32>,
        %sub3A_880 = arith.subi %get3A_868, %get3A_871 : vector<16xi32>
        %lt3A_881 = arith.constant 0 : i32
        %lt3A_882 = vector.broadcast %lt3A_881 : i32 to vector<16xi32>
        %lt3A_883 = arith.cmpi slt, %sub3A_880, %lt3A_882 : vector<16xi32>
        %add3A_884 = arith.constant 10000 : i32
        %add3A_885 = vector.broadcast %add3A_884 : i32 to vector<16xi32>
        %add3A_886 = arith.addi %sub3A_880, %add3A_885 : vector<16xi32>
        %select_n3A_887 = arith.select %lt3A_883, %add3A_886, %sub3A_880 : vector<16xi1>, vector<16xi32>
        %swap3A_888 = arith.constant 48 : index
        %swap3A_889 = tpu.vector_load %arg12[%swap3A_888] {strides = array<i32>} : memref<64xi32, #tpu.memory_space<vmem>>, vector<16xi32>,
        %swap3A_890 = vector.shape_cast %swap3A_889 : vector<16xi32> to vector<16xi32>
        %swap3A_891 = vector.shape_cast %select_n3A_887 : vector<16xi32> to vector<16xi32>
        tpu.vector_store %arg12[%swap3A_888], %swap3A_891 {strides = array<i32>} : memref<64xi32, #tpu.memory_space<vmem>>, vector<16xi32>,
        %dma_start3A_892 = arith.constant 0 : i32
        %dma_start3A_893 = arith.constant 0 : i32
        %dma_start3A_894 = tpu.memref_slice %arg3[%dma_start3A_892, %dma_start3A_893] : memref<10000x64xi32, #tpu.memory_space<hbm>> -> memref<10000x64xi32, #tpu.memory_space<hbm>>
        tpu.enqueue_indirect_dma source(%dma_start3A_894 : memref<10000x64xi32, #tpu.memory_space<hbm>>) target(%arg18 : memref<64x64xi32, #tpu.memory_space<vmem>>) offsets(%arg10 : memref<64xi32, #tpu.memory_space<vmem>>) semaphore(%arg27 : memref<!tpu.dma_semaphore, #tpu.memory_space<semaphore_mem>>)
        %dma_start3A_895 = arith.constant 0 : i32
        %dma_start3A_896 = arith.constant 0 : i32
        %dma_start3A_897 = tpu.memref_slice %arg4[%dma_start3A_895, %dma_start3A_896] : memref<10000x64xi32, #tpu.memory_space<hbm>> -> memref<10000x64xi32, #tpu.memory_space<hbm>>
        tpu.enqueue_indirect_dma source(%dma_start3A_897 : memref<10000x64xi32, #tpu.memory_space<hbm>>) target(%arg20 : memref<64x64xi32, #tpu.memory_space<vmem>>) offsets(%arg12 : memref<64xi32, #tpu.memory_space<vmem>>) semaphore(%arg27 : memref<!tpu.dma_semaphore, #tpu.memory_space<semaphore_mem>>)
        %add3A_898 = arith.constant 2 : i32
        %add3A_899 = arith.addi %add3A_779, %add3A_898 : i32
        %mul3A_900 = arith.constant 64 : i32
        %mul3A_901 = arith.muli %add3A_899, %mul3A_900 : i32
        %add3A_902 = arith.addi %mul3A_2, %mul3A_901 : i32
        %dma_start3A_903 = tpu.memref_slice %arg2[%add3A_902] : memref<640000xi32, #tpu.memory_space<hbm>> -> memref<64xi32, #tpu.memory_space<hbm>>
        %dma_start3A_904 = tpu.memref_slice %arg2[%add3A_902] : memref<640000xi32, #tpu.memory_space<hbm>> -> memref<64xi32, #tpu.memory_space<hbm>>
        tpu.enqueue_dma source(%dma_start3A_904 : memref<64xi32, #tpu.memory_space<hbm>>) target(%arg6 : memref<64xi32, #tpu.memory_space<vmem>>) target_semaphore(%arg29 : memref<!tpu.dma_semaphore, #tpu.memory_space<semaphore_mem>>)
        %add3A_905 = arith.constant 320000 : i32
        %add3A_906 = arith.addi %add3A_905, %add3A_902 : i32
        %dma_start3A_907 = tpu.memref_slice %arg2[%add3A_906] : memref<640000xi32, #tpu.memory_space<hbm>> -> memref<64xi32, #tpu.memory_space<hbm>>
        %dma_start3A_908 = tpu.memref_slice %arg2[%add3A_906] : memref<640000xi32, #tpu.memory_space<hbm>> -> memref<64xi32, #tpu.memory_space<hbm>>
        tpu.enqueue_dma source(%dma_start3A_908 : memref<64xi32, #tpu.memory_space<hbm>>) target(%arg7 : memref<64xi32, #tpu.memory_space<vmem>>) target_semaphore(%arg29 : memref<!tpu.dma_semaphore, #tpu.memory_space<semaphore_mem>>)
      } else {
      }
      %le3A_751 = arith.constant 37 : i32
      %le3A_752 = arith.cmpi sle, %scan3A_431, %le3A_751 : i32
      %dma_wait3A_753 = arith.constant 0 : i32
      %dma_wait3A_754 = arith.constant 0 : i32
      %dma_wait3A_755 = tpu.memref_slice %arg3[%dma_wait3A_753, %dma_wait3A_754] : memref<10000x64xi32, #tpu.memory_space<hbm>> -> memref<10000x64xi32, #tpu.memory_space<hbm>>
      tpu.wait_indirect_dma semaphore(%arg28 : memref<!tpu.dma_semaphore, #tpu.memory_space<semaphore_mem>>) src(%dma_wait3A_755 : memref<10000x64xi32, #tpu.memory_space<hbm>>) dst(%arg19 : memref<64x64xi32, #tpu.memory_space<vmem>>)
      %dma_wait3A_756 = arith.constant 0 : i32
      %dma_wait3A_757 = arith.constant 0 : i32
      %dma_wait3A_758 = tpu.memref_slice %arg4[%dma_wait3A_756, %dma_wait3A_757] : memref<10000x64xi32, #tpu.memory_space<hbm>> -> memref<10000x64xi32, #tpu.memory_space<hbm>>
      tpu.wait_indirect_dma semaphore(%arg28 : memref<!tpu.dma_semaphore, #tpu.memory_space<semaphore_mem>>) src(%dma_wait3A_758 : memref<10000x64xi32, #tpu.memory_space<hbm>>) dst(%arg21 : memref<64x64xi32, #tpu.memory_space<vmem>>)
      %dma_wait3A_759 = arith.constant 0 : i32
      %dma_wait3A_760 = arith.constant 0 : i32
      %dma_wait3A_761 = tpu.memref_slice %arg26[%dma_wait3A_759, %dma_wait3A_760] : memref<10000x128xf32, #tpu.memory_space<vmem_shared>> -> memref<10000x128xf32, #tpu.memory_space<vmem_shared>>
      tpu.wait_indirect_dma semaphore(%arg32 : memref<!tpu.dma_semaphore, #tpu.memory_space<semaphore_mem>>) src(%arg23 : memref<64x128xf32, #tpu.memory_space<vmem>>) dst(%dma_wait3A_761 : memref<10000x128xf32, #tpu.memory_space<vmem_shared>>)
      %scan3A_762 = arith.constant 0 : i32
      %scan3A_763 = arith.constant 0 : i32
      %scan3A_764 = arith.constant 64 : i32
      %scan3A_765 = arith.addi %scan3A_763, %scan3A_764 : i32
      %scan3A_766 = arith.constant 4 : i32
      scf.for %scan3A_774 = %scan3A_763 to %scan3A_765 step %scan3A_766  : i32 {
        %get3A_775 = arith.index_cast %scan3A_774 : i32 to index
        %get3A_776 = arith.constant 0 : index
        %get3A_777 = tpu.vector_load %arg19[%get3A_775, %get3A_776] {strides = array<i32>} : memref<64x64xi32, #tpu.memory_space<vmem>>, vector<1x16xi32>,
        %get3A_778 = vector.shape_cast %get3A_777 : vector<1x16xi32> to vector<16xi32>
        %get3A_779 = arith.index_cast %scan3A_774 : i32 to index
        %get3A_780 = arith.constant 0 : index
        %get3A_781 = tpu.vector_load %arg21[%get3A_779, %get3A_780] {strides = array<i32>} : memref<64x64xi32, #tpu.memory_space<vmem>>, vector<1x16xi32>,
        %get3A_782 = vector.shape_cast %get3A_781 : vector<1x16xi32> to vector<16xi32>
        %shift_left3A = arith.constant 16 : i32
        %shift_left3A_783 = vector.broadcast %shift_left3A : i32 to vector<16xi32>
        %shift_left3A_784 = arith.shli %get3A_778, %shift_left3A_783 : vector<16xi32>
        %bitcast_convert_type3A = tpu.bitcast %shift_left3A_784 : vector<16xi32> -> vector<16xf32>
        %shift_left3A_785 = arith.constant 16 : i32
        %shift_left3A_786 = vector.broadcast %shift_left3A_785 : i32 to vector<16xi32>
        %shift_left3A_787 = arith.shli %get3A_782, %shift_left3A_786 : vector<16xi32>
        %bitcast_convert_type3A_788 = tpu.bitcast %shift_left3A_787 : vector<16xi32> -> vector<16xf32>
        %mul3A_789 = arith.mulf %bitcast_convert_type3A, %bitcast_convert_type3A_788 : vector<16xf32>
        %and3A = arith.constant -65536 : i32
        %and3A_790 = vector.broadcast %and3A : i32 to vector<16xi32>
        %and3A_791 = arith.andi %get3A_778, %and3A_790 : vector<16xi32>
        %bitcast_convert_type3A_792 = tpu.bitcast %and3A_791 : vector<16xi32> -> vector<16xf32>
        %and3A_793 = arith.constant -65536 : i32
        %and3A_794 = vector.broadcast %and3A_793 : i32 to vector<16xi32>
        %and3A_795 = arith.andi %get3A_782, %and3A_794 : vector<16xi32>
        %bitcast_convert_type3A_796 = tpu.bitcast %and3A_795 : vector<16xi32> -> vector<16xf32>
        %mul3A_797 = arith.mulf %bitcast_convert_type3A_792, %bitcast_convert_type3A_796 : vector<16xf32>
        %swap3A_798 = arith.index_cast %scan3A_774 : i32 to index
        %swap3A_799 = arith.constant 0 : index
        %swap3A_800 = tpu.vector_load %arg25[%swap3A_798, %swap3A_799] {strides = array<i32>} : memref<64x128xf32, #tpu.memory_space<vmem>>, vector<1x16xf32>,
        %swap3A_801 = vector.shape_cast %swap3A_800 : vector<1x16xf32> to vector<16xf32>
        %swap3A_802 = vector.shape_cast %mul3A_789 : vector<16xf32> to vector<1x16xf32>
        tpu.vector_store %arg25[%swap3A_798, %swap3A_799], %swap3A_802 {strides = array<i32>} : memref<64x128xf32, #tpu.memory_space<vmem>>, vector<1x16xf32>,
        %swap3A_803 = arith.index_cast %scan3A_774 : i32 to index
        %swap3A_804 = arith.constant 16 : index
        %swap3A_805 = tpu.vector_load %arg25[%swap3A_803, %swap3A_804] {strides = array<i32>} : memref<64x128xf32, #tpu.memory_space<vmem>>, vector<1x16xf32>,
        %swap3A_806 = vector.shape_cast %swap3A_805 : vector<1x16xf32> to vector<16xf32>
        %swap3A_807 = vector.shape_cast %mul3A_797 : vector<16xf32> to vector<1x16xf32>
        tpu.vector_store %arg25[%swap3A_803, %swap3A_804], %swap3A_807 {strides = array<i32>} : memref<64x128xf32, #tpu.memory_space<vmem>>, vector<1x16xf32>,
        %get3A_808 = arith.index_cast %scan3A_774 : i32 to index
        %get3A_809 = arith.constant 16 : index
        %get3A_810 = tpu.vector_load %arg19[%get3A_808, %get3A_809] {strides = array<i32>} : memref<64x64xi32, #tpu.memory_space<vmem>>, vector<1x16xi32>,
        %get3A_811 = vector.shape_cast %get3A_810 : vector<1x16xi32> to vector<16xi32>
        %get3A_812 = arith.index_cast %scan3A_774 : i32 to index
        %get3A_813 = arith.constant 16 : index
        %get3A_814 = tpu.vector_load %arg21[%get3A_812, %get3A_813] {strides = array<i32>} : memref<64x64xi32, #tpu.memory_space<vmem>>, vector<1x16xi32>,
        %get3A_815 = vector.shape_cast %get3A_814 : vector<1x16xi32> to vector<16xi32>
        %shift_left3A_816 = arith.constant 16 : i32
        %shift_left3A_817 = vector.broadcast %shift_left3A_816 : i32 to vector<16xi32>
        %shift_left3A_818 = arith.shli %get3A_811, %shift_left3A_817 : vector<16xi32>
        %bitcast_convert_type3A_819 = tpu.bitcast %shift_left3A_818 : vector<16xi32> -> vector<16xf32>
        %shift_left3A_820 = arith.constant 16 : i32
        %shift_left3A_821 = vector.broadcast %shift_left3A_820 : i32 to vector<16xi32>
        %shift_left3A_822 = arith.shli %get3A_815, %shift_left3A_821 : vector<16xi32>
        %bitcast_convert_type3A_823 = tpu.bitcast %shift_left3A_822 : vector<16xi32> -> vector<16xf32>
        %mul3A_824 = arith.mulf %bitcast_convert_type3A_819, %bitcast_convert_type3A_823 : vector<16xf32>
        %and3A_825 = arith.constant -65536 : i32
        %and3A_826 = vector.broadcast %and3A_825 : i32 to vector<16xi32>
        %and3A_827 = arith.andi %get3A_811, %and3A_826 : vector<16xi32>
        %bitcast_convert_type3A_828 = tpu.bitcast %and3A_827 : vector<16xi32> -> vector<16xf32>
        %and3A_829 = arith.constant -65536 : i32
        %and3A_830 = vector.broadcast %and3A_829 : i32 to vector<16xi32>
        %and3A_831 = arith.andi %get3A_815, %and3A_830 : vector<16xi32>
        %bitcast_convert_type3A_832 = tpu.bitcast %and3A_831 : vector<16xi32> -> vector<16xf32>
        %mul3A_833 = arith.mulf %bitcast_convert_type3A_828, %bitcast_convert_type3A_832 : vector<16xf32>
        %swap3A_834 = arith.index_cast %scan3A_774 : i32 to index
        %swap3A_835 = arith.constant 32 : index
        %swap3A_836 = tpu.vector_load %arg25[%swap3A_834, %swap3A_835] {strides = array<i32>} : memref<64x128xf32, #tpu.memory_space<vmem>>, vector<1x16xf32>,
        %swap3A_837 = vector.shape_cast %swap3A_836 : vector<1x16xf32> to vector<16xf32>
        %swap3A_838 = vector.shape_cast %mul3A_824 : vector<16xf32> to vector<1x16xf32>
        tpu.vector_store %arg25[%swap3A_834, %swap3A_835], %swap3A_838 {strides = array<i32>} : memref<64x128xf32, #tpu.memory_space<vmem>>, vector<1x16xf32>,
        %swap3A_839 = arith.index_cast %scan3A_774 : i32 to index
        %swap3A_840 = arith.constant 48 : index
        %swap3A_841 = tpu.vector_load %arg25[%swap3A_839, %swap3A_840] {strides = array<i32>} : memref<64x128xf32, #tpu.memory_space<vmem>>, vector<1x16xf32>,
        %swap3A_842 = vector.shape_cast %swap3A_841 : vector<1x16xf32> to vector<16xf32>
        %swap3A_843 = vector.shape_cast %mul3A_833 : vector<16xf32> to vector<1x16xf32>
        tpu.vector_store %arg25[%swap3A_839, %swap3A_840], %swap3A_843 {strides = array<i32>} : memref<64x128xf32, #tpu.memory_space<vmem>>, vector<1x16xf32>,
        %get3A_844 = arith.index_cast %scan3A_774 : i32 to index
        %get3A_845 = arith.constant 32 : index
        %get3A_846 = tpu.vector_load %arg19[%get3A_844, %get3A_845] {strides = array<i32>} : memref<64x64xi32, #tpu.memory_space<vmem>>, vector<1x16xi32>,
        %get3A_847 = vector.shape_cast %get3A_846 : vector<1x16xi32> to vector<16xi32>
        %get3A_848 = arith.index_cast %scan3A_774 : i32 to index
        %get3A_849 = arith.constant 32 : index
        %get3A_850 = tpu.vector_load %arg21[%get3A_848, %get3A_849] {strides = array<i32>} : memref<64x64xi32, #tpu.memory_space<vmem>>, vector<1x16xi32>,
        %get3A_851 = vector.shape_cast %get3A_850 : vector<1x16xi32> to vector<16xi32>
        %shift_left3A_852 = arith.constant 16 : i32
        %shift_left3A_853 = vector.broadcast %shift_left3A_852 : i32 to vector<16xi32>
        %shift_left3A_854 = arith.shli %get3A_847, %shift_left3A_853 : vector<16xi32>
        %bitcast_convert_type3A_855 = tpu.bitcast %shift_left3A_854 : vector<16xi32> -> vector<16xf32>
        %shift_left3A_856 = arith.constant 16 : i32
        %shift_left3A_857 = vector.broadcast %shift_left3A_856 : i32 to vector<16xi32>
        %shift_left3A_858 = arith.shli %get3A_851, %shift_left3A_857 : vector<16xi32>
        %bitcast_convert_type3A_859 = tpu.bitcast %shift_left3A_858 : vector<16xi32> -> vector<16xf32>
        %mul3A_860 = arith.mulf %bitcast_convert_type3A_855, %bitcast_convert_type3A_859 : vector<16xf32>
        %and3A_861 = arith.constant -65536 : i32
        %and3A_862 = vector.broadcast %and3A_861 : i32 to vector<16xi32>
        %and3A_863 = arith.andi %get3A_847, %and3A_862 : vector<16xi32>
        %bitcast_convert_type3A_864 = tpu.bitcast %and3A_863 : vector<16xi32> -> vector<16xf32>
        %and3A_865 = arith.constant -65536 : i32
        %and3A_866 = vector.broadcast %and3A_865 : i32 to vector<16xi32>
        %and3A_867 = arith.andi %get3A_851, %and3A_866 : vector<16xi32>
        %bitcast_convert_type3A_868 = tpu.bitcast %and3A_867 : vector<16xi32> -> vector<16xf32>
        %mul3A_869 = arith.mulf %bitcast_convert_type3A_864, %bitcast_convert_type3A_868 : vector<16xf32>
        %swap3A_870 = arith.index_cast %scan3A_774 : i32 to index
        %swap3A_871 = arith.constant 64 : index
        %swap3A_872 = tpu.vector_load %arg25[%swap3A_870, %swap3A_871] {strides = array<i32>} : memref<64x128xf32, #tpu.memory_space<vmem>>, vector<1x16xf32>,
        %swap3A_873 = vector.shape_cast %swap3A_872 : vector<1x16xf32> to vector<16xf32>
        %swap3A_874 = vector.shape_cast %mul3A_860 : vector<16xf32> to vector<1x16xf32>
        tpu.vector_store %arg25[%swap3A_870, %swap3A_871], %swap3A_874 {strides = array<i32>} : memref<64x128xf32, #tpu.memory_space<vmem>>, vector<1x16xf32>,
        %swap3A_875 = arith.index_cast %scan3A_774 : i32 to index
        %swap3A_876 = arith.constant 80 : index
        %swap3A_877 = tpu.vector_load %arg25[%swap3A_875, %swap3A_876] {strides = array<i32>} : memref<64x128xf32, #tpu.memory_space<vmem>>, vector<1x16xf32>,
        %swap3A_878 = vector.shape_cast %swap3A_877 : vector<1x16xf32> to vector<16xf32>
        %swap3A_879 = vector.shape_cast %mul3A_869 : vector<16xf32> to vector<1x16xf32>
        tpu.vector_store %arg25[%swap3A_875, %swap3A_876], %swap3A_879 {strides = array<i32>} : memref<64x128xf32, #tpu.memory_space<vmem>>, vector<1x16xf32>,
        %get3A_880 = arith.index_cast %scan3A_774 : i32 to index
        %get3A_881 = arith.constant 48 : index
        %get3A_882 = tpu.vector_load %arg19[%get3A_880, %get3A_881] {strides = array<i32>} : memref<64x64xi32, #tpu.memory_space<vmem>>, vector<1x16xi32>,
        %get3A_883 = vector.shape_cast %get3A_882 : vector<1x16xi32> to vector<16xi32>
        %get3A_884 = arith.index_cast %scan3A_774 : i32 to index
        %get3A_885 = arith.constant 48 : index
        %get3A_886 = tpu.vector_load %arg21[%get3A_884, %get3A_885] {strides = array<i32>} : memref<64x64xi32, #tpu.memory_space<vmem>>, vector<1x16xi32>,
        %get3A_887 = vector.shape_cast %get3A_886 : vector<1x16xi32> to vector<16xi32>
        %shift_left3A_888 = arith.constant 16 : i32
        %shift_left3A_889 = vector.broadcast %shift_left3A_888 : i32 to vector<16xi32>
        %shift_left3A_890 = arith.shli %get3A_883, %shift_left3A_889 : vector<16xi32>
        %bitcast_convert_type3A_891 = tpu.bitcast %shift_left3A_890 : vector<16xi32> -> vector<16xf32>
        %shift_left3A_892 = arith.constant 16 : i32
        %shift_left3A_893 = vector.broadcast %shift_left3A_892 : i32 to vector<16xi32>
        %shift_left3A_894 = arith.shli %get3A_887, %shift_left3A_893 : vector<16xi32>
        %bitcast_convert_type3A_895 = tpu.bitcast %shift_left3A_894 : vector<16xi32> -> vector<16xf32>
        %mul3A_896 = arith.mulf %bitcast_convert_type3A_891, %bitcast_convert_type3A_895 : vector<16xf32>
        %and3A_897 = arith.constant -65536 : i32
        %and3A_898 = vector.broadcast %and3A_897 : i32 to vector<16xi32>
        %and3A_899 = arith.andi %get3A_883, %and3A_898 : vector<16xi32>
        %bitcast_convert_type3A_900 = tpu.bitcast %and3A_899 : vector<16xi32> -> vector<16xf32>
        %and3A_901 = arith.constant -65536 : i32
        %and3A_902 = vector.broadcast %and3A_901 : i32 to vector<16xi32>
        %and3A_903 = arith.andi %get3A_887, %and3A_902 : vector<16xi32>
        %bitcast_convert_type3A_904 = tpu.bitcast %and3A_903 : vector<16xi32> -> vector<16xf32>
        %mul3A_905 = arith.mulf %bitcast_convert_type3A_900, %bitcast_convert_type3A_904 : vector<16xf32>
        %swap3A_906 = arith.index_cast %scan3A_774 : i32 to index
        %swap3A_907 = arith.constant 96 : index
        %swap3A_908 = tpu.vector_load %arg25[%swap3A_906, %swap3A_907] {strides = array<i32>} : memref<64x128xf32, #tpu.memory_space<vmem>>, vector<1x16xf32>,
        %swap3A_909 = vector.shape_cast %swap3A_908 : vector<1x16xf32> to vector<16xf32>
        %swap3A_910 = vector.shape_cast %mul3A_896 : vector<16xf32> to vector<1x16xf32>
        tpu.vector_store %arg25[%swap3A_906, %swap3A_907], %swap3A_910 {strides = array<i32>} : memref<64x128xf32, #tpu.memory_space<vmem>>, vector<1x16xf32>,
        %swap3A_911 = arith.index_cast %scan3A_774 : i32 to index
        %swap3A_912 = arith.constant 112 : index
        %swap3A_913 = tpu.vector_load %arg25[%swap3A_911, %swap3A_912] {strides = array<i32>} : memref<64x128xf32, #tpu.memory_space<vmem>>, vector<1x16xf32>,
        %swap3A_914 = vector.shape_cast %swap3A_913 : vector<1x16xf32> to vector<16xf32>
        %swap3A_915 = vector.shape_cast %mul3A_905 : vector<16xf32> to vector<1x16xf32>
        tpu.vector_store %arg25[%swap3A_911, %swap3A_912], %swap3A_915 {strides = array<i32>} : memref<64x128xf32, #tpu.memory_space<vmem>>, vector<1x16xf32>,
        %scan3A_916 = arith.constant 1 : i32
        %scan3A_917 = arith.addi %scan3A_774, %scan3A_916 : i32
        %get3A_918 = arith.index_cast %scan3A_917 : i32 to index
        %get3A_919 = arith.constant 0 : index
        %get3A_920 = tpu.vector_load %arg19[%get3A_918, %get3A_919] {strides = array<i32>} : memref<64x64xi32, #tpu.memory_space<vmem>>, vector<1x16xi32>,
        %get3A_921 = vector.shape_cast %get3A_920 : vector<1x16xi32> to vector<16xi32>
        %get3A_922 = arith.index_cast %scan3A_917 : i32 to index
        %get3A_923 = arith.constant 0 : index
        %get3A_924 = tpu.vector_load %arg21[%get3A_922, %get3A_923] {strides = array<i32>} : memref<64x64xi32, #tpu.memory_space<vmem>>, vector<1x16xi32>,
        %get3A_925 = vector.shape_cast %get3A_924 : vector<1x16xi32> to vector<16xi32>
        %shift_left3A_926 = arith.constant 16 : i32
        %shift_left3A_927 = vector.broadcast %shift_left3A_926 : i32 to vector<16xi32>
        %shift_left3A_928 = arith.shli %get3A_921, %shift_left3A_927 : vector<16xi32>
        %bitcast_convert_type3A_929 = tpu.bitcast %shift_left3A_928 : vector<16xi32> -> vector<16xf32>
        %shift_left3A_930 = arith.constant 16 : i32
        %shift_left3A_931 = vector.broadcast %shift_left3A_930 : i32 to vector<16xi32>
        %shift_left3A_932 = arith.shli %get3A_925, %shift_left3A_931 : vector<16xi32>
        %bitcast_convert_type3A_933 = tpu.bitcast %shift_left3A_932 : vector<16xi32> -> vector<16xf32>
        %mul3A_934 = arith.mulf %bitcast_convert_type3A_929, %bitcast_convert_type3A_933 : vector<16xf32>
        %and3A_935 = arith.constant -65536 : i32
        %and3A_936 = vector.broadcast %and3A_935 : i32 to vector<16xi32>
        %and3A_937 = arith.andi %get3A_921, %and3A_936 : vector<16xi32>
        %bitcast_convert_type3A_938 = tpu.bitcast %and3A_937 : vector<16xi32> -> vector<16xf32>
        %and3A_939 = arith.constant -65536 : i32
        %and3A_940 = vector.broadcast %and3A_939 : i32 to vector<16xi32>
        %and3A_941 = arith.andi %get3A_925, %and3A_940 : vector<16xi32>
        %bitcast_convert_type3A_942 = tpu.bitcast %and3A_941 : vector<16xi32> -> vector<16xf32>
        %mul3A_943 = arith.mulf %bitcast_convert_type3A_938, %bitcast_convert_type3A_942 : vector<16xf32>
        %swap3A_944 = arith.index_cast %scan3A_917 : i32 to index
        %swap3A_945 = arith.constant 0 : index
        %swap3A_946 = tpu.vector_load %arg25[%swap3A_944, %swap3A_945] {strides = array<i32>} : memref<64x128xf32, #tpu.memory_space<vmem>>, vector<1x16xf32>,
        %swap3A_947 = vector.shape_cast %swap3A_946 : vector<1x16xf32> to vector<16xf32>
        %swap3A_948 = vector.shape_cast %mul3A_934 : vector<16xf32> to vector<1x16xf32>
        tpu.vector_store %arg25[%swap3A_944, %swap3A_945], %swap3A_948 {strides = array<i32>} : memref<64x128xf32, #tpu.memory_space<vmem>>, vector<1x16xf32>,
        %swap3A_949 = arith.index_cast %scan3A_917 : i32 to index
        %swap3A_950 = arith.constant 16 : index
        %swap3A_951 = tpu.vector_load %arg25[%swap3A_949, %swap3A_950] {strides = array<i32>} : memref<64x128xf32, #tpu.memory_space<vmem>>, vector<1x16xf32>,
        %swap3A_952 = vector.shape_cast %swap3A_951 : vector<1x16xf32> to vector<16xf32>
        %swap3A_953 = vector.shape_cast %mul3A_943 : vector<16xf32> to vector<1x16xf32>
        tpu.vector_store %arg25[%swap3A_949, %swap3A_950], %swap3A_953 {strides = array<i32>} : memref<64x128xf32, #tpu.memory_space<vmem>>, vector<1x16xf32>,
        %get3A_954 = arith.index_cast %scan3A_917 : i32 to index
        %get3A_955 = arith.constant 16 : index
        %get3A_956 = tpu.vector_load %arg19[%get3A_954, %get3A_955] {strides = array<i32>} : memref<64x64xi32, #tpu.memory_space<vmem>>, vector<1x16xi32>,
        %get3A_957 = vector.shape_cast %get3A_956 : vector<1x16xi32> to vector<16xi32>
        %get3A_958 = arith.index_cast %scan3A_917 : i32 to index
        %get3A_959 = arith.constant 16 : index
        %get3A_960 = tpu.vector_load %arg21[%get3A_958, %get3A_959] {strides = array<i32>} : memref<64x64xi32, #tpu.memory_space<vmem>>, vector<1x16xi32>,
        %get3A_961 = vector.shape_cast %get3A_960 : vector<1x16xi32> to vector<16xi32>
        %shift_left3A_962 = arith.constant 16 : i32
        %shift_left3A_963 = vector.broadcast %shift_left3A_962 : i32 to vector<16xi32>
        %shift_left3A_964 = arith.shli %get3A_957, %shift_left3A_963 : vector<16xi32>
        %bitcast_convert_type3A_965 = tpu.bitcast %shift_left3A_964 : vector<16xi32> -> vector<16xf32>
        %shift_left3A_966 = arith.constant 16 : i32
        %shift_left3A_967 = vector.broadcast %shift_left3A_966 : i32 to vector<16xi32>
        %shift_left3A_968 = arith.shli %get3A_961, %shift_left3A_967 : vector<16xi32>
        %bitcast_convert_type3A_969 = tpu.bitcast %shift_left3A_968 : vector<16xi32> -> vector<16xf32>
        %mul3A_970 = arith.mulf %bitcast_convert_type3A_965, %bitcast_convert_type3A_969 : vector<16xf32>
        %and3A_971 = arith.constant -65536 : i32
        %and3A_972 = vector.broadcast %and3A_971 : i32 to vector<16xi32>
        %and3A_973 = arith.andi %get3A_957, %and3A_972 : vector<16xi32>
        %bitcast_convert_type3A_974 = tpu.bitcast %and3A_973 : vector<16xi32> -> vector<16xf32>
        %and3A_975 = arith.constant -65536 : i32
        %and3A_976 = vector.broadcast %and3A_975 : i32 to vector<16xi32>
        %and3A_977 = arith.andi %get3A_961, %and3A_976 : vector<16xi32>
        %bitcast_convert_type3A_978 = tpu.bitcast %and3A_977 : vector<16xi32> -> vector<16xf32>
        %mul3A_979 = arith.mulf %bitcast_convert_type3A_974, %bitcast_convert_type3A_978 : vector<16xf32>
        %swap3A_980 = arith.index_cast %scan3A_917 : i32 to index
        %swap3A_981 = arith.constant 32 : index
        %swap3A_982 = tpu.vector_load %arg25[%swap3A_980, %swap3A_981] {strides = array<i32>} : memref<64x128xf32, #tpu.memory_space<vmem>>, vector<1x16xf32>,
        %swap3A_983 = vector.shape_cast %swap3A_982 : vector<1x16xf32> to vector<16xf32>
        %swap3A_984 = vector.shape_cast %mul3A_970 : vector<16xf32> to vector<1x16xf32>
        tpu.vector_store %arg25[%swap3A_980, %swap3A_981], %swap3A_984 {strides = array<i32>} : memref<64x128xf32, #tpu.memory_space<vmem>>, vector<1x16xf32>,
        %swap3A_985 = arith.index_cast %scan3A_917 : i32 to index
        %swap3A_986 = arith.constant 48 : index
        %swap3A_987 = tpu.vector_load %arg25[%swap3A_985, %swap3A_986] {strides = array<i32>} : memref<64x128xf32, #tpu.memory_space<vmem>>, vector<1x16xf32>,
        %swap3A_988 = vector.shape_cast %swap3A_987 : vector<1x16xf32> to vector<16xf32>
        %swap3A_989 = vector.shape_cast %mul3A_979 : vector<16xf32> to vector<1x16xf32>
        tpu.vector_store %arg25[%swap3A_985, %swap3A_986], %swap3A_989 {strides = array<i32>} : memref<64x128xf32, #tpu.memory_space<vmem>>, vector<1x16xf32>,
        %get3A_990 = arith.index_cast %scan3A_917 : i32 to index
        %get3A_991 = arith.constant 32 : index
        %get3A_992 = tpu.vector_load %arg19[%get3A_990, %get3A_991] {strides = array<i32>} : memref<64x64xi32, #tpu.memory_space<vmem>>, vector<1x16xi32>,
        %get3A_993 = vector.shape_cast %get3A_992 : vector<1x16xi32> to vector<16xi32>
        %get3A_994 = arith.index_cast %scan3A_917 : i32 to index
        %get3A_995 = arith.constant 32 : index
        %get3A_996 = tpu.vector_load %arg21[%get3A_994, %get3A_995] {strides = array<i32>} : memref<64x64xi32, #tpu.memory_space<vmem>>, vector<1x16xi32>,
        %get3A_997 = vector.shape_cast %get3A_996 : vector<1x16xi32> to vector<16xi32>
        %shift_left3A_998 = arith.constant 16 : i32
        %shift_left3A_999 = vector.broadcast %shift_left3A_998 : i32 to vector<16xi32>
        %shift_left3A_1000 = arith.shli %get3A_993, %shift_left3A_999 : vector<16xi32>
        %bitcast_convert_type3A_1001 = tpu.bitcast %shift_left3A_1000 : vector<16xi32> -> vector<16xf32>
        %shift_left3A_1002 = arith.constant 16 : i32
        %shift_left3A_1003 = vector.broadcast %shift_left3A_1002 : i32 to vector<16xi32>
        %shift_left3A_1004 = arith.shli %get3A_997, %shift_left3A_1003 : vector<16xi32>
        %bitcast_convert_type3A_1005 = tpu.bitcast %shift_left3A_1004 : vector<16xi32> -> vector<16xf32>
        %mul3A_1006 = arith.mulf %bitcast_convert_type3A_1001, %bitcast_convert_type3A_1005 : vector<16xf32>
        %and3A_1007 = arith.constant -65536 : i32
        %and3A_1008 = vector.broadcast %and3A_1007 : i32 to vector<16xi32>
        %and3A_1009 = arith.andi %get3A_993, %and3A_1008 : vector<16xi32>
        %bitcast_convert_type3A_1010 = tpu.bitcast %and3A_1009 : vector<16xi32> -> vector<16xf32>
        %and3A_1011 = arith.constant -65536 : i32
        %and3A_1012 = vector.broadcast %and3A_1011 : i32 to vector<16xi32>
        %and3A_1013 = arith.andi %get3A_997, %and3A_1012 : vector<16xi32>
        %bitcast_convert_type3A_1014 = tpu.bitcast %and3A_1013 : vector<16xi32> -> vector<16xf32>
        %mul3A_1015 = arith.mulf %bitcast_convert_type3A_1010, %bitcast_convert_type3A_1014 : vector<16xf32>
        %swap3A_1016 = arith.index_cast %scan3A_917 : i32 to index
        %swap3A_1017 = arith.constant 64 : index
        %swap3A_1018 = tpu.vector_load %arg25[%swap3A_1016, %swap3A_1017] {strides = array<i32>} : memref<64x128xf32, #tpu.memory_space<vmem>>, vector<1x16xf32>,
        %swap3A_1019 = vector.shape_cast %swap3A_1018 : vector<1x16xf32> to vector<16xf32>
        %swap3A_1020 = vector.shape_cast %mul3A_1006 : vector<16xf32> to vector<1x16xf32>
        tpu.vector_store %arg25[%swap3A_1016, %swap3A_1017], %swap3A_1020 {strides = array<i32>} : memref<64x128xf32, #tpu.memory_space<vmem>>, vector<1x16xf32>,
        %swap3A_1021 = arith.index_cast %scan3A_917 : i32 to index
        %swap3A_1022 = arith.constant 80 : index
        %swap3A_1023 = tpu.vector_load %arg25[%swap3A_1021, %swap3A_1022] {strides = array<i32>} : memref<64x128xf32, #tpu.memory_space<vmem>>, vector<1x16xf32>,
        %swap3A_1024 = vector.shape_cast %swap3A_1023 : vector<1x16xf32> to vector<16xf32>
        %swap3A_1025 = vector.shape_cast %mul3A_1015 : vector<16xf32> to vector<1x16xf32>
        tpu.vector_store %arg25[%swap3A_1021, %swap3A_1022], %swap3A_1025 {strides = array<i32>} : memref<64x128xf32, #tpu.memory_space<vmem>>, vector<1x16xf32>,
        %get3A_1026 = arith.index_cast %scan3A_917 : i32 to index
        %get3A_1027 = arith.constant 48 : index
        %get3A_1028 = tpu.vector_load %arg19[%get3A_1026, %get3A_1027] {strides = array<i32>} : memref<64x64xi32, #tpu.memory_space<vmem>>, vector<1x16xi32>,
        %get3A_1029 = vector.shape_cast %get3A_1028 : vector<1x16xi32> to vector<16xi32>
        %get3A_1030 = arith.index_cast %scan3A_917 : i32 to index
        %get3A_1031 = arith.constant 48 : index
        %get3A_1032 = tpu.vector_load %arg21[%get3A_1030, %get3A_1031] {strides = array<i32>} : memref<64x64xi32, #tpu.memory_space<vmem>>, vector<1x16xi32>,
        %get3A_1033 = vector.shape_cast %get3A_1032 : vector<1x16xi32> to vector<16xi32>
        %shift_left3A_1034 = arith.constant 16 : i32
        %shift_left3A_1035 = vector.broadcast %shift_left3A_1034 : i32 to vector<16xi32>
        %shift_left3A_1036 = arith.shli %get3A_1029, %shift_left3A_1035 : vector<16xi32>
        %bitcast_convert_type3A_1037 = tpu.bitcast %shift_left3A_1036 : vector<16xi32> -> vector<16xf32>
        %shift_left3A_1038 = arith.constant 16 : i32
        %shift_left3A_1039 = vector.broadcast %shift_left3A_1038 : i32 to vector<16xi32>
        %shift_left3A_1040 = arith.shli %get3A_1033, %shift_left3A_1039 : vector<16xi32>
        %bitcast_convert_type3A_1041 = tpu.bitcast %shift_left3A_1040 : vector<16xi32> -> vector<16xf32>
        %mul3A_1042 = arith.mulf %bitcast_convert_type3A_1037, %bitcast_convert_type3A_1041 : vector<16xf32>
        %and3A_1043 = arith.constant -65536 : i32
        %and3A_1044 = vector.broadcast %and3A_1043 : i32 to vector<16xi32>
        %and3A_1045 = arith.andi %get3A_1029, %and3A_1044 : vector<16xi32>
        %bitcast_convert_type3A_1046 = tpu.bitcast %and3A_1045 : vector<16xi32> -> vector<16xf32>
        %and3A_1047 = arith.constant -65536 : i32
        %and3A_1048 = vector.broadcast %and3A_1047 : i32 to vector<16xi32>
        %and3A_1049 = arith.andi %get3A_1033, %and3A_1048 : vector<16xi32>
        %bitcast_convert_type3A_1050 = tpu.bitcast %and3A_1049 : vector<16xi32> -> vector<16xf32>
        %mul3A_1051 = arith.mulf %bitcast_convert_type3A_1046, %bitcast_convert_type3A_1050 : vector<16xf32>
        %swap3A_1052 = arith.index_cast %scan3A_917 : i32 to index
        %swap3A_1053 = arith.constant 96 : index
        %swap3A_1054 = tpu.vector_load %arg25[%swap3A_1052, %swap3A_1053] {strides = array<i32>} : memref<64x128xf32, #tpu.memory_space<vmem>>, vector<1x16xf32>,
        %swap3A_1055 = vector.shape_cast %swap3A_1054 : vector<1x16xf32> to vector<16xf32>
        %swap3A_1056 = vector.shape_cast %mul3A_1042 : vector<16xf32> to vector<1x16xf32>
        tpu.vector_store %arg25[%swap3A_1052, %swap3A_1053], %swap3A_1056 {strides = array<i32>} : memref<64x128xf32, #tpu.memory_space<vmem>>, vector<1x16xf32>,
        %swap3A_1057 = arith.index_cast %scan3A_917 : i32 to index
        %swap3A_1058 = arith.constant 112 : index
        %swap3A_1059 = tpu.vector_load %arg25[%swap3A_1057, %swap3A_1058] {strides = array<i32>} : memref<64x128xf32, #tpu.memory_space<vmem>>, vector<1x16xf32>,
        %swap3A_1060 = vector.shape_cast %swap3A_1059 : vector<1x16xf32> to vector<16xf32>
        %swap3A_1061 = vector.shape_cast %mul3A_1051 : vector<16xf32> to vector<1x16xf32>
        tpu.vector_store %arg25[%swap3A_1057, %swap3A_1058], %swap3A_1061 {strides = array<i32>} : memref<64x128xf32, #tpu.memory_space<vmem>>, vector<1x16xf32>,
        %scan3A_1062 = arith.constant 2 : i32
        %scan3A_1063 = arith.addi %scan3A_774, %scan3A_1062 : i32
        %get3A_1064 = arith.index_cast %scan3A_1063 : i32 to index
        %get3A_1065 = arith.constant 0 : index
        %get3A_1066 = tpu.vector_load %arg19[%get3A_1064, %get3A_1065] {strides = array<i32>} : memref<64x64xi32, #tpu.memory_space<vmem>>, vector<1x16xi32>,
        %get3A_1067 = vector.shape_cast %get3A_1066 : vector<1x16xi32> to vector<16xi32>
        %get3A_1068 = arith.index_cast %scan3A_1063 : i32 to index
        %get3A_1069 = arith.constant 0 : index
        %get3A_1070 = tpu.vector_load %arg21[%get3A_1068, %get3A_1069] {strides = array<i32>} : memref<64x64xi32, #tpu.memory_space<vmem>>, vector<1x16xi32>,
        %get3A_1071 = vector.shape_cast %get3A_1070 : vector<1x16xi32> to vector<16xi32>
        %shift_left3A_1072 = arith.constant 16 : i32
        %shift_left3A_1073 = vector.broadcast %shift_left3A_1072 : i32 to vector<16xi32>
        %shift_left3A_1074 = arith.shli %get3A_1067, %shift_left3A_1073 : vector<16xi32>
        %bitcast_convert_type3A_1075 = tpu.bitcast %shift_left3A_1074 : vector<16xi32> -> vector<16xf32>
        %shift_left3A_1076 = arith.constant 16 : i32
        %shift_left3A_1077 = vector.broadcast %shift_left3A_1076 : i32 to vector<16xi32>
        %shift_left3A_1078 = arith.shli %get3A_1071, %shift_left3A_1077 : vector<16xi32>
        %bitcast_convert_type3A_1079 = tpu.bitcast %shift_left3A_1078 : vector<16xi32> -> vector<16xf32>
        %mul3A_1080 = arith.mulf %bitcast_convert_type3A_1075, %bitcast_convert_type3A_1079 : vector<16xf32>
        %and3A_1081 = arith.constant -65536 : i32
        %and3A_1082 = vector.broadcast %and3A_1081 : i32 to vector<16xi32>
        %and3A_1083 = arith.andi %get3A_1067, %and3A_1082 : vector<16xi32>
        %bitcast_convert_type3A_1084 = tpu.bitcast %and3A_1083 : vector<16xi32> -> vector<16xf32>
        %and3A_1085 = arith.constant -65536 : i32
        %and3A_1086 = vector.broadcast %and3A_1085 : i32 to vector<16xi32>
        %and3A_1087 = arith.andi %get3A_1071, %and3A_1086 : vector<16xi32>
        %bitcast_convert_type3A_1088 = tpu.bitcast %and3A_1087 : vector<16xi32> -> vector<16xf32>
        %mul3A_1089 = arith.mulf %bitcast_convert_type3A_1084, %bitcast_convert_type3A_1088 : vector<16xf32>
        %swap3A_1090 = arith.index_cast %scan3A_1063 : i32 to index
        %swap3A_1091 = arith.constant 0 : index
        %swap3A_1092 = tpu.vector_load %arg25[%swap3A_1090, %swap3A_1091] {strides = array<i32>} : memref<64x128xf32, #tpu.memory_space<vmem>>, vector<1x16xf32>,
        %swap3A_1093 = vector.shape_cast %swap3A_1092 : vector<1x16xf32> to vector<16xf32>
        %swap3A_1094 = vector.shape_cast %mul3A_1080 : vector<16xf32> to vector<1x16xf32>
        tpu.vector_store %arg25[%swap3A_1090, %swap3A_1091], %swap3A_1094 {strides = array<i32>} : memref<64x128xf32, #tpu.memory_space<vmem>>, vector<1x16xf32>,
        %swap3A_1095 = arith.index_cast %scan3A_1063 : i32 to index
        %swap3A_1096 = arith.constant 16 : index
        %swap3A_1097 = tpu.vector_load %arg25[%swap3A_1095, %swap3A_1096] {strides = array<i32>} : memref<64x128xf32, #tpu.memory_space<vmem>>, vector<1x16xf32>,
        %swap3A_1098 = vector.shape_cast %swap3A_1097 : vector<1x16xf32> to vector<16xf32>
        %swap3A_1099 = vector.shape_cast %mul3A_1089 : vector<16xf32> to vector<1x16xf32>
        tpu.vector_store %arg25[%swap3A_1095, %swap3A_1096], %swap3A_1099 {strides = array<i32>} : memref<64x128xf32, #tpu.memory_space<vmem>>, vector<1x16xf32>,
        %get3A_1100 = arith.index_cast %scan3A_1063 : i32 to index
        %get3A_1101 = arith.constant 16 : index
        %get3A_1102 = tpu.vector_load %arg19[%get3A_1100, %get3A_1101] {strides = array<i32>} : memref<64x64xi32, #tpu.memory_space<vmem>>, vector<1x16xi32>,
        %get3A_1103 = vector.shape_cast %get3A_1102 : vector<1x16xi32> to vector<16xi32>
        %get3A_1104 = arith.index_cast %scan3A_1063 : i32 to index
        %get3A_1105 = arith.constant 16 : index
        %get3A_1106 = tpu.vector_load %arg21[%get3A_1104, %get3A_1105] {strides = array<i32>} : memref<64x64xi32, #tpu.memory_space<vmem>>, vector<1x16xi32>,
        %get3A_1107 = vector.shape_cast %get3A_1106 : vector<1x16xi32> to vector<16xi32>
        %shift_left3A_1108 = arith.constant 16 : i32
        %shift_left3A_1109 = vector.broadcast %shift_left3A_1108 : i32 to vector<16xi32>
        %shift_left3A_1110 = arith.shli %get3A_1103, %shift_left3A_1109 : vector<16xi32>
        %bitcast_convert_type3A_1111 = tpu.bitcast %shift_left3A_1110 : vector<16xi32> -> vector<16xf32>
        %shift_left3A_1112 = arith.constant 16 : i32
        %shift_left3A_1113 = vector.broadcast %shift_left3A_1112 : i32 to vector<16xi32>
        %shift_left3A_1114 = arith.shli %get3A_1107, %shift_left3A_1113 : vector<16xi32>
        %bitcast_convert_type3A_1115 = tpu.bitcast %shift_left3A_1114 : vector<16xi32> -> vector<16xf32>
        %mul3A_1116 = arith.mulf %bitcast_convert_type3A_1111, %bitcast_convert_type3A_1115 : vector<16xf32>
        %and3A_1117 = arith.constant -65536 : i32
        %and3A_1118 = vector.broadcast %and3A_1117 : i32 to vector<16xi32>
        %and3A_1119 = arith.andi %get3A_1103, %and3A_1118 : vector<16xi32>
        %bitcast_convert_type3A_1120 = tpu.bitcast %and3A_1119 : vector<16xi32> -> vector<16xf32>
        %and3A_1121 = arith.constant -65536 : i32
        %and3A_1122 = vector.broadcast %and3A_1121 : i32 to vector<16xi32>
        %and3A_1123 = arith.andi %get3A_1107, %and3A_1122 : vector<16xi32>
        %bitcast_convert_type3A_1124 = tpu.bitcast %and3A_1123 : vector<16xi32> -> vector<16xf32>
        %mul3A_1125 = arith.mulf %bitcast_convert_type3A_1120, %bitcast_convert_type3A_1124 : vector<16xf32>
        %swap3A_1126 = arith.index_cast %scan3A_1063 : i32 to index
        %swap3A_1127 = arith.constant 32 : index
        %swap3A_1128 = tpu.vector_load %arg25[%swap3A_1126, %swap3A_1127] {strides = array<i32>} : memref<64x128xf32, #tpu.memory_space<vmem>>, vector<1x16xf32>,
        %swap3A_1129 = vector.shape_cast %swap3A_1128 : vector<1x16xf32> to vector<16xf32>
        %swap3A_1130 = vector.shape_cast %mul3A_1116 : vector<16xf32> to vector<1x16xf32>
        tpu.vector_store %arg25[%swap3A_1126, %swap3A_1127], %swap3A_1130 {strides = array<i32>} : memref<64x128xf32, #tpu.memory_space<vmem>>, vector<1x16xf32>,
        %swap3A_1131 = arith.index_cast %scan3A_1063 : i32 to index
        %swap3A_1132 = arith.constant 48 : index
        %swap3A_1133 = tpu.vector_load %arg25[%swap3A_1131, %swap3A_1132] {strides = array<i32>} : memref<64x128xf32, #tpu.memory_space<vmem>>, vector<1x16xf32>,
        %swap3A_1134 = vector.shape_cast %swap3A_1133 : vector<1x16xf32> to vector<16xf32>
        %swap3A_1135 = vector.shape_cast %mul3A_1125 : vector<16xf32> to vector<1x16xf32>
        tpu.vector_store %arg25[%swap3A_1131, %swap3A_1132], %swap3A_1135 {strides = array<i32>} : memref<64x128xf32, #tpu.memory_space<vmem>>, vector<1x16xf32>,
        %get3A_1136 = arith.index_cast %scan3A_1063 : i32 to index
        %get3A_1137 = arith.constant 32 : index
        %get3A_1138 = tpu.vector_load %arg19[%get3A_1136, %get3A_1137] {strides = array<i32>} : memref<64x64xi32, #tpu.memory_space<vmem>>, vector<1x16xi32>,
        %get3A_1139 = vector.shape_cast %get3A_1138 : vector<1x16xi32> to vector<16xi32>
        %get3A_1140 = arith.index_cast %scan3A_1063 : i32 to index
        %get3A_1141 = arith.constant 32 : index
        %get3A_1142 = tpu.vector_load %arg21[%get3A_1140, %get3A_1141] {strides = array<i32>} : memref<64x64xi32, #tpu.memory_space<vmem>>, vector<1x16xi32>,
        %get3A_1143 = vector.shape_cast %get3A_1142 : vector<1x16xi32> to vector<16xi32>
        %shift_left3A_1144 = arith.constant 16 : i32
        %shift_left3A_1145 = vector.broadcast %shift_left3A_1144 : i32 to vector<16xi32>
        %shift_left3A_1146 = arith.shli %get3A_1139, %shift_left3A_1145 : vector<16xi32>
        %bitcast_convert_type3A_1147 = tpu.bitcast %shift_left3A_1146 : vector<16xi32> -> vector<16xf32>
        %shift_left3A_1148 = arith.constant 16 : i32
        %shift_left3A_1149 = vector.broadcast %shift_left3A_1148 : i32 to vector<16xi32>
        %shift_left3A_1150 = arith.shli %get3A_1143, %shift_left3A_1149 : vector<16xi32>
        %bitcast_convert_type3A_1151 = tpu.bitcast %shift_left3A_1150 : vector<16xi32> -> vector<16xf32>
        %mul3A_1152 = arith.mulf %bitcast_convert_type3A_1147, %bitcast_convert_type3A_1151 : vector<16xf32>
        %and3A_1153 = arith.constant -65536 : i32
        %and3A_1154 = vector.broadcast %and3A_1153 : i32 to vector<16xi32>
        %and3A_1155 = arith.andi %get3A_1139, %and3A_1154 : vector<16xi32>
        %bitcast_convert_type3A_1156 = tpu.bitcast %and3A_1155 : vector<16xi32> -> vector<16xf32>
        %and3A_1157 = arith.constant -65536 : i32
        %and3A_1158 = vector.broadcast %and3A_1157 : i32 to vector<16xi32>
        %and3A_1159 = arith.andi %get3A_1143, %and3A_1158 : vector<16xi32>
        %bitcast_convert_type3A_1160 = tpu.bitcast %and3A_1159 : vector<16xi32> -> vector<16xf32>
        %mul3A_1161 = arith.mulf %bitcast_convert_type3A_1156, %bitcast_convert_type3A_1160 : vector<16xf32>
        %swap3A_1162 = arith.index_cast %scan3A_1063 : i32 to index
        %swap3A_1163 = arith.constant 64 : index
        %swap3A_1164 = tpu.vector_load %arg25[%swap3A_1162, %swap3A_1163] {strides = array<i32>} : memref<64x128xf32, #tpu.memory_space<vmem>>, vector<1x16xf32>,
        %swap3A_1165 = vector.shape_cast %swap3A_1164 : vector<1x16xf32> to vector<16xf32>
        %swap3A_1166 = vector.shape_cast %mul3A_1152 : vector<16xf32> to vector<1x16xf32>
        tpu.vector_store %arg25[%swap3A_1162, %swap3A_1163], %swap3A_1166 {strides = array<i32>} : memref<64x128xf32, #tpu.memory_space<vmem>>, vector<1x16xf32>,
        %swap3A_1167 = arith.index_cast %scan3A_1063 : i32 to index
        %swap3A_1168 = arith.constant 80 : index
        %swap3A_1169 = tpu.vector_load %arg25[%swap3A_1167, %swap3A_1168] {strides = array<i32>} : memref<64x128xf32, #tpu.memory_space<vmem>>, vector<1x16xf32>,
        %swap3A_1170 = vector.shape_cast %swap3A_1169 : vector<1x16xf32> to vector<16xf32>
        %swap3A_1171 = vector.shape_cast %mul3A_1161 : vector<16xf32> to vector<1x16xf32>
        tpu.vector_store %arg25[%swap3A_1167, %swap3A_1168], %swap3A_1171 {strides = array<i32>} : memref<64x128xf32, #tpu.memory_space<vmem>>, vector<1x16xf32>,
        %get3A_1172 = arith.index_cast %scan3A_1063 : i32 to index
        %get3A_1173 = arith.constant 48 : index
        %get3A_1174 = tpu.vector_load %arg19[%get3A_1172, %get3A_1173] {strides = array<i32>} : memref<64x64xi32, #tpu.memory_space<vmem>>, vector<1x16xi32>,
        %get3A_1175 = vector.shape_cast %get3A_1174 : vector<1x16xi32> to vector<16xi32>
        %get3A_1176 = arith.index_cast %scan3A_1063 : i32 to index
        %get3A_1177 = arith.constant 48 : index
        %get3A_1178 = tpu.vector_load %arg21[%get3A_1176, %get3A_1177] {strides = array<i32>} : memref<64x64xi32, #tpu.memory_space<vmem>>, vector<1x16xi32>,
        %get3A_1179 = vector.shape_cast %get3A_1178 : vector<1x16xi32> to vector<16xi32>
        %shift_left3A_1180 = arith.constant 16 : i32
        %shift_left3A_1181 = vector.broadcast %shift_left3A_1180 : i32 to vector<16xi32>
        %shift_left3A_1182 = arith.shli %get3A_1175, %shift_left3A_1181 : vector<16xi32>
        %bitcast_convert_type3A_1183 = tpu.bitcast %shift_left3A_1182 : vector<16xi32> -> vector<16xf32>
        %shift_left3A_1184 = arith.constant 16 : i32
        %shift_left3A_1185 = vector.broadcast %shift_left3A_1184 : i32 to vector<16xi32>
        %shift_left3A_1186 = arith.shli %get3A_1179, %shift_left3A_1185 : vector<16xi32>
        %bitcast_convert_type3A_1187 = tpu.bitcast %shift_left3A_1186 : vector<16xi32> -> vector<16xf32>
        %mul3A_1188 = arith.mulf %bitcast_convert_type3A_1183, %bitcast_convert_type3A_1187 : vector<16xf32>
        %and3A_1189 = arith.constant -65536 : i32
        %and3A_1190 = vector.broadcast %and3A_1189 : i32 to vector<16xi32>
        %and3A_1191 = arith.andi %get3A_1175, %and3A_1190 : vector<16xi32>
        %bitcast_convert_type3A_1192 = tpu.bitcast %and3A_1191 : vector<16xi32> -> vector<16xf32>
        %and3A_1193 = arith.constant -65536 : i32
        %and3A_1194 = vector.broadcast %and3A_1193 : i32 to vector<16xi32>
        %and3A_1195 = arith.andi %get3A_1179, %and3A_1194 : vector<16xi32>
        %bitcast_convert_type3A_1196 = tpu.bitcast %and3A_1195 : vector<16xi32> -> vector<16xf32>
        %mul3A_1197 = arith.mulf %bitcast_convert_type3A_1192, %bitcast_convert_type3A_1196 : vector<16xf32>
        %swap3A_1198 = arith.index_cast %scan3A_1063 : i32 to index
        %swap3A_1199 = arith.constant 96 : index
        %swap3A_1200 = tpu.vector_load %arg25[%swap3A_1198, %swap3A_1199] {strides = array<i32>} : memref<64x128xf32, #tpu.memory_space<vmem>>, vector<1x16xf32>,
        %swap3A_1201 = vector.shape_cast %swap3A_1200 : vector<1x16xf32> to vector<16xf32>
        %swap3A_1202 = vector.shape_cast %mul3A_1188 : vector<16xf32> to vector<1x16xf32>
        tpu.vector_store %arg25[%swap3A_1198, %swap3A_1199], %swap3A_1202 {strides = array<i32>} : memref<64x128xf32, #tpu.memory_space<vmem>>, vector<1x16xf32>,
        %swap3A_1203 = arith.index_cast %scan3A_1063 : i32 to index
        %swap3A_1204 = arith.constant 112 : index
        %swap3A_1205 = tpu.vector_load %arg25[%swap3A_1203, %swap3A_1204] {strides = array<i32>} : memref<64x128xf32, #tpu.memory_space<vmem>>, vector<1x16xf32>,
        %swap3A_1206 = vector.shape_cast %swap3A_1205 : vector<1x16xf32> to vector<16xf32>
        %swap3A_1207 = vector.shape_cast %mul3A_1197 : vector<16xf32> to vector<1x16xf32>
        tpu.vector_store %arg25[%swap3A_1203, %swap3A_1204], %swap3A_1207 {strides = array<i32>} : memref<64x128xf32, #tpu.memory_space<vmem>>, vector<1x16xf32>,
        %scan3A_1208 = arith.constant 3 : i32
        %scan3A_1209 = arith.addi %scan3A_774, %scan3A_1208 : i32
        %get3A_1210 = arith.index_cast %scan3A_1209 : i32 to index
        %get3A_1211 = arith.constant 0 : index
        %get3A_1212 = tpu.vector_load %arg19[%get3A_1210, %get3A_1211] {strides = array<i32>} : memref<64x64xi32, #tpu.memory_space<vmem>>, vector<1x16xi32>,
        %get3A_1213 = vector.shape_cast %get3A_1212 : vector<1x16xi32> to vector<16xi32>
        %get3A_1214 = arith.index_cast %scan3A_1209 : i32 to index
        %get3A_1215 = arith.constant 0 : index
        %get3A_1216 = tpu.vector_load %arg21[%get3A_1214, %get3A_1215] {strides = array<i32>} : memref<64x64xi32, #tpu.memory_space<vmem>>, vector<1x16xi32>,
        %get3A_1217 = vector.shape_cast %get3A_1216 : vector<1x16xi32> to vector<16xi32>
        %shift_left3A_1218 = arith.constant 16 : i32
        %shift_left3A_1219 = vector.broadcast %shift_left3A_1218 : i32 to vector<16xi32>
        %shift_left3A_1220 = arith.shli %get3A_1213, %shift_left3A_1219 : vector<16xi32>
        %bitcast_convert_type3A_1221 = tpu.bitcast %shift_left3A_1220 : vector<16xi32> -> vector<16xf32>
        %shift_left3A_1222 = arith.constant 16 : i32
        %shift_left3A_1223 = vector.broadcast %shift_left3A_1222 : i32 to vector<16xi32>
        %shift_left3A_1224 = arith.shli %get3A_1217, %shift_left3A_1223 : vector<16xi32>
        %bitcast_convert_type3A_1225 = tpu.bitcast %shift_left3A_1224 : vector<16xi32> -> vector<16xf32>
        %mul3A_1226 = arith.mulf %bitcast_convert_type3A_1221, %bitcast_convert_type3A_1225 : vector<16xf32>
        %and3A_1227 = arith.constant -65536 : i32
        %and3A_1228 = vector.broadcast %and3A_1227 : i32 to vector<16xi32>
        %and3A_1229 = arith.andi %get3A_1213, %and3A_1228 : vector<16xi32>
        %bitcast_convert_type3A_1230 = tpu.bitcast %and3A_1229 : vector<16xi32> -> vector<16xf32>
        %and3A_1231 = arith.constant -65536 : i32
        %and3A_1232 = vector.broadcast %and3A_1231 : i32 to vector<16xi32>
        %and3A_1233 = arith.andi %get3A_1217, %and3A_1232 : vector<16xi32>
        %bitcast_convert_type3A_1234 = tpu.bitcast %and3A_1233 : vector<16xi32> -> vector<16xf32>
        %mul3A_1235 = arith.mulf %bitcast_convert_type3A_1230, %bitcast_convert_type3A_1234 : vector<16xf32>
        %swap3A_1236 = arith.index_cast %scan3A_1209 : i32 to index
        %swap3A_1237 = arith.constant 0 : index
        %swap3A_1238 = tpu.vector_load %arg25[%swap3A_1236, %swap3A_1237] {strides = array<i32>} : memref<64x128xf32, #tpu.memory_space<vmem>>, vector<1x16xf32>,
        %swap3A_1239 = vector.shape_cast %swap3A_1238 : vector<1x16xf32> to vector<16xf32>
        %swap3A_1240 = vector.shape_cast %mul3A_1226 : vector<16xf32> to vector<1x16xf32>
        tpu.vector_store %arg25[%swap3A_1236, %swap3A_1237], %swap3A_1240 {strides = array<i32>} : memref<64x128xf32, #tpu.memory_space<vmem>>, vector<1x16xf32>,
        %swap3A_1241 = arith.index_cast %scan3A_1209 : i32 to index
        %swap3A_1242 = arith.constant 16 : index
        %swap3A_1243 = tpu.vector_load %arg25[%swap3A_1241, %swap3A_1242] {strides = array<i32>} : memref<64x128xf32, #tpu.memory_space<vmem>>, vector<1x16xf32>,
        %swap3A_1244 = vector.shape_cast %swap3A_1243 : vector<1x16xf32> to vector<16xf32>
        %swap3A_1245 = vector.shape_cast %mul3A_1235 : vector<16xf32> to vector<1x16xf32>
        tpu.vector_store %arg25[%swap3A_1241, %swap3A_1242], %swap3A_1245 {strides = array<i32>} : memref<64x128xf32, #tpu.memory_space<vmem>>, vector<1x16xf32>,
        %get3A_1246 = arith.index_cast %scan3A_1209 : i32 to index
        %get3A_1247 = arith.constant 16 : index
        %get3A_1248 = tpu.vector_load %arg19[%get3A_1246, %get3A_1247] {strides = array<i32>} : memref<64x64xi32, #tpu.memory_space<vmem>>, vector<1x16xi32>,
        %get3A_1249 = vector.shape_cast %get3A_1248 : vector<1x16xi32> to vector<16xi32>
        %get3A_1250 = arith.index_cast %scan3A_1209 : i32 to index
        %get3A_1251 = arith.constant 16 : index
        %get3A_1252 = tpu.vector_load %arg21[%get3A_1250, %get3A_1251] {strides = array<i32>} : memref<64x64xi32, #tpu.memory_space<vmem>>, vector<1x16xi32>,
        %get3A_1253 = vector.shape_cast %get3A_1252 : vector<1x16xi32> to vector<16xi32>
        %shift_left3A_1254 = arith.constant 16 : i32
        %shift_left3A_1255 = vector.broadcast %shift_left3A_1254 : i32 to vector<16xi32>
        %shift_left3A_1256 = arith.shli %get3A_1249, %shift_left3A_1255 : vector<16xi32>
        %bitcast_convert_type3A_1257 = tpu.bitcast %shift_left3A_1256 : vector<16xi32> -> vector<16xf32>
        %shift_left3A_1258 = arith.constant 16 : i32
        %shift_left3A_1259 = vector.broadcast %shift_left3A_1258 : i32 to vector<16xi32>
        %shift_left3A_1260 = arith.shli %get3A_1253, %shift_left3A_1259 : vector<16xi32>
        %bitcast_convert_type3A_1261 = tpu.bitcast %shift_left3A_1260 : vector<16xi32> -> vector<16xf32>
        %mul3A_1262 = arith.mulf %bitcast_convert_type3A_1257, %bitcast_convert_type3A_1261 : vector<16xf32>
        %and3A_1263 = arith.constant -65536 : i32
        %and3A_1264 = vector.broadcast %and3A_1263 : i32 to vector<16xi32>
        %and3A_1265 = arith.andi %get3A_1249, %and3A_1264 : vector<16xi32>
        %bitcast_convert_type3A_1266 = tpu.bitcast %and3A_1265 : vector<16xi32> -> vector<16xf32>
        %and3A_1267 = arith.constant -65536 : i32
        %and3A_1268 = vector.broadcast %and3A_1267 : i32 to vector<16xi32>
        %and3A_1269 = arith.andi %get3A_1253, %and3A_1268 : vector<16xi32>
        %bitcast_convert_type3A_1270 = tpu.bitcast %and3A_1269 : vector<16xi32> -> vector<16xf32>
        %mul3A_1271 = arith.mulf %bitcast_convert_type3A_1266, %bitcast_convert_type3A_1270 : vector<16xf32>
        %swap3A_1272 = arith.index_cast %scan3A_1209 : i32 to index
        %swap3A_1273 = arith.constant 32 : index
        %swap3A_1274 = tpu.vector_load %arg25[%swap3A_1272, %swap3A_1273] {strides = array<i32>} : memref<64x128xf32, #tpu.memory_space<vmem>>, vector<1x16xf32>,
        %swap3A_1275 = vector.shape_cast %swap3A_1274 : vector<1x16xf32> to vector<16xf32>
        %swap3A_1276 = vector.shape_cast %mul3A_1262 : vector<16xf32> to vector<1x16xf32>
        tpu.vector_store %arg25[%swap3A_1272, %swap3A_1273], %swap3A_1276 {strides = array<i32>} : memref<64x128xf32, #tpu.memory_space<vmem>>, vector<1x16xf32>,
        %swap3A_1277 = arith.index_cast %scan3A_1209 : i32 to index
        %swap3A_1278 = arith.constant 48 : index
        %swap3A_1279 = tpu.vector_load %arg25[%swap3A_1277, %swap3A_1278] {strides = array<i32>} : memref<64x128xf32, #tpu.memory_space<vmem>>, vector<1x16xf32>,
        %swap3A_1280 = vector.shape_cast %swap3A_1279 : vector<1x16xf32> to vector<16xf32>
        %swap3A_1281 = vector.shape_cast %mul3A_1271 : vector<16xf32> to vector<1x16xf32>
        tpu.vector_store %arg25[%swap3A_1277, %swap3A_1278], %swap3A_1281 {strides = array<i32>} : memref<64x128xf32, #tpu.memory_space<vmem>>, vector<1x16xf32>,
        %get3A_1282 = arith.index_cast %scan3A_1209 : i32 to index
        %get3A_1283 = arith.constant 32 : index
        %get3A_1284 = tpu.vector_load %arg19[%get3A_1282, %get3A_1283] {strides = array<i32>} : memref<64x64xi32, #tpu.memory_space<vmem>>, vector<1x16xi32>,
        %get3A_1285 = vector.shape_cast %get3A_1284 : vector<1x16xi32> to vector<16xi32>
        %get3A_1286 = arith.index_cast %scan3A_1209 : i32 to index
        %get3A_1287 = arith.constant 32 : index
        %get3A_1288 = tpu.vector_load %arg21[%get3A_1286, %get3A_1287] {strides = array<i32>} : memref<64x64xi32, #tpu.memory_space<vmem>>, vector<1x16xi32>,
        %get3A_1289 = vector.shape_cast %get3A_1288 : vector<1x16xi32> to vector<16xi32>
        %shift_left3A_1290 = arith.constant 16 : i32
        %shift_left3A_1291 = vector.broadcast %shift_left3A_1290 : i32 to vector<16xi32>
        %shift_left3A_1292 = arith.shli %get3A_1285, %shift_left3A_1291 : vector<16xi32>
        %bitcast_convert_type3A_1293 = tpu.bitcast %shift_left3A_1292 : vector<16xi32> -> vector<16xf32>
        %shift_left3A_1294 = arith.constant 16 : i32
        %shift_left3A_1295 = vector.broadcast %shift_left3A_1294 : i32 to vector<16xi32>
        %shift_left3A_1296 = arith.shli %get3A_1289, %shift_left3A_1295 : vector<16xi32>
        %bitcast_convert_type3A_1297 = tpu.bitcast %shift_left3A_1296 : vector<16xi32> -> vector<16xf32>
        %mul3A_1298 = arith.mulf %bitcast_convert_type3A_1293, %bitcast_convert_type3A_1297 : vector<16xf32>
        %and3A_1299 = arith.constant -65536 : i32
        %and3A_1300 = vector.broadcast %and3A_1299 : i32 to vector<16xi32>
        %and3A_1301 = arith.andi %get3A_1285, %and3A_1300 : vector<16xi32>
        %bitcast_convert_type3A_1302 = tpu.bitcast %and3A_1301 : vector<16xi32> -> vector<16xf32>
        %and3A_1303 = arith.constant -65536 : i32
        %and3A_1304 = vector.broadcast %and3A_1303 : i32 to vector<16xi32>
        %and3A_1305 = arith.andi %get3A_1289, %and3A_1304 : vector<16xi32>
        %bitcast_convert_type3A_1306 = tpu.bitcast %and3A_1305 : vector<16xi32> -> vector<16xf32>
        %mul3A_1307 = arith.mulf %bitcast_convert_type3A_1302, %bitcast_convert_type3A_1306 : vector<16xf32>
        %swap3A_1308 = arith.index_cast %scan3A_1209 : i32 to index
        %swap3A_1309 = arith.constant 64 : index
        %swap3A_1310 = tpu.vector_load %arg25[%swap3A_1308, %swap3A_1309] {strides = array<i32>} : memref<64x128xf32, #tpu.memory_space<vmem>>, vector<1x16xf32>,
        %swap3A_1311 = vector.shape_cast %swap3A_1310 : vector<1x16xf32> to vector<16xf32>
        %swap3A_1312 = vector.shape_cast %mul3A_1298 : vector<16xf32> to vector<1x16xf32>
        tpu.vector_store %arg25[%swap3A_1308, %swap3A_1309], %swap3A_1312 {strides = array<i32>} : memref<64x128xf32, #tpu.memory_space<vmem>>, vector<1x16xf32>,
        %swap3A_1313 = arith.index_cast %scan3A_1209 : i32 to index
        %swap3A_1314 = arith.constant 80 : index
        %swap3A_1315 = tpu.vector_load %arg25[%swap3A_1313, %swap3A_1314] {strides = array<i32>} : memref<64x128xf32, #tpu.memory_space<vmem>>, vector<1x16xf32>,
        %swap3A_1316 = vector.shape_cast %swap3A_1315 : vector<1x16xf32> to vector<16xf32>
        %swap3A_1317 = vector.shape_cast %mul3A_1307 : vector<16xf32> to vector<1x16xf32>
        tpu.vector_store %arg25[%swap3A_1313, %swap3A_1314], %swap3A_1317 {strides = array<i32>} : memref<64x128xf32, #tpu.memory_space<vmem>>, vector<1x16xf32>,
        %get3A_1318 = arith.index_cast %scan3A_1209 : i32 to index
        %get3A_1319 = arith.constant 48 : index
        %get3A_1320 = tpu.vector_load %arg19[%get3A_1318, %get3A_1319] {strides = array<i32>} : memref<64x64xi32, #tpu.memory_space<vmem>>, vector<1x16xi32>,
        %get3A_1321 = vector.shape_cast %get3A_1320 : vector<1x16xi32> to vector<16xi32>
        %get3A_1322 = arith.index_cast %scan3A_1209 : i32 to index
        %get3A_1323 = arith.constant 48 : index
        %get3A_1324 = tpu.vector_load %arg21[%get3A_1322, %get3A_1323] {strides = array<i32>} : memref<64x64xi32, #tpu.memory_space<vmem>>, vector<1x16xi32>,
        %get3A_1325 = vector.shape_cast %get3A_1324 : vector<1x16xi32> to vector<16xi32>
        %shift_left3A_1326 = arith.constant 16 : i32
        %shift_left3A_1327 = vector.broadcast %shift_left3A_1326 : i32 to vector<16xi32>
        %shift_left3A_1328 = arith.shli %get3A_1321, %shift_left3A_1327 : vector<16xi32>
        %bitcast_convert_type3A_1329 = tpu.bitcast %shift_left3A_1328 : vector<16xi32> -> vector<16xf32>
        %shift_left3A_1330 = arith.constant 16 : i32
        %shift_left3A_1331 = vector.broadcast %shift_left3A_1330 : i32 to vector<16xi32>
        %shift_left3A_1332 = arith.shli %get3A_1325, %shift_left3A_1331 : vector<16xi32>
        %bitcast_convert_type3A_1333 = tpu.bitcast %shift_left3A_1332 : vector<16xi32> -> vector<16xf32>
        %mul3A_1334 = arith.mulf %bitcast_convert_type3A_1329, %bitcast_convert_type3A_1333 : vector<16xf32>
        %and3A_1335 = arith.constant -65536 : i32
        %and3A_1336 = vector.broadcast %and3A_1335 : i32 to vector<16xi32>
        %and3A_1337 = arith.andi %get3A_1321, %and3A_1336 : vector<16xi32>
        %bitcast_convert_type3A_1338 = tpu.bitcast %and3A_1337 : vector<16xi32> -> vector<16xf32>
        %and3A_1339 = arith.constant -65536 : i32
        %and3A_1340 = vector.broadcast %and3A_1339 : i32 to vector<16xi32>
        %and3A_1341 = arith.andi %get3A_1325, %and3A_1340 : vector<16xi32>
        %bitcast_convert_type3A_1342 = tpu.bitcast %and3A_1341 : vector<16xi32> -> vector<16xf32>
        %mul3A_1343 = arith.mulf %bitcast_convert_type3A_1338, %bitcast_convert_type3A_1342 : vector<16xf32>
        %swap3A_1344 = arith.index_cast %scan3A_1209 : i32 to index
        %swap3A_1345 = arith.constant 96 : index
        %swap3A_1346 = tpu.vector_load %arg25[%swap3A_1344, %swap3A_1345] {strides = array<i32>} : memref<64x128xf32, #tpu.memory_space<vmem>>, vector<1x16xf32>,
        %swap3A_1347 = vector.shape_cast %swap3A_1346 : vector<1x16xf32> to vector<16xf32>
        %swap3A_1348 = vector.shape_cast %mul3A_1334 : vector<16xf32> to vector<1x16xf32>
        tpu.vector_store %arg25[%swap3A_1344, %swap3A_1345], %swap3A_1348 {strides = array<i32>} : memref<64x128xf32, #tpu.memory_space<vmem>>, vector<1x16xf32>,
        %swap3A_1349 = arith.index_cast %scan3A_1209 : i32 to index
        %swap3A_1350 = arith.constant 112 : index
        %swap3A_1351 = tpu.vector_load %arg25[%swap3A_1349, %swap3A_1350] {strides = array<i32>} : memref<64x128xf32, #tpu.memory_space<vmem>>, vector<1x16xf32>,
        %swap3A_1352 = vector.shape_cast %swap3A_1351 : vector<1x16xf32> to vector<16xf32>
        %swap3A_1353 = vector.shape_cast %mul3A_1343 : vector<16xf32> to vector<1x16xf32>
        tpu.vector_store %arg25[%swap3A_1349, %swap3A_1350], %swap3A_1353 {strides = array<i32>} : memref<64x128xf32, #tpu.memory_space<vmem>>, vector<1x16xf32>,
      }
      %scan3A_767 = arith.constant 64 : i32
      %dma_start3A_768 = arith.constant 0 : i32
      %dma_start3A_769 = arith.constant 0 : i32
      %dma_start3A_770 = tpu.memref_slice %arg26[%dma_start3A_768, %dma_start3A_769] : memref<10000x128xf32, #tpu.memory_space<vmem_shared>> -> memref<10000x128xf32, #tpu.memory_space<vmem_shared>>
      tpu.enqueue_indirect_dma source(%arg25 : memref<64x128xf32, #tpu.memory_space<vmem>>) target(%dma_start3A_770 : memref<10000x128xf32, #tpu.memory_space<vmem_shared>>) offsets(%arg17 : memref<64xi32, #tpu.memory_space<vmem>>) semaphore(%arg32 : memref<!tpu.dma_semaphore, #tpu.memory_space<semaphore_mem>>) {add = true}
      %convert_element_type3A_771 = arith.extui %le3A_752 : i1 to i32
      %cond3A_772 = arith.constant 0 : i32
      %cond3A_773 = arith.cmpi ne, %convert_element_type3A_771, %cond3A_772 : i32
      scf.if %cond3A_773 {
        %mul3A_774 = arith.constant 4 : i32
        %mul3A_775 = arith.muli %mul3A_774, %scan3A_431 : i32
        %add3A_776 = arith.constant 3 : i32
        %add3A_777 = arith.addi %mul3A_775, %add3A_776 : i32
        %add3A_778 = arith.constant 2 : i32
        %add3A_779 = arith.addi %add3A_777, %add3A_778 : i32
        %dma_wait3A_780 = arith.constant 0 : i32
        %dma_wait3A_781 = tpu.memref_slice %arg2[%dma_wait3A_780] : memref<640000xi32, #tpu.memory_space<hbm>> -> memref<64xi32, #tpu.memory_space<hbm>>
        %dma_wait3A_782 = arith.constant 0 : i32
        %dma_wait3A_783 = tpu.memref_slice %arg2[%dma_wait3A_782] : memref<640000xi32, #tpu.memory_space<hbm>> -> memref<64xi32, #tpu.memory_space<hbm>>
        tpu.wait_dma2 semaphore(%arg30 : memref<!tpu.dma_semaphore, #tpu.memory_space<semaphore_mem>>) src(%dma_wait3A_783 : memref<64xi32, #tpu.memory_space<hbm>>) dst(%arg8 : memref<64xi32, #tpu.memory_space<vmem>>)
        %dma_wait3A_784 = arith.constant 0 : i32
        %dma_wait3A_785 = tpu.memref_slice %arg2[%dma_wait3A_784] : memref<640000xi32, #tpu.memory_space<hbm>> -> memref<64xi32, #tpu.memory_space<hbm>>
        %dma_wait3A_786 = arith.constant 0 : i32
        %dma_wait3A_787 = tpu.memref_slice %arg2[%dma_wait3A_786] : memref<640000xi32, #tpu.memory_space<hbm>> -> memref<64xi32, #tpu.memory_space<hbm>>
        tpu.wait_dma2 semaphore(%arg30 : memref<!tpu.dma_semaphore, #tpu.memory_space<semaphore_mem>>) src(%dma_wait3A_787 : memref<64xi32, #tpu.memory_space<hbm>>) dst(%arg9 : memref<64xi32, #tpu.memory_space<vmem>>)
        %get3A_788 = arith.constant 0 : index
        %get3A_789 = tpu.vector_load %arg8[%get3A_788] {strides = array<i32>} : memref<64xi32, #tpu.memory_space<vmem>>, vector<16xi32>,
        %get3A_790 = vector.shape_cast %get3A_789 : vector<16xi32> to vector<16xi32>
        %get3A_791 = arith.constant 0 : index
        %get3A_792 = tpu.vector_load %arg9[%get3A_791] {strides = array<i32>} : memref<64xi32, #tpu.memory_space<vmem>>, vector<16xi32>,
        %get3A_793 = vector.shape_cast %get3A_792 : vector<16xi32> to vector<16xi32>
        %swap3A_794 = arith.constant 0 : index
        %swap3A_795 = tpu.vector_load %arg11[%swap3A_794] {strides = array<i32>} : memref<64xi32, #tpu.memory_space<vmem>>, vector<16xi32>,
        %swap3A_796 = vector.shape_cast %swap3A_795 : vector<16xi32> to vector<16xi32>
        %swap3A_797 = vector.shape_cast %get3A_790 : vector<16xi32> to vector<16xi32>
        tpu.vector_store %arg11[%swap3A_794], %swap3A_797 {strides = array<i32>} : memref<64xi32, #tpu.memory_space<vmem>>, vector<16xi32>,
        %swap3A_798 = arith.constant 0 : index
        %swap3A_799 = tpu.vector_load %arg15[%swap3A_798] {strides = array<i32>} : memref<64xi32, #tpu.memory_space<vmem>>, vector<16xi32>,
        %swap3A_800 = vector.shape_cast %swap3A_799 : vector<16xi32> to vector<16xi32>
        %swap3A_801 = vector.shape_cast %get3A_793 : vector<16xi32> to vector<16xi32>
        tpu.vector_store %arg15[%swap3A_798], %swap3A_801 {strides = array<i32>} : memref<64xi32, #tpu.memory_space<vmem>>, vector<16xi32>,
        %sub3A_802 = arith.subi %get3A_790, %get3A_793 : vector<16xi32>
        %lt3A_803 = arith.constant 0 : i32
        %lt3A_804 = vector.broadcast %lt3A_803 : i32 to vector<16xi32>
        %lt3A_805 = arith.cmpi slt, %sub3A_802, %lt3A_804 : vector<16xi32>
        %add3A_806 = arith.constant 10000 : i32
        %add3A_807 = vector.broadcast %add3A_806 : i32 to vector<16xi32>
        %add3A_808 = arith.addi %sub3A_802, %add3A_807 : vector<16xi32>
        %select_n3A_809 = arith.select %lt3A_805, %add3A_808, %sub3A_802 : vector<16xi1>, vector<16xi32>
        %swap3A_810 = arith.constant 0 : index
        %swap3A_811 = tpu.vector_load %arg13[%swap3A_810] {strides = array<i32>} : memref<64xi32, #tpu.memory_space<vmem>>, vector<16xi32>,
        %swap3A_812 = vector.shape_cast %swap3A_811 : vector<16xi32> to vector<16xi32>
        %swap3A_813 = vector.shape_cast %select_n3A_809 : vector<16xi32> to vector<16xi32>
        tpu.vector_store %arg13[%swap3A_810], %swap3A_813 {strides = array<i32>} : memref<64xi32, #tpu.memory_space<vmem>>, vector<16xi32>,
        %get3A_814 = arith.constant 16 : index
        %get3A_815 = tpu.vector_load %arg8[%get3A_814] {strides = array<i32>} : memref<64xi32, #tpu.memory_space<vmem>>, vector<16xi32>,
        %get3A_816 = vector.shape_cast %get3A_815 : vector<16xi32> to vector<16xi32>
        %get3A_817 = arith.constant 16 : index
        %get3A_818 = tpu.vector_load %arg9[%get3A_817] {strides = array<i32>} : memref<64xi32, #tpu.memory_space<vmem>>, vector<16xi32>,
        %get3A_819 = vector.shape_cast %get3A_818 : vector<16xi32> to vector<16xi32>
        %swap3A_820 = arith.constant 16 : index
        %swap3A_821 = tpu.vector_load %arg11[%swap3A_820] {strides = array<i32>} : memref<64xi32, #tpu.memory_space<vmem>>, vector<16xi32>,
        %swap3A_822 = vector.shape_cast %swap3A_821 : vector<16xi32> to vector<16xi32>
        %swap3A_823 = vector.shape_cast %get3A_816 : vector<16xi32> to vector<16xi32>
        tpu.vector_store %arg11[%swap3A_820], %swap3A_823 {strides = array<i32>} : memref<64xi32, #tpu.memory_space<vmem>>, vector<16xi32>,
        %swap3A_824 = arith.constant 16 : index
        %swap3A_825 = tpu.vector_load %arg15[%swap3A_824] {strides = array<i32>} : memref<64xi32, #tpu.memory_space<vmem>>, vector<16xi32>,
        %swap3A_826 = vector.shape_cast %swap3A_825 : vector<16xi32> to vector<16xi32>
        %swap3A_827 = vector.shape_cast %get3A_819 : vector<16xi32> to vector<16xi32>
        tpu.vector_store %arg15[%swap3A_824], %swap3A_827 {strides = array<i32>} : memref<64xi32, #tpu.memory_space<vmem>>, vector<16xi32>,
        %sub3A_828 = arith.subi %get3A_816, %get3A_819 : vector<16xi32>
        %lt3A_829 = arith.constant 0 : i32
        %lt3A_830 = vector.broadcast %lt3A_829 : i32 to vector<16xi32>
        %lt3A_831 = arith.cmpi slt, %sub3A_828, %lt3A_830 : vector<16xi32>
        %add3A_832 = arith.constant 10000 : i32
        %add3A_833 = vector.broadcast %add3A_832 : i32 to vector<16xi32>
        %add3A_834 = arith.addi %sub3A_828, %add3A_833 : vector<16xi32>
        %select_n3A_835 = arith.select %lt3A_831, %add3A_834, %sub3A_828 : vector<16xi1>, vector<16xi32>
        %swap3A_836 = arith.constant 16 : index
        %swap3A_837 = tpu.vector_load %arg13[%swap3A_836] {strides = array<i32>} : memref<64xi32, #tpu.memory_space<vmem>>, vector<16xi32>,
        %swap3A_838 = vector.shape_cast %swap3A_837 : vector<16xi32> to vector<16xi32>
        %swap3A_839 = vector.shape_cast %select_n3A_835 : vector<16xi32> to vector<16xi32>
        tpu.vector_store %arg13[%swap3A_836], %swap3A_839 {strides = array<i32>} : memref<64xi32, #tpu.memory_space<vmem>>, vector<16xi32>,
        %get3A_840 = arith.constant 32 : index
        %get3A_841 = tpu.vector_load %arg8[%get3A_840] {strides = array<i32>} : memref<64xi32, #tpu.memory_space<vmem>>, vector<16xi32>,
        %get3A_842 = vector.shape_cast %get3A_841 : vector<16xi32> to vector<16xi32>
        %get3A_843 = arith.constant 32 : index
        %get3A_844 = tpu.vector_load %arg9[%get3A_843] {strides = array<i32>} : memref<64xi32, #tpu.memory_space<vmem>>, vector<16xi32>,
        %get3A_845 = vector.shape_cast %get3A_844 : vector<16xi32> to vector<16xi32>
        %swap3A_846 = arith.constant 32 : index
        %swap3A_847 = tpu.vector_load %arg11[%swap3A_846] {strides = array<i32>} : memref<64xi32, #tpu.memory_space<vmem>>, vector<16xi32>,
        %swap3A_848 = vector.shape_cast %swap3A_847 : vector<16xi32> to vector<16xi32>
        %swap3A_849 = vector.shape_cast %get3A_842 : vector<16xi32> to vector<16xi32>
        tpu.vector_store %arg11[%swap3A_846], %swap3A_849 {strides = array<i32>} : memref<64xi32, #tpu.memory_space<vmem>>, vector<16xi32>,
        %swap3A_850 = arith.constant 32 : index
        %swap3A_851 = tpu.vector_load %arg15[%swap3A_850] {strides = array<i32>} : memref<64xi32, #tpu.memory_space<vmem>>, vector<16xi32>,
        %swap3A_852 = vector.shape_cast %swap3A_851 : vector<16xi32> to vector<16xi32>
        %swap3A_853 = vector.shape_cast %get3A_845 : vector<16xi32> to vector<16xi32>
        tpu.vector_store %arg15[%swap3A_850], %swap3A_853 {strides = array<i32>} : memref<64xi32, #tpu.memory_space<vmem>>, vector<16xi32>,
        %sub3A_854 = arith.subi %get3A_842, %get3A_845 : vector<16xi32>
        %lt3A_855 = arith.constant 0 : i32
        %lt3A_856 = vector.broadcast %lt3A_855 : i32 to vector<16xi32>
        %lt3A_857 = arith.cmpi slt, %sub3A_854, %lt3A_856 : vector<16xi32>
        %add3A_858 = arith.constant 10000 : i32
        %add3A_859 = vector.broadcast %add3A_858 : i32 to vector<16xi32>
        %add3A_860 = arith.addi %sub3A_854, %add3A_859 : vector<16xi32>
        %select_n3A_861 = arith.select %lt3A_857, %add3A_860, %sub3A_854 : vector<16xi1>, vector<16xi32>
        %swap3A_862 = arith.constant 32 : index
        %swap3A_863 = tpu.vector_load %arg13[%swap3A_862] {strides = array<i32>} : memref<64xi32, #tpu.memory_space<vmem>>, vector<16xi32>,
        %swap3A_864 = vector.shape_cast %swap3A_863 : vector<16xi32> to vector<16xi32>
        %swap3A_865 = vector.shape_cast %select_n3A_861 : vector<16xi32> to vector<16xi32>
        tpu.vector_store %arg13[%swap3A_862], %swap3A_865 {strides = array<i32>} : memref<64xi32, #tpu.memory_space<vmem>>, vector<16xi32>,
        %get3A_866 = arith.constant 48 : index
        %get3A_867 = tpu.vector_load %arg8[%get3A_866] {strides = array<i32>} : memref<64xi32, #tpu.memory_space<vmem>>, vector<16xi32>,
        %get3A_868 = vector.shape_cast %get3A_867 : vector<16xi32> to vector<16xi32>
        %get3A_869 = arith.constant 48 : index
        %get3A_870 = tpu.vector_load %arg9[%get3A_869] {strides = array<i32>} : memref<64xi32, #tpu.memory_space<vmem>>, vector<16xi32>,
        %get3A_871 = vector.shape_cast %get3A_870 : vector<16xi32> to vector<16xi32>
        %swap3A_872 = arith.constant 48 : index
        %swap3A_873 = tpu.vector_load %arg11[%swap3A_872] {strides = array<i32>} : memref<64xi32, #tpu.memory_space<vmem>>, vector<16xi32>,
        %swap3A_874 = vector.shape_cast %swap3A_873 : vector<16xi32> to vector<16xi32>
        %swap3A_875 = vector.shape_cast %get3A_868 : vector<16xi32> to vector<16xi32>
        tpu.vector_store %arg11[%swap3A_872], %swap3A_875 {strides = array<i32>} : memref<64xi32, #tpu.memory_space<vmem>>, vector<16xi32>,
        %swap3A_876 = arith.constant 48 : index
        %swap3A_877 = tpu.vector_load %arg15[%swap3A_876] {strides = array<i32>} : memref<64xi32, #tpu.memory_space<vmem>>, vector<16xi32>,
        %swap3A_878 = vector.shape_cast %swap3A_877 : vector<16xi32> to vector<16xi32>
        %swap3A_879 = vector.shape_cast %get3A_871 : vector<16xi32> to vector<16xi32>
        tpu.vector_store %arg15[%swap3A_876], %swap3A_879 {strides = array<i32>} : memref<64xi32, #tpu.memory_space<vmem>>, vector<16xi32>,
        %sub3A_880 = arith.subi %get3A_868, %get3A_871 : vector<16xi32>
        %lt3A_881 = arith.constant 0 : i32
        %lt3A_882 = vector.broadcast %lt3A_881 : i32 to vector<16xi32>
        %lt3A_883 = arith.cmpi slt, %sub3A_880, %lt3A_882 : vector<16xi32>
        %add3A_884 = arith.constant 10000 : i32
        %add3A_885 = vector.broadcast %add3A_884 : i32 to vector<16xi32>
        %add3A_886 = arith.addi %sub3A_880, %add3A_885 : vector<16xi32>
        %select_n3A_887 = arith.select %lt3A_883, %add3A_886, %sub3A_880 : vector<16xi1>, vector<16xi32>
        %swap3A_888 = arith.constant 48 : index
        %swap3A_889 = tpu.vector_load %arg13[%swap3A_888] {strides = array<i32>} : memref<64xi32, #tpu.memory_space<vmem>>, vector<16xi32>,
        %swap3A_890 = vector.shape_cast %swap3A_889 : vector<16xi32> to vector<16xi32>
        %swap3A_891 = vector.shape_cast %select_n3A_887 : vector<16xi32> to vector<16xi32>
        tpu.vector_store %arg13[%swap3A_888], %swap3A_891 {strides = array<i32>} : memref<64xi32, #tpu.memory_space<vmem>>, vector<16xi32>,
        %dma_start3A_892 = arith.constant 0 : i32
        %dma_start3A_893 = arith.constant 0 : i32
        %dma_start3A_894 = tpu.memref_slice %arg3[%dma_start3A_892, %dma_start3A_893] : memref<10000x64xi32, #tpu.memory_space<hbm>> -> memref<10000x64xi32, #tpu.memory_space<hbm>>
        tpu.enqueue_indirect_dma source(%dma_start3A_894 : memref<10000x64xi32, #tpu.memory_space<hbm>>) target(%arg19 : memref<64x64xi32, #tpu.memory_space<vmem>>) offsets(%arg11 : memref<64xi32, #tpu.memory_space<vmem>>) semaphore(%arg28 : memref<!tpu.dma_semaphore, #tpu.memory_space<semaphore_mem>>)
        %dma_start3A_895 = arith.constant 0 : i32
        %dma_start3A_896 = arith.constant 0 : i32
        %dma_start3A_897 = tpu.memref_slice %arg4[%dma_start3A_895, %dma_start3A_896] : memref<10000x64xi32, #tpu.memory_space<hbm>> -> memref<10000x64xi32, #tpu.memory_space<hbm>>
        tpu.enqueue_indirect_dma source(%dma_start3A_897 : memref<10000x64xi32, #tpu.memory_space<hbm>>) target(%arg21 : memref<64x64xi32, #tpu.memory_space<vmem>>) offsets(%arg13 : memref<64xi32, #tpu.memory_space<vmem>>) semaphore(%arg28 : memref<!tpu.dma_semaphore, #tpu.memory_space<semaphore_mem>>)
        %add3A_898 = arith.constant 2 : i32
        %add3A_899 = arith.addi %add3A_779, %add3A_898 : i32
        %mul3A_900 = arith.constant 64 : i32
        %mul3A_901 = arith.muli %add3A_899, %mul3A_900 : i32
        %add3A_902 = arith.addi %mul3A_2, %mul3A_901 : i32
        %dma_start3A_903 = tpu.memref_slice %arg2[%add3A_902] : memref<640000xi32, #tpu.memory_space<hbm>> -> memref<64xi32, #tpu.memory_space<hbm>>
        %dma_start3A_904 = tpu.memref_slice %arg2[%add3A_902] : memref<640000xi32, #tpu.memory_space<hbm>> -> memref<64xi32, #tpu.memory_space<hbm>>
        tpu.enqueue_dma source(%dma_start3A_904 : memref<64xi32, #tpu.memory_space<hbm>>) target(%arg8 : memref<64xi32, #tpu.memory_space<vmem>>) target_semaphore(%arg30 : memref<!tpu.dma_semaphore, #tpu.memory_space<semaphore_mem>>)
        %add3A_905 = arith.constant 320000 : i32
        %add3A_906 = arith.addi %add3A_905, %add3A_902 : i32
        %dma_start3A_907 = tpu.memref_slice %arg2[%add3A_906] : memref<640000xi32, #tpu.memory_space<hbm>> -> memref<64xi32, #tpu.memory_space<hbm>>
        %dma_start3A_908 = tpu.memref_slice %arg2[%add3A_906] : memref<640000xi32, #tpu.memory_space<hbm>> -> memref<64xi32, #tpu.memory_space<hbm>>
        tpu.enqueue_dma source(%dma_start3A_908 : memref<64xi32, #tpu.memory_space<hbm>>) target(%arg9 : memref<64xi32, #tpu.memory_space<vmem>>) target_semaphore(%arg30 : memref<!tpu.dma_semaphore, #tpu.memory_space<semaphore_mem>>)
      } else {
      }
    }
    %scan3A_319 = arith.constant 39 : i32
    %dma_wait3A_320 = arith.constant 0 : i32
    %dma_wait3A_321 = arith.constant 0 : i32
    %dma_wait3A_322 = tpu.memref_slice %arg26[%dma_wait3A_320, %dma_wait3A_321] : memref<10000x128xf32, #tpu.memory_space<vmem_shared>> -> memref<10000x128xf32, #tpu.memory_space<vmem_shared>>
    tpu.wait_indirect_dma semaphore(%arg31 : memref<!tpu.dma_semaphore, #tpu.memory_space<semaphore_mem>>) src(%arg24 : memref<64x128xf32, #tpu.memory_space<vmem>>) dst(%dma_wait3A_322 : memref<10000x128xf32, #tpu.memory_space<vmem_shared>>)
    %dma_wait3A_323 = arith.constant 0 : i32
    %dma_wait3A_324 = arith.constant 0 : i32
    %dma_wait3A_325 = tpu.memref_slice %arg26[%dma_wait3A_323, %dma_wait3A_324] : memref<10000x128xf32, #tpu.memory_space<vmem_shared>> -> memref<10000x128xf32, #tpu.memory_space<vmem_shared>>
    tpu.wait_indirect_dma semaphore(%arg32 : memref<!tpu.dma_semaphore, #tpu.memory_space<semaphore_mem>>) src(%arg25 : memref<64x128xf32, #tpu.memory_space<vmem>>) dst(%dma_wait3A_325 : memref<10000x128xf32, #tpu.memory_space<vmem_shared>>)
    %add3A_326 = arith.constant 9984 : i32
    %add3A_327 = arith.addi %mul3A_2, %add3A_326 : i32
    "tpu.region"() ({
      %run_scoped3A = tpu.sem_alloc : memref<!tpu.dma_semaphore, #tpu.memory_space<semaphore_mem>>
      %dma_start3A_431 = arith.constant 0 : i32
      %dma_start3A_432 = tpu.memref_slice %arg6[%dma_start3A_431] : memref<64xi32, #tpu.memory_space<vmem>> -> memref<16xi32, #tpu.memory_space<vmem>>
      %dma_start3A_433 = tpu.memref_slice %arg2[%add3A_327] : memref<640000xi32, #tpu.memory_space<hbm>> -> memref<16xi32, #tpu.memory_space<hbm>>
      %dma_start3A_434 = arith.constant 0 : i32
      %dma_start3A_435 = tpu.memref_slice %arg6[%dma_start3A_434] : memref<64xi32, #tpu.memory_space<vmem>> -> memref<16xi32, #tpu.memory_space<vmem>>
      %dma_start3A_436 = tpu.memref_slice %arg2[%add3A_327] : memref<640000xi32, #tpu.memory_space<hbm>> -> memref<16xi32, #tpu.memory_space<hbm>>
      tpu.enqueue_dma source(%dma_start3A_436 : memref<16xi32, #tpu.memory_space<hbm>>) target(%dma_start3A_435 : memref<16xi32, #tpu.memory_space<vmem>>) target_semaphore(%run_scoped3A : memref<!tpu.dma_semaphore, #tpu.memory_space<semaphore_mem>>)
      %dma_wait3A_437 = arith.constant 0 : i32
      %dma_wait3A_438 = tpu.memref_slice %arg6[%dma_wait3A_437] : memref<64xi32, #tpu.memory_space<vmem>> -> memref<16xi32, #tpu.memory_space<vmem>>
      %dma_wait3A_439 = tpu.memref_slice %arg2[%add3A_327] : memref<640000xi32, #tpu.memory_space<hbm>> -> memref<16xi32, #tpu.memory_space<hbm>>
      %dma_wait3A_440 = arith.constant 0 : i32
      %dma_wait3A_441 = tpu.memref_slice %arg6[%dma_wait3A_440] : memref<64xi32, #tpu.memory_space<vmem>> -> memref<16xi32, #tpu.memory_space<vmem>>
      %dma_wait3A_442 = tpu.memref_slice %arg2[%add3A_327] : memref<640000xi32, #tpu.memory_space<hbm>> -> memref<16xi32, #tpu.memory_space<hbm>>
      tpu.wait_dma2 semaphore(%run_scoped3A : memref<!tpu.dma_semaphore, #tpu.memory_space<semaphore_mem>>) src(%dma_wait3A_442 : memref<16xi32, #tpu.memory_space<hbm>>) dst(%dma_wait3A_441 : memref<16xi32, #tpu.memory_space<vmem>>)
      tpu.yield
    }) : () -> ()
    %add3A_328 = arith.constant 320000 : i32
    %add3A_329 = arith.addi %add3A_328, %add3A_327 : i32
    "tpu.region"() ({
      %run_scoped3A = tpu.sem_alloc : memref<!tpu.dma_semaphore, #tpu.memory_space<semaphore_mem>>
      %dma_start3A_431 = arith.constant 0 : i32
      %dma_start3A_432 = tpu.memref_slice %arg7[%dma_start3A_431] : memref<64xi32, #tpu.memory_space<vmem>> -> memref<16xi32, #tpu.memory_space<vmem>>
      %dma_start3A_433 = tpu.memref_slice %arg2[%add3A_329] : memref<640000xi32, #tpu.memory_space<hbm>> -> memref<16xi32, #tpu.memory_space<hbm>>
      %dma_start3A_434 = arith.constant 0 : i32
      %dma_start3A_435 = tpu.memref_slice %arg7[%dma_start3A_434] : memref<64xi32, #tpu.memory_space<vmem>> -> memref<16xi32, #tpu.memory_space<vmem>>
      %dma_start3A_436 = tpu.memref_slice %arg2[%add3A_329] : memref<640000xi32, #tpu.memory_space<hbm>> -> memref<16xi32, #tpu.memory_space<hbm>>
      tpu.enqueue_dma source(%dma_start3A_436 : memref<16xi32, #tpu.memory_space<hbm>>) target(%dma_start3A_435 : memref<16xi32, #tpu.memory_space<vmem>>) target_semaphore(%run_scoped3A : memref<!tpu.dma_semaphore, #tpu.memory_space<semaphore_mem>>)
      %dma_wait3A_437 = arith.constant 0 : i32
      %dma_wait3A_438 = tpu.memref_slice %arg7[%dma_wait3A_437] : memref<64xi32, #tpu.memory_space<vmem>> -> memref<16xi32, #tpu.memory_space<vmem>>
      %dma_wait3A_439 = tpu.memref_slice %arg2[%add3A_329] : memref<640000xi32, #tpu.memory_space<hbm>> -> memref<16xi32, #tpu.memory_space<hbm>>
      %dma_wait3A_440 = arith.constant 0 : i32
      %dma_wait3A_441 = tpu.memref_slice %arg7[%dma_wait3A_440] : memref<64xi32, #tpu.memory_space<vmem>> -> memref<16xi32, #tpu.memory_space<vmem>>
      %dma_wait3A_442 = tpu.memref_slice %arg2[%add3A_329] : memref<640000xi32, #tpu.memory_space<hbm>> -> memref<16xi32, #tpu.memory_space<hbm>>
      tpu.wait_dma2 semaphore(%run_scoped3A : memref<!tpu.dma_semaphore, #tpu.memory_space<semaphore_mem>>) src(%dma_wait3A_442 : memref<16xi32, #tpu.memory_space<hbm>>) dst(%dma_wait3A_441 : memref<16xi32, #tpu.memory_space<vmem>>)
      tpu.yield
    }) : () -> ()
    %broadcast_in_dim3A_330 = arith.constant 0 : i32
    %broadcast_in_dim3A_331 = vector.broadcast %broadcast_in_dim3A_330 : i32 to vector<16xi32>
    %get3A_332 = arith.constant 0 : index
    %get3A_333 = tpu.vector_load %arg6[%get3A_332] {strides = array<i32>} : memref<64xi32, #tpu.memory_space<vmem>>, vector<16xi32>,
    %get3A_334 = vector.shape_cast %get3A_333 : vector<16xi32> to vector<16xi32>
    %get3A_335 = arith.constant 0 : index
    %get3A_336 = tpu.vector_load %arg7[%get3A_335] {strides = array<i32>} : memref<64xi32, #tpu.memory_space<vmem>>, vector<16xi32>,
    %get3A_337 = vector.shape_cast %get3A_336 : vector<16xi32> to vector<16xi32>
    %swap3A_338 = arith.constant 0 : index
    %swap3A_339 = tpu.vector_load %arg10[%swap3A_338] {strides = array<i32>} : memref<64xi32, #tpu.memory_space<vmem>>, vector<16xi32>,
    %swap3A_340 = vector.shape_cast %swap3A_339 : vector<16xi32> to vector<16xi32>
    %swap3A_341 = vector.shape_cast %get3A_334 : vector<16xi32> to vector<16xi32>
    tpu.vector_store %arg10[%swap3A_338], %swap3A_341 {strides = array<i32>} : memref<64xi32, #tpu.memory_space<vmem>>, vector<16xi32>,
    %swap3A_342 = arith.constant 0 : index
    %swap3A_343 = tpu.vector_load %arg14[%swap3A_342] {strides = array<i32>} : memref<64xi32, #tpu.memory_space<vmem>>, vector<16xi32>,
    %swap3A_344 = vector.shape_cast %swap3A_343 : vector<16xi32> to vector<16xi32>
    %swap3A_345 = vector.shape_cast %get3A_337 : vector<16xi32> to vector<16xi32>
    tpu.vector_store %arg14[%swap3A_342], %swap3A_345 {strides = array<i32>} : memref<64xi32, #tpu.memory_space<vmem>>, vector<16xi32>,
    %sub3A_346 = arith.subi %get3A_334, %get3A_337 : vector<16xi32>
    %lt3A_347 = arith.constant 0 : i32
    %lt3A_348 = vector.broadcast %lt3A_347 : i32 to vector<16xi32>
    %lt3A_349 = arith.cmpi slt, %sub3A_346, %lt3A_348 : vector<16xi32>
    %add3A_350 = arith.constant 10000 : i32
    %add3A_351 = vector.broadcast %add3A_350 : i32 to vector<16xi32>
    %add3A_352 = arith.addi %sub3A_346, %add3A_351 : vector<16xi32>
    %select_n3A_353 = arith.select %lt3A_349, %add3A_352, %sub3A_346 : vector<16xi1>, vector<16xi32>
    %swap3A_354 = arith.constant 0 : index
    %swap3A_355 = tpu.vector_load %arg12[%swap3A_354] {strides = array<i32>} : memref<64xi32, #tpu.memory_space<vmem>>, vector<16xi32>,
    %swap3A_356 = vector.shape_cast %swap3A_355 : vector<16xi32> to vector<16xi32>
    %swap3A_357 = vector.shape_cast %select_n3A_353 : vector<16xi32> to vector<16xi32>
    tpu.vector_store %arg12[%swap3A_354], %swap3A_357 {strides = array<i32>} : memref<64xi32, #tpu.memory_space<vmem>>, vector<16xi32>,
    %swap3A_358 = arith.constant 16 : index
    %swap3A_359 = tpu.vector_load %arg10[%swap3A_358] {strides = array<i32>} : memref<64xi32, #tpu.memory_space<vmem>>, vector<16xi32>,
    %swap3A_360 = vector.shape_cast %swap3A_359 : vector<16xi32> to vector<16xi32>
    %swap3A_361 = vector.shape_cast %broadcast_in_dim3A_331 : vector<16xi32> to vector<16xi32>
    tpu.vector_store %arg10[%swap3A_358], %swap3A_361 {strides = array<i32>} : memref<64xi32, #tpu.memory_space<vmem>>, vector<16xi32>,
    %swap3A_362 = arith.constant 16 : index
    %swap3A_363 = tpu.vector_load %arg14[%swap3A_362] {strides = array<i32>} : memref<64xi32, #tpu.memory_space<vmem>>, vector<16xi32>,
    %swap3A_364 = vector.shape_cast %swap3A_363 : vector<16xi32> to vector<16xi32>
    %swap3A_365 = vector.shape_cast %broadcast_in_dim3A_331 : vector<16xi32> to vector<16xi32>
    tpu.vector_store %arg14[%swap3A_362], %swap3A_365 {strides = array<i32>} : memref<64xi32, #tpu.memory_space<vmem>>, vector<16xi32>,
    %swap3A_366 = arith.constant 16 : index
    %swap3A_367 = tpu.vector_load %arg12[%swap3A_366] {strides = array<i32>} : memref<64xi32, #tpu.memory_space<vmem>>, vector<16xi32>,
    %swap3A_368 = vector.shape_cast %swap3A_367 : vector<16xi32> to vector<16xi32>
    %swap3A_369 = vector.shape_cast %broadcast_in_dim3A_331 : vector<16xi32> to vector<16xi32>
    tpu.vector_store %arg12[%swap3A_366], %swap3A_369 {strides = array<i32>} : memref<64xi32, #tpu.memory_space<vmem>>, vector<16xi32>,
    %swap3A_370 = arith.constant 32 : index
    %swap3A_371 = tpu.vector_load %arg10[%swap3A_370] {strides = array<i32>} : memref<64xi32, #tpu.memory_space<vmem>>, vector<16xi32>,
    %swap3A_372 = vector.shape_cast %swap3A_371 : vector<16xi32> to vector<16xi32>
    %swap3A_373 = vector.shape_cast %broadcast_in_dim3A_331 : vector<16xi32> to vector<16xi32>
    tpu.vector_store %arg10[%swap3A_370], %swap3A_373 {strides = array<i32>} : memref<64xi32, #tpu.memory_space<vmem>>, vector<16xi32>,
    %swap3A_374 = arith.constant 32 : index
    %swap3A_375 = tpu.vector_load %arg14[%swap3A_374] {strides = array<i32>} : memref<64xi32, #tpu.memory_space<vmem>>, vector<16xi32>,
    %swap3A_376 = vector.shape_cast %swap3A_375 : vector<16xi32> to vector<16xi32>
    %swap3A_377 = vector.shape_cast %broadcast_in_dim3A_331 : vector<16xi32> to vector<16xi32>
    tpu.vector_store %arg14[%swap3A_374], %swap3A_377 {strides = array<i32>} : memref<64xi32, #tpu.memory_space<vmem>>, vector<16xi32>,
    %swap3A_378 = arith.constant 32 : index
    %swap3A_379 = tpu.vector_load %arg12[%swap3A_378] {strides = array<i32>} : memref<64xi32, #tpu.memory_space<vmem>>, vector<16xi32>,
    %swap3A_380 = vector.shape_cast %swap3A_379 : vector<16xi32> to vector<16xi32>
    %swap3A_381 = vector.shape_cast %broadcast_in_dim3A_331 : vector<16xi32> to vector<16xi32>
    tpu.vector_store %arg12[%swap3A_378], %swap3A_381 {strides = array<i32>} : memref<64xi32, #tpu.memory_space<vmem>>, vector<16xi32>,
    %swap3A_382 = arith.constant 48 : index
    %swap3A_383 = tpu.vector_load %arg10[%swap3A_382] {strides = array<i32>} : memref<64xi32, #tpu.memory_space<vmem>>, vector<16xi32>,
    %swap3A_384 = vector.shape_cast %swap3A_383 : vector<16xi32> to vector<16xi32>
    %swap3A_385 = vector.shape_cast %broadcast_in_dim3A_331 : vector<16xi32> to vector<16xi32>
    tpu.vector_store %arg10[%swap3A_382], %swap3A_385 {strides = array<i32>} : memref<64xi32, #tpu.memory_space<vmem>>, vector<16xi32>,
    %swap3A_386 = arith.constant 48 : index
    %swap3A_387 = tpu.vector_load %arg14[%swap3A_386] {strides = array<i32>} : memref<64xi32, #tpu.memory_space<vmem>>, vector<16xi32>,
    %swap3A_388 = vector.shape_cast %swap3A_387 : vector<16xi32> to vector<16xi32>
    %swap3A_389 = vector.shape_cast %broadcast_in_dim3A_331 : vector<16xi32> to vector<16xi32>
    tpu.vector_store %arg14[%swap3A_386], %swap3A_389 {strides = array<i32>} : memref<64xi32, #tpu.memory_space<vmem>>, vector<16xi32>,
    %swap3A_390 = arith.constant 48 : index
    %swap3A_391 = tpu.vector_load %arg12[%swap3A_390] {strides = array<i32>} : memref<64xi32, #tpu.memory_space<vmem>>, vector<16xi32>,
    %swap3A_392 = vector.shape_cast %swap3A_391 : vector<16xi32> to vector<16xi32>
    %swap3A_393 = vector.shape_cast %broadcast_in_dim3A_331 : vector<16xi32> to vector<16xi32>
    tpu.vector_store %arg12[%swap3A_390], %swap3A_393 {strides = array<i32>} : memref<64xi32, #tpu.memory_space<vmem>>, vector<16xi32>,
    %dma_start3A_394 = arith.constant 0 : i32
    %dma_start3A_395 = arith.constant 0 : i32
    %dma_start3A_396 = tpu.memref_slice %arg3[%dma_start3A_394, %dma_start3A_395] : memref<10000x64xi32, #tpu.memory_space<hbm>> -> memref<10000x64xi32, #tpu.memory_space<hbm>>
    tpu.enqueue_indirect_dma source(%dma_start3A_396 : memref<10000x64xi32, #tpu.memory_space<hbm>>) target(%arg18 : memref<64x64xi32, #tpu.memory_space<vmem>>) offsets(%arg10 : memref<64xi32, #tpu.memory_space<vmem>>) semaphore(%arg27 : memref<!tpu.dma_semaphore, #tpu.memory_space<semaphore_mem>>)
    %dma_start3A_397 = arith.constant 0 : i32
    %dma_start3A_398 = arith.constant 0 : i32
    %dma_start3A_399 = tpu.memref_slice %arg4[%dma_start3A_397, %dma_start3A_398] : memref<10000x64xi32, #tpu.memory_space<hbm>> -> memref<10000x64xi32, #tpu.memory_space<hbm>>
    tpu.enqueue_indirect_dma source(%dma_start3A_399 : memref<10000x64xi32, #tpu.memory_space<hbm>>) target(%arg20 : memref<64x64xi32, #tpu.memory_space<vmem>>) offsets(%arg12 : memref<64xi32, #tpu.memory_space<vmem>>) semaphore(%arg27 : memref<!tpu.dma_semaphore, #tpu.memory_space<semaphore_mem>>)
    %dma_wait3A_400 = arith.constant 0 : i32
    %dma_wait3A_401 = arith.constant 0 : i32
    %dma_wait3A_402 = tpu.memref_slice %arg3[%dma_wait3A_400, %dma_wait3A_401] : memref<10000x64xi32, #tpu.memory_space<hbm>> -> memref<10000x64xi32, #tpu.memory_space<hbm>>
    tpu.wait_indirect_dma semaphore(%arg27 : memref<!tpu.dma_semaphore, #tpu.memory_space<semaphore_mem>>) src(%dma_wait3A_402 : memref<10000x64xi32, #tpu.memory_space<hbm>>) dst(%arg18 : memref<64x64xi32, #tpu.memory_space<vmem>>)
    %dma_wait3A_403 = arith.constant 0 : i32
    %dma_wait3A_404 = arith.constant 0 : i32
    %dma_wait3A_405 = tpu.memref_slice %arg4[%dma_wait3A_403, %dma_wait3A_404] : memref<10000x64xi32, #tpu.memory_space<hbm>> -> memref<10000x64xi32, #tpu.memory_space<hbm>>
    tpu.wait_indirect_dma semaphore(%arg27 : memref<!tpu.dma_semaphore, #tpu.memory_space<semaphore_mem>>) src(%dma_wait3A_405 : memref<10000x64xi32, #tpu.memory_space<hbm>>) dst(%arg20 : memref<64x64xi32, #tpu.memory_space<vmem>>)
    %scan3A_406 = arith.constant 0 : i32
    %scan3A_407 = arith.constant 0 : i32
    %scan3A_408 = arith.constant 16 : i32
    %scan3A_409 = arith.addi %scan3A_407, %scan3A_408 : i32
    %scan3A_410 = arith.constant 1 : i32
    scf.for %scan3A_431 = %scan3A_407 to %scan3A_409 step %scan3A_410  : i32 {
      %get3A_432 = arith.index_cast %scan3A_431 : i32 to index
      %get3A_433 = arith.constant 0 : index
      %get3A_434 = tpu.vector_load %arg18[%get3A_432, %get3A_433] {strides = array<i32>} : memref<64x64xi32, #tpu.memory_space<vmem>>, vector<1x16xi32>,
      %get3A_435 = vector.shape_cast %get3A_434 : vector<1x16xi32> to vector<16xi32>
      %get3A_436 = arith.index_cast %scan3A_431 : i32 to index
      %get3A_437 = arith.constant 0 : index
      %get3A_438 = tpu.vector_load %arg20[%get3A_436, %get3A_437] {strides = array<i32>} : memref<64x64xi32, #tpu.memory_space<vmem>>, vector<1x16xi32>,
      %get3A_439 = vector.shape_cast %get3A_438 : vector<1x16xi32> to vector<16xi32>
      %shift_left3A = arith.constant 16 : i32
      %shift_left3A_440 = vector.broadcast %shift_left3A : i32 to vector<16xi32>
      %shift_left3A_441 = arith.shli %get3A_435, %shift_left3A_440 : vector<16xi32>
      %bitcast_convert_type3A = tpu.bitcast %shift_left3A_441 : vector<16xi32> -> vector<16xf32>
      %shift_left3A_442 = arith.constant 16 : i32
      %shift_left3A_443 = vector.broadcast %shift_left3A_442 : i32 to vector<16xi32>
      %shift_left3A_444 = arith.shli %get3A_439, %shift_left3A_443 : vector<16xi32>
      %bitcast_convert_type3A_445 = tpu.bitcast %shift_left3A_444 : vector<16xi32> -> vector<16xf32>
      %mul3A_446 = arith.mulf %bitcast_convert_type3A, %bitcast_convert_type3A_445 : vector<16xf32>
      %and3A = arith.constant -65536 : i32
      %and3A_447 = vector.broadcast %and3A : i32 to vector<16xi32>
      %and3A_448 = arith.andi %get3A_435, %and3A_447 : vector<16xi32>
      %bitcast_convert_type3A_449 = tpu.bitcast %and3A_448 : vector<16xi32> -> vector<16xf32>
      %and3A_450 = arith.constant -65536 : i32
      %and3A_451 = vector.broadcast %and3A_450 : i32 to vector<16xi32>
      %and3A_452 = arith.andi %get3A_439, %and3A_451 : vector<16xi32>
      %bitcast_convert_type3A_453 = tpu.bitcast %and3A_452 : vector<16xi32> -> vector<16xf32>
      %mul3A_454 = arith.mulf %bitcast_convert_type3A_449, %bitcast_convert_type3A_453 : vector<16xf32>
      %swap3A_455 = arith.index_cast %scan3A_431 : i32 to index
      %swap3A_456 = arith.constant 0 : index
      %swap3A_457 = tpu.vector_load %arg22[%swap3A_455, %swap3A_456] {strides = array<i32>} : memref<64x128xf32, #tpu.memory_space<vmem>>, vector<1x16xf32>,
      %swap3A_458 = vector.shape_cast %swap3A_457 : vector<1x16xf32> to vector<16xf32>
      %swap3A_459 = vector.shape_cast %mul3A_446 : vector<16xf32> to vector<1x16xf32>
      tpu.vector_store %arg22[%swap3A_455, %swap3A_456], %swap3A_459 {strides = array<i32>} : memref<64x128xf32, #tpu.memory_space<vmem>>, vector<1x16xf32>,
      %swap3A_460 = arith.index_cast %scan3A_431 : i32 to index
      %swap3A_461 = arith.constant 16 : index
      %swap3A_462 = tpu.vector_load %arg22[%swap3A_460, %swap3A_461] {strides = array<i32>} : memref<64x128xf32, #tpu.memory_space<vmem>>, vector<1x16xf32>,
      %swap3A_463 = vector.shape_cast %swap3A_462 : vector<1x16xf32> to vector<16xf32>
      %swap3A_464 = vector.shape_cast %mul3A_454 : vector<16xf32> to vector<1x16xf32>
      tpu.vector_store %arg22[%swap3A_460, %swap3A_461], %swap3A_464 {strides = array<i32>} : memref<64x128xf32, #tpu.memory_space<vmem>>, vector<1x16xf32>,
      %get3A_465 = arith.index_cast %scan3A_431 : i32 to index
      %get3A_466 = arith.constant 16 : index
      %get3A_467 = tpu.vector_load %arg18[%get3A_465, %get3A_466] {strides = array<i32>} : memref<64x64xi32, #tpu.memory_space<vmem>>, vector<1x16xi32>,
      %get3A_468 = vector.shape_cast %get3A_467 : vector<1x16xi32> to vector<16xi32>
      %get3A_469 = arith.index_cast %scan3A_431 : i32 to index
      %get3A_470 = arith.constant 16 : index
      %get3A_471 = tpu.vector_load %arg20[%get3A_469, %get3A_470] {strides = array<i32>} : memref<64x64xi32, #tpu.memory_space<vmem>>, vector<1x16xi32>,
      %get3A_472 = vector.shape_cast %get3A_471 : vector<1x16xi32> to vector<16xi32>
      %shift_left3A_473 = arith.constant 16 : i32
      %shift_left3A_474 = vector.broadcast %shift_left3A_473 : i32 to vector<16xi32>
      %shift_left3A_475 = arith.shli %get3A_468, %shift_left3A_474 : vector<16xi32>
      %bitcast_convert_type3A_476 = tpu.bitcast %shift_left3A_475 : vector<16xi32> -> vector<16xf32>
      %shift_left3A_477 = arith.constant 16 : i32
      %shift_left3A_478 = vector.broadcast %shift_left3A_477 : i32 to vector<16xi32>
      %shift_left3A_479 = arith.shli %get3A_472, %shift_left3A_478 : vector<16xi32>
      %bitcast_convert_type3A_480 = tpu.bitcast %shift_left3A_479 : vector<16xi32> -> vector<16xf32>
      %mul3A_481 = arith.mulf %bitcast_convert_type3A_476, %bitcast_convert_type3A_480 : vector<16xf32>
      %and3A_482 = arith.constant -65536 : i32
      %and3A_483 = vector.broadcast %and3A_482 : i32 to vector<16xi32>
      %and3A_484 = arith.andi %get3A_468, %and3A_483 : vector<16xi32>
      %bitcast_convert_type3A_485 = tpu.bitcast %and3A_484 : vector<16xi32> -> vector<16xf32>
      %and3A_486 = arith.constant -65536 : i32
      %and3A_487 = vector.broadcast %and3A_486 : i32 to vector<16xi32>
      %and3A_488 = arith.andi %get3A_472, %and3A_487 : vector<16xi32>
      %bitcast_convert_type3A_489 = tpu.bitcast %and3A_488 : vector<16xi32> -> vector<16xf32>
      %mul3A_490 = arith.mulf %bitcast_convert_type3A_485, %bitcast_convert_type3A_489 : vector<16xf32>
      %swap3A_491 = arith.index_cast %scan3A_431 : i32 to index
      %swap3A_492 = arith.constant 32 : index
      %swap3A_493 = tpu.vector_load %arg22[%swap3A_491, %swap3A_492] {strides = array<i32>} : memref<64x128xf32, #tpu.memory_space<vmem>>, vector<1x16xf32>,
      %swap3A_494 = vector.shape_cast %swap3A_493 : vector<1x16xf32> to vector<16xf32>
      %swap3A_495 = vector.shape_cast %mul3A_481 : vector<16xf32> to vector<1x16xf32>
      tpu.vector_store %arg22[%swap3A_491, %swap3A_492], %swap3A_495 {strides = array<i32>} : memref<64x128xf32, #tpu.memory_space<vmem>>, vector<1x16xf32>,
      %swap3A_496 = arith.index_cast %scan3A_431 : i32 to index
      %swap3A_497 = arith.constant 48 : index
      %swap3A_498 = tpu.vector_load %arg22[%swap3A_496, %swap3A_497] {strides = array<i32>} : memref<64x128xf32, #tpu.memory_space<vmem>>, vector<1x16xf32>,
      %swap3A_499 = vector.shape_cast %swap3A_498 : vector<1x16xf32> to vector<16xf32>
      %swap3A_500 = vector.shape_cast %mul3A_490 : vector<16xf32> to vector<1x16xf32>
      tpu.vector_store %arg22[%swap3A_496, %swap3A_497], %swap3A_500 {strides = array<i32>} : memref<64x128xf32, #tpu.memory_space<vmem>>, vector<1x16xf32>,
      %get3A_501 = arith.index_cast %scan3A_431 : i32 to index
      %get3A_502 = arith.constant 32 : index
      %get3A_503 = tpu.vector_load %arg18[%get3A_501, %get3A_502] {strides = array<i32>} : memref<64x64xi32, #tpu.memory_space<vmem>>, vector<1x16xi32>,
      %get3A_504 = vector.shape_cast %get3A_503 : vector<1x16xi32> to vector<16xi32>
      %get3A_505 = arith.index_cast %scan3A_431 : i32 to index
      %get3A_506 = arith.constant 32 : index
      %get3A_507 = tpu.vector_load %arg20[%get3A_505, %get3A_506] {strides = array<i32>} : memref<64x64xi32, #tpu.memory_space<vmem>>, vector<1x16xi32>,
      %get3A_508 = vector.shape_cast %get3A_507 : vector<1x16xi32> to vector<16xi32>
      %shift_left3A_509 = arith.constant 16 : i32
      %shift_left3A_510 = vector.broadcast %shift_left3A_509 : i32 to vector<16xi32>
      %shift_left3A_511 = arith.shli %get3A_504, %shift_left3A_510 : vector<16xi32>
      %bitcast_convert_type3A_512 = tpu.bitcast %shift_left3A_511 : vector<16xi32> -> vector<16xf32>
      %shift_left3A_513 = arith.constant 16 : i32
      %shift_left3A_514 = vector.broadcast %shift_left3A_513 : i32 to vector<16xi32>
      %shift_left3A_515 = arith.shli %get3A_508, %shift_left3A_514 : vector<16xi32>
      %bitcast_convert_type3A_516 = tpu.bitcast %shift_left3A_515 : vector<16xi32> -> vector<16xf32>
      %mul3A_517 = arith.mulf %bitcast_convert_type3A_512, %bitcast_convert_type3A_516 : vector<16xf32>
      %and3A_518 = arith.constant -65536 : i32
      %and3A_519 = vector.broadcast %and3A_518 : i32 to vector<16xi32>
      %and3A_520 = arith.andi %get3A_504, %and3A_519 : vector<16xi32>
      %bitcast_convert_type3A_521 = tpu.bitcast %and3A_520 : vector<16xi32> -> vector<16xf32>
      %and3A_522 = arith.constant -65536 : i32
      %and3A_523 = vector.broadcast %and3A_522 : i32 to vector<16xi32>
      %and3A_524 = arith.andi %get3A_508, %and3A_523 : vector<16xi32>
      %bitcast_convert_type3A_525 = tpu.bitcast %and3A_524 : vector<16xi32> -> vector<16xf32>
      %mul3A_526 = arith.mulf %bitcast_convert_type3A_521, %bitcast_convert_type3A_525 : vector<16xf32>
      %swap3A_527 = arith.index_cast %scan3A_431 : i32 to index
      %swap3A_528 = arith.constant 64 : index
      %swap3A_529 = tpu.vector_load %arg22[%swap3A_527, %swap3A_528] {strides = array<i32>} : memref<64x128xf32, #tpu.memory_space<vmem>>, vector<1x16xf32>,
      %swap3A_530 = vector.shape_cast %swap3A_529 : vector<1x16xf32> to vector<16xf32>
      %swap3A_531 = vector.shape_cast %mul3A_517 : vector<16xf32> to vector<1x16xf32>
      tpu.vector_store %arg22[%swap3A_527, %swap3A_528], %swap3A_531 {strides = array<i32>} : memref<64x128xf32, #tpu.memory_space<vmem>>, vector<1x16xf32>,
      %swap3A_532 = arith.index_cast %scan3A_431 : i32 to index
      %swap3A_533 = arith.constant 80 : index
      %swap3A_534 = tpu.vector_load %arg22[%swap3A_532, %swap3A_533] {strides = array<i32>} : memref<64x128xf32, #tpu.memory_space<vmem>>, vector<1x16xf32>,
      %swap3A_535 = vector.shape_cast %swap3A_534 : vector<1x16xf32> to vector<16xf32>
      %swap3A_536 = vector.shape_cast %mul3A_526 : vector<16xf32> to vector<1x16xf32>
      tpu.vector_store %arg22[%swap3A_532, %swap3A_533], %swap3A_536 {strides = array<i32>} : memref<64x128xf32, #tpu.memory_space<vmem>>, vector<1x16xf32>,
      %get3A_537 = arith.index_cast %scan3A_431 : i32 to index
      %get3A_538 = arith.constant 48 : index
      %get3A_539 = tpu.vector_load %arg18[%get3A_537, %get3A_538] {strides = array<i32>} : memref<64x64xi32, #tpu.memory_space<vmem>>, vector<1x16xi32>,
      %get3A_540 = vector.shape_cast %get3A_539 : vector<1x16xi32> to vector<16xi32>
      %get3A_541 = arith.index_cast %scan3A_431 : i32 to index
      %get3A_542 = arith.constant 48 : index
      %get3A_543 = tpu.vector_load %arg20[%get3A_541, %get3A_542] {strides = array<i32>} : memref<64x64xi32, #tpu.memory_space<vmem>>, vector<1x16xi32>,
      %get3A_544 = vector.shape_cast %get3A_543 : vector<1x16xi32> to vector<16xi32>
      %shift_left3A_545 = arith.constant 16 : i32
      %shift_left3A_546 = vector.broadcast %shift_left3A_545 : i32 to vector<16xi32>
      %shift_left3A_547 = arith.shli %get3A_540, %shift_left3A_546 : vector<16xi32>
      %bitcast_convert_type3A_548 = tpu.bitcast %shift_left3A_547 : vector<16xi32> -> vector<16xf32>
      %shift_left3A_549 = arith.constant 16 : i32
      %shift_left3A_550 = vector.broadcast %shift_left3A_549 : i32 to vector<16xi32>
      %shift_left3A_551 = arith.shli %get3A_544, %shift_left3A_550 : vector<16xi32>
      %bitcast_convert_type3A_552 = tpu.bitcast %shift_left3A_551 : vector<16xi32> -> vector<16xf32>
      %mul3A_553 = arith.mulf %bitcast_convert_type3A_548, %bitcast_convert_type3A_552 : vector<16xf32>
      %and3A_554 = arith.constant -65536 : i32
      %and3A_555 = vector.broadcast %and3A_554 : i32 to vector<16xi32>
      %and3A_556 = arith.andi %get3A_540, %and3A_555 : vector<16xi32>
      %bitcast_convert_type3A_557 = tpu.bitcast %and3A_556 : vector<16xi32> -> vector<16xf32>
      %and3A_558 = arith.constant -65536 : i32
      %and3A_559 = vector.broadcast %and3A_558 : i32 to vector<16xi32>
      %and3A_560 = arith.andi %get3A_544, %and3A_559 : vector<16xi32>
      %bitcast_convert_type3A_561 = tpu.bitcast %and3A_560 : vector<16xi32> -> vector<16xf32>
      %mul3A_562 = arith.mulf %bitcast_convert_type3A_557, %bitcast_convert_type3A_561 : vector<16xf32>
      %swap3A_563 = arith.index_cast %scan3A_431 : i32 to index
      %swap3A_564 = arith.constant 96 : index
      %swap3A_565 = tpu.vector_load %arg22[%swap3A_563, %swap3A_564] {strides = array<i32>} : memref<64x128xf32, #tpu.memory_space<vmem>>, vector<1x16xf32>,
      %swap3A_566 = vector.shape_cast %swap3A_565 : vector<1x16xf32> to vector<16xf32>
      %swap3A_567 = vector.shape_cast %mul3A_553 : vector<16xf32> to vector<1x16xf32>
      tpu.vector_store %arg22[%swap3A_563, %swap3A_564], %swap3A_567 {strides = array<i32>} : memref<64x128xf32, #tpu.memory_space<vmem>>, vector<1x16xf32>,
      %swap3A_568 = arith.index_cast %scan3A_431 : i32 to index
      %swap3A_569 = arith.constant 112 : index
      %swap3A_570 = tpu.vector_load %arg22[%swap3A_568, %swap3A_569] {strides = array<i32>} : memref<64x128xf32, #tpu.memory_space<vmem>>, vector<1x16xf32>,
      %swap3A_571 = vector.shape_cast %swap3A_570 : vector<1x16xf32> to vector<16xf32>
      %swap3A_572 = vector.shape_cast %mul3A_562 : vector<16xf32> to vector<1x16xf32>
      tpu.vector_store %arg22[%swap3A_568, %swap3A_569], %swap3A_572 {strides = array<i32>} : memref<64x128xf32, #tpu.memory_space<vmem>>, vector<1x16xf32>,
    }
    %scan3A_411 = arith.constant 16 : i32
    %scan3A_412 = arith.constant 0 : i32
    %scan3A_413 = arith.constant 16 : i32
    %scan3A_414 = arith.constant 48 : i32
    %scan3A_415 = arith.addi %scan3A_413, %scan3A_414 : i32
    %scan3A_416 = arith.constant 1 : i32
    scf.for %scan3A_431 = %scan3A_413 to %scan3A_415 step %scan3A_416  : i32 {
      %swap3A_432 = arith.index_cast %scan3A_431 : i32 to index
      %swap3A_433 = arith.constant 0 : index
      %swap3A_434 = tpu.vector_load %arg22[%swap3A_432, %swap3A_433] {strides = array<i32>} : memref<64x128xf32, #tpu.memory_space<vmem>>, vector<1x16xf32>,
      %swap3A_435 = vector.shape_cast %swap3A_434 : vector<1x16xf32> to vector<16xf32>
      %swap3A_436 = vector.shape_cast %broadcast_in_dim3A_18 : vector<16xf32> to vector<1x16xf32>
      tpu.vector_store %arg22[%swap3A_432, %swap3A_433], %swap3A_436 {strides = array<i32>} : memref<64x128xf32, #tpu.memory_space<vmem>>, vector<1x16xf32>,
      %swap3A_437 = arith.index_cast %scan3A_431 : i32 to index
      %swap3A_438 = arith.constant 16 : index
      %swap3A_439 = tpu.vector_load %arg22[%swap3A_437, %swap3A_438] {strides = array<i32>} : memref<64x128xf32, #tpu.memory_space<vmem>>, vector<1x16xf32>,
      %swap3A_440 = vector.shape_cast %swap3A_439 : vector<1x16xf32> to vector<16xf32>
      %swap3A_441 = vector.shape_cast %broadcast_in_dim3A_18 : vector<16xf32> to vector<1x16xf32>
      tpu.vector_store %arg22[%swap3A_437, %swap3A_438], %swap3A_441 {strides = array<i32>} : memref<64x128xf32, #tpu.memory_space<vmem>>, vector<1x16xf32>,
      %swap3A_442 = arith.index_cast %scan3A_431 : i32 to index
      %swap3A_443 = arith.constant 32 : index
      %swap3A_444 = tpu.vector_load %arg22[%swap3A_442, %swap3A_443] {strides = array<i32>} : memref<64x128xf32, #tpu.memory_space<vmem>>, vector<1x16xf32>,
      %swap3A_445 = vector.shape_cast %swap3A_444 : vector<1x16xf32> to vector<16xf32>
      %swap3A_446 = vector.shape_cast %broadcast_in_dim3A_18 : vector<16xf32> to vector<1x16xf32>
      tpu.vector_store %arg22[%swap3A_442, %swap3A_443], %swap3A_446 {strides = array<i32>} : memref<64x128xf32, #tpu.memory_space<vmem>>, vector<1x16xf32>,
      %swap3A_447 = arith.index_cast %scan3A_431 : i32 to index
      %swap3A_448 = arith.constant 48 : index
      %swap3A_449 = tpu.vector_load %arg22[%swap3A_447, %swap3A_448] {strides = array<i32>} : memref<64x128xf32, #tpu.memory_space<vmem>>, vector<1x16xf32>,
      %swap3A_450 = vector.shape_cast %swap3A_449 : vector<1x16xf32> to vector<16xf32>
      %swap3A_451 = vector.shape_cast %broadcast_in_dim3A_18 : vector<16xf32> to vector<1x16xf32>
      tpu.vector_store %arg22[%swap3A_447, %swap3A_448], %swap3A_451 {strides = array<i32>} : memref<64x128xf32, #tpu.memory_space<vmem>>, vector<1x16xf32>,
      %swap3A_452 = arith.index_cast %scan3A_431 : i32 to index
      %swap3A_453 = arith.constant 64 : index
      %swap3A_454 = tpu.vector_load %arg22[%swap3A_452, %swap3A_453] {strides = array<i32>} : memref<64x128xf32, #tpu.memory_space<vmem>>, vector<1x16xf32>,
      %swap3A_455 = vector.shape_cast %swap3A_454 : vector<1x16xf32> to vector<16xf32>
      %swap3A_456 = vector.shape_cast %broadcast_in_dim3A_18 : vector<16xf32> to vector<1x16xf32>
      tpu.vector_store %arg22[%swap3A_452, %swap3A_453], %swap3A_456 {strides = array<i32>} : memref<64x128xf32, #tpu.memory_space<vmem>>, vector<1x16xf32>,
      %swap3A_457 = arith.index_cast %scan3A_431 : i32 to index
      %swap3A_458 = arith.constant 80 : index
      %swap3A_459 = tpu.vector_load %arg22[%swap3A_457, %swap3A_458] {strides = array<i32>} : memref<64x128xf32, #tpu.memory_space<vmem>>, vector<1x16xf32>,
      %swap3A_460 = vector.shape_cast %swap3A_459 : vector<1x16xf32> to vector<16xf32>
      %swap3A_461 = vector.shape_cast %broadcast_in_dim3A_18 : vector<16xf32> to vector<1x16xf32>
      tpu.vector_store %arg22[%swap3A_457, %swap3A_458], %swap3A_461 {strides = array<i32>} : memref<64x128xf32, #tpu.memory_space<vmem>>, vector<1x16xf32>,
      %swap3A_462 = arith.index_cast %scan3A_431 : i32 to index
      %swap3A_463 = arith.constant 96 : index
      %swap3A_464 = tpu.vector_load %arg22[%swap3A_462, %swap3A_463] {strides = array<i32>} : memref<64x128xf32, #tpu.memory_space<vmem>>, vector<1x16xf32>,
      %swap3A_465 = vector.shape_cast %swap3A_464 : vector<1x16xf32> to vector<16xf32>
      %swap3A_466 = vector.shape_cast %broadcast_in_dim3A_18 : vector<16xf32> to vector<1x16xf32>
      tpu.vector_store %arg22[%swap3A_462, %swap3A_463], %swap3A_466 {strides = array<i32>} : memref<64x128xf32, #tpu.memory_space<vmem>>, vector<1x16xf32>,
      %swap3A_467 = arith.index_cast %scan3A_431 : i32 to index
      %swap3A_468 = arith.constant 112 : index
      %swap3A_469 = tpu.vector_load %arg22[%swap3A_467, %swap3A_468] {strides = array<i32>} : memref<64x128xf32, #tpu.memory_space<vmem>>, vector<1x16xf32>,
      %swap3A_470 = vector.shape_cast %swap3A_469 : vector<1x16xf32> to vector<16xf32>
      %swap3A_471 = vector.shape_cast %broadcast_in_dim3A_18 : vector<16xf32> to vector<1x16xf32>
      tpu.vector_store %arg22[%swap3A_467, %swap3A_468], %swap3A_471 {strides = array<i32>} : memref<64x128xf32, #tpu.memory_space<vmem>>, vector<1x16xf32>,
    }
    %scan3A_417 = arith.constant 48 : i32
    "tpu.region"() ({
      %run_scoped3A = tpu.sem_alloc : memref<!tpu.dma_semaphore, #tpu.memory_space<semaphore_mem>>
      %dma_start3A_431 = arith.constant 0 : i32
      %dma_start3A_432 = arith.constant 0 : i32
      %dma_start3A_433 = tpu.memref_slice %arg26[%dma_start3A_431, %dma_start3A_432] : memref<10000x128xf32, #tpu.memory_space<vmem_shared>> -> memref<10000x128xf32, #tpu.memory_space<vmem_shared>>
      tpu.enqueue_indirect_dma source(%arg22 : memref<64x128xf32, #tpu.memory_space<vmem>>) target(%dma_start3A_433 : memref<10000x128xf32, #tpu.memory_space<vmem_shared>>) offsets(%arg14 : memref<64xi32, #tpu.memory_space<vmem>>) semaphore(%run_scoped3A : memref<!tpu.dma_semaphore, #tpu.memory_space<semaphore_mem>>) {add = true}
      %dma_wait3A_434 = arith.constant 0 : i32
      %dma_wait3A_435 = arith.constant 0 : i32
      %dma_wait3A_436 = tpu.memref_slice %arg26[%dma_wait3A_434, %dma_wait3A_435] : memref<10000x128xf32, #tpu.memory_space<vmem_shared>> -> memref<10000x128xf32, #tpu.memory_space<vmem_shared>>
      tpu.wait_indirect_dma semaphore(%run_scoped3A : memref<!tpu.dma_semaphore, #tpu.memory_space<semaphore_mem>>) src(%arg22 : memref<64x128xf32, #tpu.memory_space<vmem>>) dst(%dma_wait3A_436 : memref<10000x128xf32, #tpu.memory_space<vmem_shared>>)
      tpu.yield
    }) : () -> ()
    %barrier3A_418 = arith.constant 0 : index
    tpu.barrier barrier_id(%barrier3A_418)
    %mul3A_419 = arith.constant 624 : i32
    %mul3A_420 = arith.muli %arg1, %mul3A_419 : i32
    %eq3A_421 = arith.constant 0 : i32
    %eq3A_422 = arith.cmpi eq, %arg0, %eq3A_421 : i32
    %convert_element_type3A_423 = arith.extui %eq3A_422 : i1 to i32
    %cond3A_424 = arith.constant 0 : i32
    %cond3A_425 = arith.cmpi ne, %convert_element_type3A_423, %cond3A_424 : i32
    scf.if %cond3A_425 {
      %run_scoped3A = arith.constant 0 : i32
      "tpu.region"() ({
        %run_scoped3A_436 = tpu.sem_alloc : memref<!tpu.dma_semaphore, #tpu.memory_space<semaphore_mem>>
        %dma_start3A_437 = arith.constant 0 : i32
        %dma_start3A_438 = tpu.memref_slice %arg5[%run_scoped3A, %mul3A_420, %dma_start3A_437] : memref<2x10000x128xf32, #tpu.memory_space<hbm>> -> memref<1x624x128xf32, #tpu.memory_space<hbm>>
        %dma_start3A_439 = tpu.memref_squeeze %dma_start3A_438 : memref<1x624x128xf32, #tpu.memory_space<hbm>> -> memref<624x128xf32, #tpu.memory_space<hbm>>
        %dma_start3A_440 = arith.constant 0 : i32
        %dma_start3A_441 = tpu.memref_slice %arg26[%mul3A_420, %dma_start3A_440] : memref<10000x128xf32, #tpu.memory_space<vmem_shared>> -> memref<624x128xf32, #tpu.memory_space<vmem_shared>>
        tpu.enqueue_dma source(%dma_start3A_441 : memref<624x128xf32, #tpu.memory_space<vmem_shared>>) target(%dma_start3A_439 : memref<624x128xf32, #tpu.memory_space<hbm>>) target_semaphore(%run_scoped3A_436 : memref<!tpu.dma_semaphore, #tpu.memory_space<semaphore_mem>>)
        %dma_wait3A_442 = arith.constant 0 : i32
        %dma_wait3A_443 = tpu.memref_slice %arg5[%run_scoped3A, %mul3A_420, %dma_wait3A_442] : memref<2x10000x128xf32, #tpu.memory_space<hbm>> -> memref<1x624x128xf32, #tpu.memory_space<hbm>>
        %dma_wait3A_444 = tpu.memref_squeeze %dma_wait3A_443 : memref<1x624x128xf32, #tpu.memory_space<hbm>> -> memref<624x128xf32, #tpu.memory_space<hbm>>
        %dma_wait3A_445 = arith.constant 0 : i32
        %dma_wait3A_446 = tpu.memref_slice %arg26[%mul3A_420, %dma_wait3A_445] : memref<10000x128xf32, #tpu.memory_space<vmem_shared>> -> memref<624x128xf32, #tpu.memory_space<vmem_shared>>
        tpu.wait_dma2 semaphore(%run_scoped3A_436 : memref<!tpu.dma_semaphore, #tpu.memory_space<semaphore_mem>>) src(%dma_wait3A_446 : memref<624x128xf32, #tpu.memory_space<vmem_shared>>) dst(%dma_wait3A_444 : memref<624x128xf32, #tpu.memory_space<hbm>>)
        tpu.yield
      }) : () -> ()
      %eq3A_431 = arith.constant 15 : i32
      %eq3A_432 = arith.cmpi eq, %arg1, %eq3A_431 : i32
      %convert_element_type3A_433 = arith.extui %eq3A_432 : i1 to i32
      %cond3A_434 = arith.constant 0 : i32
      %cond3A_435 = arith.cmpi ne, %convert_element_type3A_433, %cond3A_434 : i32
      scf.if %cond3A_435 {
        %run_scoped3A_436 = arith.constant 0 : i32
        "tpu.region"() ({
          %run_scoped3A_437 = tpu.sem_alloc : memref<!tpu.dma_semaphore, #tpu.memory_space<semaphore_mem>>
          %dma_start3A_438 = arith.constant 9984 : i32
          %dma_start3A_439 = arith.constant 0 : i32
          %dma_start3A_440 = tpu.memref_slice %arg5[%run_scoped3A_436, %dma_start3A_438, %dma_start3A_439] : memref<2x10000x128xf32, #tpu.memory_space<hbm>> -> memref<1x16x128xf32, #tpu.memory_space<hbm>>
          %dma_start3A_441 = tpu.memref_squeeze %dma_start3A_440 : memref<1x16x128xf32, #tpu.memory_space<hbm>> -> memref<16x128xf32, #tpu.memory_space<hbm>>
          %dma_start3A_442 = arith.constant 9984 : i32
          %dma_start3A_443 = arith.constant 0 : i32
          %dma_start3A_444 = tpu.memref_slice %arg26[%dma_start3A_442, %dma_start3A_443] : memref<10000x128xf32, #tpu.memory_space<vmem_shared>> -> memref<16x128xf32, #tpu.memory_space<vmem_shared>>
          tpu.enqueue_dma source(%dma_start3A_444 : memref<16x128xf32, #tpu.memory_space<vmem_shared>>) target(%dma_start3A_441 : memref<16x128xf32, #tpu.memory_space<hbm>>) target_semaphore(%run_scoped3A_437 : memref<!tpu.dma_semaphore, #tpu.memory_space<semaphore_mem>>)
          %dma_wait3A_445 = arith.constant 9984 : i32
          %dma_wait3A_446 = arith.constant 0 : i32
          %dma_wait3A_447 = tpu.memref_slice %arg5[%run_scoped3A_436, %dma_wait3A_445, %dma_wait3A_446] : memref<2x10000x128xf32, #tpu.memory_space<hbm>> -> memref<1x16x128xf32, #tpu.memory_space<hbm>>
          %dma_wait3A_448 = tpu.memref_squeeze %dma_wait3A_447 : memref<1x16x128xf32, #tpu.memory_space<hbm>> -> memref<16x128xf32, #tpu.memory_space<hbm>>
          %dma_wait3A_449 = arith.constant 9984 : i32
          %dma_wait3A_450 = arith.constant 0 : i32
          %dma_wait3A_451 = tpu.memref_slice %arg26[%dma_wait3A_449, %dma_wait3A_450] : memref<10000x128xf32, #tpu.memory_space<vmem_shared>> -> memref<16x128xf32, #tpu.memory_space<vmem_shared>>
          tpu.wait_dma2 semaphore(%run_scoped3A_437 : memref<!tpu.dma_semaphore, #tpu.memory_space<semaphore_mem>>) src(%dma_wait3A_451 : memref<16x128xf32, #tpu.memory_space<vmem_shared>>) dst(%dma_wait3A_448 : memref<16x128xf32, #tpu.memory_space<hbm>>)
          tpu.yield
        }) : () -> ()
      } else {
      }
    } else {
    }
    %eq3A_426 = arith.constant 1 : i32
    %eq3A_427 = arith.cmpi eq, %arg0, %eq3A_426 : i32
    %convert_element_type3A_428 = arith.extui %eq3A_427 : i1 to i32
    %cond3A_429 = arith.constant 0 : i32
    %cond3A_430 = arith.cmpi ne, %convert_element_type3A_428, %cond3A_429 : i32
    scf.if %cond3A_430 {
      %run_scoped3A = arith.constant 1 : i32
      "tpu.region"() ({
        %run_scoped3A_436 = tpu.sem_alloc : memref<!tpu.dma_semaphore, #tpu.memory_space<semaphore_mem>>
        %dma_start3A_437 = arith.constant 0 : i32
        %dma_start3A_438 = tpu.memref_slice %arg5[%run_scoped3A, %mul3A_420, %dma_start3A_437] : memref<2x10000x128xf32, #tpu.memory_space<hbm>> -> memref<1x624x128xf32, #tpu.memory_space<hbm>>
        %dma_start3A_439 = tpu.memref_squeeze %dma_start3A_438 : memref<1x624x128xf32, #tpu.memory_space<hbm>> -> memref<624x128xf32, #tpu.memory_space<hbm>>
        %dma_start3A_440 = arith.constant 0 : i32
        %dma_start3A_441 = tpu.memref_slice %arg26[%mul3A_420, %dma_start3A_440] : memref<10000x128xf32, #tpu.memory_space<vmem_shared>> -> memref<624x128xf32, #tpu.memory_space<vmem_shared>>
        tpu.enqueue_dma source(%dma_start3A_441 : memref<624x128xf32, #tpu.memory_space<vmem_shared>>) target(%dma_start3A_439 : memref<624x128xf32, #tpu.memory_space<hbm>>) target_semaphore(%run_scoped3A_436 : memref<!tpu.dma_semaphore, #tpu.memory_space<semaphore_mem>>)
        %dma_wait3A_442 = arith.constant 0 : i32
        %dma_wait3A_443 = tpu.memref_slice %arg5[%run_scoped3A, %mul3A_420, %dma_wait3A_442] : memref<2x10000x128xf32, #tpu.memory_space<hbm>> -> memref<1x624x128xf32, #tpu.memory_space<hbm>>
        %dma_wait3A_444 = tpu.memref_squeeze %dma_wait3A_443 : memref<1x624x128xf32, #tpu.memory_space<hbm>> -> memref<624x128xf32, #tpu.memory_space<hbm>>
        %dma_wait3A_445 = arith.constant 0 : i32
        %dma_wait3A_446 = tpu.memref_slice %arg26[%mul3A_420, %dma_wait3A_445] : memref<10000x128xf32, #tpu.memory_space<vmem_shared>> -> memref<624x128xf32, #tpu.memory_space<vmem_shared>>
        tpu.wait_dma2 semaphore(%run_scoped3A_436 : memref<!tpu.dma_semaphore, #tpu.memory_space<semaphore_mem>>) src(%dma_wait3A_446 : memref<624x128xf32, #tpu.memory_space<vmem_shared>>) dst(%dma_wait3A_444 : memref<624x128xf32, #tpu.memory_space<hbm>>)
        tpu.yield
      }) : () -> ()
      %eq3A_431 = arith.constant 15 : i32
      %eq3A_432 = arith.cmpi eq, %arg1, %eq3A_431 : i32
      %convert_element_type3A_433 = arith.extui %eq3A_432 : i1 to i32
      %cond3A_434 = arith.constant 0 : i32
      %cond3A_435 = arith.cmpi ne, %convert_element_type3A_433, %cond3A_434 : i32
      scf.if %cond3A_435 {
        %run_scoped3A_436 = arith.constant 1 : i32
        "tpu.region"() ({
          %run_scoped3A_437 = tpu.sem_alloc : memref<!tpu.dma_semaphore, #tpu.memory_space<semaphore_mem>>
          %dma_start3A_438 = arith.constant 9984 : i32
          %dma_start3A_439 = arith.constant 0 : i32
          %dma_start3A_440 = tpu.memref_slice %arg5[%run_scoped3A_436, %dma_start3A_438, %dma_start3A_439] : memref<2x10000x128xf32, #tpu.memory_space<hbm>> -> memref<1x16x128xf32, #tpu.memory_space<hbm>>
          %dma_start3A_441 = tpu.memref_squeeze %dma_start3A_440 : memref<1x16x128xf32, #tpu.memory_space<hbm>> -> memref<16x128xf32, #tpu.memory_space<hbm>>
          %dma_start3A_442 = arith.constant 9984 : i32
          %dma_start3A_443 = arith.constant 0 : i32
          %dma_start3A_444 = tpu.memref_slice %arg26[%dma_start3A_442, %dma_start3A_443] : memref<10000x128xf32, #tpu.memory_space<vmem_shared>> -> memref<16x128xf32, #tpu.memory_space<vmem_shared>>
          tpu.enqueue_dma source(%dma_start3A_444 : memref<16x128xf32, #tpu.memory_space<vmem_shared>>) target(%dma_start3A_441 : memref<16x128xf32, #tpu.memory_space<hbm>>) target_semaphore(%run_scoped3A_437 : memref<!tpu.dma_semaphore, #tpu.memory_space<semaphore_mem>>)
          %dma_wait3A_445 = arith.constant 9984 : i32
          %dma_wait3A_446 = arith.constant 0 : i32
          %dma_wait3A_447 = tpu.memref_slice %arg5[%run_scoped3A_436, %dma_wait3A_445, %dma_wait3A_446] : memref<2x10000x128xf32, #tpu.memory_space<hbm>> -> memref<1x16x128xf32, #tpu.memory_space<hbm>>
          %dma_wait3A_448 = tpu.memref_squeeze %dma_wait3A_447 : memref<1x16x128xf32, #tpu.memory_space<hbm>> -> memref<16x128xf32, #tpu.memory_space<hbm>>
          %dma_wait3A_449 = arith.constant 9984 : i32
          %dma_wait3A_450 = arith.constant 0 : i32
          %dma_wait3A_451 = tpu.memref_slice %arg26[%dma_wait3A_449, %dma_wait3A_450] : memref<10000x128xf32, #tpu.memory_space<vmem_shared>> -> memref<16x128xf32, #tpu.memory_space<vmem_shared>>
          tpu.wait_dma2 semaphore(%run_scoped3A_437 : memref<!tpu.dma_semaphore, #tpu.memory_space<semaphore_mem>>) src(%dma_wait3A_451 : memref<16x128xf32, #tpu.memory_space<vmem_shared>>) dst(%dma_wait3A_448 : memref<16x128xf32, #tpu.memory_space<hbm>>)
          tpu.yield
        }) : () -> ()
      } else {
      }
    } else {
    }
    return
  }
}

</mosaic_0001>

<sc_bundles>
// kernel: _sc_scatter.3.cloned.1.call-start
scs
__scs_entry_jumppad:
0x0: {  	(pc) =	sbr.rel $0x88, $3  }
0x1: {  	(tag) =	ssettag $0x0;
	lr =	simm.s32 $0x1  }
0x2: {  	[smem:$0x3F9E] =	sst lr;
	_ =	strace $0xD0000000  }
0x3: {  	_ = 	snop  }
0x4: {  	_ = 	snop  }
0x5: {  	_ = 	snop  }
0x6: {  	_ = 	snop  }
0x7: {  	_ = 	snop  }
__scs_overlays_trampoline_lowered:
0x8: {  	[smem:$0x3FAD] =	sst s0  }
0x9: {  	[smem:$0x3FAE] =	sst s1  }
0xa: {  	[smem:$0x3FAF] =	sst s2  }
0xb: {  	[smem:$0x3FB0] =	sst s3  }
0xc: {  	[smem:$0x3FB1] =	sst s4  }
0xd: {  	[smem:$0x3FB2] =	sst s5  }
0xe: {  	[smem:$0x3FB3] =	sst s6  }
0xf: {  	[smem:$0x3FB4] =	sst s7  }
0x10: {  	[smem:$0x3FB5] =	sst s8  }
0x11: {  	[smem:$0x3FB6] =	sst s9;
	s0 =	simm.s32 @!p0 $0x0  }
0x12: {  	s1 =	sld [smem:$0x3F9C];
	s0 =	simm.s32 @p0 $0x1  }
0x13: {  	[smem:$0x3FB7] =	sst s0;
	s0 =	simm.s32 @!p1 $0x0  }
0x14: {  	s2 =	sld [smem:$0x3F9B];
	s0 =	simm.s32 @p1 $0x1  }
0x15: {  	[smem:$0x3FB8] =	sst s0;
	s0 =	simm.s32 @!p2 $0x0  }
0x16: {  	s3 =	sld [smem:$0x3FDB];
	s0 =	simm.s32 @p2 $0x1  }
0x17: {  	s4 =	simm.s32 $0x1BF5;
	[smem:$0x3FBA] =	sst s0  }
0x18: {  	s0 =	sld [smem:$0x3F9D];
	_ =	swait.ge [sflag:s4], $0x0  }
0x19: {  	s7 =	sld [smem:$0x3F9E]  }
0x1a: {  	s8 =	sadd.s32 $0xFFFFE003, lr  }
0x1b: {  	s9 =	sadd.s32 $0xFFFFFEF7, lr;
	s5 =	simm.s32 $0xFFFFFFFF;
	p2 =	slt.u32 s8, $0xFFFFF086  }
0x1c: {  	p1 =	slt.u32 s9, $0xF7A;
	s5 =	simm.s32 @!p2 $0x0  }
0x1d: {  	s5 =	simm.s32 @p1 $0x1;
	p0 =	seq.s32 s7, s2  }
0x1e: {  	s7 =	smul.u32 @!p0 $0xF7A, s2;
	p2 =	seq.s32 @!p0 s5, $0x0  }
0x1f: {  	s9 =	smul.u32 $0xF7A, s1;
	s8 =	simm.s32 @!p0 $0x1BF5;
	p2 =	por !p2, p0  }
0x20: {  	[sflag:s8] =	ssyncset.s32 @!p0 $0xFFFFF086;
	s6 =	sadd.s32 @!p0 s3, s7;
	s7 =	simm.s32 @!p0 $0x108  }
0x21: {  	s3 =	sadd.s32 s3, s9;
	s6 =	sadd.s32 @!p0 $0x88, s6;
	s7 =	simm.s32 @p2 $0x1082  }
0x22: {  	[simem:s7], [sflag:s8] =	dma.local @!p0 [hbm:s6], $0xF7A  }
0x23: {  	s9 =	sor.u32 $0xD0000000, s2;
	s6 =	simm.s32 $0x108;
	_ =	swait.ge @!p0 [sflag:s8], $0x0  }
0x24: {  	s3 =	sadd.s32 $0x88, s3;
	s6 =	simm.s32 @!p1 $0x1082;
	[sflag:s4] =	ssyncset.s32 $0xFFFFF086  }
0x25: {  	[simem:s6], [sflag:s4] =	dma.local [hbm:s3], $0xF7A  }
0x26: {  	[smem:$0x3F9E] =	sst s1;
	(tag) =	ssettag s2;
	_ =	strace s9  }
0x27: {  	s1 =	sld [smem:$0x3FAE]  }
0x28: {  	s2 =	sld [smem:$0x3FAF]  }
0x29: {  	s4 =	sld [smem:$0x3FB1]  }
0x2a: {  	p0 =	seq.s32 s5, $0x0;
	s5 =	sld [smem:$0x3FB2]  }
0x2b: {  	s6 =	sld [smem:$0x3FB3]  }
0x2c: {  	s7 =	sld [smem:$0x3FB4]  }
0x2d: {  	s3 =	simm.s32 $0x108;
	s8 =	sld [smem:$0x3FB5]  }
0x2e: {  	s3 =	simm.s32 @!p0 $0x1082;
	s9 =	sld [smem:$0x3FB6]  }
0x2f: {  	lr =	sadd.s32 s0, s3;
	s0 =	sld [smem:$0x3FAD]  }
0x30: {  	s3 =	sld [smem:$0x3FB0]  }
0x31: {  	[smem:$0x3FB9] =	sst s10  }
0x32: {  	s10 =	sld [smem:$0x3FB7];
	_ =	sdelay $0x3  }
0x33: {  	p0 =	seq.s32 s10, $0x1;
	s10 =	sld [smem:$0x3FB9];
	_ =	sdelay $0x3  }
0x34: {  	[smem:$0x3FB9] =	sst s10  }
0x35: {  	s10 =	sld [smem:$0x3FB8];
	_ =	sdelay $0x3  }
0x36: {  	p1 =	seq.s32 s10, $0x1;
	s10 =	sld [smem:$0x3FB9];
	_ =	sdelay $0x3  }
0x37: {  	[smem:$0x3FB9] =	sst s10  }
0x38: {  	s10 =	sld [smem:$0x3FBA]  }
0x39: {  	_ = 	snop;
	(pc) =	sbr.ind lr, $3  }
0x3a: {  	_ = 	snop  }
0x3b: {  	_ = 	snop  }
0x3c: {  	p2 =	seq.s32 s10, $0x1;
	s10 =	sld [smem:$0x3FB9]  }
0x3d: {  	_ =	shalt  }
0x3e: {  	_ =	shalt  }
0x3f: {  	_ =	shalt  }
0x40: {  	_ =	shalt  }
0x41: {  	_ =	shalt  }
0x42: {  	_ =	shalt  }
0x43: {  	_ =	shalt  }
0x44: {  	_ =	shalt  }
0x45: {  	_ =	shalt  }
0x46: {  	_ =	shalt  }
0x47: {  	_ =	shalt  }
0x48: {  	_ =	shalt  }
0x49: {  	_ =	shalt  }
0x4a: {  	_ =	shalt  }
0x4b: {  	_ =	shalt  }
0x4c: {  	_ =	shalt  }
0x4d: {  	_ =	shalt  }
0x4e: {  	_ =	shalt  }
0x4f: {  	_ =	shalt  }
0x50: {  	_ =	shalt  }
0x51: {  	_ =	shalt  }
0x52: {  	_ =	shalt  }
0x53: {  	_ =	shalt  }
0x54: {  	_ =	shalt  }
0x55: {  	_ =	shalt  }
0x56: {  	_ =	shalt  }
0x57: {  	_ =	shalt  }
0x58: {  	_ =	shalt  }
0x59: {  	_ =	shalt  }
0x5a: {  	_ =	shalt  }
0x5b: {  	_ =	shalt  }
0x5c: {  	_ =	shalt  }
0x5d: {  	_ =	shalt  }
0x5e: {  	_ =	shalt  }
0x5f: {  	_ =	shalt  }
0x60: {  	_ =	shalt  }
0x61: {  	_ =	shalt  }
0x62: {  	_ =	shalt  }
0x63: {  	_ =	shalt  }
0x64: {  	_ =	shalt  }
0x65: {  	_ =	shalt  }
0x66: {  	_ =	shalt  }
0x67: {  	_ =	shalt  }
0x68: {  	_ =	shalt  }
0x69: {  	_ =	shalt  }
0x6a: {  	_ =	shalt  }
0x6b: {  	_ =	shalt  }
0x6c: {  	_ =	shalt  }
0x6d: {  	_ =	shalt  }
0x6e: {  	_ =	shalt  }
0x6f: {  	_ =	shalt  }
0x70: {  	_ =	shalt  }
0x71: {  	_ =	shalt  }
0x72: {  	_ =	shalt  }
0x73: {  	_ =	shalt  }
0x74: {  	_ =	shalt  }
0x75: {  	_ =	shalt  }
0x76: {  	_ =	shalt  }
0x77: {  	_ =	shalt  }
0x78: {  	_ =	shalt  }
0x79: {  	_ =	shalt  }
0x7a: {  	_ =	shalt  }
0x7b: {  	_ =	shalt  }
0x7c: {  	_ =	shalt  }
0x7d: {  	_ =	shalt  }
0x7e: {  	_ =	shalt  }
0x7f: {  	_ =	shalt  }
0x80: {  	_ =	shalt  }
0x81: {  	_ =	shalt  }
0x82: {  	_ =	shalt  }
0x83: {  	_ =	shalt  }
0x84: {  	_ =	shalt  }
0x85: {  	_ =	shalt  }
0x86: {  	_ =	shalt  }
0x87: {  	_ =	shalt  }
.Lfunc_end0:
.L_simem_size_0:
called_computation_lowered:
.L_overlay_start_0:
0x88: {  	s2 =	sld [smem:$0x3FD9]  }
0x89: {  	s3 =	sld [smem:$0x3FFE];
	_ =	sdelay $0x1  }
0x8a: {  	s1 =	srdreg.scid  }
0x8b: {  	s0 =	sand.u32 $0x1, s1  }
0x8c: {  	s17 =	sshll.u32 s0, $0xA;
	s2 =	sadd.s32 s3, s2  }
0x8d: {  	s2 =	sadd.s32 s2, s17  }
0x8e: {  	[smem:$0x3FC5] =	sst s2  }
0x8f: {  	_ = 	snop  }
0x90: {  	s2 =	sld [smem:$0x3FC9]  }
0x91: {  	s18 =	sld [smem:$0x3FD0];
	(tm) =	ssettm $0x1  }
0x92: {  	s4 =	sld [smem:$0x3FFB];
	_ =	sdelay $0x3  }
0x93: {  	_ =	strace s4  }
0x94: {  	s4 =	sld [smem:$0x3FFC];
	_ =	sdelay $0x3  }
0x95: {  	_ =	strace s4  }
0x96: {  	s4 =	sld [smem:$0x3FFD];
	_ =	sdelay $0x3  }
0x97: {  	_ =	strace s4  }
0x98: {  	_ =	strace $0x8FFFFFFF  }
0x99: {  	s19 =	sld [smem:$0x3FDB];
	_ =	sdelay $0x1  }
0x9a: {  	s5 =	simm.s32 $_scs_section_size  }
0x9b: {  	s6 =	simm.s32 $_size__tile_overlayer_lowered;
	s7 =	simm.s32 $_tile_overlayer_lowered  }
0x9c: {  	s22 =	simm.s32 $0x1BFF;
	s21 =	sshll.u32 s7, $0x1;
	s4 =	sadd.s32 s5, s19  }
0x9d: {  	s8 =	simm.s32 $0x0;
	s20 =	sshll.u32 s6, $0x1;
	s6 =	sadd.s32 s21, s4  }
0x9e: {  	[timem:s8], [sflag:s22] =	dma.local [hbm:s6], s20  }
0x9f: {  	_ =	swait.ge [sflag:s22], s20  }
0xa0: {  	s5 =	ssub.s32 $0x0, s20;
	[sflag:s22] =	ssyncset.done $0x0  }
0xa1: {  	[sflag:s22] =	ssyncadd.s32 s5;
	_ =	sdelay $0x1  }
0xa2: {  	s23 =	simm.s32 $0x1B8B  }
0xa3: {  	_ =	swait.ge [sflag:s23], $0x1  }
0xa4: {  	[sflag:s23] =	ssyncset.done $0x0  }
0xa5: {  	s25 =	simm.s32 $0x1B8E;
	s24 =	sld [smem:$0x3FFE];
	[sflag:s23] =	ssyncadd.s32 $0xFFFFFFFF  }
0xa6: {  	s26 =	simm.s32 $execute0_lowered;
	[smem:$0x3FD2] =	sst s25  }
0xa7: {  	s6 =	sshll.u32 s26, $0x1;
	_ =	strace $0x80000046;
	[dreg:$0x1] =	wrdreg $0xFFFFFFFF  }
0xa8: {  	s28 =	simm.s32 $_size_execute0_lowered;
	s4 =	sadd.s32 s4, s6;
	[dreg:$0x0] =	wrdreg $0x0  }
0xa9: {  	s6 =	sshll.u32 s28, $0x1;
	[dreg:$0x2] =	wrdreg s4  }
0xaa: {  	[dreg:$0x3] =	wrdreg s6  }
0xab: {  	[dreg:$0x4] =	wrdreg $0xC0  }
0xac: {  	_ =	task [dreg:s8], $0x5FFFF  }
0xad: {  	[dreg:$0x1] =	wrdreg $0xFFFFFFFF  }
0xae: {  	[dreg:$0x0] =	wrdreg $0x60  }
0xaf: {  	[dreg:$0x2] =	wrdreg s2  }
0xb0: {  	[dreg:$0x3] =	wrdreg s24  }
0xb1: {  	[dreg:$0x4] =	wrdreg s18  }
0xb2: {  	[dreg:$0x5] =	wrdreg $0xC3000  }
0xb3: {  	[dreg:$0x6] =	wrdreg $0x9  }
0xb4: {  	_ =	task.clear_ibuf [dreg:s8], $0x7FFFF;
	_ =	strace $0x90000046  }
0xb5: {  	s29 =	simm.s32 $0x9;
	_ =	strace $0x80000048  }
0xb6: {  	_ =	swait.ge [sflag:s29], $0x1  }
0xb7: {  	[sflag:s29] =	ssyncadd.s32 $0xFFFFFFFF  }
0xb8: {  	_ =	strace $0x90000048  }
0xb9: {  	_ =	sfence  }
0xba: {  	s30 =	sld [smem:$0x0];
	_ =	sdelay $0x2  }
0xbb: {  	s31 =	sshll.u32 s1, $0xD;
	s1 =	sshrl.u32 s1, $0x2  }
0xbc: {  	s3 =	sand.u32 $0x4000, s31;
	s1 =	sadd.s32 s1, s30  }
0xbd: {  	s0 =	sor.u32 s3, s0;
	s1 =	sshll.u32 s1, $0x11  }
0xbe: {  	s0 =	sor.u32 s1, s0  }
0xbf: {  	s0 =	sadd.s32 $0x8F2B, s0  }
0xc0: {  	[sflag:s0] =	ssyncadd.remote.s32 $0x1  }
0xc1: {  	_ =	sfence.sel $0xFFFF  }
0xc2: {  	[dreg:$0x0] =	wrdreg $0xFFFFFFFF;
	(pc) =	sbr.abs _section_cstart, $3  }
0xc3: {  	[dreg:$0x1] =	wrdreg $0xFFFFFFFF  }
0xc4: {  	_ =	task.clear_ibuf [dreg:s8], $0x2FFFF;
	_ =	strace $0x9FFFFFFF  }
0xc5: {  	(tm) =	ssettm $0x7FFFFFFF  }
tec
execute0_lowered:
.L_overlay_start_1:
0x0: {  	(tag) =	ssettag $0x1  }
0x1: {  	s0 =	rddreg [dreg:$0x0]  }
0x2: {  	s1 =	rddreg [dreg:$0x1]  }
0x3: {  	s7 =	rddreg [dreg:$0x2]  }
0x4: {  	s2 =	srdreg.scid;
	s3 =	rddreg [dreg:$0x3]  }
0x5: {  	s13 =	stileid.u32;
	s4 =	simm.s32 $0x0;
	s28 =	simm.s32 $0x140  }
0x6: {  	s29 =	simm.s32 $0x1300;
	s31 =	simm.s32 $0x1C0;
	s10 =	smul.u32 $0x4E000, s13  }
0x7: {  	[smem:$0x7FF] =	sst s4;
	s12 =	smul.u32 $0x13800, s13;
	s14 =	sadd.s32 $0x138000, s3  }
0x8: {  	s30 =	simm.s32 $0x5;
	_ =	strace $0x80000047;
	[dreg:$0x17] =	wrdreg s14  }
0x9: {  	s10 =	sshrl.u32 s10, $0x2;
	s15 =	sadd.s32 s12, s3;
	s25 =	sshrl.u32 s12, $0x3  }
0xa: {  	s17 =	sadd.s32 s10, s3;
	s26 =	sadd.s32 s7, s25;
	[dreg:$0x6] =	wrdreg s15  }
0xb: {  	s2 =	sand.u32 $0x1, s2;
	s10 =	sadd.s32 $0x2000, s17;
	[dreg:$0x10] =	wrdreg s26  }
0xc: {  	s6 =	sadd.s32 $0x14000, s1;
	s18 =	sadd.s32 $0x4000, s17;
	[dreg:$0x7] =	wrdreg s10  }
0xd: {  	s5 =	sshll.u32 s2, $0x4;
	s19 =	sadd.s32 $0x6000, s17;
	[dreg:$0x8] =	wrdreg s18  }
0xe: {  	s9 =	ssub.s32 $0x2, s2;
	s20 =	sadd.s32 $0x8000, s17;
	[dreg:$0x9] =	wrdreg s19  }
0xf: {  	s5 =	sor.u32 s13, s5;
	s21 =	sadd.s32 $0xA000, s17;
	[dreg:$0xa] =	wrdreg s20  }
0x10: {  	s16 =	sshrl.u32 s9, $0x1;
	s22 =	sadd.s32 $0xC000, s17;
	[dreg:$0xb] =	wrdreg s21  }
0x11: {  	s8 =	smul.u32 $0x2710, s5;
	s23 =	sadd.s32 $0xE000, s17;
	[dreg:$0xc] =	wrdreg s22  }
0x12: {  	s5 =	sadd.s32 $0x600, s1;
	s24 =	sadd.s32 $0x10000, s17;
	[dreg:$0xd] =	wrdreg s23  }
0x13: {  	s1 =	ssub.s32 s9, s16;
	s9 =	sadd.s32 $0x12000, s17;
	[dreg:$0xe] =	wrdreg s24  }
0x14: {  	p1 =	sne.s32 s13, $0xF;
	s1 =	smax.u32 s1, $0x1;
	[dreg:$0xf] =	wrdreg s9  }
0x15: {  	p2 =	seq.s32 s13, $0xF;
	s26 =	sadd.s32 $0x27100, s26;
	[dreg:$0x13] =	wrdreg s1  }
0x16: {  	p0 =	seq.s32 s2, $0x1;
	s9 =	sadd.s32 $0x27000, s7;
	[dreg:$0x1e] =	wrdreg s26  }
0x17: {  	s11 =	sshrl.u32 s8, $0x3;
	s7 =	sadd.s32 $0x4E100, s7;
	[dreg:$0x11] =	wrdreg s9  }
0x18: {  	s14 =	simm.s32 $0x3;
	s11 =	sadd.s32 s0, s11;
	[dreg:$0x12] =	wrdreg s7  }
0x19: {  	s18 =	sadd.s32 $0x100, s8;
	s10 =	sadd.s32 $0x9C40, s11;
	[dreg:$0x5] =	wrdreg s11  }
0x1a: {  	s19 =	sadd.s32 $0x140, s8;
	s12 =	sadd.s32 $0x8, s11;
	[dreg:$0x14] =	wrdreg s10  }
0x1b: {  	s20 =	sadd.s32 $0x180, s8;
	s13 =	sadd.s32 $0x9C48, s11;
	[dreg:$0x15] =	wrdreg s12  }
0x1c: {  	s21 =	sadd.s32 $0x1C0, s8;
	s16 =	sadd.s32 $0x10, s11;
	[dreg:$0x16] =	wrdreg s13  }
0x1d: {  	s26 =	simm.s32 $0x4;
	s17 =	sadd.s32 $0x9C50, s11;
	[dreg:$0x18] =	wrdreg s16  }
0x1e: {  	s1 =	simm.s32 $0x3300;
	s22 =	sadd.s32 $0x18, s11;
	[dreg:$0x19] =	wrdreg s17  }
.Ltmp0:
0x1f: {  	s23 =	sadd.s32 $0x9C58, s11;
	[dreg:$0x1a] =	wrdreg s22;
	(pc) =	sbr.rel .LBB2_1-.Ltmp0, $4  }
0x20: {  	s9 =	simm.s32 $0x40;
	s24 =	sadd.s32 $0x4E0, s11;
	[dreg:$0x1b] =	wrdreg s23  }
0x21: {  	s7 =	simm.s32 $0x6;
	s25 =	sadd.s32 $0xA120, s11;
	[dreg:$0x1c] =	wrdreg s24  }
0x22: {  	s11 =	simm.s32 $0x0;
	[dreg:$0x1d] =	wrdreg s25;
	s12 =	simm.s32 $0x4300  }
0x23: {  	v0 =	vimm.f32 $0.0e+00;
	v1 =	vimm.s32 $0x0;
	s13 =	simm.s32 $0x7;
	s23 =	simm.s32 $0x1;
	s22 =	simm.s32 $0x2  }
.LBB2_21:
0x24: {  	s10 =	rddreg [dreg:$0x17]  }
0x25: {  	s10 =	sshrl.u32 s10, $0x3  }
0x26: {  	[hbm:s8], [sflag:s2] =	dma.local [spmem:s10], $0x100  }
0x27: {  	_ =	swait.ge [sflag:s13], $0x100  }
0x28: {  	[sflag:s13] =	ssyncset.done $0x0  }
0x29: {  	[sflag:s13] =	ssyncadd.s32 $0xFFFFFF00  }
.LBB2_22:
0x2a: {  	s11 =	sadd.s32 $0x1, s11;
	s2 =	rddreg [dreg:$0x13]  }
0x2b: {  	p3 =	sne.s32 s11, s2  }
.Ltmp1:
0x2c: {  	_ = 	snop;
	(pc) =	sbr.rel @!p3 .LBB2_23-.Ltmp1, $1  }
0x2d: {  	_ =	sdelay $0x3  }
.LBB2_1:
0x2e: {  	[dreg:$0x1f] =	wrdreg s11  }
0x2f: {  	s2 =	rddreg [dreg:$0x5]  }
0x30: {  	s16 =	rddreg [dreg:$0x14]  }
0x31: {  	[tilespmem:s4], [sflag:$0x3] =	stream.linear.gather [hbm4b:s2+s4], $0x40, $0x38;
	[tilespmem:$0x1FB80] =	vst v63  }
0x32: {  	s17 =	rddreg [dreg:$0x15]  }
0x33: {  	[tilespmem:s9], [sflag:$0x3] =	stream.linear.gather [hbm4b:s16+s4], $0x40, $0x38;
	[tilespmem:$0x1FB80] =	vst v63  }
0x34: {  	s8 =	simm.s32 $0x80;
	s24 =	rddreg [dreg:$0x16]  }
0x35: {  	[tilespmem:s8], [sflag:$0x4] =	stream.linear.gather [hbm4b:s17+s4], $0x40, $0x38;
	[tilespmem:$0x1FB80] =	vst v63  }
0x36: {  	s25 =	simm.s32 $0xC0;
	s2 =	simm.s32 $0x0;
	s8 =	simm.s32 $0x200  }
0x37: {  	[tilespmem:s25], [sflag:$0x4] =	stream.linear.gather [hbm4b:s24+s4], $0x40, $0x38;
	[tilespmem:$0x1FB80] =	vst v63  }
.LBB2_2:
0x38: {  	p3 =	sne.s32 s8, $0x7E00;
	[tilespmem:s2+$0x4370] =	vst v0  }
0x39: {  	[tilespmem:s2+$0x4300] =	vst v0  }
0x3a: {  	[tilespmem:s2+$0x4310] =	vst v0  }
.Ltmp2:
0x3b: {  	[tilespmem:s2+$0x4320] =	vst v0;
	(pc) =	sbr.rel @p3 .LBB2_2-.Ltmp2, $4  }
0x3c: {  	[tilespmem:s2+$0x4330] =	vst v0  }
0x3d: {  	[tilespmem:s2+$0x4340] =	vst v0  }
0x3e: {  	[tilespmem:s2+$0x4350] =	vst v0  }
0x3f: {  	[tilespmem:s2+$0x4360] =	vst v0;
	s2 =	sshra.s32 s8, $0x2;
	s8 =	sadd.s32 $0x200, s8  }
0x40: {  	[tilespmem:s2+$0x4370] =	vst v0  }
0x41: {  	[tilespmem:s2+$0x4300] =	vst v0  }
0x42: {  	[tilespmem:s2+$0x4310] =	vst v0  }
0x43: {  	[tilespmem:s2+$0x4320] =	vst v0  }
0x44: {  	[tilespmem:s2+$0x4330] =	vst v0  }
0x45: {  	[tilespmem:s2+$0x4340] =	vst v0  }
0x46: {  	[tilespmem:s2+$0x4350] =	vst v0  }
0x47: {  	[tilespmem:s2+$0x4360] =	vst v0  }
0x48: {  	[spmem:s15] =	stream.linear.scatter [tilespmem:s12], [sflag:$0x7], $0x2000, $0x38;
	[tilespmem:$0x1FB80] =	vst v63  }
0x49: {  	_ =	swait.ge [sflag:s13], $0x2000  }
0x4a: {  	[sflag:s13] =	ssyncset.done $0x0  }
0x4b: {  	s17 =	rddreg [dreg:$0x7];
	[sflag:s13] =	ssyncadd.s32 $0xFFFFE000  }
0x4c: {  	[spmem:s17] =	stream.linear.scatter [tilespmem:s12], [sflag:$0x7], $0x2000, $0x38;
	[tilespmem:$0x1FB80] =	vst v63  }
0x4d: {  	_ =	swait.ge [sflag:s13], $0x2000  }
0x4e: {  	[sflag:s13] =	ssyncset.done $0x0  }
0x4f: {  	s24 =	rddreg [dreg:$0x8];
	[sflag:s13] =	ssyncadd.s32 $0xFFFFE000  }
0x50: {  	[spmem:s24] =	stream.linear.scatter [tilespmem:s12], [sflag:$0x7], $0x2000, $0x38;
	[tilespmem:$0x1FB80] =	vst v63  }
0x51: {  	_ =	swait.ge [sflag:s13], $0x2000  }
0x52: {  	[sflag:s13] =	ssyncset.done $0x0  }
0x53: {  	s25 =	rddreg [dreg:$0x9];
	[sflag:s13] =	ssyncadd.s32 $0xFFFFE000  }
0x54: {  	[spmem:s25] =	stream.linear.scatter [tilespmem:s12], [sflag:$0x7], $0x2000, $0x38;
	[tilespmem:$0x1FB80] =	vst v63  }
0x55: {  	_ =	swait.ge [sflag:s13], $0x2000  }
0x56: {  	[sflag:s13] =	ssyncset.done $0x0  }
0x57: {  	s8 =	rddreg [dreg:$0xa];
	[sflag:s13] =	ssyncadd.s32 $0xFFFFE000  }
0x58: {  	[spmem:s8] =	stream.linear.scatter [tilespmem:s12], [sflag:$0x7], $0x2000, $0x38;
	[tilespmem:$0x1FB80] =	vst v63  }
0x59: {  	_ =	swait.ge [sflag:s13], $0x2000  }
0x5a: {  	[sflag:s13] =	ssyncset.done $0x0  }
0x5b: {  	s10 =	rddreg [dreg:$0xb];
	[sflag:s13] =	ssyncadd.s32 $0xFFFFE000  }
0x5c: {  	[spmem:s10] =	stream.linear.scatter [tilespmem:s12], [sflag:$0x7], $0x2000, $0x38;
	[tilespmem:$0x1FB80] =	vst v63  }
0x5d: {  	_ =	swait.ge [sflag:s13], $0x2000  }
0x5e: {  	[sflag:s13] =	ssyncset.done $0x0  }
0x5f: {  	s11 =	rddreg [dreg:$0xc];
	[sflag:s13] =	ssyncadd.s32 $0xFFFFE000  }
0x60: {  	[spmem:s11] =	stream.linear.scatter [tilespmem:s12], [sflag:$0x7], $0x2000, $0x38;
	[tilespmem:$0x1FB80] =	vst v63  }
0x61: {  	_ =	swait.ge [sflag:s13], $0x2000  }
0x62: {  	[sflag:s13] =	ssyncset.done $0x0  }
0x63: {  	s15 =	rddreg [dreg:$0xd];
	[sflag:s13] =	ssyncadd.s32 $0xFFFFE000  }
0x64: {  	[spmem:s15] =	stream.linear.scatter [tilespmem:s12], [sflag:$0x7], $0x2000, $0x38;
	[tilespmem:$0x1FB80] =	vst v63  }
0x65: {  	_ =	swait.ge [sflag:s13], $0x2000  }
0x66: {  	[sflag:s13] =	ssyncset.done $0x0  }
0x67: {  	s16 =	rddreg [dreg:$0xe];
	[sflag:s13] =	ssyncadd.s32 $0xFFFFE000  }
0x68: {  	[spmem:s16] =	stream.linear.scatter [tilespmem:s12], [sflag:$0x7], $0x2000, $0x38;
	[tilespmem:$0x1FB80] =	vst v63  }
0x69: {  	_ =	swait.ge [sflag:s13], $0x2000  }
0x6a: {  	[sflag:s13] =	ssyncset.done $0x0  }
0x6b: {  	s17 =	rddreg [dreg:$0xf];
	[sflag:s13] =	ssyncadd.s32 $0xFFFFE000  }
0x6c: {  	[spmem:s17] =	stream.linear.scatter [tilespmem:s12], [sflag:$0x7], $0x1800, $0x38;
	[tilespmem:$0x1FB80] =	vst v63  }
0x6d: {  	_ =	swait.ge [sflag:s13], $0x1800  }
0x6e: {  	[sflag:s13] =	ssyncset.done $0x0  }
0x6f: {  	s2 =	simm.s32 @!p1 $0x4300;
	s8 =	rddreg [dreg:$0x17];
	[sflag:s13] =	ssyncadd.s32 $0xFFFFE800  }
0x70: {  	[spmem:s8] =	stream.linear.scatter @!p1 [tilespmem:s2], [sflag:$0x7], $0x800, $0x38;
	[tilespmem:$0x1FB80] =	vst v63  }
0x71: {  	s2 =	simm.s32 @!p1 $0x7  }
0x72: {  	_ =	swait.ge @!p1 [sflag:s2], $0x800  }
0x73: {  	[sflag:s2] =	ssyncset.done @!p1 $0x0  }
0x74: {  	[sflag:s2] =	ssyncadd.s32 @!p1 $0xFFFFF800  }
0x75: {  	[bflag:$0x0] =	sbarrier.arrive $0xFFFF  }
0x76: {  	_ =	swait.ge [sflag:s14], $0x40  }
0x77: {  	[sflag:s14] =	ssyncset.done $0x0  }
0x78: {  	[sflag:s14] =	ssyncadd.s32 $0xFFFFFFC0  }
0x79: {  	_ =	swait.ge [sflag:s14], $0x40  }
0x7a: {  	[sflag:s14] =	ssyncset.done $0x0  }
0x7b: {  	[sflag:s14] =	ssyncadd.s32 $0xFFFFFFC0  }
0x7c: {  	v2 =	vld [tilespmem:$0x0]  }
0x7d: {  	v3 =	vld [tilespmem:$0x40];
	_ =	sdelay $0x1  }
0x7e: {  	v4 =	vld [tilespmem:$0x10]  }
0x7f: {  	v5 =	vld [tilespmem:$0x50];
	_ =	sdelay $0x1  }
0x80: {  	v7 =	vld [tilespmem:$0x20];
	v6 =	vsub.s32 v2, v3  }
0x81: {  	v8 =	vld [tilespmem:$0x60];
	[tilespmem:$0x100] =	vst v2;
	vm0 =	vlt.s32 v6, $0x0;
	v2 =	vadd.s32 $0x2710, v6  }
0x82: {  	[tilespmem:$0x200] =	vst v3;
	v2 =	vsel vm0, v2, v6  }
0x83: {  	v54 =	vld [tilespmem:$0x70];
	[tilespmem:$0x180] =	vst v2;
	v2 =	vsub.s32 v4, v5  }
0x84: {  	v3 =	vld [tilespmem:$0x30];
	[tilespmem:$0x110] =	vst v4;
	vm9 =	vlt.s32 v2, $0x0;
	v53 =	vadd.s32 $0x2710, v2  }
0x85: {  	[tilespmem:$0x210] =	vst v5;
	v2 =	vsel vm9, v53, v2  }
0x86: {  	[tilespmem:$0x190] =	vst v2;
	v2 =	vsub.s32 v7, v8  }
0x87: {  	[tilespmem:$0x120] =	vst v7;
	vm10 =	vlt.s32 v2, $0x0;
	v55 =	vadd.s32 $0x2710, v2  }
0x88: {  	[tilespmem:$0x220] =	vst v8;
	v2 =	vsel vm10, v55, v2  }
0x89: {  	[tilespmem:$0x1A0] =	vst v2;
	v2 =	vsub.s32 v3, v54  }
0x8a: {  	[tilespmem:$0x130] =	vst v3;
	vm11 =	vlt.s32 v2, $0x0;
	v3 =	vadd.s32 $0x2710, v2  }
0x8b: {  	[tilespmem:$0x230] =	vst v54;
	v2 =	vsel vm11, v3, v2  }
0x8c: {  	s24 =	simm.s32 $0x100;
	s25 =	simm.s32 $0x300;
	[tilespmem:$0x1B0] =	vst v2  }
0x8d: {  	[tilespmem:s25], [sflag:$0x1] =	stream.indirect.gather [hbm4b:s5+s9], $0x40, s24, s9, $0xb8;
	[tilespmem:$0x1FB80] =	vst v63  }
0x8e: {  	s10 =	simm.s32 $0x180;
	s11 =	simm.s32 $0x2300  }
0x8f: {  	[tilespmem:s11], [sflag:$0x1] =	stream.indirect.gather [hbm4b:s6+s9], $0x40, s10, s9, $0xb8;
	[tilespmem:$0x1FB80] =	vst v63  }
0x90: {  	s8 =	simm.s32 $0x0;
	s15 =	rddreg [dreg:$0x18]  }
0x91: {  	[tilespmem:s8], [sflag:$0x3] =	stream.linear.gather [hbm4b:s15+s8], $0x40, $0x38;
	[tilespmem:$0x1FB80] =	vst v63  }
0x92: {  	s16 =	rddreg [dreg:$0x19]  }
0x93: {  	[tilespmem:s9], [sflag:$0x3] =	stream.linear.gather [hbm4b:s16+s8], $0x40, $0x38;
	[tilespmem:$0x1FB80] =	vst v63  }
0x94: {  	_ =	swait.ge [sflag:s26], $0x40  }
0x95: {  	[sflag:s26] =	ssyncset.done $0x0  }
0x96: {  	[sflag:s26] =	ssyncadd.s32 $0xFFFFFFC0  }
0x97: {  	_ =	swait.ge [sflag:s26], $0x40  }
0x98: {  	[sflag:s26] =	ssyncset.done $0x0  }
0x99: {  	[sflag:s26] =	ssyncadd.s32 $0xFFFFFFC0  }
0x9a: {  	v2 =	vld [tilespmem:$0x80]  }
0x9b: {  	v3 =	vld [tilespmem:$0xC0];
	_ =	sdelay $0x1  }
0x9c: {  	v56 =	vld [tilespmem:$0x90]  }
0x9d: {  	v57 =	vld [tilespmem:$0xD0];
	_ =	sdelay $0x1  }
0x9e: {  	v59 =	vld [tilespmem:$0xA0];
	v58 =	vsub.s32 v2, v3  }
0x9f: {  	v60 =	vld [tilespmem:$0xE0];
	[tilespmem:$0x140] =	vst v2;
	vm12 =	vlt.s32 v58, $0x0;
	v2 =	vadd.s32 $0x2710, v58  }
0xa0: {  	[tilespmem:$0x240] =	vst v3;
	v2 =	vsel vm12, v2, v58  }
0xa1: {  	v62 =	vld [tilespmem:$0xF0];
	[tilespmem:$0x1C0] =	vst v2;
	v2 =	vsub.s32 v56, v57  }
0xa2: {  	v3 =	vld [tilespmem:$0xB0];
	[tilespmem:$0x150] =	vst v56;
	vm13 =	vlt.s32 v2, $0x0;
	v61 =	vadd.s32 $0x2710, v2  }
0xa3: {  	[tilespmem:$0x250] =	vst v57;
	v2 =	vsel vm13, v61, v2  }
0xa4: {  	[tilespmem:$0x1D0] =	vst v2;
	v2 =	vsub.s32 v59, v60  }
0xa5: {  	[tilespmem:$0x160] =	vst v59;
	vm14 =	vlt.s32 v2, $0x0;
	v63 =	vadd.s32 $0x2710, v2  }
0xa6: {  	[tilespmem:$0x260] =	vst v60;
	v2 =	vsel vm14, v63, v2  }
0xa7: {  	[tilespmem:$0x1E0] =	vst v2;
	v2 =	vsub.s32 v3, v62  }
0xa8: {  	[tilespmem:$0x170] =	vst v3;
	vm15 =	vlt.s32 v2, $0x0;
	v3 =	vadd.s32 $0x2710, v2  }
0xa9: {  	[tilespmem:$0x270] =	vst v62;
	v2 =	vsel vm15, v3, v2  }
0xaa: {  	[tilespmem:$0x1F0] =	vst v2  }
0xab: {  	[tilespmem:s29], [sflag:$0x2] =	stream.indirect.gather [hbm4b:s5+s9], $0x40, s28, s9, $0xb8;
	[tilespmem:$0x1FB80] =	vst v63  }
0xac: {  	_ = 	snop  }
0xad: {  	[tilespmem:s1], [sflag:$0x2] =	stream.indirect.gather [hbm4b:s6+s9], $0x40, s31, s9, $0xb8;
	[tilespmem:$0x1FB80] =	vst v63  }
0xae: {  	s10 =	simm.s32 $0x80;
	s17 =	rddreg [dreg:$0x1a]  }
0xaf: {  	[tilespmem:s10], [sflag:$0x4] =	stream.linear.gather [hbm4b:s17+s8], $0x40, $0x38;
	[tilespmem:$0x1FB80] =	vst v63  }
0xb0: {  	s25 =	simm.s32 $0xC0;
	s24 =	rddreg [dreg:$0x1b]  }
0xb1: {  	[tilespmem:s25], [sflag:$0x4] =	stream.linear.gather [hbm4b:s24+s8], $0x40, $0x38;
	[tilespmem:$0x1FB80] =	vst v63  }
.LBB2_4:
0xb2: {  	_ =	swait.ge [sflag:s23], $0x1000  }
0xb3: {  	[sflag:s23] =	ssyncset.done $0x0  }
0xb4: {  	[sflag:s23] =	ssyncadd.s32 $0xFFFFF000  }
0xb5: {  	_ =	swait.ge [sflag:s23], $0x1000  }
0xb6: {  	p4 =	seq.s32 s8, $0x0;
	[sflag:s23] =	ssyncset.done $0x0  }
0xb7: {  	s2 =	simm.s32 @!p4 $0x5;
	[sflag:s23] =	ssyncadd.s32 $0xFFFFF000  }
0xb8: {  	_ =	swait.ge @!p4 [sflag:s2], $0x2000  }
0xb9: {  	[sflag:s2] =	ssyncset.done @!p4 $0x0  }
0xba: {  	s11 =	simm.s32 $0x380;
	[sflag:s2] =	ssyncadd.s32 @!p4 $0xFFFFE000  }
0xbb: {  	s2 =	simm.s32 $0x2380;
	v2 =	vld [tilespmem:s11+$0xFFFFFF80]  }
0xbc: {  	v3 =	vld [tilespmem:s2+$0xFFFFFF80];
	_ =	sdelay $0x4  }
0xbd: {  	v4 =	vshll.u32 v2, $0x10;
	v5 =	vshll.u32 v3, $0x10  }
0xbe: {  	v2 =	vand.u32 $0xFFFF0000, v2;
	v3 =	vand.u32 $0xFFFF0000, v3;
	v4 =	vmul.f32 v5, v4  }
0xbf: {  	s10 =	simm.s32 $0x4400;
	v2 =	vmul.f32 v3, v2  }
0xc0: {  	[tilespmem:s10+$0xFFFFFF00] =	vst v4  }
0xc1: {  	[tilespmem:s10+$0xFFFFFF10] =	vst v2  }
0xc2: {  	v2 =	vld [tilespmem:s11+$0xFFFFFF90]  }
0xc3: {  	v3 =	vld [tilespmem:s2+$0xFFFFFF90];
	_ =	sdelay $0x4  }
0xc4: {  	v40 =	vshll.u32 v2, $0x10;
	v41 =	vshll.u32 v3, $0x10  }
0xc5: {  	v2 =	vand.u32 $0xFFFF0000, v2;
	v3 =	vand.u32 $0xFFFF0000, v3;
	v4 =	vmul.f32 v41, v40  }
0xc6: {  	v2 =	vmul.f32 v3, v2  }
0xc7: {  	[tilespmem:s10+$0xFFFFFF20] =	vst v4  }
0xc8: {  	[tilespmem:s10+$0xFFFFFF30] =	vst v2  }
0xc9: {  	v2 =	vld [tilespmem:s11+$0xFFFFFFA0]  }
0xca: {  	v3 =	vld [tilespmem:s2+$0xFFFFFFA0];
	_ =	sdelay $0x4  }
0xcb: {  	v42 =	vshll.u32 v2, $0x10;
	v43 =	vshll.u32 v3, $0x10  }
0xcc: {  	v2 =	vand.u32 $0xFFFF0000, v2;
	v3 =	vand.u32 $0xFFFF0000, v3;
	v4 =	vmul.f32 v43, v42  }
0xcd: {  	v2 =	vmul.f32 v3, v2  }
0xce: {  	[tilespmem:s10+$0xFFFFFF40] =	vst v4  }
0xcf: {  	[tilespmem:s10+$0xFFFFFF50] =	vst v2  }
0xd0: {  	v2 =	vld [tilespmem:s11+$0xFFFFFFB0]  }
0xd1: {  	v3 =	vld [tilespmem:s2+$0xFFFFFFB0];
	_ =	sdelay $0x4  }
0xd2: {  	v44 =	vshll.u32 v2, $0x10;
	v45 =	vshll.u32 v3, $0x10  }
0xd3: {  	v2 =	vand.u32 $0xFFFF0000, v2;
	v3 =	vand.u32 $0xFFFF0000, v3;
	v4 =	vmul.f32 v45, v44  }
0xd4: {  	v2 =	vmul.f32 v3, v2  }
0xd5: {  	[tilespmem:s10+$0xFFFFFF60] =	vst v4  }
0xd6: {  	[tilespmem:s10+$0xFFFFFF70] =	vst v2  }
0xd7: {  	v2 =	vld [tilespmem:s11+$0xFFFFFFC0]  }
0xd8: {  	v3 =	vld [tilespmem:s2+$0xFFFFFFC0];
	_ =	sdelay $0x4  }
0xd9: {  	v46 =	vshll.u32 v2, $0x10;
	v47 =	vshll.u32 v3, $0x10  }
0xda: {  	v2 =	vand.u32 $0xFFFF0000, v2;
	v3 =	vand.u32 $0xFFFF0000, v3;
	v4 =	vmul.f32 v47, v46  }
0xdb: {  	v2 =	vmul.f32 v3, v2  }
0xdc: {  	[tilespmem:s10+$0xFFFFFF80] =	vst v4  }
0xdd: {  	[tilespmem:s10+$0xFFFFFF90] =	vst v2  }
0xde: {  	v2 =	vld [tilespmem:s11+$0xFFFFFFD0]  }
0xdf: {  	v3 =	vld [tilespmem:s2+$0xFFFFFFD0];
	_ =	sdelay $0x4  }
0xe0: {  	v48 =	vshll.u32 v2, $0x10;
	v49 =	vshll.u32 v3, $0x10  }
0xe1: {  	v2 =	vand.u32 $0xFFFF0000, v2;
	v3 =	vand.u32 $0xFFFF0000, v3;
	v4 =	vmul.f32 v49, v48  }
0xe2: {  	v2 =	vmul.f32 v3, v2  }
0xe3: {  	[tilespmem:s10+$0xFFFFFFA0] =	vst v4  }
0xe4: {  	[tilespmem:s10+$0xFFFFFFB0] =	vst v2  }
0xe5: {  	v2 =	vld [tilespmem:s11+$0xFFFFFFE0]  }
0xe6: {  	v3 =	vld [tilespmem:s2+$0xFFFFFFE0];
	_ =	sdelay $0x4  }
0xe7: {  	v50 =	vshll.u32 v2, $0x10;
	v51 =	vshll.u32 v3, $0x10  }
0xe8: {  	v2 =	vand.u32 $0xFFFF0000, v2;
	v3 =	vand.u32 $0xFFFF0000, v3;
	v4 =	vmul.f32 v51, v50  }
0xe9: {  	v2 =	vmul.f32 v3, v2  }
0xea: {  	[tilespmem:s10+$0xFFFFFFC0] =	vst v4  }
0xeb: {  	[tilespmem:s10+$0xFFFFFFD0] =	vst v2  }
0xec: {  	v2 =	vld [tilespmem:s11+$0xFFFFFFF0]  }
0xed: {  	v3 =	vld [tilespmem:s2+$0xFFFFFFF0];
	_ =	sdelay $0x4  }
0xee: {  	v52 =	vshll.u32 v2, $0x10;
	v53 =	vshll.u32 v3, $0x10  }
0xef: {  	v2 =	vand.u32 $0xFFFF0000, v2;
	v3 =	vand.u32 $0xFFFF0000, v3;
	v4 =	vmul.f32 v53, v52  }
0xf0: {  	v2 =	vmul.f32 v3, v2  }
0xf1: {  	[tilespmem:s10+$0xFFFFFFE0] =	vst v4  }
0xf2: {  	[tilespmem:s10+$0xFFFFFFF0] =	vst v2  }
0xf3: {  	v2 =	vld [tilespmem:s11+$0x0]  }
0xf4: {  	v3 =	vld [tilespmem:s2+$0x0];
	_ =	sdelay $0x4  }
0xf5: {  	v54 =	vshll.u32 v2, $0x10;
	v55 =	vshll.u32 v3, $0x10  }
0xf6: {  	v2 =	vand.u32 $0xFFFF0000, v2;
	v3 =	vand.u32 $0xFFFF0000, v3;
	v4 =	vmul.f32 v55, v54  }
0xf7: {  	v2 =	vmul.f32 v3, v2  }
0xf8: {  	[tilespmem:s10+$0x0] =	vst v4  }
0xf9: {  	[tilespmem:s10+$0x10] =	vst v2  }
0xfa: {  	v2 =	vld [tilespmem:s11+$0x10]  }
0xfb: {  	v3 =	vld [tilespmem:s2+$0x10];
	_ =	sdelay $0x4  }
0xfc: {  	v56 =	vshll.u32 v2, $0x10;
	v57 =	vshll.u32 v3, $0x10  }
0xfd: {  	v2 =	vand.u32 $0xFFFF0000, v2;
	v3 =	vand.u32 $0xFFFF0000, v3;
	v4 =	vmul.f32 v57, v56  }
0xfe: {  	v2 =	vmul.f32 v3, v2  }
0xff: {  	[tilespmem:s10+$0x20] =	vst v4  }
0x100: {  	[tilespmem:s10+$0x30] =	vst v2  }
0x101: {  	v2 =	vld [tilespmem:s11+$0x20]  }
0x102: {  	v3 =	vld [tilespmem:s2+$0x20];
	_ =	sdelay $0x4  }
0x103: {  	v58 =	vshll.u32 v2, $0x10;
	v59 =	vshll.u32 v3, $0x10  }
0x104: {  	v2 =	vand.u32 $0xFFFF0000, v2;
	v3 =	vand.u32 $0xFFFF0000, v3;
	v4 =	vmul.f32 v59, v58  }
0x105: {  	v2 =	vmul.f32 v3, v2  }
0x106: {  	[tilespmem:s10+$0x40] =	vst v4  }
0x107: {  	[tilespmem:s10+$0x50] =	vst v2  }
0x108: {  	v2 =	vld [tilespmem:s11+$0x30]  }
0x109: {  	v3 =	vld [tilespmem:s2+$0x30];
	_ =	sdelay $0x4  }
0x10a: {  	v60 =	vshll.u32 v2, $0x10;
	v61 =	vshll.u32 v3, $0x10  }
0x10b: {  	v2 =	vand.u32 $0xFFFF0000, v2;
	v3 =	vand.u32 $0xFFFF0000, v3;
	v4 =	vmul.f32 v61, v60  }
0x10c: {  	v2 =	vmul.f32 v3, v2  }
0x10d: {  	[tilespmem:s10+$0x60] =	vst v4  }
0x10e: {  	[tilespmem:s10+$0x70] =	vst v2  }
0x10f: {  	v2 =	vld [tilespmem:s11+$0x40]  }
0x110: {  	v3 =	vld [tilespmem:s2+$0x40];
	_ =	sdelay $0x4  }
0x111: {  	v62 =	vshll.u32 v2, $0x10;
	v63 =	vshll.u32 v3, $0x10  }
0x112: {  	v2 =	vand.u32 $0xFFFF0000, v2;
	v3 =	vand.u32 $0xFFFF0000, v3;
	v4 =	vmul.f32 v63, v62  }
0x113: {  	v2 =	vmul.f32 v3, v2  }
0x114: {  	[tilespmem:s10+$0x80] =	vst v4  }
0x115: {  	s15 =	simm.s32 $0x0;
	[tilespmem:s10+$0x90] =	vst v2  }
0x116: {  	s16 =	simm.s32 $0x4600;
	s17 =	simm.s32 $0x2380;
	s24 =	simm.s32 $0x380;
	v2 =	vld [tilespmem:s11+$0x50]  }
.LBB2_5:
0x117: {  	s15 =	sadd.s32 $0x4, s15;
	v3 =	vld [tilespmem:s2+$0x50];
	s17 =	sadd.s32 $0x100, s17;
	s11 =	sadd.s32 $0x100, s11  }
0x118: {  	p3 =	slt.u32 s15, $0x3C;
	_ =	sdelay $0x2  }
0x119: {  	v4 =	vshll.u32 v2, $0x10;
	v2 =	vand.u32 $0xFFFF0000, v2  }
0x11a: {  	v5 =	vshll.u32 v3, $0x10;
	v3 =	vand.u32 $0xFFFF0000, v3  }
0x11b: {  	v4 =	vmul.f32 v5, v4;
	v2 =	vmul.f32 v3, v2;
	_ =	sdelay $0x1  }
0x11c: {  	[tilespmem:s10+$0xA0] =	vst v4  }
0x11d: {  	[tilespmem:s10+$0xB0] =	vst v2  }
0x11e: {  	v2 =	vld [tilespmem:s24+$0x60]  }
0x11f: {  	v3 =	vld [tilespmem:s2+$0x60];
	_ =	sdelay $0x3  }
0x120: {  	v4 =	vshll.u32 v2, $0x10;
	v2 =	vand.u32 $0xFFFF0000, v2  }
0x121: {  	v5 =	vshll.u32 v3, $0x10;
	v3 =	vand.u32 $0xFFFF0000, v3  }
0x122: {  	v4 =	vmul.f32 v5, v4;
	v2 =	vmul.f32 v3, v2;
	_ =	sdelay $0x1  }
0x123: {  	[tilespmem:s10+$0xC0] =	vst v4  }
0x124: {  	[tilespmem:s10+$0xD0] =	vst v2  }
0x125: {  	v2 =	vld [tilespmem:s24+$0x70];
	s24 =	smov.u32 s11  }
0x126: {  	v3 =	vld [tilespmem:s2+$0x70];
	s2 =	smov.u32 s17;
	_ =	sdelay $0x3  }
0x127: {  	v4 =	vshll.u32 v2, $0x10;
	v2 =	vand.u32 $0xFFFF0000, v2  }
0x128: {  	v5 =	vshll.u32 v3, $0x10;
	v3 =	vand.u32 $0xFFFF0000, v3  }
0x129: {  	v4 =	vmul.f32 v5, v4;
	v2 =	vmul.f32 v3, v2;
	_ =	sdelay $0x1  }
0x12a: {  	[tilespmem:s10+$0xE0] =	vst v4  }
0x12b: {  	[tilespmem:s10+$0xF0] =	vst v2;
	s10 =	smov.u32 s16  }
0x12c: {  	v2 =	vld [tilespmem:s11+$0xFFFFFF80]  }
0x12d: {  	v3 =	vld [tilespmem:s17+$0xFFFFFF80];
	_ =	sdelay $0x3  }
0x12e: {  	v4 =	vand.u32 $0xFFFF0000, v2  }
0x12f: {  	v2 =	vshll.u32 v2, $0x10;
	v5 =	vshll.u32 v3, $0x10;
	v3 =	vand.u32 $0xFFFF0000, v3  }
0x130: {  	v2 =	vmul.f32 v5, v2;
	v3 =	vmul.f32 v3, v4;
	_ =	sdelay $0x1  }
0x131: {  	[tilespmem:s16+$0xFFFFFF00] =	vst v2  }
0x132: {  	[tilespmem:s16+$0xFFFFFF10] =	vst v3  }
0x133: {  	v2 =	vld [tilespmem:s11+$0xFFFFFF90]  }
0x134: {  	v3 =	vld [tilespmem:s17+$0xFFFFFF90];
	_ =	sdelay $0x3  }
0x135: {  	v4 =	vshll.u32 v2, $0x10;
	v2 =	vand.u32 $0xFFFF0000, v2  }
0x136: {  	v5 =	vshll.u32 v3, $0x10;
	v3 =	vand.u32 $0xFFFF0000, v3  }
0x137: {  	v4 =	vmul.f32 v5, v4;
	v2 =	vmul.f32 v3, v2;
	_ =	sdelay $0x1  }
0x138: {  	[tilespmem:s16+$0xFFFFFF20] =	vst v4  }
0x139: {  	[tilespmem:s16+$0xFFFFFF30] =	vst v2  }
0x13a: {  	v2 =	vld [tilespmem:s11+$0xFFFFFFA0]  }
0x13b: {  	v3 =	vld [tilespmem:s17+$0xFFFFFFA0];
	_ =	sdelay $0x3  }
0x13c: {  	v4 =	vshll.u32 v2, $0x10;
	v2 =	vand.u32 $0xFFFF0000, v2  }
0x13d: {  	v5 =	vshll.u32 v3, $0x10;
	v3 =	vand.u32 $0xFFFF0000, v3  }
0x13e: {  	v4 =	vmul.f32 v5, v4;
	v2 =	vmul.f32 v3, v2;
	_ =	sdelay $0x1  }
0x13f: {  	[tilespmem:s16+$0xFFFFFF40] =	vst v4  }
0x140: {  	[tilespmem:s16+$0xFFFFFF50] =	vst v2  }
0x141: {  	v2 =	vld [tilespmem:s11+$0xFFFFFFB0]  }
0x142: {  	v3 =	vld [tilespmem:s17+$0xFFFFFFB0];
	_ =	sdelay $0x3  }
0x143: {  	v4 =	vshll.u32 v2, $0x10;
	v2 =	vand.u32 $0xFFFF0000, v2  }
0x144: {  	v5 =	vshll.u32 v3, $0x10;
	v3 =	vand.u32 $0xFFFF0000, v3  }
0x145: {  	v4 =	vmul.f32 v5, v4;
	v2 =	vmul.f32 v3, v2;
	_ =	sdelay $0x1  }
0x146: {  	[tilespmem:s16+$0xFFFFFF60] =	vst v4  }
0x147: {  	[tilespmem:s16+$0xFFFFFF70] =	vst v2  }
0x148: {  	v2 =	vld [tilespmem:s11+$0xFFFFFFC0]  }
0x149: {  	v3 =	vld [tilespmem:s17+$0xFFFFFFC0];
	_ =	sdelay $0x3  }
0x14a: {  	v4 =	vshll.u32 v2, $0x10;
	v2 =	vand.u32 $0xFFFF0000, v2  }
0x14b: {  	v5 =	vshll.u32 v3, $0x10;
	v3 =	vand.u32 $0xFFFF0000, v3  }
0x14c: {  	v4 =	vmul.f32 v5, v4;
	v2 =	vmul.f32 v3, v2;
	_ =	sdelay $0x1  }
0x14d: {  	[tilespmem:s16+$0xFFFFFF80] =	vst v4  }
0x14e: {  	[tilespmem:s16+$0xFFFFFF90] =	vst v2  }
0x14f: {  	v2 =	vld [tilespmem:s11+$0xFFFFFFD0]  }
0x150: {  	v3 =	vld [tilespmem:s17+$0xFFFFFFD0];
	_ =	sdelay $0x3  }
0x151: {  	v4 =	vshll.u32 v2, $0x10;
	v2 =	vand.u32 $0xFFFF0000, v2  }
0x152: {  	v5 =	vshll.u32 v3, $0x10;
	v3 =	vand.u32 $0xFFFF0000, v3  }
0x153: {  	v4 =	vmul.f32 v5, v4;
	v2 =	vmul.f32 v3, v2;
	_ =	sdelay $0x1  }
0x154: {  	[tilespmem:s16+$0xFFFFFFA0] =	vst v4  }
0x155: {  	[tilespmem:s16+$0xFFFFFFB0] =	vst v2  }
0x156: {  	v2 =	vld [tilespmem:s11+$0xFFFFFFE0]  }
0x157: {  	v3 =	vld [tilespmem:s17+$0xFFFFFFE0];
	_ =	sdelay $0x3  }
0x158: {  	v4 =	vshll.u32 v2, $0x10;
	v2 =	vand.u32 $0xFFFF0000, v2  }
0x159: {  	v5 =	vshll.u32 v3, $0x10;
	v3 =	vand.u32 $0xFFFF0000, v3  }
0x15a: {  	v4 =	vmul.f32 v5, v4;
	v2 =	vmul.f32 v3, v2;
	_ =	sdelay $0x1  }
0x15b: {  	[tilespmem:s16+$0xFFFFFFC0] =	vst v4  }
0x15c: {  	[tilespmem:s16+$0xFFFFFFD0] =	vst v2  }
0x15d: {  	v2 =	vld [tilespmem:s11+$0xFFFFFFF0]  }
0x15e: {  	v3 =	vld [tilespmem:s17+$0xFFFFFFF0];
	_ =	sdelay $0x3  }
0x15f: {  	v4 =	vshll.u32 v2, $0x10;
	v2 =	vand.u32 $0xFFFF0000, v2  }
0x160: {  	v5 =	vshll.u32 v3, $0x10;
	v3 =	vand.u32 $0xFFFF0000, v3  }
0x161: {  	v4 =	vmul.f32 v5, v4;
	v2 =	vmul.f32 v3, v2;
	_ =	sdelay $0x1  }
0x162: {  	[tilespmem:s16+$0xFFFFFFE0] =	vst v4  }
0x163: {  	[tilespmem:s16+$0xFFFFFFF0] =	vst v2  }
0x164: {  	v2 =	vld [tilespmem:s11+$0x0]  }
0x165: {  	v3 =	vld [tilespmem:s17+$0x0];
	_ =	sdelay $0x3  }
0x166: {  	v4 =	vshll.u32 v2, $0x10;
	v2 =	vand.u32 $0xFFFF0000, v2  }
0x167: {  	v5 =	vshll.u32 v3, $0x10;
	v3 =	vand.u32 $0xFFFF0000, v3  }
0x168: {  	v4 =	vmul.f32 v5, v4;
	v2 =	vmul.f32 v3, v2;
	_ =	sdelay $0x1  }
0x169: {  	[tilespmem:s16+$0x0] =	vst v4  }
0x16a: {  	[tilespmem:s16+$0x10] =	vst v2  }
0x16b: {  	v2 =	vld [tilespmem:s11+$0x10]  }
0x16c: {  	v3 =	vld [tilespmem:s17+$0x10];
	_ =	sdelay $0x3  }
0x16d: {  	v4 =	vshll.u32 v2, $0x10;
	v2 =	vand.u32 $0xFFFF0000, v2  }
0x16e: {  	v5 =	vshll.u32 v3, $0x10;
	v3 =	vand.u32 $0xFFFF0000, v3  }
0x16f: {  	v4 =	vmul.f32 v5, v4;
	v2 =	vmul.f32 v3, v2;
	_ =	sdelay $0x1  }
0x170: {  	[tilespmem:s16+$0x20] =	vst v4  }
0x171: {  	[tilespmem:s16+$0x30] =	vst v2  }
0x172: {  	v2 =	vld [tilespmem:s11+$0x20]  }
0x173: {  	v3 =	vld [tilespmem:s17+$0x20];
	_ =	sdelay $0x3  }
0x174: {  	v4 =	vshll.u32 v2, $0x10;
	v2 =	vand.u32 $0xFFFF0000, v2  }
0x175: {  	v5 =	vshll.u32 v3, $0x10;
	v3 =	vand.u32 $0xFFFF0000, v3  }
0x176: {  	v4 =	vmul.f32 v5, v4;
	v2 =	vmul.f32 v3, v2;
	_ =	sdelay $0x1  }
0x177: {  	[tilespmem:s16+$0x40] =	vst v4  }
0x178: {  	[tilespmem:s16+$0x50] =	vst v2  }
0x179: {  	v2 =	vld [tilespmem:s11+$0x30]  }
0x17a: {  	v3 =	vld [tilespmem:s17+$0x30];
	_ =	sdelay $0x3  }
0x17b: {  	v4 =	vshll.u32 v2, $0x10;
	v2 =	vand.u32 $0xFFFF0000, v2  }
0x17c: {  	v5 =	vshll.u32 v3, $0x10;
	v3 =	vand.u32 $0xFFFF0000, v3  }
0x17d: {  	v4 =	vmul.f32 v5, v4;
	v2 =	vmul.f32 v3, v2;
	_ =	sdelay $0x1  }
0x17e: {  	[tilespmem:s16+$0x60] =	vst v4  }
0x17f: {  	[tilespmem:s16+$0x70] =	vst v2  }
0x180: {  	v2 =	vld [tilespmem:s11+$0x40]  }
0x181: {  	v3 =	vld [tilespmem:s17+$0x40];
	_ =	sdelay $0x3  }
0x182: {  	v4 =	vshll.u32 v2, $0x10;
	v2 =	vand.u32 $0xFFFF0000, v2  }
0x183: {  	v5 =	vshll.u32 v3, $0x10;
	v3 =	vand.u32 $0xFFFF0000, v3  }
.Ltmp3:
0x184: {  	v4 =	vmul.f32 v5, v4;
	v2 =	vmul.f32 v3, v2;
	(pc) =	sbr.rel @p3 .LBB2_5-.Ltmp3, $4  }
0x185: {  	_ = 	snop  }
0x186: {  	[tilespmem:s16+$0x80] =	vst v4  }
0x187: {  	[tilespmem:s16+$0x90] =	vst v2  }
0x188: {  	s16 =	sadd.s32 $0x200, s16;
	v2 =	vld [tilespmem:s11+$0x50]  }
0x189: {  	v3 =	vld [tilespmem:s2+$0x50];
	_ =	sdelay $0x4  }
0x18a: {  	v4 =	vshll.u32 v2, $0x10;
	v5 =	vshll.u32 v3, $0x10  }
0x18b: {  	v2 =	vand.u32 $0xFFFF0000, v2;
	v3 =	vand.u32 $0xFFFF0000, v3;
	v4 =	vmul.f32 v5, v4  }
0x18c: {  	v2 =	vmul.f32 v3, v2  }
0x18d: {  	[tilespmem:s10+$0xA0] =	vst v4  }
0x18e: {  	[tilespmem:s10+$0xB0] =	vst v2  }
0x18f: {  	v2 =	vld [tilespmem:s24+$0x60]  }
0x190: {  	v3 =	vld [tilespmem:s2+$0x60];
	_ =	sdelay $0x4  }
0x191: {  	v29 =	vshll.u32 v2, $0x10;
	v30 =	vshll.u32 v3, $0x10  }
0x192: {  	v2 =	vand.u32 $0xFFFF0000, v2;
	v3 =	vand.u32 $0xFFFF0000, v3;
	v4 =	vmul.f32 v30, v29  }
0x193: {  	v2 =	vmul.f32 v3, v2  }
0x194: {  	[tilespmem:s10+$0xC0] =	vst v4  }
0x195: {  	[tilespmem:s10+$0xD0] =	vst v2  }
0x196: {  	v2 =	vld [tilespmem:s24+$0x70]  }
0x197: {  	v3 =	vld [tilespmem:s2+$0x70];
	_ =	sdelay $0x4  }
0x198: {  	v31 =	vshll.u32 v2, $0x10;
	v32 =	vshll.u32 v3, $0x10  }
0x199: {  	v2 =	vand.u32 $0xFFFF0000, v2;
	v3 =	vand.u32 $0xFFFF0000, v3;
	v4 =	vmul.f32 v32, v31  }
0x19a: {  	v2 =	vmul.f32 v3, v2  }
0x19b: {  	[tilespmem:s10+$0xE0] =	vst v4  }
0x19c: {  	s16 =	simm.s32 $0x200;
	[tilespmem:s10+$0xF0] =	vst v2  }
0x19d: {  	[spmem:s3] =	stream.indirect.scatter.add.f32 [tilespmem:s12], [sflag:$0x5], $0x80, s16, s9, $0xb8;
	[tilespmem:$0x1FB80] =	vst v63  }
0x19e: {  	_ =	swait.ge [sflag:s14], $0x40  }
0x19f: {  	[sflag:s14] =	ssyncset.done $0x0  }
0x1a0: {  	[sflag:s14] =	ssyncadd.s32 $0xFFFFFFC0  }
0x1a1: {  	_ =	swait.ge [sflag:s14], $0x40  }
0x1a2: {  	[sflag:s14] =	ssyncset.done $0x0  }
0x1a3: {  	[sflag:s14] =	ssyncadd.s32 $0xFFFFFFC0  }
0x1a4: {  	v2 =	vld [tilespmem:$0x0]  }
0x1a5: {  	v3 =	vld [tilespmem:$0x40];
	_ =	sdelay $0x1  }
0x1a6: {  	v33 =	vld [tilespmem:$0x10]  }
0x1a7: {  	v34 =	vld [tilespmem:$0x50];
	_ =	sdelay $0x1  }
0x1a8: {  	v7 =	vld [tilespmem:$0x20];
	v6 =	vsub.s32 v2, v3  }
0x1a9: {  	v8 =	vld [tilespmem:$0x60];
	[tilespmem:$0x100] =	vst v2;
	vm0 =	vlt.s32 v6, $0x0;
	v2 =	vadd.s32 $0x2710, v6  }
0x1aa: {  	[tilespmem:$0x280] =	vst v3;
	v2 =	vsel vm0, v2, v6  }
0x1ab: {  	v36 =	vld [tilespmem:$0x70];
	[tilespmem:$0x180] =	vst v2;
	v2 =	vsub.s32 v33, v34  }
0x1ac: {  	v3 =	vld [tilespmem:$0x30];
	[tilespmem:$0x110] =	vst v33;
	vm13 =	vlt.s32 v2, $0x0;
	v35 =	vadd.s32 $0x2710, v2  }
0x1ad: {  	[tilespmem:$0x290] =	vst v34;
	v2 =	vsel vm13, v35, v2  }
0x1ae: {  	[tilespmem:$0x190] =	vst v2;
	v2 =	vsub.s32 v7, v8  }
0x1af: {  	[tilespmem:$0x120] =	vst v7;
	vm14 =	vlt.s32 v2, $0x0;
	v37 =	vadd.s32 $0x2710, v2  }
0x1b0: {  	[tilespmem:$0x2A0] =	vst v8;
	v2 =	vsel vm14, v37, v2  }
0x1b1: {  	[tilespmem:$0x1A0] =	vst v2;
	v2 =	vsub.s32 v3, v36  }
0x1b2: {  	[tilespmem:$0x130] =	vst v3;
	vm15 =	vlt.s32 v2, $0x0;
	v3 =	vadd.s32 $0x2710, v2  }
0x1b3: {  	p3 =	seq.s32 s8, $0x26;
	s2 =	sshll.u32 s8, $0x8;
	[tilespmem:$0x2B0] =	vst v36;
	v2 =	vsel vm15, v3, v2  }
0x1b4: {  	s17 =	simm.s32 $0x100;
	s24 =	simm.s32 $0x300;
	s10 =	sadd.s32 @!p3 s2, s18;
	[tilespmem:$0x1B0] =	vst v2  }
0x1b5: {  	[tilespmem:s24], [sflag:$0x1] =	stream.indirect.gather [hbm4b:s5+s9], $0x40, s17, s9, $0xb8;
	[tilespmem:$0x1FB80] =	vst v63  }
0x1b6: {  	s25 =	simm.s32 $0x180;
	s11 =	simm.s32 $0x2300;
	s10 =	sshrl.u32 @!p3 s10, $0x3  }
0x1b7: {  	[tilespmem:s11], [sflag:$0x1] =	stream.indirect.gather [hbm4b:s6+s9], $0x40, s25, s9, $0xb8;
	[tilespmem:$0x1FB80] =	vst v63  }
0x1b8: {  	s10 =	sadd.s32 @!p3 s0, s10;
	s11 =	simm.s32 @!p3 $0x0  }
0x1b9: {  	[tilespmem:s11], [sflag:$0x3] =	stream.linear.gather @!p3 [hbm4b:s10+s11], $0x40, $0x38;
	[tilespmem:$0x1FB80] =	vst v63  }
0x1ba: {  	s15 =	simm.s32 @!p3 $0x40;
	s10 =	sadd.s32 @!p3 $0x9C40, s10  }
0x1bb: {  	[tilespmem:s15], [sflag:$0x3] =	stream.linear.gather @!p3 [hbm4b:s10+s11], $0x40, $0x38;
	[tilespmem:$0x1FB80] =	vst v63  }
0x1bc: {  	_ =	swait.ge [sflag:s22], $0x1000  }
0x1bd: {  	[sflag:s22] =	ssyncset.done $0x0  }
0x1be: {  	[sflag:s22] =	ssyncadd.s32 $0xFFFFF000  }
0x1bf: {  	_ =	swait.ge [sflag:s22], $0x1000  }
0x1c0: {  	[sflag:s22] =	ssyncset.done $0x0  }
0x1c1: {  	s10 =	simm.s32 @!p4 $0x6;
	[sflag:s22] =	ssyncadd.s32 $0xFFFFF000  }
0x1c2: {  	_ =	swait.ge @!p4 [sflag:s10], $0x2000  }
0x1c3: {  	[sflag:s10] =	ssyncset.done @!p4 $0x0  }
0x1c4: {  	s24 =	simm.s32 $0x1380;
	[sflag:s10] =	ssyncadd.s32 @!p4 $0xFFFFE000  }
0x1c5: {  	s10 =	simm.s32 $0x3380;
	v2 =	vld [tilespmem:s24+$0xFFFFFF80]  }
0x1c6: {  	v3 =	vld [tilespmem:s10+$0xFFFFFF80];
	_ =	sdelay $0x4  }
0x1c7: {  	v38 =	vshll.u32 v2, $0x10;
	v39 =	vshll.u32 v3, $0x10  }
0x1c8: {  	v2 =	vand.u32 $0xFFFF0000, v2;
	v3 =	vand.u32 $0xFFFF0000, v3;
	v4 =	vmul.f32 v39, v38  }
0x1c9: {  	s11 =	simm.s32 $0x6400;
	v2 =	vmul.f32 v3, v2  }
0x1ca: {  	[tilespmem:s11+$0xFFFFFF00] =	vst v4  }
0x1cb: {  	[tilespmem:s11+$0xFFFFFF10] =	vst v2  }
0x1cc: {  	v2 =	vld [tilespmem:s24+$0xFFFFFF90]  }
0x1cd: {  	v3 =	vld [tilespmem:s10+$0xFFFFFF90];
	_ =	sdelay $0x4  }
0x1ce: {  	v40 =	vshll.u32 v2, $0x10;
	v41 =	vshll.u32 v3, $0x10  }
0x1cf: {  	v2 =	vand.u32 $0xFFFF0000, v2;
	v3 =	vand.u32 $0xFFFF0000, v3;
	v4 =	vmul.f32 v41, v40  }
0x1d0: {  	v2 =	vmul.f32 v3, v2  }
0x1d1: {  	[tilespmem:s11+$0xFFFFFF20] =	vst v4  }
0x1d2: {  	[tilespmem:s11+$0xFFFFFF30] =	vst v2  }
0x1d3: {  	v2 =	vld [tilespmem:s24+$0xFFFFFFA0]  }
0x1d4: {  	v3 =	vld [tilespmem:s10+$0xFFFFFFA0];
	_ =	sdelay $0x4  }
0x1d5: {  	v42 =	vshll.u32 v2, $0x10;
	v43 =	vshll.u32 v3, $0x10  }
0x1d6: {  	v2 =	vand.u32 $0xFFFF0000, v2;
	v3 =	vand.u32 $0xFFFF0000, v3;
	v4 =	vmul.f32 v43, v42  }
0x1d7: {  	v2 =	vmul.f32 v3, v2  }
0x1d8: {  	[tilespmem:s11+$0xFFFFFF40] =	vst v4  }
0x1d9: {  	[tilespmem:s11+$0xFFFFFF50] =	vst v2  }
0x1da: {  	v2 =	vld [tilespmem:s24+$0xFFFFFFB0]  }
0x1db: {  	v3 =	vld [tilespmem:s10+$0xFFFFFFB0];
	_ =	sdelay $0x4  }
0x1dc: {  	v44 =	vshll.u32 v2, $0x10;
	v45 =	vshll.u32 v3, $0x10  }
0x1dd: {  	v2 =	vand.u32 $0xFFFF0000, v2;
	v3 =	vand.u32 $0xFFFF0000, v3;
	v4 =	vmul.f32 v45, v44  }
0x1de: {  	v2 =	vmul.f32 v3, v2  }
0x1df: {  	[tilespmem:s11+$0xFFFFFF60] =	vst v4  }
0x1e0: {  	[tilespmem:s11+$0xFFFFFF70] =	vst v2  }
0x1e1: {  	v2 =	vld [tilespmem:s24+$0xFFFFFFC0]  }
0x1e2: {  	v3 =	vld [tilespmem:s10+$0xFFFFFFC0];
	_ =	sdelay $0x4  }
0x1e3: {  	v46 =	vshll.u32 v2, $0x10;
	v47 =	vshll.u32 v3, $0x10  }
0x1e4: {  	v2 =	vand.u32 $0xFFFF0000, v2;
	v3 =	vand.u32 $0xFFFF0000, v3;
	v4 =	vmul.f32 v47, v46  }
0x1e5: {  	v2 =	vmul.f32 v3, v2  }
0x1e6: {  	[tilespmem:s11+$0xFFFFFF80] =	vst v4  }
0x1e7: {  	[tilespmem:s11+$0xFFFFFF90] =	vst v2  }
0x1e8: {  	v2 =	vld [tilespmem:s24+$0xFFFFFFD0]  }
0x1e9: {  	v3 =	vld [tilespmem:s10+$0xFFFFFFD0];
	_ =	sdelay $0x4  }
0x1ea: {  	v48 =	vshll.u32 v2, $0x10;
	v49 =	vshll.u32 v3, $0x10  }
0x1eb: {  	v2 =	vand.u32 $0xFFFF0000, v2;
	v3 =	vand.u32 $0xFFFF0000, v3;
	v4 =	vmul.f32 v49, v48  }
0x1ec: {  	v2 =	vmul.f32 v3, v2  }
0x1ed: {  	[tilespmem:s11+$0xFFFFFFA0] =	vst v4  }
0x1ee: {  	[tilespmem:s11+$0xFFFFFFB0] =	vst v2  }
0x1ef: {  	v2 =	vld [tilespmem:s24+$0xFFFFFFE0]  }
0x1f0: {  	v3 =	vld [tilespmem:s10+$0xFFFFFFE0];
	_ =	sdelay $0x4  }
0x1f1: {  	v50 =	vshll.u32 v2, $0x10;
	v51 =	vshll.u32 v3, $0x10  }
0x1f2: {  	v2 =	vand.u32 $0xFFFF0000, v2;
	v3 =	vand.u32 $0xFFFF0000, v3;
	v4 =	vmul.f32 v51, v50  }
0x1f3: {  	v2 =	vmul.f32 v3, v2  }
0x1f4: {  	[tilespmem:s11+$0xFFFFFFC0] =	vst v4  }
0x1f5: {  	[tilespmem:s11+$0xFFFFFFD0] =	vst v2  }
0x1f6: {  	v2 =	vld [tilespmem:s24+$0xFFFFFFF0]  }
0x1f7: {  	v3 =	vld [tilespmem:s10+$0xFFFFFFF0];
	_ =	sdelay $0x4  }
0x1f8: {  	v52 =	vshll.u32 v2, $0x10;
	v53 =	vshll.u32 v3, $0x10  }
0x1f9: {  	v2 =	vand.u32 $0xFFFF0000, v2;
	v3 =	vand.u32 $0xFFFF0000, v3;
	v4 =	vmul.f32 v53, v52  }
0x1fa: {  	v2 =	vmul.f32 v3, v2  }
0x1fb: {  	[tilespmem:s11+$0xFFFFFFE0] =	vst v4  }
0x1fc: {  	[tilespmem:s11+$0xFFFFFFF0] =	vst v2  }
0x1fd: {  	v2 =	vld [tilespmem:s24+$0x0]  }
0x1fe: {  	v3 =	vld [tilespmem:s10+$0x0];
	_ =	sdelay $0x4  }
0x1ff: {  	v54 =	vshll.u32 v2, $0x10;
	v55 =	vshll.u32 v3, $0x10  }
0x200: {  	v2 =	vand.u32 $0xFFFF0000, v2;
	v3 =	vand.u32 $0xFFFF0000, v3;
	v4 =	vmul.f32 v55, v54  }
0x201: {  	v2 =	vmul.f32 v3, v2  }
0x202: {  	[tilespmem:s11+$0x0] =	vst v4  }
0x203: {  	[tilespmem:s11+$0x10] =	vst v2  }
0x204: {  	v2 =	vld [tilespmem:s24+$0x10]  }
0x205: {  	v3 =	vld [tilespmem:s10+$0x10];
	_ =	sdelay $0x4  }
0x206: {  	v56 =	vshll.u32 v2, $0x10;
	v57 =	vshll.u32 v3, $0x10  }
0x207: {  	v2 =	vand.u32 $0xFFFF0000, v2;
	v3 =	vand.u32 $0xFFFF0000, v3;
	v4 =	vmul.f32 v57, v56  }
0x208: {  	v2 =	vmul.f32 v3, v2  }
0x209: {  	[tilespmem:s11+$0x20] =	vst v4  }
0x20a: {  	[tilespmem:s11+$0x30] =	vst v2  }
0x20b: {  	v2 =	vld [tilespmem:s24+$0x20]  }
0x20c: {  	v3 =	vld [tilespmem:s10+$0x20];
	_ =	sdelay $0x4  }
0x20d: {  	v58 =	vshll.u32 v2, $0x10;
	v59 =	vshll.u32 v3, $0x10  }
0x20e: {  	v2 =	vand.u32 $0xFFFF0000, v2;
	v3 =	vand.u32 $0xFFFF0000, v3;
	v4 =	vmul.f32 v59, v58  }
0x20f: {  	v2 =	vmul.f32 v3, v2  }
0x210: {  	[tilespmem:s11+$0x40] =	vst v4  }
0x211: {  	[tilespmem:s11+$0x50] =	vst v2  }
0x212: {  	v2 =	vld [tilespmem:s24+$0x30]  }
0x213: {  	v3 =	vld [tilespmem:s10+$0x30];
	_ =	sdelay $0x4  }
0x214: {  	v60 =	vshll.u32 v2, $0x10;
	v61 =	vshll.u32 v3, $0x10  }
0x215: {  	v2 =	vand.u32 $0xFFFF0000, v2;
	v3 =	vand.u32 $0xFFFF0000, v3;
	v4 =	vmul.f32 v61, v60  }
0x216: {  	v2 =	vmul.f32 v3, v2  }
0x217: {  	[tilespmem:s11+$0x60] =	vst v4  }
0x218: {  	[tilespmem:s11+$0x70] =	vst v2  }
0x219: {  	v2 =	vld [tilespmem:s24+$0x40]  }
0x21a: {  	v3 =	vld [tilespmem:s10+$0x40];
	_ =	sdelay $0x4  }
0x21b: {  	v62 =	vshll.u32 v2, $0x10;
	v63 =	vshll.u32 v3, $0x10  }
0x21c: {  	v2 =	vand.u32 $0xFFFF0000, v2;
	v3 =	vand.u32 $0xFFFF0000, v3;
	v4 =	vmul.f32 v63, v62  }
0x21d: {  	v2 =	vmul.f32 v3, v2  }
0x21e: {  	[tilespmem:s11+$0x80] =	vst v4  }
0x21f: {  	s16 =	simm.s32 $0x0;
	[tilespmem:s11+$0x90] =	vst v2  }
0x220: {  	s17 =	simm.s32 $0x6600;
	s25 =	simm.s32 $0x3380;
	s15 =	simm.s32 $0x1380;
	v2 =	vld [tilespmem:s24+$0x50]  }
.LBB2_7:
0x221: {  	s16 =	sadd.s32 $0x4, s16;
	v3 =	vld [tilespmem:s10+$0x50];
	s25 =	sadd.s32 $0x100, s25;
	s24 =	sadd.s32 $0x100, s24  }
0x222: {  	p4 =	slt.u32 s16, $0x3C;
	_ =	sdelay $0x2  }
0x223: {  	v4 =	vshll.u32 v2, $0x10;
	v2 =	vand.u32 $0xFFFF0000, v2  }
0x224: {  	v5 =	vshll.u32 v3, $0x10;
	v3 =	vand.u32 $0xFFFF0000, v3  }
0x225: {  	v4 =	vmul.f32 v5, v4;
	v2 =	vmul.f32 v3, v2;
	_ =	sdelay $0x1  }
0x226: {  	[tilespmem:s11+$0xA0] =	vst v4  }
0x227: {  	[tilespmem:s11+$0xB0] =	vst v2  }
0x228: {  	v2 =	vld [tilespmem:s15+$0x60]  }
0x229: {  	v3 =	vld [tilespmem:s10+$0x60];
	_ =	sdelay $0x3  }
0x22a: {  	v4 =	vshll.u32 v2, $0x10;
	v2 =	vand.u32 $0xFFFF0000, v2  }
0x22b: {  	v5 =	vshll.u32 v3, $0x10;
	v3 =	vand.u32 $0xFFFF0000, v3  }
0x22c: {  	v4 =	vmul.f32 v5, v4;
	v2 =	vmul.f32 v3, v2;
	_ =	sdelay $0x1  }
0x22d: {  	[tilespmem:s11+$0xC0] =	vst v4  }
0x22e: {  	[tilespmem:s11+$0xD0] =	vst v2  }
0x22f: {  	v2 =	vld [tilespmem:s15+$0x70];
	s15 =	smov.u32 s24  }
0x230: {  	v3 =	vld [tilespmem:s10+$0x70];
	s10 =	smov.u32 s25;
	_ =	sdelay $0x3  }
0x231: {  	v4 =	vshll.u32 v2, $0x10;
	v2 =	vand.u32 $0xFFFF0000, v2  }
0x232: {  	v5 =	vshll.u32 v3, $0x10;
	v3 =	vand.u32 $0xFFFF0000, v3  }
0x233: {  	v4 =	vmul.f32 v5, v4;
	v2 =	vmul.f32 v3, v2;
	_ =	sdelay $0x1  }
0x234: {  	[tilespmem:s11+$0xE0] =	vst v4  }
0x235: {  	[tilespmem:s11+$0xF0] =	vst v2;
	s11 =	smov.u32 s17  }
0x236: {  	v2 =	vld [tilespmem:s24+$0xFFFFFF80]  }
0x237: {  	v3 =	vld [tilespmem:s25+$0xFFFFFF80];
	_ =	sdelay $0x3  }
0x238: {  	v4 =	vand.u32 $0xFFFF0000, v2  }
0x239: {  	v2 =	vshll.u32 v2, $0x10;
	v5 =	vshll.u32 v3, $0x10;
	v3 =	vand.u32 $0xFFFF0000, v3  }
0x23a: {  	v2 =	vmul.f32 v5, v2;
	v3 =	vmul.f32 v3, v4;
	_ =	sdelay $0x1  }
0x23b: {  	[tilespmem:s17+$0xFFFFFF00] =	vst v2  }
0x23c: {  	[tilespmem:s17+$0xFFFFFF10] =	vst v3  }
0x23d: {  	v2 =	vld [tilespmem:s24+$0xFFFFFF90]  }
0x23e: {  	v3 =	vld [tilespmem:s25+$0xFFFFFF90];
	_ =	sdelay $0x3  }
0x23f: {  	v4 =	vshll.u32 v2, $0x10;
	v2 =	vand.u32 $0xFFFF0000, v2  }
0x240: {  	v5 =	vshll.u32 v3, $0x10;
	v3 =	vand.u32 $0xFFFF0000, v3  }
0x241: {  	v4 =	vmul.f32 v5, v4;
	v2 =	vmul.f32 v3, v2;
	_ =	sdelay $0x1  }
0x242: {  	[tilespmem:s17+$0xFFFFFF20] =	vst v4  }
0x243: {  	[tilespmem:s17+$0xFFFFFF30] =	vst v2  }
0x244: {  	v2 =	vld [tilespmem:s24+$0xFFFFFFA0]  }
0x245: {  	v3 =	vld [tilespmem:s25+$0xFFFFFFA0];
	_ =	sdelay $0x3  }
0x246: {  	v4 =	vshll.u32 v2, $0x10;
	v2 =	vand.u32 $0xFFFF0000, v2  }
0x247: {  	v5 =	vshll.u32 v3, $0x10;
	v3 =	vand.u32 $0xFFFF0000, v3  }
0x248: {  	v4 =	vmul.f32 v5, v4;
	v2 =	vmul.f32 v3, v2;
	_ =	sdelay $0x1  }
0x249: {  	[tilespmem:s17+$0xFFFFFF40] =	vst v4  }
0x24a: {  	[tilespmem:s17+$0xFFFFFF50] =	vst v2  }
0x24b: {  	v2 =	vld [tilespmem:s24+$0xFFFFFFB0]  }
0x24c: {  	v3 =	vld [tilespmem:s25+$0xFFFFFFB0];
	_ =	sdelay $0x3  }
0x24d: {  	v4 =	vshll.u32 v2, $0x10;
	v2 =	vand.u32 $0xFFFF0000, v2  }
0x24e: {  	v5 =	vshll.u32 v3, $0x10;
	v3 =	vand.u32 $0xFFFF0000, v3  }
0x24f: {  	v4 =	vmul.f32 v5, v4;
	v2 =	vmul.f32 v3, v2;
	_ =	sdelay $0x1  }
0x250: {  	[tilespmem:s17+$0xFFFFFF60] =	vst v4  }
0x251: {  	[tilespmem:s17+$0xFFFFFF70] =	vst v2  }
0x252: {  	v2 =	vld [tilespmem:s24+$0xFFFFFFC0]  }
0x253: {  	v3 =	vld [tilespmem:s25+$0xFFFFFFC0];
	_ =	sdelay $0x3  }
0x254: {  	v4 =	vshll.u32 v2, $0x10;
	v2 =	vand.u32 $0xFFFF0000, v2  }
0x255: {  	v5 =	vshll.u32 v3, $0x10;
	v3 =	vand.u32 $0xFFFF0000, v3  }
0x256: {  	v4 =	vmul.f32 v5, v4;
	v2 =	vmul.f32 v3, v2;
	_ =	sdelay $0x1  }
0x257: {  	[tilespmem:s17+$0xFFFFFF80] =	vst v4  }
0x258: {  	[tilespmem:s17+$0xFFFFFF90] =	vst v2  }
0x259: {  	v2 =	vld [tilespmem:s24+$0xFFFFFFD0]  }
0x25a: {  	v3 =	vld [tilespmem:s25+$0xFFFFFFD0];
	_ =	sdelay $0x3  }
0x25b: {  	v4 =	vshll.u32 v2, $0x10;
	v2 =	vand.u32 $0xFFFF0000, v2  }
0x25c: {  	v5 =	vshll.u32 v3, $0x10;
	v3 =	vand.u32 $0xFFFF0000, v3  }
0x25d: {  	v4 =	vmul.f32 v5, v4;
	v2 =	vmul.f32 v3, v2;
	_ =	sdelay $0x1  }
0x25e: {  	[tilespmem:s17+$0xFFFFFFA0] =	vst v4  }
0x25f: {  	[tilespmem:s17+$0xFFFFFFB0] =	vst v2  }
0x260: {  	v2 =	vld [tilespmem:s24+$0xFFFFFFE0]  }
0x261: {  	v3 =	vld [tilespmem:s25+$0xFFFFFFE0];
	_ =	sdelay $0x3  }
0x262: {  	v4 =	vshll.u32 v2, $0x10;
	v2 =	vand.u32 $0xFFFF0000, v2  }
0x263: {  	v5 =	vshll.u32 v3, $0x10;
	v3 =	vand.u32 $0xFFFF0000, v3  }
0x264: {  	v4 =	vmul.f32 v5, v4;
	v2 =	vmul.f32 v3, v2;
	_ =	sdelay $0x1  }
0x265: {  	[tilespmem:s17+$0xFFFFFFC0] =	vst v4  }
0x266: {  	[tilespmem:s17+$0xFFFFFFD0] =	vst v2  }
0x267: {  	v2 =	vld [tilespmem:s24+$0xFFFFFFF0]  }
0x268: {  	v3 =	vld [tilespmem:s25+$0xFFFFFFF0];
	_ =	sdelay $0x3  }
0x269: {  	v4 =	vshll.u32 v2, $0x10;
	v2 =	vand.u32 $0xFFFF0000, v2  }
0x26a: {  	v5 =	vshll.u32 v3, $0x10;
	v3 =	vand.u32 $0xFFFF0000, v3  }
0x26b: {  	v4 =	vmul.f32 v5, v4;
	v2 =	vmul.f32 v3, v2;
	_ =	sdelay $0x1  }
0x26c: {  	[tilespmem:s17+$0xFFFFFFE0] =	vst v4  }
0x26d: {  	[tilespmem:s17+$0xFFFFFFF0] =	vst v2  }
0x26e: {  	v2 =	vld [tilespmem:s24+$0x0]  }
0x26f: {  	v3 =	vld [tilespmem:s25+$0x0];
	_ =	sdelay $0x3  }
0x270: {  	v4 =	vshll.u32 v2, $0x10;
	v2 =	vand.u32 $0xFFFF0000, v2  }
0x271: {  	v5 =	vshll.u32 v3, $0x10;
	v3 =	vand.u32 $0xFFFF0000, v3  }
0x272: {  	v4 =	vmul.f32 v5, v4;
	v2 =	vmul.f32 v3, v2;
	_ =	sdelay $0x1  }
0x273: {  	[tilespmem:s17+$0x0] =	vst v4  }
0x274: {  	[tilespmem:s17+$0x10] =	vst v2  }
0x275: {  	v2 =	vld [tilespmem:s24+$0x10]  }
0x276: {  	v3 =	vld [tilespmem:s25+$0x10];
	_ =	sdelay $0x3  }
0x277: {  	v4 =	vshll.u32 v2, $0x10;
	v2 =	vand.u32 $0xFFFF0000, v2  }
0x278: {  	v5 =	vshll.u32 v3, $0x10;
	v3 =	vand.u32 $0xFFFF0000, v3  }
0x279: {  	v4 =	vmul.f32 v5, v4;
	v2 =	vmul.f32 v3, v2;
	_ =	sdelay $0x1  }
0x27a: {  	[tilespmem:s17+$0x20] =	vst v4  }
0x27b: {  	[tilespmem:s17+$0x30] =	vst v2  }
0x27c: {  	v2 =	vld [tilespmem:s24+$0x20]  }
0x27d: {  	v3 =	vld [tilespmem:s25+$0x20];
	_ =	sdelay $0x3  }
0x27e: {  	v4 =	vshll.u32 v2, $0x10;
	v2 =	vand.u32 $0xFFFF0000, v2  }
0x27f: {  	v5 =	vshll.u32 v3, $0x10;
	v3 =	vand.u32 $0xFFFF0000, v3  }
0x280: {  	v4 =	vmul.f32 v5, v4;
	v2 =	vmul.f32 v3, v2;
	_ =	sdelay $0x1  }
0x281: {  	[tilespmem:s17+$0x40] =	vst v4  }
0x282: {  	[tilespmem:s17+$0x50] =	vst v2  }
0x283: {  	v2 =	vld [tilespmem:s24+$0x30]  }
0x284: {  	v3 =	vld [tilespmem:s25+$0x30];
	_ =	sdelay $0x3  }
0x285: {  	v4 =	vshll.u32 v2, $0x10;
	v2 =	vand.u32 $0xFFFF0000, v2  }
0x286: {  	v5 =	vshll.u32 v3, $0x10;
	v3 =	vand.u32 $0xFFFF0000, v3  }
0x287: {  	v4 =	vmul.f32 v5, v4;
	v2 =	vmul.f32 v3, v2;
	_ =	sdelay $0x1  }
0x288: {  	[tilespmem:s17+$0x60] =	vst v4  }
0x289: {  	[tilespmem:s17+$0x70] =	vst v2  }
0x28a: {  	v2 =	vld [tilespmem:s24+$0x40]  }
0x28b: {  	v3 =	vld [tilespmem:s25+$0x40];
	_ =	sdelay $0x3  }
0x28c: {  	v4 =	vshll.u32 v2, $0x10;
	v2 =	vand.u32 $0xFFFF0000, v2  }
0x28d: {  	v5 =	vshll.u32 v3, $0x10;
	v3 =	vand.u32 $0xFFFF0000, v3  }
.Ltmp4:
0x28e: {  	v4 =	vmul.f32 v5, v4;
	v2 =	vmul.f32 v3, v2;
	(pc) =	sbr.rel @p4 .LBB2_7-.Ltmp4, $4  }
0x28f: {  	_ = 	snop  }
0x290: {  	[tilespmem:s17+$0x80] =	vst v4  }
0x291: {  	[tilespmem:s17+$0x90] =	vst v2  }
0x292: {  	s17 =	sadd.s32 $0x200, s17;
	v2 =	vld [tilespmem:s24+$0x50]  }
0x293: {  	v3 =	vld [tilespmem:s10+$0x50];
	_ =	sdelay $0x4  }
0x294: {  	v4 =	vshll.u32 v2, $0x10;
	v5 =	vshll.u32 v3, $0x10  }
0x295: {  	v2 =	vand.u32 $0xFFFF0000, v2;
	v3 =	vand.u32 $0xFFFF0000, v3;
	v4 =	vmul.f32 v5, v4  }
0x296: {  	v2 =	vmul.f32 v3, v2  }
0x297: {  	[tilespmem:s11+$0xA0] =	vst v4  }
0x298: {  	[tilespmem:s11+$0xB0] =	vst v2  }
0x299: {  	v2 =	vld [tilespmem:s15+$0x60]  }
0x29a: {  	v3 =	vld [tilespmem:s10+$0x60];
	_ =	sdelay $0x4  }
0x29b: {  	v29 =	vshll.u32 v2, $0x10;
	v30 =	vshll.u32 v3, $0x10  }
0x29c: {  	v2 =	vand.u32 $0xFFFF0000, v2;
	v3 =	vand.u32 $0xFFFF0000, v3;
	v4 =	vmul.f32 v30, v29  }
0x29d: {  	v2 =	vmul.f32 v3, v2  }
0x29e: {  	[tilespmem:s11+$0xC0] =	vst v4  }
0x29f: {  	[tilespmem:s11+$0xD0] =	vst v2  }
0x2a0: {  	v2 =	vld [tilespmem:s15+$0x70]  }
0x2a1: {  	v3 =	vld [tilespmem:s10+$0x70];
	_ =	sdelay $0x4  }
0x2a2: {  	v31 =	vshll.u32 v2, $0x10;
	v32 =	vshll.u32 v3, $0x10  }
0x2a3: {  	v2 =	vand.u32 $0xFFFF0000, v2;
	v3 =	vand.u32 $0xFFFF0000, v3;
	v4 =	vmul.f32 v32, v31  }
0x2a4: {  	v2 =	vmul.f32 v3, v2  }
0x2a5: {  	[tilespmem:s11+$0xE0] =	vst v4  }
0x2a6: {  	s24 =	simm.s32 $0x240;
	s25 =	simm.s32 $0x6300;
	[tilespmem:s11+$0xF0] =	vst v2  }
0x2a7: {  	[spmem:s3] =	stream.indirect.scatter.add.f32 [tilespmem:s25], [sflag:$0x6], $0x80, s24, s9, $0xb8;
	[tilespmem:$0x1FB80] =	vst v63  }
0x2a8: {  	_ =	swait.ge [sflag:s26], $0x40  }
0x2a9: {  	[sflag:s26] =	ssyncset.done $0x0  }
0x2aa: {  	[sflag:s26] =	ssyncadd.s32 $0xFFFFFFC0  }
0x2ab: {  	_ =	swait.ge [sflag:s26], $0x40  }
0x2ac: {  	[sflag:s26] =	ssyncset.done $0x0  }
0x2ad: {  	[sflag:s26] =	ssyncadd.s32 $0xFFFFFFC0  }
0x2ae: {  	v2 =	vld [tilespmem:$0x80]  }
0x2af: {  	v3 =	vld [tilespmem:$0xC0];
	_ =	sdelay $0x1  }
0x2b0: {  	v33 =	vld [tilespmem:$0x90]  }
0x2b1: {  	v34 =	vld [tilespmem:$0xD0];
	_ =	sdelay $0x1  }
0x2b2: {  	v7 =	vld [tilespmem:$0xA0];
	v6 =	vsub.s32 v2, v3  }
0x2b3: {  	v8 =	vld [tilespmem:$0xE0];
	[tilespmem:$0x140] =	vst v2;
	vm0 =	vlt.s32 v6, $0x0;
	v2 =	vadd.s32 $0x2710, v6  }
0x2b4: {  	[tilespmem:$0x2C0] =	vst v3;
	v2 =	vsel vm0, v2, v6  }
0x2b5: {  	v36 =	vld [tilespmem:$0xF0];
	[tilespmem:$0x1C0] =	vst v2;
	v2 =	vsub.s32 v33, v34  }
0x2b6: {  	v3 =	vld [tilespmem:$0xB0];
	[tilespmem:$0x150] =	vst v33;
	vm13 =	vlt.s32 v2, $0x0;
	v35 =	vadd.s32 $0x2710, v2  }
0x2b7: {  	[tilespmem:$0x2D0] =	vst v34;
	v2 =	vsel vm13, v35, v2  }
0x2b8: {  	[tilespmem:$0x1D0] =	vst v2;
	v2 =	vsub.s32 v7, v8  }
0x2b9: {  	[tilespmem:$0x160] =	vst v7;
	vm14 =	vlt.s32 v2, $0x0;
	v37 =	vadd.s32 $0x2710, v2  }
0x2ba: {  	[tilespmem:$0x2E0] =	vst v8;
	v2 =	vsel vm14, v37, v2  }
0x2bb: {  	[tilespmem:$0x1E0] =	vst v2;
	v2 =	vsub.s32 v3, v36  }
0x2bc: {  	[tilespmem:$0x170] =	vst v3;
	vm15 =	vlt.s32 v2, $0x0;
	v3 =	vadd.s32 $0x2710, v2  }
0x2bd: {  	[tilespmem:$0x2F0] =	vst v36;
	v2 =	vsel vm15, v3, v2  }
0x2be: {  	s10 =	sadd.s32 @!p3 s2, s19;
	[tilespmem:$0x1F0] =	vst v2  }
0x2bf: {  	[tilespmem:s29], [sflag:$0x2] =	stream.indirect.gather [hbm4b:s5+s9], $0x40, s28, s9, $0xb8;
	[tilespmem:$0x1FB80] =	vst v63  }
0x2c0: {  	s10 =	sshrl.u32 @!p3 s10, $0x3  }
0x2c1: {  	[tilespmem:s1], [sflag:$0x2] =	stream.indirect.gather [hbm4b:s6+s9], $0x40, s31, s9, $0xb8;
	[tilespmem:$0x1FB80] =	vst v63  }
0x2c2: {  	s15 =	simm.s32 @!p3 $0x80;
	s10 =	sadd.s32 @!p3 s0, s10;
	s11 =	simm.s32 @!p3 $0x0  }
0x2c3: {  	[tilespmem:s15], [sflag:$0x4] =	stream.linear.gather @!p3 [hbm4b:s10+s11], $0x40, $0x38;
	[tilespmem:$0x1FB80] =	vst v63  }
0x2c4: {  	s10 =	sadd.s32 @!p3 $0x9C40, s10;
	s15 =	simm.s32 @!p3 $0xC0  }
0x2c5: {  	[tilespmem:s15], [sflag:$0x4] =	stream.linear.gather @!p3 [hbm4b:s10+s11], $0x40, $0x38;
	[tilespmem:$0x1FB80] =	vst v63  }
0x2c6: {  	_ =	swait.ge [sflag:s23], $0x1000  }
0x2c7: {  	[sflag:s23] =	ssyncset.done $0x0  }
0x2c8: {  	[sflag:s23] =	ssyncadd.s32 $0xFFFFF000  }
0x2c9: {  	_ =	swait.ge [sflag:s23], $0x1000  }
0x2ca: {  	[sflag:s23] =	ssyncset.done $0x0  }
0x2cb: {  	[sflag:s23] =	ssyncadd.s32 $0xFFFFF000  }
0x2cc: {  	_ =	swait.ge [sflag:s30], $0x2000  }
0x2cd: {  	[sflag:s30] =	ssyncset.done $0x0  }
0x2ce: {  	s24 =	simm.s32 $0x380;
	[sflag:s30] =	ssyncadd.s32 $0xFFFFE000  }
0x2cf: {  	s10 =	simm.s32 $0x2380;
	v2 =	vld [tilespmem:s24+$0xFFFFFF80]  }
0x2d0: {  	v3 =	vld [tilespmem:s10+$0xFFFFFF80];
	_ =	sdelay $0x4  }
0x2d1: {  	v38 =	vshll.u32 v2, $0x10;
	v39 =	vshll.u32 v3, $0x10  }
0x2d2: {  	v2 =	vand.u32 $0xFFFF0000, v2;
	v3 =	vand.u32 $0xFFFF0000, v3;
	v4 =	vmul.f32 v39, v38  }
0x2d3: {  	s11 =	simm.s32 $0x8400;
	v2 =	vmul.f32 v3, v2  }
0x2d4: {  	[tilespmem:s11+$0xFFFFFF00] =	vst v4  }
0x2d5: {  	[tilespmem:s11+$0xFFFFFF10] =	vst v2  }
0x2d6: {  	v2 =	vld [tilespmem:s24+$0xFFFFFF90]  }
0x2d7: {  	v3 =	vld [tilespmem:s10+$0xFFFFFF90];
	_ =	sdelay $0x4  }
0x2d8: {  	v40 =	vshll.u32 v2, $0x10;
	v41 =	vshll.u32 v3, $0x10  }
0x2d9: {  	v2 =	vand.u32 $0xFFFF0000, v2;
	v3 =	vand.u32 $0xFFFF0000, v3;
	v4 =	vmul.f32 v41, v40  }
0x2da: {  	v2 =	vmul.f32 v3, v2  }
0x2db: {  	[tilespmem:s11+$0xFFFFFF20] =	vst v4  }
0x2dc: {  	[tilespmem:s11+$0xFFFFFF30] =	vst v2  }
0x2dd: {  	v2 =	vld [tilespmem:s24+$0xFFFFFFA0]  }
0x2de: {  	v3 =	vld [tilespmem:s10+$0xFFFFFFA0];
	_ =	sdelay $0x4  }
0x2df: {  	v42 =	vshll.u32 v2, $0x10;
	v43 =	vshll.u32 v3, $0x10  }
0x2e0: {  	v2 =	vand.u32 $0xFFFF0000, v2;
	v3 =	vand.u32 $0xFFFF0000, v3;
	v4 =	vmul.f32 v43, v42  }
0x2e1: {  	v2 =	vmul.f32 v3, v2  }
0x2e2: {  	[tilespmem:s11+$0xFFFFFF40] =	vst v4  }
0x2e3: {  	[tilespmem:s11+$0xFFFFFF50] =	vst v2  }
0x2e4: {  	v2 =	vld [tilespmem:s24+$0xFFFFFFB0]  }
0x2e5: {  	v3 =	vld [tilespmem:s10+$0xFFFFFFB0];
	_ =	sdelay $0x4  }
0x2e6: {  	v44 =	vshll.u32 v2, $0x10;
	v45 =	vshll.u32 v3, $0x10  }
0x2e7: {  	v2 =	vand.u32 $0xFFFF0000, v2;
	v3 =	vand.u32 $0xFFFF0000, v3;
	v4 =	vmul.f32 v45, v44  }
0x2e8: {  	v2 =	vmul.f32 v3, v2  }
0x2e9: {  	[tilespmem:s11+$0xFFFFFF60] =	vst v4  }
0x2ea: {  	[tilespmem:s11+$0xFFFFFF70] =	vst v2  }
0x2eb: {  	v2 =	vld [tilespmem:s24+$0xFFFFFFC0]  }
0x2ec: {  	v3 =	vld [tilespmem:s10+$0xFFFFFFC0];
	_ =	sdelay $0x4  }
0x2ed: {  	v46 =	vshll.u32 v2, $0x10;
	v47 =	vshll.u32 v3, $0x10  }
0x2ee: {  	v2 =	vand.u32 $0xFFFF0000, v2;
	v3 =	vand.u32 $0xFFFF0000, v3;
	v4 =	vmul.f32 v47, v46  }
0x2ef: {  	v2 =	vmul.f32 v3, v2  }
0x2f0: {  	[tilespmem:s11+$0xFFFFFF80] =	vst v4  }
0x2f1: {  	[tilespmem:s11+$0xFFFFFF90] =	vst v2  }
0x2f2: {  	v2 =	vld [tilespmem:s24+$0xFFFFFFD0]  }
0x2f3: {  	v3 =	vld [tilespmem:s10+$0xFFFFFFD0];
	_ =	sdelay $0x4  }
0x2f4: {  	v48 =	vshll.u32 v2, $0x10;
	v49 =	vshll.u32 v3, $0x10  }
0x2f5: {  	v2 =	vand.u32 $0xFFFF0000, v2;
	v3 =	vand.u32 $0xFFFF0000, v3;
	v4 =	vmul.f32 v49, v48  }
0x2f6: {  	v2 =	vmul.f32 v3, v2  }
0x2f7: {  	[tilespmem:s11+$0xFFFFFFA0] =	vst v4  }
0x2f8: {  	[tilespmem:s11+$0xFFFFFFB0] =	vst v2  }
0x2f9: {  	v2 =	vld [tilespmem:s24+$0xFFFFFFE0]  }
0x2fa: {  	v3 =	vld [tilespmem:s10+$0xFFFFFFE0];
	_ =	sdelay $0x4  }
0x2fb: {  	v50 =	vshll.u32 v2, $0x10;
	v51 =	vshll.u32 v3, $0x10  }
0x2fc: {  	v2 =	vand.u32 $0xFFFF0000, v2;
	v3 =	vand.u32 $0xFFFF0000, v3;
	v4 =	vmul.f32 v51, v50  }
0x2fd: {  	v2 =	vmul.f32 v3, v2  }
0x2fe: {  	[tilespmem:s11+$0xFFFFFFC0] =	vst v4  }
0x2ff: {  	[tilespmem:s11+$0xFFFFFFD0] =	vst v2  }
0x300: {  	v2 =	vld [tilespmem:s24+$0xFFFFFFF0]  }
0x301: {  	v3 =	vld [tilespmem:s10+$0xFFFFFFF0];
	_ =	sdelay $0x4  }
0x302: {  	v52 =	vshll.u32 v2, $0x10;
	v53 =	vshll.u32 v3, $0x10  }
0x303: {  	v2 =	vand.u32 $0xFFFF0000, v2;
	v3 =	vand.u32 $0xFFFF0000, v3;
	v4 =	vmul.f32 v53, v52  }
0x304: {  	v2 =	vmul.f32 v3, v2  }
0x305: {  	[tilespmem:s11+$0xFFFFFFE0] =	vst v4  }
0x306: {  	[tilespmem:s11+$0xFFFFFFF0] =	vst v2  }
0x307: {  	v2 =	vld [tilespmem:s24+$0x0]  }
0x308: {  	v3 =	vld [tilespmem:s10+$0x0];
	_ =	sdelay $0x4  }
0x309: {  	v54 =	vshll.u32 v2, $0x10;
	v55 =	vshll.u32 v3, $0x10  }
0x30a: {  	v2 =	vand.u32 $0xFFFF0000, v2;
	v3 =	vand.u32 $0xFFFF0000, v3;
	v4 =	vmul.f32 v55, v54  }
0x30b: {  	v2 =	vmul.f32 v3, v2  }
0x30c: {  	[tilespmem:s11+$0x0] =	vst v4  }
0x30d: {  	[tilespmem:s11+$0x10] =	vst v2  }
0x30e: {  	v2 =	vld [tilespmem:s24+$0x10]  }
0x30f: {  	v3 =	vld [tilespmem:s10+$0x10];
	_ =	sdelay $0x4  }
0x310: {  	v56 =	vshll.u32 v2, $0x10;
	v57 =	vshll.u32 v3, $0x10  }
0x311: {  	v2 =	vand.u32 $0xFFFF0000, v2;
	v3 =	vand.u32 $0xFFFF0000, v3;
	v4 =	vmul.f32 v57, v56  }
0x312: {  	v2 =	vmul.f32 v3, v2  }
0x313: {  	[tilespmem:s11+$0x20] =	vst v4  }
0x314: {  	[tilespmem:s11+$0x30] =	vst v2  }
0x315: {  	v2 =	vld [tilespmem:s24+$0x20]  }
0x316: {  	v3 =	vld [tilespmem:s10+$0x20];
	_ =	sdelay $0x4  }
0x317: {  	v58 =	vshll.u32 v2, $0x10;
	v59 =	vshll.u32 v3, $0x10  }
0x318: {  	v2 =	vand.u32 $0xFFFF0000, v2;
	v3 =	vand.u32 $0xFFFF0000, v3;
	v4 =	vmul.f32 v59, v58  }
0x319: {  	v2 =	vmul.f32 v3, v2  }
0x31a: {  	[tilespmem:s11+$0x40] =	vst v4  }
0x31b: {  	[tilespmem:s11+$0x50] =	vst v2  }
0x31c: {  	v2 =	vld [tilespmem:s24+$0x30]  }
0x31d: {  	v3 =	vld [tilespmem:s10+$0x30];
	_ =	sdelay $0x4  }
0x31e: {  	v60 =	vshll.u32 v2, $0x10;
	v61 =	vshll.u32 v3, $0x10  }
0x31f: {  	v2 =	vand.u32 $0xFFFF0000, v2;
	v3 =	vand.u32 $0xFFFF0000, v3;
	v4 =	vmul.f32 v61, v60  }
0x320: {  	v2 =	vmul.f32 v3, v2  }
0x321: {  	[tilespmem:s11+$0x60] =	vst v4  }
0x322: {  	[tilespmem:s11+$0x70] =	vst v2  }
0x323: {  	v2 =	vld [tilespmem:s24+$0x40]  }
0x324: {  	v3 =	vld [tilespmem:s10+$0x40];
	_ =	sdelay $0x4  }
0x325: {  	v62 =	vshll.u32 v2, $0x10;
	v63 =	vshll.u32 v3, $0x10  }
0x326: {  	v2 =	vand.u32 $0xFFFF0000, v2;
	v3 =	vand.u32 $0xFFFF0000, v3;
	v4 =	vmul.f32 v63, v62  }
0x327: {  	v2 =	vmul.f32 v3, v2  }
0x328: {  	[tilespmem:s11+$0x80] =	vst v4  }
0x329: {  	s16 =	simm.s32 $0x0;
	[tilespmem:s11+$0x90] =	vst v2  }
0x32a: {  	s17 =	simm.s32 $0x8600;
	s25 =	simm.s32 $0x2380;
	s15 =	simm.s32 $0x380;
	v2 =	vld [tilespmem:s24+$0x50]  }
.LBB2_9:
0x32b: {  	s16 =	sadd.s32 $0x4, s16;
	v3 =	vld [tilespmem:s10+$0x50];
	s25 =	sadd.s32 $0x100, s25;
	s24 =	sadd.s32 $0x100, s24  }
0x32c: {  	p4 =	slt.u32 s16, $0x3C;
	_ =	sdelay $0x2  }
0x32d: {  	v4 =	vshll.u32 v2, $0x10;
	v2 =	vand.u32 $0xFFFF0000, v2  }
0x32e: {  	v5 =	vshll.u32 v3, $0x10;
	v3 =	vand.u32 $0xFFFF0000, v3  }
0x32f: {  	v4 =	vmul.f32 v5, v4;
	v2 =	vmul.f32 v3, v2;
	_ =	sdelay $0x1  }
0x330: {  	[tilespmem:s11+$0xA0] =	vst v4  }
0x331: {  	[tilespmem:s11+$0xB0] =	vst v2  }
0x332: {  	v2 =	vld [tilespmem:s15+$0x60]  }
0x333: {  	v3 =	vld [tilespmem:s10+$0x60];
	_ =	sdelay $0x3  }
0x334: {  	v4 =	vshll.u32 v2, $0x10;
	v2 =	vand.u32 $0xFFFF0000, v2  }
0x335: {  	v5 =	vshll.u32 v3, $0x10;
	v3 =	vand.u32 $0xFFFF0000, v3  }
0x336: {  	v4 =	vmul.f32 v5, v4;
	v2 =	vmul.f32 v3, v2;
	_ =	sdelay $0x1  }
0x337: {  	[tilespmem:s11+$0xC0] =	vst v4  }
0x338: {  	[tilespmem:s11+$0xD0] =	vst v2  }
0x339: {  	v2 =	vld [tilespmem:s15+$0x70];
	s15 =	smov.u32 s24  }
0x33a: {  	v3 =	vld [tilespmem:s10+$0x70];
	s10 =	smov.u32 s25;
	_ =	sdelay $0x3  }
0x33b: {  	v4 =	vshll.u32 v2, $0x10;
	v2 =	vand.u32 $0xFFFF0000, v2  }
0x33c: {  	v5 =	vshll.u32 v3, $0x10;
	v3 =	vand.u32 $0xFFFF0000, v3  }
0x33d: {  	v4 =	vmul.f32 v5, v4;
	v2 =	vmul.f32 v3, v2;
	_ =	sdelay $0x1  }
0x33e: {  	[tilespmem:s11+$0xE0] =	vst v4  }
0x33f: {  	[tilespmem:s11+$0xF0] =	vst v2;
	s11 =	smov.u32 s17  }
0x340: {  	v2 =	vld [tilespmem:s24+$0xFFFFFF80]  }
0x341: {  	v3 =	vld [tilespmem:s25+$0xFFFFFF80];
	_ =	sdelay $0x3  }
0x342: {  	v4 =	vand.u32 $0xFFFF0000, v2  }
0x343: {  	v2 =	vshll.u32 v2, $0x10;
	v5 =	vshll.u32 v3, $0x10;
	v3 =	vand.u32 $0xFFFF0000, v3  }
0x344: {  	v2 =	vmul.f32 v5, v2;
	v3 =	vmul.f32 v3, v4;
	_ =	sdelay $0x1  }
0x345: {  	[tilespmem:s17+$0xFFFFFF00] =	vst v2  }
0x346: {  	[tilespmem:s17+$0xFFFFFF10] =	vst v3  }
0x347: {  	v2 =	vld [tilespmem:s24+$0xFFFFFF90]  }
0x348: {  	v3 =	vld [tilespmem:s25+$0xFFFFFF90];
	_ =	sdelay $0x3  }
0x349: {  	v4 =	vshll.u32 v2, $0x10;
	v2 =	vand.u32 $0xFFFF0000, v2  }
0x34a: {  	v5 =	vshll.u32 v3, $0x10;
	v3 =	vand.u32 $0xFFFF0000, v3  }
0x34b: {  	v4 =	vmul.f32 v5, v4;
	v2 =	vmul.f32 v3, v2;
	_ =	sdelay $0x1  }
0x34c: {  	[tilespmem:s17+$0xFFFFFF20] =	vst v4  }
0x34d: {  	[tilespmem:s17+$0xFFFFFF30] =	vst v2  }
0x34e: {  	v2 =	vld [tilespmem:s24+$0xFFFFFFA0]  }
0x34f: {  	v3 =	vld [tilespmem:s25+$0xFFFFFFA0];
	_ =	sdelay $0x3  }
0x350: {  	v4 =	vshll.u32 v2, $0x10;
	v2 =	vand.u32 $0xFFFF0000, v2  }
0x351: {  	v5 =	vshll.u32 v3, $0x10;
	v3 =	vand.u32 $0xFFFF0000, v3  }
0x352: {  	v4 =	vmul.f32 v5, v4;
	v2 =	vmul.f32 v3, v2;
	_ =	sdelay $0x1  }
0x353: {  	[tilespmem:s17+$0xFFFFFF40] =	vst v4  }
0x354: {  	[tilespmem:s17+$0xFFFFFF50] =	vst v2  }
0x355: {  	v2 =	vld [tilespmem:s24+$0xFFFFFFB0]  }
0x356: {  	v3 =	vld [tilespmem:s25+$0xFFFFFFB0];
	_ =	sdelay $0x3  }
0x357: {  	v4 =	vshll.u32 v2, $0x10;
	v2 =	vand.u32 $0xFFFF0000, v2  }
0x358: {  	v5 =	vshll.u32 v3, $0x10;
	v3 =	vand.u32 $0xFFFF0000, v3  }
0x359: {  	v4 =	vmul.f32 v5, v4;
	v2 =	vmul.f32 v3, v2;
	_ =	sdelay $0x1  }
0x35a: {  	[tilespmem:s17+$0xFFFFFF60] =	vst v4  }
0x35b: {  	[tilespmem:s17+$0xFFFFFF70] =	vst v2  }
0x35c: {  	v2 =	vld [tilespmem:s24+$0xFFFFFFC0]  }
0x35d: {  	v3 =	vld [tilespmem:s25+$0xFFFFFFC0];
	_ =	sdelay $0x3  }
0x35e: {  	v4 =	vshll.u32 v2, $0x10;
	v2 =	vand.u32 $0xFFFF0000, v2  }
0x35f: {  	v5 =	vshll.u32 v3, $0x10;
	v3 =	vand.u32 $0xFFFF0000, v3  }
0x360: {  	v4 =	vmul.f32 v5, v4;
	v2 =	vmul.f32 v3, v2;
	_ =	sdelay $0x1  }
0x361: {  	[tilespmem:s17+$0xFFFFFF80] =	vst v4  }
0x362: {  	[tilespmem:s17+$0xFFFFFF90] =	vst v2  }
0x363: {  	v2 =	vld [tilespmem:s24+$0xFFFFFFD0]  }
0x364: {  	v3 =	vld [tilespmem:s25+$0xFFFFFFD0];
	_ =	sdelay $0x3  }
0x365: {  	v4 =	vshll.u32 v2, $0x10;
	v2 =	vand.u32 $0xFFFF0000, v2  }
0x366: {  	v5 =	vshll.u32 v3, $0x10;
	v3 =	vand.u32 $0xFFFF0000, v3  }
0x367: {  	v4 =	vmul.f32 v5, v4;
	v2 =	vmul.f32 v3, v2;
	_ =	sdelay $0x1  }
0x368: {  	[tilespmem:s17+$0xFFFFFFA0] =	vst v4  }
0x369: {  	[tilespmem:s17+$0xFFFFFFB0] =	vst v2  }
0x36a: {  	v2 =	vld [tilespmem:s24+$0xFFFFFFE0]  }
0x36b: {  	v3 =	vld [tilespmem:s25+$0xFFFFFFE0];
	_ =	sdelay $0x3  }
0x36c: {  	v4 =	vshll.u32 v2, $0x10;
	v2 =	vand.u32 $0xFFFF0000, v2  }
0x36d: {  	v5 =	vshll.u32 v3, $0x10;
	v3 =	vand.u32 $0xFFFF0000, v3  }
0x36e: {  	v4 =	vmul.f32 v5, v4;
	v2 =	vmul.f32 v3, v2;
	_ =	sdelay $0x1  }
0x36f: {  	[tilespmem:s17+$0xFFFFFFC0] =	vst v4  }
0x370: {  	[tilespmem:s17+$0xFFFFFFD0] =	vst v2  }
0x371: {  	v2 =	vld [tilespmem:s24+$0xFFFFFFF0]  }
0x372: {  	v3 =	vld [tilespmem:s25+$0xFFFFFFF0];
	_ =	sdelay $0x3  }
0x373: {  	v4 =	vshll.u32 v2, $0x10;
	v2 =	vand.u32 $0xFFFF0000, v2  }
0x374: {  	v5 =	vshll.u32 v3, $0x10;
	v3 =	vand.u32 $0xFFFF0000, v3  }
0x375: {  	v4 =	vmul.f32 v5, v4;
	v2 =	vmul.f32 v3, v2;
	_ =	sdelay $0x1  }
0x376: {  	[tilespmem:s17+$0xFFFFFFE0] =	vst v4  }
0x377: {  	[tilespmem:s17+$0xFFFFFFF0] =	vst v2  }
0x378: {  	v2 =	vld [tilespmem:s24+$0x0]  }
0x379: {  	v3 =	vld [tilespmem:s25+$0x0];
	_ =	sdelay $0x3  }
0x37a: {  	v4 =	vshll.u32 v2, $0x10;
	v2 =	vand.u32 $0xFFFF0000, v2  }
0x37b: {  	v5 =	vshll.u32 v3, $0x10;
	v3 =	vand.u32 $0xFFFF0000, v3  }
0x37c: {  	v4 =	vmul.f32 v5, v4;
	v2 =	vmul.f32 v3, v2;
	_ =	sdelay $0x1  }
0x37d: {  	[tilespmem:s17+$0x0] =	vst v4  }
0x37e: {  	[tilespmem:s17+$0x10] =	vst v2  }
0x37f: {  	v2 =	vld [tilespmem:s24+$0x10]  }
0x380: {  	v3 =	vld [tilespmem:s25+$0x10];
	_ =	sdelay $0x3  }
0x381: {  	v4 =	vshll.u32 v2, $0x10;
	v2 =	vand.u32 $0xFFFF0000, v2  }
0x382: {  	v5 =	vshll.u32 v3, $0x10;
	v3 =	vand.u32 $0xFFFF0000, v3  }
0x383: {  	v4 =	vmul.f32 v5, v4;
	v2 =	vmul.f32 v3, v2;
	_ =	sdelay $0x1  }
0x384: {  	[tilespmem:s17+$0x20] =	vst v4  }
0x385: {  	[tilespmem:s17+$0x30] =	vst v2  }
0x386: {  	v2 =	vld [tilespmem:s24+$0x20]  }
0x387: {  	v3 =	vld [tilespmem:s25+$0x20];
	_ =	sdelay $0x3  }
0x388: {  	v4 =	vshll.u32 v2, $0x10;
	v2 =	vand.u32 $0xFFFF0000, v2  }
0x389: {  	v5 =	vshll.u32 v3, $0x10;
	v3 =	vand.u32 $0xFFFF0000, v3  }
0x38a: {  	v4 =	vmul.f32 v5, v4;
	v2 =	vmul.f32 v3, v2;
	_ =	sdelay $0x1  }
0x38b: {  	[tilespmem:s17+$0x40] =	vst v4  }
0x38c: {  	[tilespmem:s17+$0x50] =	vst v2  }
0x38d: {  	v2 =	vld [tilespmem:s24+$0x30]  }
0x38e: {  	v3 =	vld [tilespmem:s25+$0x30];
	_ =	sdelay $0x3  }
0x38f: {  	v4 =	vshll.u32 v2, $0x10;
	v2 =	vand.u32 $0xFFFF0000, v2  }
0x390: {  	v5 =	vshll.u32 v3, $0x10;
	v3 =	vand.u32 $0xFFFF0000, v3  }
0x391: {  	v4 =	vmul.f32 v5, v4;
	v2 =	vmul.f32 v3, v2;
	_ =	sdelay $0x1  }
0x392: {  	[tilespmem:s17+$0x60] =	vst v4  }
0x393: {  	[tilespmem:s17+$0x70] =	vst v2  }
0x394: {  	v2 =	vld [tilespmem:s24+$0x40]  }
0x395: {  	v3 =	vld [tilespmem:s25+$0x40];
	_ =	sdelay $0x3  }
0x396: {  	v4 =	vshll.u32 v2, $0x10;
	v2 =	vand.u32 $0xFFFF0000, v2  }
0x397: {  	v5 =	vshll.u32 v3, $0x10;
	v3 =	vand.u32 $0xFFFF0000, v3  }
.Ltmp5:
0x398: {  	v4 =	vmul.f32 v5, v4;
	v2 =	vmul.f32 v3, v2;
	(pc) =	sbr.rel @p4 .LBB2_9-.Ltmp5, $4  }
0x399: {  	_ = 	snop  }
0x39a: {  	[tilespmem:s17+$0x80] =	vst v4  }
0x39b: {  	[tilespmem:s17+$0x90] =	vst v2  }
0x39c: {  	s17 =	sadd.s32 $0x200, s17;
	v2 =	vld [tilespmem:s24+$0x50]  }
0x39d: {  	v3 =	vld [tilespmem:s10+$0x50];
	_ =	sdelay $0x4  }
0x39e: {  	v4 =	vshll.u32 v2, $0x10;
	v5 =	vshll.u32 v3, $0x10  }
0x39f: {  	v2 =	vand.u32 $0xFFFF0000, v2;
	v3 =	vand.u32 $0xFFFF0000, v3;
	v4 =	vmul.f32 v5, v4  }
0x3a0: {  	v2 =	vmul.f32 v3, v2  }
0x3a1: {  	[tilespmem:s11+$0xA0] =	vst v4  }
0x3a2: {  	[tilespmem:s11+$0xB0] =	vst v2  }
0x3a3: {  	v2 =	vld [tilespmem:s15+$0x60]  }
0x3a4: {  	v3 =	vld [tilespmem:s10+$0x60];
	_ =	sdelay $0x4  }
0x3a5: {  	v34 =	vshll.u32 v2, $0x10;
	v35 =	vshll.u32 v3, $0x10  }
0x3a6: {  	v2 =	vand.u32 $0xFFFF0000, v2;
	v3 =	vand.u32 $0xFFFF0000, v3;
	v4 =	vmul.f32 v35, v34  }
0x3a7: {  	v2 =	vmul.f32 v3, v2  }
0x3a8: {  	[tilespmem:s11+$0xC0] =	vst v4  }
0x3a9: {  	[tilespmem:s11+$0xD0] =	vst v2  }
0x3aa: {  	v2 =	vld [tilespmem:s15+$0x70]  }
0x3ab: {  	v3 =	vld [tilespmem:s10+$0x70];
	_ =	sdelay $0x4  }
0x3ac: {  	v36 =	vshll.u32 v2, $0x10;
	v37 =	vshll.u32 v3, $0x10  }
0x3ad: {  	v2 =	vand.u32 $0xFFFF0000, v2;
	v3 =	vand.u32 $0xFFFF0000, v3;
	v4 =	vmul.f32 v37, v36  }
0x3ae: {  	v2 =	vmul.f32 v3, v2  }
0x3af: {  	[tilespmem:s11+$0xE0] =	vst v4  }
0x3b0: {  	s24 =	simm.s32 $0x280;
	s25 =	simm.s32 $0x8300;
	s10 =	simm.s32 @!p3 $0x3;
	[tilespmem:s11+$0xF0] =	vst v2  }
0x3b1: {  	[spmem:s3] =	stream.indirect.scatter.add.f32 [tilespmem:s25], [sflag:$0x5], $0x80, s24, s9, $0xb8;
	[tilespmem:$0x1FB80] =	vst v63  }
0x3b2: {  	_ =	swait.ge @!p3 [sflag:s10], $0x40  }
0x3b3: {  	[sflag:s10] =	ssyncset.done @!p3 $0x0  }
0x3b4: {  	[sflag:s10] =	ssyncadd.s32 @!p3 $0xFFFFFFC0  }
0x3b5: {  	_ =	swait.ge @!p3 [sflag:s10], $0x40  }
0x3b6: {  	[sflag:s10] =	ssyncset.done @!p3 $0x0  }
0x3b7: {  	[sflag:s10] =	ssyncadd.s32 @!p3 $0xFFFFFFC0  }
0x3b8: {  	v2 =	vld @!p3 [tilespmem:$0x0]  }
0x3b9: {  	v3 =	vld @!p3 [tilespmem:$0x40];
	_ =	sdelay $0x1  }
0x3ba: {  	v4 =	vld @!p3 [tilespmem:$0x10]  }
0x3bb: {  	v5 =	vld @!p3 [tilespmem:$0x50];
	_ =	sdelay $0x1  }
0x3bc: {  	v7 =	vld @!p3 [tilespmem:$0x20];
	v6 =	vsub.s32 @!p3 v2, v3  }
0x3bd: {  	v8 =	vld @!p3 [tilespmem:$0x60];
	[tilespmem:$0x100] =	vst @!p3 v2;
	vm0 =	vlt.s32 @!p3 v6, $0x0;
	v2 =	vadd.s32 @!p3 $0x2710, v6  }
0x3be: {  	[tilespmem:$0x200] =	vst @!p3 v3;
	v2 =	vsel @!p3 vm0, v2, v6  }
0x3bf: {  	v3 =	vld @!p3 [tilespmem:$0x30];
	[tilespmem:$0x180] =	vst @!p3 v2;
	v2 =	vsub.s32 @!p3 v4, v5  }
0x3c0: {  	[tilespmem:$0x110] =	vst @!p3 v4;
	v6 =	vld @!p3 [tilespmem:$0x70];
	vm0 =	vlt.s32 @!p3 v2, $0x0;
	v4 =	vadd.s32 @!p3 $0x2710, v2  }
0x3c1: {  	[tilespmem:$0x210] =	vst @!p3 v5;
	v2 =	vsel @!p3 vm0, v4, v2  }
0x3c2: {  	[tilespmem:$0x190] =	vst @!p3 v2;
	v2 =	vsub.s32 @!p3 v7, v8  }
0x3c3: {  	[tilespmem:$0x120] =	vst @!p3 v7;
	vm0 =	vlt.s32 @!p3 v2, $0x0;
	v4 =	vadd.s32 @!p3 $0x2710, v2  }
0x3c4: {  	[tilespmem:$0x220] =	vst @!p3 v8;
	v2 =	vsel @!p3 vm0, v4, v2  }
0x3c5: {  	[tilespmem:$0x1A0] =	vst @!p3 v2;
	v2 =	vsub.s32 @!p3 v3, v6  }
0x3c6: {  	[tilespmem:$0x130] =	vst @!p3 v3;
	vm0 =	vlt.s32 @!p3 v2, $0x0;
	v3 =	vadd.s32 @!p3 $0x2710, v2  }
0x3c7: {  	[tilespmem:$0x230] =	vst @!p3 v6;
	v2 =	vsel @!p3 vm0, v3, v2  }
0x3c8: {  	s15 =	simm.s32 @!p3 $0x300;
	s11 =	simm.s32 @!p3 $0x100;
	s10 =	simm.s32 @!p3 $0x40;
	[tilespmem:$0x1B0] =	vst @!p3 v2  }
0x3c9: {  	[tilespmem:s15], [sflag:$0x1] =	stream.indirect.gather @!p3 [hbm4b:s5+s10], $0x40, s11, s10, $0xb8;
	[tilespmem:$0x1FB80] =	vst v63  }
0x3ca: {  	s11 =	simm.s32 @!p3 $0x180;
	s15 =	simm.s32 @!p3 $0x2300  }
0x3cb: {  	[tilespmem:s15], [sflag:$0x1] =	stream.indirect.gather @!p3 [hbm4b:s6+s10], $0x40, s11, s10, $0xb8;
	[tilespmem:$0x1FB80] =	vst v63  }
0x3cc: {  	s11 =	sadd.s32 @!p3 s2, s20  }
0x3cd: {  	s11 =	sshrl.u32 @!p3 s11, $0x3  }
0x3ce: {  	s15 =	simm.s32 @!p3 $0x0;
	s11 =	sadd.s32 @!p3 s0, s11  }
0x3cf: {  	[tilespmem:s15], [sflag:$0x3] =	stream.linear.gather @!p3 [hbm4b:s11+s15], $0x40, $0x38;
	[tilespmem:$0x1FB80] =	vst v63  }
0x3d0: {  	s11 =	sadd.s32 @!p3 $0x9C40, s11  }
0x3d1: {  	[tilespmem:s10], [sflag:$0x3] =	stream.linear.gather @!p3 [hbm4b:s11+s15], $0x40, $0x38;
	[tilespmem:$0x1FB80] =	vst v63  }
0x3d2: {  	_ =	swait.ge [sflag:s22], $0x1000  }
0x3d3: {  	[sflag:s22] =	ssyncset.done $0x0  }
0x3d4: {  	[sflag:s22] =	ssyncadd.s32 $0xFFFFF000  }
0x3d5: {  	_ =	swait.ge [sflag:s22], $0x1000  }
0x3d6: {  	[sflag:s22] =	ssyncset.done $0x0  }
0x3d7: {  	[sflag:s22] =	ssyncadd.s32 $0xFFFFF000  }
0x3d8: {  	_ =	swait.ge [sflag:s7], $0x2000  }
0x3d9: {  	[sflag:s7] =	ssyncset.done $0x0  }
0x3da: {  	s24 =	simm.s32 $0x1380;
	[sflag:s7] =	ssyncadd.s32 $0xFFFFE000  }
0x3db: {  	s10 =	simm.s32 $0x3380;
	v2 =	vld [tilespmem:s24+$0xFFFFFF80]  }
0x3dc: {  	v3 =	vld [tilespmem:s10+$0xFFFFFF80];
	_ =	sdelay $0x4  }
0x3dd: {  	v38 =	vshll.u32 v2, $0x10;
	v39 =	vshll.u32 v3, $0x10  }
0x3de: {  	v2 =	vand.u32 $0xFFFF0000, v2;
	v3 =	vand.u32 $0xFFFF0000, v3;
	v4 =	vmul.f32 v39, v38  }
0x3df: {  	s11 =	simm.s32 $0xA400;
	v2 =	vmul.f32 v3, v2  }
0x3e0: {  	[tilespmem:s11+$0xFFFFFF00] =	vst v4  }
0x3e1: {  	[tilespmem:s11+$0xFFFFFF10] =	vst v2  }
0x3e2: {  	v2 =	vld [tilespmem:s24+$0xFFFFFF90]  }
0x3e3: {  	v3 =	vld [tilespmem:s10+$0xFFFFFF90];
	_ =	sdelay $0x4  }
0x3e4: {  	v40 =	vshll.u32 v2, $0x10;
	v41 =	vshll.u32 v3, $0x10  }
0x3e5: {  	v2 =	vand.u32 $0xFFFF0000, v2;
	v3 =	vand.u32 $0xFFFF0000, v3;
	v4 =	vmul.f32 v41, v40  }
0x3e6: {  	v2 =	vmul.f32 v3, v2  }
0x3e7: {  	[tilespmem:s11+$0xFFFFFF20] =	vst v4  }
0x3e8: {  	[tilespmem:s11+$0xFFFFFF30] =	vst v2  }
0x3e9: {  	v2 =	vld [tilespmem:s24+$0xFFFFFFA0]  }
0x3ea: {  	v3 =	vld [tilespmem:s10+$0xFFFFFFA0];
	_ =	sdelay $0x4  }
0x3eb: {  	v42 =	vshll.u32 v2, $0x10;
	v43 =	vshll.u32 v3, $0x10  }
0x3ec: {  	v2 =	vand.u32 $0xFFFF0000, v2;
	v3 =	vand.u32 $0xFFFF0000, v3;
	v4 =	vmul.f32 v43, v42  }
0x3ed: {  	v2 =	vmul.f32 v3, v2  }
0x3ee: {  	[tilespmem:s11+$0xFFFFFF40] =	vst v4  }
0x3ef: {  	[tilespmem:s11+$0xFFFFFF50] =	vst v2  }
0x3f0: {  	v2 =	vld [tilespmem:s24+$0xFFFFFFB0]  }
0x3f1: {  	v3 =	vld [tilespmem:s10+$0xFFFFFFB0];
	_ =	sdelay $0x4  }
0x3f2: {  	v44 =	vshll.u32 v2, $0x10;
	v45 =	vshll.u32 v3, $0x10  }
0x3f3: {  	v2 =	vand.u32 $0xFFFF0000, v2;
	v3 =	vand.u32 $0xFFFF0000, v3;
	v4 =	vmul.f32 v45, v44  }
0x3f4: {  	v2 =	vmul.f32 v3, v2  }
0x3f5: {  	[tilespmem:s11+$0xFFFFFF60] =	vst v4  }
0x3f6: {  	[tilespmem:s11+$0xFFFFFF70] =	vst v2  }
0x3f7: {  	v2 =	vld [tilespmem:s24+$0xFFFFFFC0]  }
0x3f8: {  	v3 =	vld [tilespmem:s10+$0xFFFFFFC0];
	_ =	sdelay $0x4  }
0x3f9: {  	v46 =	vshll.u32 v2, $0x10;
	v47 =	vshll.u32 v3, $0x10  }
0x3fa: {  	v2 =	vand.u32 $0xFFFF0000, v2;
	v3 =	vand.u32 $0xFFFF0000, v3;
	v4 =	vmul.f32 v47, v46  }
0x3fb: {  	v2 =	vmul.f32 v3, v2  }
0x3fc: {  	[tilespmem:s11+$0xFFFFFF80] =	vst v4  }
0x3fd: {  	[tilespmem:s11+$0xFFFFFF90] =	vst v2  }
0x3fe: {  	v2 =	vld [tilespmem:s24+$0xFFFFFFD0]  }
0x3ff: {  	v3 =	vld [tilespmem:s10+$0xFFFFFFD0];
	_ =	sdelay $0x4  }
0x400: {  	v48 =	vshll.u32 v2, $0x10;
	v49 =	vshll.u32 v3, $0x10  }
0x401: {  	v2 =	vand.u32 $0xFFFF0000, v2;
	v3 =	vand.u32 $0xFFFF0000, v3;
	v4 =	vmul.f32 v49, v48  }
0x402: {  	v2 =	vmul.f32 v3, v2  }
0x403: {  	[tilespmem:s11+$0xFFFFFFA0] =	vst v4  }
0x404: {  	[tilespmem:s11+$0xFFFFFFB0] =	vst v2  }
0x405: {  	v2 =	vld [tilespmem:s24+$0xFFFFFFE0]  }
0x406: {  	v3 =	vld [tilespmem:s10+$0xFFFFFFE0];
	_ =	sdelay $0x4  }
0x407: {  	v50 =	vshll.u32 v2, $0x10;
	v51 =	vshll.u32 v3, $0x10  }
0x408: {  	v2 =	vand.u32 $0xFFFF0000, v2;
	v3 =	vand.u32 $0xFFFF0000, v3;
	v4 =	vmul.f32 v51, v50  }
0x409: {  	v2 =	vmul.f32 v3, v2  }
0x40a: {  	[tilespmem:s11+$0xFFFFFFC0] =	vst v4  }
0x40b: {  	[tilespmem:s11+$0xFFFFFFD0] =	vst v2  }
0x40c: {  	v2 =	vld [tilespmem:s24+$0xFFFFFFF0]  }
0x40d: {  	v3 =	vld [tilespmem:s10+$0xFFFFFFF0];
	_ =	sdelay $0x4  }
0x40e: {  	v52 =	vshll.u32 v2, $0x10;
	v53 =	vshll.u32 v3, $0x10  }
0x40f: {  	v2 =	vand.u32 $0xFFFF0000, v2;
	v3 =	vand.u32 $0xFFFF0000, v3;
	v4 =	vmul.f32 v53, v52  }
0x410: {  	v2 =	vmul.f32 v3, v2  }
0x411: {  	[tilespmem:s11+$0xFFFFFFE0] =	vst v4  }
0x412: {  	[tilespmem:s11+$0xFFFFFFF0] =	vst v2  }
0x413: {  	v2 =	vld [tilespmem:s24+$0x0]  }
0x414: {  	v3 =	vld [tilespmem:s10+$0x0];
	_ =	sdelay $0x4  }
0x415: {  	v54 =	vshll.u32 v2, $0x10;
	v55 =	vshll.u32 v3, $0x10  }
0x416: {  	v2 =	vand.u32 $0xFFFF0000, v2;
	v3 =	vand.u32 $0xFFFF0000, v3;
	v4 =	vmul.f32 v55, v54  }
0x417: {  	v2 =	vmul.f32 v3, v2  }
0x418: {  	[tilespmem:s11+$0x0] =	vst v4  }
0x419: {  	[tilespmem:s11+$0x10] =	vst v2  }
0x41a: {  	v2 =	vld [tilespmem:s24+$0x10]  }
0x41b: {  	v3 =	vld [tilespmem:s10+$0x10];
	_ =	sdelay $0x4  }
0x41c: {  	v56 =	vshll.u32 v2, $0x10;
	v57 =	vshll.u32 v3, $0x10  }
0x41d: {  	v2 =	vand.u32 $0xFFFF0000, v2;
	v3 =	vand.u32 $0xFFFF0000, v3;
	v4 =	vmul.f32 v57, v56  }
0x41e: {  	v2 =	vmul.f32 v3, v2  }
0x41f: {  	[tilespmem:s11+$0x20] =	vst v4  }
0x420: {  	[tilespmem:s11+$0x30] =	vst v2  }
0x421: {  	v2 =	vld [tilespmem:s24+$0x20]  }
0x422: {  	v3 =	vld [tilespmem:s10+$0x20];
	_ =	sdelay $0x4  }
0x423: {  	v58 =	vshll.u32 v2, $0x10;
	v59 =	vshll.u32 v3, $0x10  }
0x424: {  	v2 =	vand.u32 $0xFFFF0000, v2;
	v3 =	vand.u32 $0xFFFF0000, v3;
	v4 =	vmul.f32 v59, v58  }
0x425: {  	v2 =	vmul.f32 v3, v2  }
0x426: {  	[tilespmem:s11+$0x40] =	vst v4  }
0x427: {  	[tilespmem:s11+$0x50] =	vst v2  }
0x428: {  	v2 =	vld [tilespmem:s24+$0x30]  }
0x429: {  	v3 =	vld [tilespmem:s10+$0x30];
	_ =	sdelay $0x4  }
0x42a: {  	v60 =	vshll.u32 v2, $0x10;
	v61 =	vshll.u32 v3, $0x10  }
0x42b: {  	v2 =	vand.u32 $0xFFFF0000, v2;
	v3 =	vand.u32 $0xFFFF0000, v3;
	v4 =	vmul.f32 v61, v60  }
0x42c: {  	v2 =	vmul.f32 v3, v2  }
0x42d: {  	[tilespmem:s11+$0x60] =	vst v4  }
0x42e: {  	[tilespmem:s11+$0x70] =	vst v2  }
0x42f: {  	v2 =	vld [tilespmem:s24+$0x40]  }
0x430: {  	v3 =	vld [tilespmem:s10+$0x40];
	_ =	sdelay $0x4  }
0x431: {  	v62 =	vshll.u32 v2, $0x10;
	v63 =	vshll.u32 v3, $0x10  }
0x432: {  	v2 =	vand.u32 $0xFFFF0000, v2;
	v3 =	vand.u32 $0xFFFF0000, v3;
	v4 =	vmul.f32 v63, v62  }
0x433: {  	v2 =	vmul.f32 v3, v2  }
0x434: {  	[tilespmem:s11+$0x80] =	vst v4  }
0x435: {  	s16 =	simm.s32 $0x0;
	[tilespmem:s11+$0x90] =	vst v2  }
0x436: {  	s17 =	simm.s32 $0xA600;
	s25 =	simm.s32 $0x3380;
	s15 =	simm.s32 $0x1380;
	v2 =	vld [tilespmem:s24+$0x50]  }
.LBB2_11:
0x437: {  	s16 =	sadd.s32 $0x4, s16;
	v3 =	vld [tilespmem:s10+$0x50];
	s25 =	sadd.s32 $0x100, s25;
	s24 =	sadd.s32 $0x100, s24  }
0x438: {  	p4 =	slt.u32 s16, $0x3C;
	_ =	sdelay $0x2  }
0x439: {  	v4 =	vshll.u32 v2, $0x10;
	v2 =	vand.u32 $0xFFFF0000, v2  }
0x43a: {  	v5 =	vshll.u32 v3, $0x10;
	v3 =	vand.u32 $0xFFFF0000, v3  }
0x43b: {  	v4 =	vmul.f32 v5, v4;
	v2 =	vmul.f32 v3, v2;
	_ =	sdelay $0x1  }
0x43c: {  	[tilespmem:s11+$0xA0] =	vst v4  }
0x43d: {  	[tilespmem:s11+$0xB0] =	vst v2  }
0x43e: {  	v2 =	vld [tilespmem:s15+$0x60]  }
0x43f: {  	v3 =	vld [tilespmem:s10+$0x60];
	_ =	sdelay $0x3  }
0x440: {  	v4 =	vshll.u32 v2, $0x10;
	v2 =	vand.u32 $0xFFFF0000, v2  }
0x441: {  	v5 =	vshll.u32 v3, $0x10;
	v3 =	vand.u32 $0xFFFF0000, v3  }
0x442: {  	v4 =	vmul.f32 v5, v4;
	v2 =	vmul.f32 v3, v2;
	_ =	sdelay $0x1  }
0x443: {  	[tilespmem:s11+$0xC0] =	vst v4  }
0x444: {  	[tilespmem:s11+$0xD0] =	vst v2  }
0x445: {  	v2 =	vld [tilespmem:s15+$0x70];
	s15 =	smov.u32 s24  }
0x446: {  	v3 =	vld [tilespmem:s10+$0x70];
	s10 =	smov.u32 s25;
	_ =	sdelay $0x3  }
0x447: {  	v4 =	vshll.u32 v2, $0x10;
	v2 =	vand.u32 $0xFFFF0000, v2  }
0x448: {  	v5 =	vshll.u32 v3, $0x10;
	v3 =	vand.u32 $0xFFFF0000, v3  }
0x449: {  	v4 =	vmul.f32 v5, v4;
	v2 =	vmul.f32 v3, v2;
	_ =	sdelay $0x1  }
0x44a: {  	[tilespmem:s11+$0xE0] =	vst v4  }
0x44b: {  	[tilespmem:s11+$0xF0] =	vst v2;
	s11 =	smov.u32 s17  }
0x44c: {  	v2 =	vld [tilespmem:s24+$0xFFFFFF80]  }
0x44d: {  	v3 =	vld [tilespmem:s25+$0xFFFFFF80];
	_ =	sdelay $0x3  }
0x44e: {  	v4 =	vand.u32 $0xFFFF0000, v2  }
0x44f: {  	v2 =	vshll.u32 v2, $0x10;
	v5 =	vshll.u32 v3, $0x10;
	v3 =	vand.u32 $0xFFFF0000, v3  }
0x450: {  	v2 =	vmul.f32 v5, v2;
	v3 =	vmul.f32 v3, v4;
	_ =	sdelay $0x1  }
0x451: {  	[tilespmem:s17+$0xFFFFFF00] =	vst v2  }
0x452: {  	[tilespmem:s17+$0xFFFFFF10] =	vst v3  }
0x453: {  	v2 =	vld [tilespmem:s24+$0xFFFFFF90]  }
0x454: {  	v3 =	vld [tilespmem:s25+$0xFFFFFF90];
	_ =	sdelay $0x3  }
0x455: {  	v4 =	vshll.u32 v2, $0x10;
	v2 =	vand.u32 $0xFFFF0000, v2  }
0x456: {  	v5 =	vshll.u32 v3, $0x10;
	v3 =	vand.u32 $0xFFFF0000, v3  }
0x457: {  	v4 =	vmul.f32 v5, v4;
	v2 =	vmul.f32 v3, v2;
	_ =	sdelay $0x1  }
0x458: {  	[tilespmem:s17+$0xFFFFFF20] =	vst v4  }
0x459: {  	[tilespmem:s17+$0xFFFFFF30] =	vst v2  }
0x45a: {  	v2 =	vld [tilespmem:s24+$0xFFFFFFA0]  }
0x45b: {  	v3 =	vld [tilespmem:s25+$0xFFFFFFA0];
	_ =	sdelay $0x3  }
0x45c: {  	v4 =	vshll.u32 v2, $0x10;
	v2 =	vand.u32 $0xFFFF0000, v2  }
0x45d: {  	v5 =	vshll.u32 v3, $0x10;
	v3 =	vand.u32 $0xFFFF0000, v3  }
0x45e: {  	v4 =	vmul.f32 v5, v4;
	v2 =	vmul.f32 v3, v2;
	_ =	sdelay $0x1  }
0x45f: {  	[tilespmem:s17+$0xFFFFFF40] =	vst v4  }
0x460: {  	[tilespmem:s17+$0xFFFFFF50] =	vst v2  }
0x461: {  	v2 =	vld [tilespmem:s24+$0xFFFFFFB0]  }
0x462: {  	v3 =	vld [tilespmem:s25+$0xFFFFFFB0];
	_ =	sdelay $0x3  }
0x463: {  	v4 =	vshll.u32 v2, $0x10;
	v2 =	vand.u32 $0xFFFF0000, v2  }
0x464: {  	v5 =	vshll.u32 v3, $0x10;
	v3 =	vand.u32 $0xFFFF0000, v3  }
0x465: {  	v4 =	vmul.f32 v5, v4;
	v2 =	vmul.f32 v3, v2;
	_ =	sdelay $0x1  }
0x466: {  	[tilespmem:s17+$0xFFFFFF60] =	vst v4  }
0x467: {  	[tilespmem:s17+$0xFFFFFF70] =	vst v2  }
0x468: {  	v2 =	vld [tilespmem:s24+$0xFFFFFFC0]  }
0x469: {  	v3 =	vld [tilespmem:s25+$0xFFFFFFC0];
	_ =	sdelay $0x3  }
0x46a: {  	v4 =	vshll.u32 v2, $0x10;
	v2 =	vand.u32 $0xFFFF0000, v2  }
0x46b: {  	v5 =	vshll.u32 v3, $0x10;
	v3 =	vand.u32 $0xFFFF0000, v3  }
0x46c: {  	v4 =	vmul.f32 v5, v4;
	v2 =	vmul.f32 v3, v2;
	_ =	sdelay $0x1  }
0x46d: {  	[tilespmem:s17+$0xFFFFFF80] =	vst v4  }
0x46e: {  	[tilespmem:s17+$0xFFFFFF90] =	vst v2  }
0x46f: {  	v2 =	vld [tilespmem:s24+$0xFFFFFFD0]  }
0x470: {  	v3 =	vld [tilespmem:s25+$0xFFFFFFD0];
	_ =	sdelay $0x3  }
0x471: {  	v4 =	vshll.u32 v2, $0x10;
	v2 =	vand.u32 $0xFFFF0000, v2  }
0x472: {  	v5 =	vshll.u32 v3, $0x10;
	v3 =	vand.u32 $0xFFFF0000, v3  }
0x473: {  	v4 =	vmul.f32 v5, v4;
	v2 =	vmul.f32 v3, v2;
	_ =	sdelay $0x1  }
0x474: {  	[tilespmem:s17+$0xFFFFFFA0] =	vst v4  }
0x475: {  	[tilespmem:s17+$0xFFFFFFB0] =	vst v2  }
0x476: {  	v2 =	vld [tilespmem:s24+$0xFFFFFFE0]  }
0x477: {  	v3 =	vld [tilespmem:s25+$0xFFFFFFE0];
	_ =	sdelay $0x3  }
0x478: {  	v4 =	vshll.u32 v2, $0x10;
	v2 =	vand.u32 $0xFFFF0000, v2  }
0x479: {  	v5 =	vshll.u32 v3, $0x10;
	v3 =	vand.u32 $0xFFFF0000, v3  }
0x47a: {  	v4 =	vmul.f32 v5, v4;
	v2 =	vmul.f32 v3, v2;
	_ =	sdelay $0x1  }
0x47b: {  	[tilespmem:s17+$0xFFFFFFC0] =	vst v4  }
0x47c: {  	[tilespmem:s17+$0xFFFFFFD0] =	vst v2  }
0x47d: {  	v2 =	vld [tilespmem:s24+$0xFFFFFFF0]  }
0x47e: {  	v3 =	vld [tilespmem:s25+$0xFFFFFFF0];
	_ =	sdelay $0x3  }
0x47f: {  	v4 =	vshll.u32 v2, $0x10;
	v2 =	vand.u32 $0xFFFF0000, v2  }
0x480: {  	v5 =	vshll.u32 v3, $0x10;
	v3 =	vand.u32 $0xFFFF0000, v3  }
0x481: {  	v4 =	vmul.f32 v5, v4;
	v2 =	vmul.f32 v3, v2;
	_ =	sdelay $0x1  }
0x482: {  	[tilespmem:s17+$0xFFFFFFE0] =	vst v4  }
0x483: {  	[tilespmem:s17+$0xFFFFFFF0] =	vst v2  }
0x484: {  	v2 =	vld [tilespmem:s24+$0x0]  }
0x485: {  	v3 =	vld [tilespmem:s25+$0x0];
	_ =	sdelay $0x3  }
0x486: {  	v4 =	vshll.u32 v2, $0x10;
	v2 =	vand.u32 $0xFFFF0000, v2  }
0x487: {  	v5 =	vshll.u32 v3, $0x10;
	v3 =	vand.u32 $0xFFFF0000, v3  }
0x488: {  	v4 =	vmul.f32 v5, v4;
	v2 =	vmul.f32 v3, v2;
	_ =	sdelay $0x1  }
0x489: {  	[tilespmem:s17+$0x0] =	vst v4  }
0x48a: {  	[tilespmem:s17+$0x10] =	vst v2  }
0x48b: {  	v2 =	vld [tilespmem:s24+$0x10]  }
0x48c: {  	v3 =	vld [tilespmem:s25+$0x10];
	_ =	sdelay $0x3  }
0x48d: {  	v4 =	vshll.u32 v2, $0x10;
	v2 =	vand.u32 $0xFFFF0000, v2  }
0x48e: {  	v5 =	vshll.u32 v3, $0x10;
	v3 =	vand.u32 $0xFFFF0000, v3  }
0x48f: {  	v4 =	vmul.f32 v5, v4;
	v2 =	vmul.f32 v3, v2;
	_ =	sdelay $0x1  }
0x490: {  	[tilespmem:s17+$0x20] =	vst v4  }
0x491: {  	[tilespmem:s17+$0x30] =	vst v2  }
0x492: {  	v2 =	vld [tilespmem:s24+$0x20]  }
0x493: {  	v3 =	vld [tilespmem:s25+$0x20];
	_ =	sdelay $0x3  }
0x494: {  	v4 =	vshll.u32 v2, $0x10;
	v2 =	vand.u32 $0xFFFF0000, v2  }
0x495: {  	v5 =	vshll.u32 v3, $0x10;
	v3 =	vand.u32 $0xFFFF0000, v3  }
0x496: {  	v4 =	vmul.f32 v5, v4;
	v2 =	vmul.f32 v3, v2;
	_ =	sdelay $0x1  }
0x497: {  	[tilespmem:s17+$0x40] =	vst v4  }
0x498: {  	[tilespmem:s17+$0x50] =	vst v2  }
0x499: {  	v2 =	vld [tilespmem:s24+$0x30]  }
0x49a: {  	v3 =	vld [tilespmem:s25+$0x30];
	_ =	sdelay $0x3  }
0x49b: {  	v4 =	vshll.u32 v2, $0x10;
	v2 =	vand.u32 $0xFFFF0000, v2  }
0x49c: {  	v5 =	vshll.u32 v3, $0x10;
	v3 =	vand.u32 $0xFFFF0000, v3  }
0x49d: {  	v4 =	vmul.f32 v5, v4;
	v2 =	vmul.f32 v3, v2;
	_ =	sdelay $0x1  }
0x49e: {  	[tilespmem:s17+$0x60] =	vst v4  }
0x49f: {  	[tilespmem:s17+$0x70] =	vst v2  }
0x4a0: {  	v2 =	vld [tilespmem:s24+$0x40]  }
0x4a1: {  	v3 =	vld [tilespmem:s25+$0x40];
	_ =	sdelay $0x3  }
0x4a2: {  	v4 =	vshll.u32 v2, $0x10;
	v2 =	vand.u32 $0xFFFF0000, v2  }
0x4a3: {  	v5 =	vshll.u32 v3, $0x10;
	v3 =	vand.u32 $0xFFFF0000, v3  }
.Ltmp6:
0x4a4: {  	v4 =	vmul.f32 v5, v4;
	v2 =	vmul.f32 v3, v2;
	(pc) =	sbr.rel @p4 .LBB2_11-.Ltmp6, $4  }
0x4a5: {  	_ = 	snop  }
0x4a6: {  	[tilespmem:s17+$0x80] =	vst v4  }
0x4a7: {  	[tilespmem:s17+$0x90] =	vst v2  }
0x4a8: {  	s17 =	sadd.s32 $0x200, s17;
	v2 =	vld [tilespmem:s24+$0x50]  }
0x4a9: {  	v3 =	vld [tilespmem:s10+$0x50];
	_ =	sdelay $0x4  }
0x4aa: {  	v4 =	vshll.u32 v2, $0x10;
	v5 =	vshll.u32 v3, $0x10  }
0x4ab: {  	v2 =	vand.u32 $0xFFFF0000, v2;
	v3 =	vand.u32 $0xFFFF0000, v3;
	v4 =	vmul.f32 v5, v4  }
0x4ac: {  	v2 =	vmul.f32 v3, v2  }
0x4ad: {  	[tilespmem:s11+$0xA0] =	vst v4  }
0x4ae: {  	[tilespmem:s11+$0xB0] =	vst v2  }
0x4af: {  	v2 =	vld [tilespmem:s15+$0x60]  }
0x4b0: {  	v3 =	vld [tilespmem:s10+$0x60];
	_ =	sdelay $0x4  }
0x4b1: {  	v60 =	vshll.u32 v2, $0x10;
	v61 =	vshll.u32 v3, $0x10  }
0x4b2: {  	v2 =	vand.u32 $0xFFFF0000, v2;
	v3 =	vand.u32 $0xFFFF0000, v3;
	v4 =	vmul.f32 v61, v60  }
0x4b3: {  	v2 =	vmul.f32 v3, v2  }
0x4b4: {  	[tilespmem:s11+$0xC0] =	vst v4  }
0x4b5: {  	[tilespmem:s11+$0xD0] =	vst v2  }
0x4b6: {  	v2 =	vld [tilespmem:s15+$0x70]  }
0x4b7: {  	v3 =	vld [tilespmem:s10+$0x70];
	_ =	sdelay $0x4  }
0x4b8: {  	v62 =	vshll.u32 v2, $0x10;
	v63 =	vshll.u32 v3, $0x10  }
.Ltmp7:
0x4b9: {  	v2 =	vand.u32 $0xFFFF0000, v2;
	v3 =	vand.u32 $0xFFFF0000, v3;
	v4 =	vmul.f32 v63, v62;
	(pc) =	sbr.rel @p3 .LBB2_14-.Ltmp7, $4  }
0x4ba: {  	v2 =	vmul.f32 v3, v2  }
0x4bb: {  	[tilespmem:s11+$0xE0] =	vst v4  }
0x4bc: {  	s24 =	simm.s32 $0x2C0;
	s25 =	simm.s32 $0xA300;
	[tilespmem:s11+$0xF0] =	vst v2  }
0x4bd: {  	[spmem:s3] =	stream.indirect.scatter.add.f32 [tilespmem:s25], [sflag:$0x6], $0x80, s24, s9, $0xb8;
	[tilespmem:$0x1FB80] =	vst v63  }
0x4be: {  	_ =	swait.ge [sflag:s26], $0x40  }
0x4bf: {  	[sflag:s26] =	ssyncset.done $0x0  }
0x4c0: {  	[sflag:s26] =	ssyncadd.s32 $0xFFFFFFC0  }
0x4c1: {  	_ =	swait.ge [sflag:s26], $0x40  }
0x4c2: {  	[sflag:s26] =	ssyncset.done $0x0  }
0x4c3: {  	[sflag:s26] =	ssyncadd.s32 $0xFFFFFFC0  }
0x4c4: {  	v2 =	vld [tilespmem:$0x80]  }
0x4c5: {  	v3 =	vld [tilespmem:$0xC0];
	_ =	sdelay $0x1  }
0x4c6: {  	v4 =	vld [tilespmem:$0x90]  }
0x4c7: {  	v5 =	vld [tilespmem:$0xD0];
	_ =	sdelay $0x1  }
0x4c8: {  	v7 =	vld [tilespmem:$0xA0];
	v6 =	vsub.s32 v2, v3  }
0x4c9: {  	v8 =	vld [tilespmem:$0xE0];
	[tilespmem:$0x140] =	vst v2;
	vm0 =	vlt.s32 v6, $0x0;
	v2 =	vadd.s32 $0x2710, v6  }
0x4ca: {  	[tilespmem:$0x240] =	vst v3;
	v2 =	vsel vm0, v2, v6  }
0x4cb: {  	v62 =	vld [tilespmem:$0xF0];
	[tilespmem:$0x1C0] =	vst v2;
	v2 =	vsub.s32 v4, v5  }
0x4cc: {  	v3 =	vld [tilespmem:$0xB0];
	[tilespmem:$0x150] =	vst v4;
	vm13 =	vlt.s32 v2, $0x0;
	v61 =	vadd.s32 $0x2710, v2  }
0x4cd: {  	[tilespmem:$0x250] =	vst v5;
	v2 =	vsel vm13, v61, v2  }
0x4ce: {  	[tilespmem:$0x1D0] =	vst v2;
	v2 =	vsub.s32 v7, v8  }
0x4cf: {  	[tilespmem:$0x160] =	vst v7;
	vm14 =	vlt.s32 v2, $0x0;
	v63 =	vadd.s32 $0x2710, v2  }
0x4d0: {  	[tilespmem:$0x260] =	vst v8;
	v2 =	vsel vm14, v63, v2  }
0x4d1: {  	[tilespmem:$0x1E0] =	vst v2;
	v2 =	vsub.s32 v3, v62  }
0x4d2: {  	[tilespmem:$0x170] =	vst v3;
	vm15 =	vlt.s32 v2, $0x0;
	v3 =	vadd.s32 $0x2710, v2  }
0x4d3: {  	[tilespmem:$0x270] =	vst v62;
	v2 =	vsel vm15, v3, v2  }
0x4d4: {  	[tilespmem:$0x1F0] =	vst v2  }
0x4d5: {  	[tilespmem:s29], [sflag:$0x2] =	stream.indirect.gather [hbm4b:s5+s9], $0x40, s28, s9, $0xb8;
	[tilespmem:$0x1FB80] =	vst v63  }
0x4d6: {  	s2 =	sadd.s32 s2, s21  }
0x4d7: {  	[tilespmem:s1], [sflag:$0x2] =	stream.indirect.gather [hbm4b:s6+s9], $0x40, s31, s9, $0xb8;
	[tilespmem:$0x1FB80] =	vst v63  }
.Ltmp8:
0x4d8: {  	s2 =	sshrl.u32 s2, $0x3;
	(pc) =	sbr.rel .LBB2_4-.Ltmp8, $4  }
0x4d9: {  	s10 =	simm.s32 $0x80;
	s2 =	sadd.s32 s0, s2  }
0x4da: {  	[tilespmem:s10], [sflag:$0x4] =	stream.linear.gather [hbm4b:s2+s4], $0x40, $0x38;
	[tilespmem:$0x1FB80] =	vst v63  }
0x4db: {  	s25 =	simm.s32 $0xC0;
	s8 =	sadd.s32 $0x1, s8;
	s2 =	sadd.s32 $0x9C40, s2  }
0x4dc: {  	[tilespmem:s25], [sflag:$0x4] =	stream.linear.gather [hbm4b:s2+s4], $0x40, $0x38;
	[tilespmem:$0x1FB80] =	vst v63  }
.LBB2_14:
0x4dd: {  	_ =	swait.ge [sflag:s30], $0x2000  }
0x4de: {  	[sflag:s30] =	ssyncset.done $0x0  }
0x4df: {  	[sflag:s30] =	ssyncadd.s32 $0xFFFFE000  }
0x4e0: {  	_ =	swait.ge [sflag:s7], $0x2000  }
0x4e1: {  	[sflag:s7] =	ssyncset.done $0x0  }
0x4e2: {  	s2 =	simm.s32 $0x0;
	s8 =	rddreg [dreg:$0x1c];
	[sflag:s7] =	ssyncadd.s32 $0xFFFFE000  }
0x4e3: {  	[tilespmem:s2], [sflag:$0x7] =	stream.linear.gather [hbm4b:s8+s2], $0x10, $0x38;
	[tilespmem:$0x1FB80] =	vst v63  }
0x4e4: {  	_ =	swait.ge [sflag:s13], $0x10  }
0x4e5: {  	[sflag:s13] =	ssyncset.done $0x0  }
0x4e6: {  	s11 =	rddreg [dreg:$0x1d];
	[sflag:s13] =	ssyncadd.s32 $0xFFFFFFF0  }
0x4e7: {  	[tilespmem:s9], [sflag:$0x7] =	stream.linear.gather [hbm4b:s11+s2], $0x10, $0x38;
	[tilespmem:$0x1FB80] =	vst v63  }
0x4e8: {  	_ =	swait.ge [sflag:s13], $0x10  }
0x4e9: {  	[sflag:s13] =	ssyncset.done $0x0  }
0x4ea: {  	[sflag:s13] =	ssyncadd.s32 $0xFFFFFFF0  }
0x4eb: {  	[tilespmem:$0x110] =	vst v1  }
0x4ec: {  	[tilespmem:$0x210] =	vst v1  }
0x4ed: {  	v2 =	vld [tilespmem:$0x0];
	[tilespmem:$0x190] =	vst v1  }
0x4ee: {  	v3 =	vld [tilespmem:$0x40];
	[tilespmem:$0x120] =	vst v1  }
0x4ef: {  	[tilespmem:$0x220] =	vst v1  }
0x4f0: {  	[tilespmem:$0x1A0] =	vst v1  }
0x4f1: {  	[tilespmem:$0x130] =	vst v1  }
0x4f2: {  	[tilespmem:$0x230] =	vst v1  }
0x4f3: {  	[tilespmem:$0x1B0] =	vst v1;
	v4 =	vsub.s32 v2, v3  }
0x4f4: {  	[tilespmem:$0x100] =	vst v2;
	vm0 =	vlt.s32 v4, $0x0;
	v2 =	vadd.s32 $0x2710, v4  }
0x4f5: {  	[tilespmem:$0x200] =	vst v3;
	v2 =	vsel vm0, v2, v4  }
0x4f6: {  	s15 =	simm.s32 $0x100;
	s16 =	simm.s32 $0x300;
	[tilespmem:$0x180] =	vst v2  }
0x4f7: {  	[tilespmem:s16], [sflag:$0x1] =	stream.indirect.gather [hbm4b:s5+s9], $0x40, s15, s9, $0xb8;
	[tilespmem:$0x1FB80] =	vst v63  }
0x4f8: {  	s17 =	simm.s32 $0x180;
	s24 =	simm.s32 $0x2300  }
0x4f9: {  	[tilespmem:s24], [sflag:$0x1] =	stream.indirect.gather [hbm4b:s6+s9], $0x40, s17, s9, $0xb8;
	[tilespmem:$0x1FB80] =	vst v63  }
0x4fa: {  	_ =	swait.ge [sflag:s23], $0x1000  }
0x4fb: {  	[sflag:s23] =	ssyncset.done $0x0  }
0x4fc: {  	[sflag:s23] =	ssyncadd.s32 $0xFFFFF000  }
0x4fd: {  	_ =	swait.ge [sflag:s23], $0x1000  }
0x4fe: {  	[sflag:s23] =	ssyncset.done $0x0  }
0x4ff: {  	s25 =	simm.s32 $0x0;
	[sflag:s23] =	ssyncadd.s32 $0xFFFFF000  }
0x500: {  	v2 =	vld [tilespmem:s25+$0x300]  }
0x501: {  	v3 =	vld [tilespmem:s25+$0x2300];
	_ =	sdelay $0x4  }
0x502: {  	v4 =	vshll.u32 v2, $0x10;
	v5 =	vshll.u32 v3, $0x10  }
0x503: {  	v2 =	vand.u32 $0xFFFF0000, v2;
	v3 =	vand.u32 $0xFFFF0000, v3;
	v4 =	vmul.f32 v5, v4  }
0x504: {  	s2 =	simm.s32 $0x4340;
	v2 =	vmul.f32 v3, v2  }
0x505: {  	[tilespmem:s2+$0xFFFFFFC0] =	vst v4  }
0x506: {  	[tilespmem:s2+$0xFFFFFFD0] =	vst v2  }
0x507: {  	v2 =	vld [tilespmem:s25+$0x310]  }
0x508: {  	v3 =	vld [tilespmem:s25+$0x2310];
	_ =	sdelay $0x4  }
0x509: {  	v4 =	vshll.u32 v2, $0x10;
	v5 =	vshll.u32 v3, $0x10  }
0x50a: {  	v2 =	vand.u32 $0xFFFF0000, v2;
	v3 =	vand.u32 $0xFFFF0000, v3;
	v4 =	vmul.f32 v5, v4  }
0x50b: {  	v2 =	vmul.f32 v3, v2  }
0x50c: {  	[tilespmem:s2+$0xFFFFFFE0] =	vst v4  }
0x50d: {  	[tilespmem:s2+$0xFFFFFFF0] =	vst v2  }
0x50e: {  	v2 =	vld [tilespmem:s25+$0x320]  }
0x50f: {  	v3 =	vld [tilespmem:s25+$0x2320];
	_ =	sdelay $0x4  }
0x510: {  	v4 =	vshll.u32 v2, $0x10;
	v5 =	vshll.u32 v3, $0x10  }
0x511: {  	v2 =	vand.u32 $0xFFFF0000, v2;
	v3 =	vand.u32 $0xFFFF0000, v3;
	v4 =	vmul.f32 v5, v4  }
0x512: {  	v2 =	vmul.f32 v3, v2  }
0x513: {  	[tilespmem:s2+$0x0] =	vst v4  }
0x514: {  	[tilespmem:s2+$0x10] =	vst v2  }
0x515: {  	v2 =	vld [tilespmem:s25+$0x330]  }
0x516: {  	s10 =	simm.s32 $0x100;
	s8 =	simm.s32 $0x4340;
	s15 =	rddreg [dreg:$0x6];
	v3 =	vld [tilespmem:s25+$0x2330]  }
.LBB2_15:
0x517: {  	p3 =	sne.s32 s10, $0xF00  }
0x518: {  	s2 =	sadd.s32 $0x80, s2;
	s11 =	smov.u32 s10;
	s10 =	sadd.s32 $0x100, s10  }
0x519: {  	_ =	sdelay $0x1  }
0x51a: {  	v4 =	vshll.u32 v2, $0x10;
	v2 =	vand.u32 $0xFFFF0000, v2  }
0x51b: {  	v5 =	vshll.u32 v3, $0x10;
	v3 =	vand.u32 $0xFFFF0000, v3  }
0x51c: {  	v4 =	vmul.f32 v5, v4;
	v2 =	vmul.f32 v3, v2;
	_ =	sdelay $0x1  }
0x51d: {  	[tilespmem:s8+$0x20] =	vst v4  }
0x51e: {  	s11 =	sshra.s32 s11, $0x2;
	[tilespmem:s8+$0x30] =	vst v2;
	s8 =	smov.u32 s2  }
0x51f: {  	v2 =	vld [tilespmem:s11+$0x300]  }
0x520: {  	v3 =	vld [tilespmem:s11+$0x2300];
	_ =	sdelay $0x3  }
0x521: {  	v4 =	vshll.u32 v2, $0x10;
	v2 =	vand.u32 $0xFFFF0000, v2  }
0x522: {  	v5 =	vshll.u32 v3, $0x10;
	v3 =	vand.u32 $0xFFFF0000, v3  }
0x523: {  	v4 =	vmul.f32 v5, v4;
	v2 =	vmul.f32 v3, v2;
	_ =	sdelay $0x1  }
0x524: {  	[tilespmem:s2+$0xFFFFFFC0] =	vst v4  }
0x525: {  	[tilespmem:s2+$0xFFFFFFD0] =	vst v2  }
0x526: {  	v2 =	vld [tilespmem:s11+$0x310]  }
0x527: {  	v3 =	vld [tilespmem:s11+$0x2310];
	_ =	sdelay $0x3  }
0x528: {  	v4 =	vshll.u32 v2, $0x10;
	v2 =	vand.u32 $0xFFFF0000, v2  }
0x529: {  	v5 =	vshll.u32 v3, $0x10;
	v3 =	vand.u32 $0xFFFF0000, v3  }
0x52a: {  	v4 =	vmul.f32 v5, v4;
	v2 =	vmul.f32 v3, v2;
	_ =	sdelay $0x1  }
0x52b: {  	[tilespmem:s2+$0xFFFFFFE0] =	vst v4  }
0x52c: {  	[tilespmem:s2+$0xFFFFFFF0] =	vst v2  }
0x52d: {  	v2 =	vld [tilespmem:s11+$0x320]  }
0x52e: {  	v3 =	vld [tilespmem:s11+$0x2320];
	_ =	sdelay $0x3  }
0x52f: {  	v4 =	vshll.u32 v2, $0x10;
	v2 =	vand.u32 $0xFFFF0000, v2  }
0x530: {  	v5 =	vshll.u32 v3, $0x10;
	v3 =	vand.u32 $0xFFFF0000, v3  }
0x531: {  	v4 =	vmul.f32 v5, v4;
	v2 =	vmul.f32 v3, v2  }
.Ltmp9:
0x532: {  	(pc) =	sbr.rel @p3 .LBB2_15-.Ltmp9, $4  }
0x533: {  	[tilespmem:s2+$0x0] =	vst v4  }
0x534: {  	[tilespmem:s2+$0x10] =	vst v2  }
0x535: {  	v2 =	vld [tilespmem:s11+$0x330]  }
0x536: {  	v3 =	vld [tilespmem:s11+$0x2330]  }
0x537: {  	_ =	sdelay $0x3  }
0x538: {  	v4 =	vshll.u32 v2, $0x10;
	v5 =	vshll.u32 v3, $0x10  }
0x539: {  	v2 =	vand.u32 $0xFFFF0000, v2;
	v3 =	vand.u32 $0xFFFF0000, v3;
	v4 =	vmul.f32 v5, v4  }
0x53a: {  	v2 =	vmul.f32 v3, v2  }
0x53b: {  	[tilespmem:s8+$0x20] =	vst v4  }
0x53c: {  	s2 =	simm.s32 $0x0;
	[tilespmem:s8+$0x30] =	vst v2;
	s8 =	simm.s32 $0x200  }
.LBB2_17:
0x53d: {  	p3 =	sne.s32 s8, $0x5E00;
	[tilespmem:s2+$0x4B70] =	vst v0  }
0x53e: {  	[tilespmem:s2+$0x4B00] =	vst v0  }
0x53f: {  	[tilespmem:s2+$0x4B10] =	vst v0  }
.Ltmp10:
0x540: {  	[tilespmem:s2+$0x4B20] =	vst v0;
	(pc) =	sbr.rel @p3 .LBB2_17-.Ltmp10, $4  }
0x541: {  	[tilespmem:s2+$0x4B30] =	vst v0  }
0x542: {  	[tilespmem:s2+$0x4B40] =	vst v0  }
0x543: {  	[tilespmem:s2+$0x4B50] =	vst v0  }
0x544: {  	[tilespmem:s2+$0x4B60] =	vst v0;
	s2 =	sshra.s32 s8, $0x2;
	s8 =	sadd.s32 $0x200, s8  }
0x545: {  	[tilespmem:s2+$0x4B70] =	vst v0  }
0x546: {  	[tilespmem:s2+$0x4B00] =	vst v0  }
0x547: {  	[tilespmem:s2+$0x4B10] =	vst v0  }
0x548: {  	[tilespmem:s2+$0x4B20] =	vst v0  }
0x549: {  	[tilespmem:s2+$0x4B30] =	vst v0  }
0x54a: {  	[tilespmem:s2+$0x4B40] =	vst v0  }
0x54b: {  	[tilespmem:s2+$0x4B50] =	vst v0  }
0x54c: {  	[tilespmem:s2+$0x4B60] =	vst v0;
	s24 =	simm.s32 $0x200  }
0x54d: {  	[spmem:s3] =	stream.indirect.scatter.add.f32 [tilespmem:s12], [sflag:$0x7], $0x80, s24, s9, $0xb8;
	[tilespmem:$0x1FB80] =	vst v63  }
.Ltmp11:
0x54e: {  	_ =	swait.ge [sflag:s13], $0x2000;
	(pc) =	sbr.rel @!p0 .LBB2_19-.Ltmp11, $4  }
0x54f: {  	[sflag:s13] =	ssyncset.done $0x0  }
0x550: {  	s25 =	stileid.u32;
	[sflag:s13] =	ssyncadd.s32 $0xFFFFE000  }
0x551: {  	s10 =	sshll.u32 s25, $0x6;
	[bflag:$0x0] =	sbarrier.arrive $0xFFFF  }
0x552: {  	s8 =	sshrl.u32 s15, $0x3;
	s2 =	sor.u32 $0x1C07, s10  }
0x553: {  	s2 =	sor.u32 $0x1C07, s10;
	s25 =	rddreg [dreg:$0x1e]  }
0x554: {  	[hbm:s25], [sflag:s2] =	dma.local [spmem:s8], $0x2700  }
.Ltmp12:
0x555: {  	_ = 	snop;
	(pc) =	sbr.rel @p1 .LBB2_22-.Ltmp12, $4  }
.Ltmp13:
0x556: {  	_ = 	snop;
	(pc) =	sbr.rel @!p1 .LBB2_21-.Ltmp13, $4  }
0x557: {  	_ =	swait.ge [sflag:s13], $0x2700  }
0x558: {  	[sflag:s13] =	ssyncset.done $0x0;
	s8 =	rddreg [dreg:$0x12]  }
0x559: {  	s11 =	rddreg [dreg:$0x1f];
	[sflag:s13] =	ssyncadd.s32 $0xFFFFD900  }
0x55a: {  	_ = 	snop  }
.LBB2_19:
0x55b: {  	s10 =	rddreg [dreg:$0x10]  }
0x55c: {  	[hbm:s10], [sflag:s2] =	dma.local [spmem:s8], $0x2700  }
.Ltmp14:
0x55d: {  	_ = 	snop;
	(pc) =	sbr.rel @p2 .LBB2_21-.Ltmp14, $4  }
.Ltmp15:
0x55e: {  	_ = 	snop;
	(pc) =	sbr.rel @!p2 .LBB2_22-.Ltmp15, $4  }
0x55f: {  	_ =	swait.ge [sflag:s13], $0x2700  }
0x560: {  	[sflag:s13] =	ssyncset.done $0x0;
	s8 =	rddreg [dreg:$0x11]  }
0x561: {  	s11 =	rddreg [dreg:$0x1f];
	[sflag:s13] =	ssyncadd.s32 $0xFFFFD900  }
0x562: {  	_ = 	snop  }
.LBB2_23:
0x563: {  	_ =	sfence.sel $0x180000  }
0x564: {  	[bflag:$0x0] =	sbarrier.arrive $0xFFFF  }
0x565: {  	_ =	strace $0x90000047  }
0x566: {  	s0 =	stileid.u32;
	[bflag:$0x2] =	sbarrier.arrive $0xFFFF  }
0x567: {  	p0 =	sne.s32 s0, $0x0;
	s0 =	rddreg [dreg:$0x4]  }
0x568: {  	s0 =	sadd.s32 @!p0 $0x100000, s0  }
0x569: {  	[sflag:s0] =	ssyncadd.tile.s32 @!p0 $0x1;
	_ =	shalt  }
.Lfunc_end2:
_tile_overlayer_lowered:
.L_overlay_start_2:
0x56a: {  	(tag) =	ssettag $0x2  }
0x56b: {  	s0 =	rddreg [dreg:$0x0];
	s2 =	stileid.u32  }
0x56c: {  	s1 =	rddreg [dreg:$0x1];
	p0 =	sne.s32 s2, $0x0  }
0x56d: {  	s3 =	rddreg [dreg:$0x2];
	[bflag:$0x3] =	sbarrier.arrive $0xFFFF;
	s2 =	simm.s32 @!p0 $0x1C07  }
0x56e: {  	[timem:s3], [sflag:s2] =	dma.local @!p0 [hbm:s0], s1  }
0x56f: {  	s0 =	simm.s32 @!p0 $0x7  }
0x570: {  	_ =	swait.ge @!p0 [sflag:s0], s1  }
0x571: {  	s1 =	ssub.s32 @!p0 $0x0, s1;
	[sflag:s0] =	ssyncset.done @!p0 $0x0  }
0x572: {  	[sflag:s0] =	ssyncadd.s32 @!p0 s1  }
0x573: {  	[bflag:$0x3] =	sbarrier.arrive $0xFFFF  }
0x574: {  	_ =	shalt  }

</sc_bundles>
